<compile_context>
chip_gen: v7x
topology: tpu7x:2x2x1
jax: 0.10.2.dev20260603
libtpu: 0.0.44.dev20260713+nightly
codegen_flags: <defaults>
</compile_context>

<pallas_src>
import functools

import jax
import jax.numpy as jnp
from jax import lax
from jax.experimental import pallas as pl
from jax.experimental.pallas import tpu as pltpu
from jax.experimental.pallas import tpu_sc as plsc

B = 16
MAX_LEN = 2048
D = 512
TOTAL = 16384

L = 16
T = 32
NBUF = 4
NW = 32
ROWS_PER_W = (B * MAX_LEN) // NW
NTILES = ROWS_PER_W // T
NGROUPS = NTILES // NBUF
WPS = MAX_LEN // ROWS_PER_W


def _zero_rows(ref, lo, hi):
    def body(j, carry):
        for c in range(D // L):
            ref[j, pl.ds(c * L, L)] = jnp.zeros((L,), jnp.float32)
        return carry
    lax.fori_loop(lo, hi, body, 0)


@functools.partial(
    pl.kernel,
    out_type=jax.ShapeDtypeStruct((B, MAX_LEN, D), jnp.float32),
    mesh=plsc.VectorSubcoreMesh(core_axis_name="c", subcore_axis_name="s"),
    scratch_types=[
        pltpu.VMEM((32,), jnp.int32),
        pltpu.VMEM((NBUF, T), jnp.int32),
        pltpu.VMEM((T, D), jnp.float32),
        pltpu.VMEM((T, D), jnp.float32),
        pltpu.VMEM((T, D), jnp.float32),
        pltpu.VMEM((T, D), jnp.float32),
        pltpu.VMEM((T, D), jnp.float32),
        pltpu.SemaphoreType.DMA,
        pltpu.SemaphoreType.DMA,
        pltpu.SemaphoreType.DMA,
        pltpu.SemaphoreType.DMA,
        pltpu.SemaphoreType.DMA,
        pltpu.SemaphoreType.DMA,
        pltpu.SemaphoreType.DMA,
        pltpu.SemaphoreType.DMA,
        pltpu.SemaphoreType.DMA,
    ],
)
def _split_sc(cu_hbm, flat_hbm, out_hbm, cu_v, idx_v,
              buf0, buf1, buf2, buf3, zbuf,
              gsem0, gsem1, gsem2, gsem3,
              wsem0, wsem1, wsem2, wsem3, zsem):
    bufs = (buf0, buf1, buf2, buf3)
    gsems = (gsem0, gsem1, gsem2, gsem3)
    wsems = (wsem0, wsem1, wsem2, wsem3)

    wid = lax.axis_index("s") * 2 + lax.axis_index("c")
    seg = wid // WPS
    r0 = (wid % WPS) * ROWS_PER_W

    pltpu.sync_copy(cu_hbm.at[pl.ds(0, 16)], cu_v.at[pl.ds(0, 16)])
    cu_v[pl.ds(16, L)] = jnp.full((L,), TOTAL, jnp.int32)
    cu_pair = cu_v[pl.ds(seg, L)]
    cu_b = cu_pair[0]
    cu_b1 = cu_pair[1]
    seg_len = jnp.minimum(cu_b1 - cu_b, MAX_LEN)
    valid = jnp.clip(seg_len - r0, 0, ROWS_PER_W)
    nfull = valid // T
    rem = valid % T
    nvalid = nfull + jnp.where(rem > 0, 1, 0)

    src0 = cu_b + r0

    def build_idx(i, j):
        for c in range(T // L):
            lane = src0 + j * T + c * L + lax.iota(jnp.int32, L)
            idx_v[i, pl.ds(c * L, L)] = jnp.minimum(lane, TOTAL - 1)

    def gather(i):
        pltpu.async_copy(flat_hbm.at[idx_v.at[i]], bufs[i], gsems[i])

    def gather_wait(i):
        pltpu.make_async_copy(flat_hbm.at[idx_v.at[i]], bufs[i], gsems[i]).wait()

    def write_start(i, j):
        pltpu.async_copy(bufs[i], out_hbm.at[seg, pl.ds(r0 + j * T, T)],
                         wsems[i])

    def write_wait(i, j):
        pltpu.make_async_copy(bufs[i], out_hbm.at[seg, pl.ds(r0 + j * T, T)],
                              wsems[i]).wait()

    for j in range(NBUF - 1):
        @pl.when(j < nvalid)
        def _(j=j):
            build_idx(j, j)
            gather(j)

    _zero_rows(zbuf, 0, T)

    def group(g, carry):
        for i in range(NBUF):
            k = g * NBUF + i

            @pl.when(k < nvalid)
            def _(k=k, i=i):
                gather_wait(i)

                @pl.when((k == nfull) & (rem > 0))
                def _():
                    _zero_rows(bufs[i], rem, T)

                write_start(i, k)

                j = k + NBUF - 1
                jj = (i + NBUF - 1) % NBUF

                @pl.when(j < nvalid)
                def _(j=j, jj=jj):
                    @pl.when(j >= NBUF)
                    def _():
                        write_wait(jj, j - NBUF)
                    build_idx(jj, j)
                    gather(jj)

            @pl.when(k >= nvalid)
            def _(k=k):
                pltpu.async_copy(
                    zbuf, out_hbm.at[seg, pl.ds(r0 + k * T, T)], zsem)
        return carry

    lax.fori_loop(0, NGROUPS, group, 0)

    def drain(g, carry):
        for i in range(NBUF):
            k = g * NBUF + i

            @pl.when((k < nvalid) & (k + NBUF >= nvalid))
            def _(k=k, i=i):
                write_wait(i, k)

            @pl.when(k >= nvalid)
            def _(k=k):
                pltpu.make_async_copy(
                    zbuf, out_hbm.at[seg, pl.ds(r0 + k * T, T)], zsem).wait()
        return carry

    lax.fori_loop(0, NGROUPS, drain, 0)


def kernel(flat, cu_seqlens):
    return _split_sc(cu_seqlens, flat)

# --- scband reference (transcript-rebuilt; emitter-appended) ---
"""Pipeline reference for scband-sequence-splitter-39822936768800 (READ-ONLY COPY).

The authoritative reference and input builder live on the scoring server;
editing this copy changes nothing except your own understanding.
"""

import jax, jax.numpy as jnp
import numpy as np

B = 16
MAX_LEN = 2048
D = 512
TOTAL = 16384


def setup_inputs(seed: int = 0) -> dict:
    key = jax.random.key(seed)
    k1, k2 = jax.random.split(key)
    flat = jax.random.normal(k1, (TOTAL, D), dtype=jnp.float32)
    inner = jnp.sort(jax.random.randint(k2, (B - 1,), 0, TOTAL)).astype(jnp.int32)
    cu_seqlens = jnp.concatenate([
        jnp.array([0], dtype=jnp.int32),
        inner,
        jnp.array([TOTAL], dtype=jnp.int32),
    ])
    return {"flat": flat, "cu_seqlens": cu_seqlens}


def reference(flat, cu_seqlens):
    # Numeric analog of SequenceSplitter(pad=True): take a flat (ragged)
    # stream of per-residue feature vectors plus cumulative sequence
    # lengths, and materialize the dense padded tensor, i.e. the
    # RaggedTensor.to_tensor() step of the original Keras layer.
    total = flat.shape[0]
    b = cu_seqlens.shape[0] - 1
    tok = jnp.arange(total, dtype=jnp.int32)
    # segment id of each token: which sequence it belongs to
    seg = jnp.searchsorted(cu_seqlens, tok, side='right') - 1
    seg = jnp.clip(seg, 0, b - 1)
    # position within its sequence
    pos = tok - cu_seqlens[seg]
    padded = jnp.zeros((b, MAX_LEN, flat.shape[1]), dtype=flat.dtype)
    # scatter-overwrite tokens into their padded slots; tokens beyond
    # MAX_LEN (over-long sequences) are dropped, matching to_tensor
    # semantics with a fixed shape.
    padded = padded.at[seg, pos].set(flat, mode='drop')
    return padded

if __name__ == "__main__":
    import jax
    _d = setup_inputs()
    print(jax.jit(kernel)(*tuple(_d.values())))

</pallas_src>

<mosaic_0001>
#map = affine_map<(d0, d1) -> (0)>
#map1 = affine_map<(d0, d1) -> (0, 0)>
#map2 = affine_map<(d0, d1) -> (0, 0, 0)>
module attributes {stable_mosaic.version = 14 : i64} {
  func.func @_split_sc(%arg0: i32, %arg1: i32, %arg2: memref<17xi32, #tpu.memory_space<hbm>>, %arg3: memref<16384x512xf32, #tpu.memory_space<hbm>>, %arg4: memref<16x2048x512xf32, #tpu.memory_space<hbm>>, %arg5: memref<32xi32, #tpu.memory_space<vmem>>, %arg6: memref<4x32xi32, #tpu.memory_space<vmem>>, %arg7: memref<32x512xf32, #tpu.memory_space<vmem>>, %arg8: memref<32x512xf32, #tpu.memory_space<vmem>>, %arg9: memref<32x512xf32, #tpu.memory_space<vmem>>, %arg10: memref<32x512xf32, #tpu.memory_space<vmem>>, %arg11: memref<32x512xf32, #tpu.memory_space<vmem>>, %arg12: memref<!tpu.dma_semaphore, #tpu.memory_space<semaphore_mem>>, %arg13: memref<!tpu.dma_semaphore, #tpu.memory_space<semaphore_mem>>, %arg14: memref<!tpu.dma_semaphore, #tpu.memory_space<semaphore_mem>>, %arg15: memref<!tpu.dma_semaphore, #tpu.memory_space<semaphore_mem>>, %arg16: memref<!tpu.dma_semaphore, #tpu.memory_space<semaphore_mem>>, %arg17: memref<!tpu.dma_semaphore, #tpu.memory_space<semaphore_mem>>, %arg18: memref<!tpu.dma_semaphore, #tpu.memory_space<semaphore_mem>>, %arg19: memref<!tpu.dma_semaphore, #tpu.memory_space<semaphore_mem>>, %arg20: memref<!tpu.dma_semaphore, #tpu.memory_space<semaphore_mem>>) attributes {dimension_semantics = [#tpu.dimension_semantics<core_parallel>, #tpu.dimension_semantics<subcore_parallel>], iteration_bounds = array<i64: 2, 16>, scalar_prefetch = 0 : i64, scratch_operands = 16 : i64, tpu.core_type = #tpu.core_type<sc_vector_subcore>, window_params = [{transform_indices = #map}, {transform_indices = #map1}, {transform_indices = #map2}]} {
    %mul3A = arith.constant 2 : i32
    %mul3A_0 = arith.muli %arg1, %mul3A : i32
    %add3A = arith.addi %mul3A_0, %arg0 : i32
    %jit3A = arith.constant 2 : i32
    %div3A = arith.divsi %add3A, %jit3A : i32
    %sign3A = arith.constant 0 : i32
    %sign3A_1 = arith.cmpi sgt, %add3A, %sign3A : i32
    %sign3A_2 = arith.extui %sign3A_1 : i1 to i32
    %sign3A_3 = arith.constant 0 : i32
    %sign3A_4 = arith.cmpi slt, %add3A, %sign3A_3 : i32
    %sign3A_5 = arith.extui %sign3A_4 : i1 to i32
    %sign3A_6 = arith.subi %sign3A_2, %sign3A_5 : i32
    %sign3A_7 = arith.constant 0 : i32
    %sign3A_8 = arith.cmpi sgt, %jit3A, %sign3A_7 : i32
    %sign3A_9 = arith.extui %sign3A_8 : i1 to i32
    %sign3A_10 = arith.constant 0 : i32
    %sign3A_11 = arith.cmpi slt, %jit3A, %sign3A_10 : i32
    %sign3A_12 = arith.extui %sign3A_11 : i1 to i32
    %sign3A_13 = arith.subi %sign3A_9, %sign3A_12 : i32
    %ne3A = arith.cmpi ne, %sign3A_6, %sign3A_13 : i32
    %rem3A = arith.remsi %add3A, %jit3A : i32
    %ne3A_14 = arith.constant 0 : i32
    %ne3A_15 = arith.cmpi ne, %rem3A, %ne3A_14 : i32
    %and3A = arith.andi %ne3A, %ne3A_15 : i1
    %sub3A = arith.constant 1 : i32
    %sub3A_16 = arith.subi %div3A, %sub3A : i32
    %select_n3A = arith.select %and3A, %sub3A_16, %div3A : i32
    %jit3A_17 = arith.constant 2 : i32
    %eq3A = arith.constant 0 : i32
    %eq3A_18 = arith.cmpi eq, %jit3A_17, %eq3A : i32
    %jit3A_19 = arith.constant 1 : i32
    %select_n3A_20 = arith.select %eq3A_18, %jit3A_19, %jit3A_17 : i32
    %rem3A_21 = arith.remsi %add3A, %select_n3A_20 : i32
    %ne3A_22 = arith.constant 0 : i32
    %ne3A_23 = arith.cmpi ne, %rem3A_21, %ne3A_22 : i32
    %lt3A = arith.constant 0 : i32
    %lt3A_24 = arith.cmpi slt, %rem3A_21, %lt3A : i32
    %lt3A_25 = arith.constant 0 : i32
    %lt3A_26 = arith.cmpi slt, %select_n3A_20, %lt3A_25 : i32
    %ne3A_27 = arith.xori %lt3A_24, %lt3A_26 : i1
    %and3A_28 = arith.andi %ne3A_27, %ne3A_23 : i1
    %add3A_29 = arith.addi %rem3A_21, %select_n3A_20 : i32
    %select_n3A_30 = arith.select %and3A_28, %add3A_29, %rem3A_21 : i32
    %mul3A_31 = arith.constant 1024 : i32
    %mul3A_32 = arith.muli %select_n3A_30, %mul3A_31 : i32
    "tpu.region"() ({
      %run_scoped3A = tpu.sem_alloc : memref<!tpu.dma_semaphore, #tpu.memory_space<semaphore_mem>>
      %dma_start3A = arith.constant 0 : i32
      %dma_start3A_123 = tpu.memref_slice %arg5[%dma_start3A] : memref<32xi32, #tpu.memory_space<vmem>> -> memref<16xi32, #tpu.memory_space<vmem>>
      %dma_start3A_124 = arith.constant 0 : i32
      %dma_start3A_125 = tpu.memref_slice %arg2[%dma_start3A_124] : memref<17xi32, #tpu.memory_space<hbm>> -> memref<16xi32, #tpu.memory_space<hbm>>
      %dma_start3A_126 = arith.constant 0 : i32
      %dma_start3A_127 = tpu.memref_slice %arg5[%dma_start3A_126] : memref<32xi32, #tpu.memory_space<vmem>> -> memref<16xi32, #tpu.memory_space<vmem>>
      %dma_start3A_128 = arith.constant 0 : i32
      %dma_start3A_129 = tpu.memref_slice %arg2[%dma_start3A_128] : memref<17xi32, #tpu.memory_space<hbm>> -> memref<16xi32, #tpu.memory_space<hbm>>
      tpu.enqueue_dma source(%dma_start3A_129 : memref<16xi32, #tpu.memory_space<hbm>>) target(%dma_start3A_127 : memref<16xi32, #tpu.memory_space<vmem>>) target_semaphore(%run_scoped3A : memref<!tpu.dma_semaphore, #tpu.memory_space<semaphore_mem>>)
      %dma_wait3A = arith.constant 0 : i32
      %dma_wait3A_130 = tpu.memref_slice %arg5[%dma_wait3A] : memref<32xi32, #tpu.memory_space<vmem>> -> memref<16xi32, #tpu.memory_space<vmem>>
      %dma_wait3A_131 = arith.constant 0 : i32
      %dma_wait3A_132 = tpu.memref_slice %arg2[%dma_wait3A_131] : memref<17xi32, #tpu.memory_space<hbm>> -> memref<16xi32, #tpu.memory_space<hbm>>
      %dma_wait3A_133 = arith.constant 0 : i32
      %dma_wait3A_134 = tpu.memref_slice %arg5[%dma_wait3A_133] : memref<32xi32, #tpu.memory_space<vmem>> -> memref<16xi32, #tpu.memory_space<vmem>>
      %dma_wait3A_135 = arith.constant 0 : i32
      %dma_wait3A_136 = tpu.memref_slice %arg2[%dma_wait3A_135] : memref<17xi32, #tpu.memory_space<hbm>> -> memref<16xi32, #tpu.memory_space<hbm>>
      tpu.wait_dma2 semaphore(%run_scoped3A : memref<!tpu.dma_semaphore, #tpu.memory_space<semaphore_mem>>) src(%dma_wait3A_136 : memref<16xi32, #tpu.memory_space<hbm>>) dst(%dma_wait3A_134 : memref<16xi32, #tpu.memory_space<vmem>>)
      tpu.yield
    }) : () -> ()
    %broadcast_in_dim3A = arith.constant 16384 : i32
    %broadcast_in_dim3A_33 = vector.broadcast %broadcast_in_dim3A : i32 to vector<16xi32>
    %swap3A = arith.constant 16 : index
    %swap3A_34 = tpu.vector_load %arg5[%swap3A] {strides = array<i32>} : memref<32xi32, #tpu.memory_space<vmem>>, vector<16xi32>,
    %swap3A_35 = vector.shape_cast %swap3A_34 : vector<16xi32> to vector<16xi32>
    %swap3A_36 = vector.shape_cast %broadcast_in_dim3A_33 : vector<16xi32> to vector<16xi32>
    tpu.vector_store %arg5[%swap3A], %swap3A_36 {strides = array<i32>} : memref<32xi32, #tpu.memory_space<vmem>>, vector<16xi32>,
    %get3A = arith.index_cast %select_n3A : i32 to index
    %get3A_37 = tpu.vector_load %arg5[%get3A] {strides = array<i32>} : memref<32xi32, #tpu.memory_space<vmem>>, vector<16xi32>,
    %get3A_38 = vector.shape_cast %get3A_37 : vector<16xi32> to vector<16xi32>
    %slice3A = vector.extract_strided_slice %get3A_38 {offsets = [0], sizes = [1], strides = [1]} : vector<16xi32> to vector<1xi32>
    %squeeze3A = vector.extract %slice3A[0] : i32 from vector<1xi32>
    %slice3A_39 = vector.extract_strided_slice %get3A_38 {offsets = [1], sizes = [1], strides = [1]} : vector<16xi32> to vector<1xi32>
    %squeeze3A_40 = vector.extract %slice3A_39[0] : i32 from vector<1xi32>
    %sub3A_41 = arith.subi %squeeze3A_40, %squeeze3A : i32
    %min3A = arith.constant 2048 : i32
    %min3A_42 = arith.minsi %sub3A_41, %min3A : i32
    %sub3A_43 = arith.subi %min3A_42, %mul3A_32 : i32
    %jit3A_44 = arith.constant 0 : i32
    %jit3A_45 = arith.constant 1024 : i32
    %max3A = arith.maxsi %jit3A_44, %sub3A_43 : i32
    %min3A_46 = arith.minsi %jit3A_45, %max3A : i32
    %jit3A_47 = arith.constant 32 : i32
    %div3A_48 = arith.divsi %min3A_46, %jit3A_47 : i32
    %sign3A_49 = arith.constant 0 : i32
    %sign3A_50 = arith.cmpi sgt, %min3A_46, %sign3A_49 : i32
    %sign3A_51 = arith.extui %sign3A_50 : i1 to i32
    %sign3A_52 = arith.constant 0 : i32
    %sign3A_53 = arith.cmpi slt, %min3A_46, %sign3A_52 : i32
    %sign3A_54 = arith.extui %sign3A_53 : i1 to i32
    %sign3A_55 = arith.subi %sign3A_51, %sign3A_54 : i32
    %sign3A_56 = arith.constant 0 : i32
    %sign3A_57 = arith.cmpi sgt, %jit3A_47, %sign3A_56 : i32
    %sign3A_58 = arith.extui %sign3A_57 : i1 to i32
    %sign3A_59 = arith.constant 0 : i32
    %sign3A_60 = arith.cmpi slt, %jit3A_47, %sign3A_59 : i32
    %sign3A_61 = arith.extui %sign3A_60 : i1 to i32
    %sign3A_62 = arith.subi %sign3A_58, %sign3A_61 : i32
    %ne3A_63 = arith.cmpi ne, %sign3A_55, %sign3A_62 : i32
    %rem3A_64 = arith.remsi %min3A_46, %jit3A_47 : i32
    %ne3A_65 = arith.constant 0 : i32
    %ne3A_66 = arith.cmpi ne, %rem3A_64, %ne3A_65 : i32
    %and3A_67 = arith.andi %ne3A_63, %ne3A_66 : i1
    %sub3A_68 = arith.constant 1 : i32
    %sub3A_69 = arith.subi %div3A_48, %sub3A_68 : i32
    %select_n3A_70 = arith.select %and3A_67, %sub3A_69, %div3A_48 : i32
    %jit3A_71 = arith.constant 32 : i32
    %eq3A_72 = arith.constant 0 : i32
    %eq3A_73 = arith.cmpi eq, %jit3A_71, %eq3A_72 : i32
    %jit3A_74 = arith.constant 1 : i32
    %select_n3A_75 = arith.select %eq3A_73, %jit3A_74, %jit3A_71 : i32
    %rem3A_76 = arith.remsi %min3A_46, %select_n3A_75 : i32
    %ne3A_77 = arith.constant 0 : i32
    %ne3A_78 = arith.cmpi ne, %rem3A_76, %ne3A_77 : i32
    %lt3A_79 = arith.constant 0 : i32
    %lt3A_80 = arith.cmpi slt, %rem3A_76, %lt3A_79 : i32
    %lt3A_81 = arith.constant 0 : i32
    %lt3A_82 = arith.cmpi slt, %select_n3A_75, %lt3A_81 : i32
    %ne3A_83 = arith.xori %lt3A_80, %lt3A_82 : i1
    %and3A_84 = arith.andi %ne3A_83, %ne3A_78 : i1
    %add3A_85 = arith.addi %rem3A_76, %select_n3A_75 : i32
    %select_n3A_86 = arith.select %and3A_84, %add3A_85, %rem3A_76 : i32
    %gt3A = arith.constant 0 : i32
    %gt3A_87 = arith.cmpi sgt, %select_n3A_86, %gt3A : i32
    %jit3A_88 = arith.constant 1 : i32
    %jit3A_89 = arith.constant 0 : i32
    %select_n3A_90 = arith.select %gt3A_87, %jit3A_88, %jit3A_89 : i32
    %add3A_91 = arith.addi %select_n3A_70, %select_n3A_90 : i32
    %add3A_92 = arith.addi %squeeze3A, %mul3A_32 : i32
    %gt3A_93 = arith.constant 0 : i32
    %gt3A_94 = arith.cmpi sgt, %add3A_91, %gt3A_93 : i32
    %convert_element_type3A = arith.extui %gt3A_94 : i1 to i32
    %cond3A = arith.constant 0 : i32
    %cond3A_95 = arith.cmpi ne, %convert_element_type3A, %cond3A : i32
    scf.if %cond3A_95 {
      %add3A_123 = arith.constant 0 : i32
      %add3A_124 = arith.addi %add3A_92, %add3A_123 : i32
      %add3A_125 = arith.constant 0 : i32
      %add3A_126 = arith.addi %add3A_124, %add3A_125 : i32
      %iota3A = tpu.iota {dimensions = array<i32: 0>} : vector<16xi32>
      %add3A_127 = vector.broadcast %add3A_126 : i32 to vector<16xi32>
      %add3A_128 = arith.addi %add3A_127, %iota3A : vector<16xi32>
      %min3A_129 = arith.constant 16383 : i32
      %min3A_130 = vector.broadcast %min3A_129 : i32 to vector<16xi32>
      %min3A_131 = arith.minsi %add3A_128, %min3A_130 : vector<16xi32>
      %swap3A_132 = arith.constant 0 : i32
      %swap3A_133 = arith.index_cast %swap3A_132 : i32 to index
      %swap3A_134 = arith.constant 0 : index
      %swap3A_135 = tpu.vector_load %arg6[%swap3A_133, %swap3A_134] {strides = array<i32>} : memref<4x32xi32, #tpu.memory_space<vmem>>, vector<1x16xi32>,
      %swap3A_136 = vector.shape_cast %swap3A_135 : vector<1x16xi32> to vector<16xi32>
      %swap3A_137 = vector.shape_cast %min3A_131 : vector<16xi32> to vector<1x16xi32>
      tpu.vector_store %arg6[%swap3A_133, %swap3A_134], %swap3A_137 {strides = array<i32>} : memref<4x32xi32, #tpu.memory_space<vmem>>, vector<1x16xi32>,
      %add3A_138 = arith.constant 0 : i32
      %add3A_139 = arith.addi %add3A_92, %add3A_138 : i32
      %add3A_140 = arith.constant 16 : i32
      %add3A_141 = arith.addi %add3A_139, %add3A_140 : i32
      %iota3A_142 = tpu.iota {dimensions = array<i32: 0>} : vector<16xi32>
      %add3A_143 = vector.broadcast %add3A_141 : i32 to vector<16xi32>
      %add3A_144 = arith.addi %add3A_143, %iota3A_142 : vector<16xi32>
      %min3A_145 = arith.constant 16383 : i32
      %min3A_146 = vector.broadcast %min3A_145 : i32 to vector<16xi32>
      %min3A_147 = arith.minsi %add3A_144, %min3A_146 : vector<16xi32>
      %swap3A_148 = arith.constant 0 : i32
      %swap3A_149 = arith.index_cast %swap3A_148 : i32 to index
      %swap3A_150 = arith.constant 16 : index
      %swap3A_151 = tpu.vector_load %arg6[%swap3A_149, %swap3A_150] {strides = array<i32>} : memref<4x32xi32, #tpu.memory_space<vmem>>, vector<1x16xi32>,
      %swap3A_152 = vector.shape_cast %swap3A_151 : vector<1x16xi32> to vector<16xi32>
      %swap3A_153 = vector.shape_cast %min3A_147 : vector<16xi32> to vector<1x16xi32>
      tpu.vector_store %arg6[%swap3A_149, %swap3A_150], %swap3A_153 {strides = array<i32>} : memref<4x32xi32, #tpu.memory_space<vmem>>, vector<1x16xi32>,
      %dma_start3A = arith.constant 0 : i32
      %dma_start3A_154 = arith.constant 0 : i32
      %dma_start3A_155 = tpu.memref_slice %arg6[%dma_start3A, %dma_start3A_154] : memref<4x32xi32, #tpu.memory_space<vmem>> -> memref<1x32xi32, #tpu.memory_space<vmem>>
      %dma_start3A_156 = tpu.memref_squeeze %dma_start3A_155 : memref<1x32xi32, #tpu.memory_space<vmem>> -> memref<32xi32, #tpu.memory_space<vmem>>
      %dma_start3A_157 = arith.constant 0 : i32
      %dma_start3A_158 = arith.constant 0 : i32
      %dma_start3A_159 = tpu.memref_slice %arg3[%dma_start3A_157, %dma_start3A_158] : memref<16384x512xf32, #tpu.memory_space<hbm>> -> memref<16384x512xf32, #tpu.memory_space<hbm>>
      tpu.enqueue_indirect_dma source(%dma_start3A_159 : memref<16384x512xf32, #tpu.memory_space<hbm>>) target(%arg7 : memref<32x512xf32, #tpu.memory_space<vmem>>) offsets(%dma_start3A_156 : memref<32xi32, #tpu.memory_space<vmem>>) semaphore(%arg12 : memref<!tpu.dma_semaphore, #tpu.memory_space<semaphore_mem>>)
    } else {
    }
    %gt3A_96 = arith.constant 1 : i32
    %gt3A_97 = arith.cmpi sgt, %add3A_91, %gt3A_96 : i32
    %convert_element_type3A_98 = arith.extui %gt3A_97 : i1 to i32
    %cond3A_99 = arith.constant 0 : i32
    %cond3A_100 = arith.cmpi ne, %convert_element_type3A_98, %cond3A_99 : i32
    scf.if %cond3A_100 {
      %add3A_123 = arith.constant 32 : i32
      %add3A_124 = arith.addi %add3A_92, %add3A_123 : i32
      %add3A_125 = arith.constant 0 : i32
      %add3A_126 = arith.addi %add3A_124, %add3A_125 : i32
      %iota3A = tpu.iota {dimensions = array<i32: 0>} : vector<16xi32>
      %add3A_127 = vector.broadcast %add3A_126 : i32 to vector<16xi32>
      %add3A_128 = arith.addi %add3A_127, %iota3A : vector<16xi32>
      %min3A_129 = arith.constant 16383 : i32
      %min3A_130 = vector.broadcast %min3A_129 : i32 to vector<16xi32>
      %min3A_131 = arith.minsi %add3A_128, %min3A_130 : vector<16xi32>
      %swap3A_132 = arith.constant 1 : i32
      %swap3A_133 = arith.index_cast %swap3A_132 : i32 to index
      %swap3A_134 = arith.constant 0 : index
      %swap3A_135 = tpu.vector_load %arg6[%swap3A_133, %swap3A_134] {strides = array<i32>} : memref<4x32xi32, #tpu.memory_space<vmem>>, vector<1x16xi32>,
      %swap3A_136 = vector.shape_cast %swap3A_135 : vector<1x16xi32> to vector<16xi32>
      %swap3A_137 = vector.shape_cast %min3A_131 : vector<16xi32> to vector<1x16xi32>
      tpu.vector_store %arg6[%swap3A_133, %swap3A_134], %swap3A_137 {strides = array<i32>} : memref<4x32xi32, #tpu.memory_space<vmem>>, vector<1x16xi32>,
      %add3A_138 = arith.constant 32 : i32
      %add3A_139 = arith.addi %add3A_92, %add3A_138 : i32
      %add3A_140 = arith.constant 16 : i32
      %add3A_141 = arith.addi %add3A_139, %add3A_140 : i32
      %iota3A_142 = tpu.iota {dimensions = array<i32: 0>} : vector<16xi32>
      %add3A_143 = vector.broadcast %add3A_141 : i32 to vector<16xi32>
      %add3A_144 = arith.addi %add3A_143, %iota3A_142 : vector<16xi32>
      %min3A_145 = arith.constant 16383 : i32
      %min3A_146 = vector.broadcast %min3A_145 : i32 to vector<16xi32>
      %min3A_147 = arith.minsi %add3A_144, %min3A_146 : vector<16xi32>
      %swap3A_148 = arith.constant 1 : i32
      %swap3A_149 = arith.index_cast %swap3A_148 : i32 to index
      %swap3A_150 = arith.constant 16 : index
      %swap3A_151 = tpu.vector_load %arg6[%swap3A_149, %swap3A_150] {strides = array<i32>} : memref<4x32xi32, #tpu.memory_space<vmem>>, vector<1x16xi32>,
      %swap3A_152 = vector.shape_cast %swap3A_151 : vector<1x16xi32> to vector<16xi32>
      %swap3A_153 = vector.shape_cast %min3A_147 : vector<16xi32> to vector<1x16xi32>
      tpu.vector_store %arg6[%swap3A_149, %swap3A_150], %swap3A_153 {strides = array<i32>} : memref<4x32xi32, #tpu.memory_space<vmem>>, vector<1x16xi32>,
      %dma_start3A = arith.constant 1 : i32
      %dma_start3A_154 = arith.constant 0 : i32
      %dma_start3A_155 = tpu.memref_slice %arg6[%dma_start3A, %dma_start3A_154] : memref<4x32xi32, #tpu.memory_space<vmem>> -> memref<1x32xi32, #tpu.memory_space<vmem>>
      %dma_start3A_156 = tpu.memref_squeeze %dma_start3A_155 : memref<1x32xi32, #tpu.memory_space<vmem>> -> memref<32xi32, #tpu.memory_space<vmem>>
      %dma_start3A_157 = arith.constant 0 : i32
      %dma_start3A_158 = arith.constant 0 : i32
      %dma_start3A_159 = tpu.memref_slice %arg3[%dma_start3A_157, %dma_start3A_158] : memref<16384x512xf32, #tpu.memory_space<hbm>> -> memref<16384x512xf32, #tpu.memory_space<hbm>>
      tpu.enqueue_indirect_dma source(%dma_start3A_159 : memref<16384x512xf32, #tpu.memory_space<hbm>>) target(%arg8 : memref<32x512xf32, #tpu.memory_space<vmem>>) offsets(%dma_start3A_156 : memref<32xi32, #tpu.memory_space<vmem>>) semaphore(%arg13 : memref<!tpu.dma_semaphore, #tpu.memory_space<semaphore_mem>>)
    } else {
    }
    %gt3A_101 = arith.constant 2 : i32
    %gt3A_102 = arith.cmpi sgt, %add3A_91, %gt3A_101 : i32
    %convert_element_type3A_103 = arith.extui %gt3A_102 : i1 to i32
    %cond3A_104 = arith.constant 0 : i32
    %cond3A_105 = arith.cmpi ne, %convert_element_type3A_103, %cond3A_104 : i32
    scf.if %cond3A_105 {
      %add3A_123 = arith.constant 64 : i32
      %add3A_124 = arith.addi %add3A_92, %add3A_123 : i32
      %add3A_125 = arith.constant 0 : i32
      %add3A_126 = arith.addi %add3A_124, %add3A_125 : i32
      %iota3A = tpu.iota {dimensions = array<i32: 0>} : vector<16xi32>
      %add3A_127 = vector.broadcast %add3A_126 : i32 to vector<16xi32>
      %add3A_128 = arith.addi %add3A_127, %iota3A : vector<16xi32>
      %min3A_129 = arith.constant 16383 : i32
      %min3A_130 = vector.broadcast %min3A_129 : i32 to vector<16xi32>
      %min3A_131 = arith.minsi %add3A_128, %min3A_130 : vector<16xi32>
      %swap3A_132 = arith.constant 2 : i32
      %swap3A_133 = arith.index_cast %swap3A_132 : i32 to index
      %swap3A_134 = arith.constant 0 : index
      %swap3A_135 = tpu.vector_load %arg6[%swap3A_133, %swap3A_134] {strides = array<i32>} : memref<4x32xi32, #tpu.memory_space<vmem>>, vector<1x16xi32>,
      %swap3A_136 = vector.shape_cast %swap3A_135 : vector<1x16xi32> to vector<16xi32>
      %swap3A_137 = vector.shape_cast %min3A_131 : vector<16xi32> to vector<1x16xi32>
      tpu.vector_store %arg6[%swap3A_133, %swap3A_134], %swap3A_137 {strides = array<i32>} : memref<4x32xi32, #tpu.memory_space<vmem>>, vector<1x16xi32>,
      %add3A_138 = arith.constant 64 : i32
      %add3A_139 = arith.addi %add3A_92, %add3A_138 : i32
      %add3A_140 = arith.constant 16 : i32
      %add3A_141 = arith.addi %add3A_139, %add3A_140 : i32
      %iota3A_142 = tpu.iota {dimensions = array<i32: 0>} : vector<16xi32>
      %add3A_143 = vector.broadcast %add3A_141 : i32 to vector<16xi32>
      %add3A_144 = arith.addi %add3A_143, %iota3A_142 : vector<16xi32>
      %min3A_145 = arith.constant 16383 : i32
      %min3A_146 = vector.broadcast %min3A_145 : i32 to vector<16xi32>
      %min3A_147 = arith.minsi %add3A_144, %min3A_146 : vector<16xi32>
      %swap3A_148 = arith.constant 2 : i32
      %swap3A_149 = arith.index_cast %swap3A_148 : i32 to index
      %swap3A_150 = arith.constant 16 : index
      %swap3A_151 = tpu.vector_load %arg6[%swap3A_149, %swap3A_150] {strides = array<i32>} : memref<4x32xi32, #tpu.memory_space<vmem>>, vector<1x16xi32>,
      %swap3A_152 = vector.shape_cast %swap3A_151 : vector<1x16xi32> to vector<16xi32>
      %swap3A_153 = vector.shape_cast %min3A_147 : vector<16xi32> to vector<1x16xi32>
      tpu.vector_store %arg6[%swap3A_149, %swap3A_150], %swap3A_153 {strides = array<i32>} : memref<4x32xi32, #tpu.memory_space<vmem>>, vector<1x16xi32>,
      %dma_start3A = arith.constant 2 : i32
      %dma_start3A_154 = arith.constant 0 : i32
      %dma_start3A_155 = tpu.memref_slice %arg6[%dma_start3A, %dma_start3A_154] : memref<4x32xi32, #tpu.memory_space<vmem>> -> memref<1x32xi32, #tpu.memory_space<vmem>>
      %dma_start3A_156 = tpu.memref_squeeze %dma_start3A_155 : memref<1x32xi32, #tpu.memory_space<vmem>> -> memref<32xi32, #tpu.memory_space<vmem>>
      %dma_start3A_157 = arith.constant 0 : i32
      %dma_start3A_158 = arith.constant 0 : i32
      %dma_start3A_159 = tpu.memref_slice %arg3[%dma_start3A_157, %dma_start3A_158] : memref<16384x512xf32, #tpu.memory_space<hbm>> -> memref<16384x512xf32, #tpu.memory_space<hbm>>
      tpu.enqueue_indirect_dma source(%dma_start3A_159 : memref<16384x512xf32, #tpu.memory_space<hbm>>) target(%arg9 : memref<32x512xf32, #tpu.memory_space<vmem>>) offsets(%dma_start3A_156 : memref<32xi32, #tpu.memory_space<vmem>>) semaphore(%arg14 : memref<!tpu.dma_semaphore, #tpu.memory_space<semaphore_mem>>)
    } else {
    }
    %scan3A = arith.constant 0 : i32
    %scan3A_106 = arith.constant 0 : i32
    %scan3A_107 = arith.constant 32 : i32
    %scan3A_108 = arith.addi %scan3A_106, %scan3A_107 : i32
    %scan3A_109 = arith.constant 1 : i32
    scf.for %scan3A_123 = %scan3A_106 to %scan3A_108 step %scan3A_109  : i32 {
      %broadcast_in_dim3A_124 = arith.constant 0.000000e+00 : f32
      %broadcast_in_dim3A_125 = vector.broadcast %broadcast_in_dim3A_124 : f32 to vector<16xf32>
      %swap3A_126 = arith.index_cast %scan3A_123 : i32 to index
      %swap3A_127 = arith.constant 0 : index
      %swap3A_128 = tpu.vector_load %arg11[%swap3A_126, %swap3A_127] {strides = array<i32>} : memref<32x512xf32, #tpu.memory_space<vmem>>, vector<1x16xf32>,
      %swap3A_129 = vector.shape_cast %swap3A_128 : vector<1x16xf32> to vector<16xf32>
      %swap3A_130 = vector.shape_cast %broadcast_in_dim3A_125 : vector<16xf32> to vector<1x16xf32>
      tpu.vector_store %arg11[%swap3A_126, %swap3A_127], %swap3A_130 {strides = array<i32>} : memref<32x512xf32, #tpu.memory_space<vmem>>, vector<1x16xf32>,
      %broadcast_in_dim3A_131 = arith.constant 0.000000e+00 : f32
      %broadcast_in_dim3A_132 = vector.broadcast %broadcast_in_dim3A_131 : f32 to vector<16xf32>
      %swap3A_133 = arith.index_cast %scan3A_123 : i32 to index
      %swap3A_134 = arith.constant 16 : index
      %swap3A_135 = tpu.vector_load %arg11[%swap3A_133, %swap3A_134] {strides = array<i32>} : memref<32x512xf32, #tpu.memory_space<vmem>>, vector<1x16xf32>,
      %swap3A_136 = vector.shape_cast %swap3A_135 : vector<1x16xf32> to vector<16xf32>
      %swap3A_137 = vector.shape_cast %broadcast_in_dim3A_132 : vector<16xf32> to vector<1x16xf32>
      tpu.vector_store %arg11[%swap3A_133, %swap3A_134], %swap3A_137 {strides = array<i32>} : memref<32x512xf32, #tpu.memory_space<vmem>>, vector<1x16xf32>,
      %broadcast_in_dim3A_138 = arith.constant 0.000000e+00 : f32
      %broadcast_in_dim3A_139 = vector.broadcast %broadcast_in_dim3A_138 : f32 to vector<16xf32>
      %swap3A_140 = arith.index_cast %scan3A_123 : i32 to index
      %swap3A_141 = arith.constant 32 : index
      %swap3A_142 = tpu.vector_load %arg11[%swap3A_140, %swap3A_141] {strides = array<i32>} : memref<32x512xf32, #tpu.memory_space<vmem>>, vector<1x16xf32>,
      %swap3A_143 = vector.shape_cast %swap3A_142 : vector<1x16xf32> to vector<16xf32>
      %swap3A_144 = vector.shape_cast %broadcast_in_dim3A_139 : vector<16xf32> to vector<1x16xf32>
      tpu.vector_store %arg11[%swap3A_140, %swap3A_141], %swap3A_144 {strides = array<i32>} : memref<32x512xf32, #tpu.memory_space<vmem>>, vector<1x16xf32>,
      %broadcast_in_dim3A_145 = arith.constant 0.000000e+00 : f32
      %broadcast_in_dim3A_146 = vector.broadcast %broadcast_in_dim3A_145 : f32 to vector<16xf32>
      %swap3A_147 = arith.index_cast %scan3A_123 : i32 to index
      %swap3A_148 = arith.constant 48 : index
      %swap3A_149 = tpu.vector_load %arg11[%swap3A_147, %swap3A_148] {strides = array<i32>} : memref<32x512xf32, #tpu.memory_space<vmem>>, vector<1x16xf32>,
      %swap3A_150 = vector.shape_cast %swap3A_149 : vector<1x16xf32> to vector<16xf32>
      %swap3A_151 = vector.shape_cast %broadcast_in_dim3A_146 : vector<16xf32> to vector<1x16xf32>
      tpu.vector_store %arg11[%swap3A_147, %swap3A_148], %swap3A_151 {strides = array<i32>} : memref<32x512xf32, #tpu.memory_space<vmem>>, vector<1x16xf32>,
      %broadcast_in_dim3A_152 = arith.constant 0.000000e+00 : f32
      %broadcast_in_dim3A_153 = vector.broadcast %broadcast_in_dim3A_152 : f32 to vector<16xf32>
      %swap3A_154 = arith.index_cast %scan3A_123 : i32 to index
      %swap3A_155 = arith.constant 64 : index
      %swap3A_156 = tpu.vector_load %arg11[%swap3A_154, %swap3A_155] {strides = array<i32>} : memref<32x512xf32, #tpu.memory_space<vmem>>, vector<1x16xf32>,
      %swap3A_157 = vector.shape_cast %swap3A_156 : vector<1x16xf32> to vector<16xf32>
      %swap3A_158 = vector.shape_cast %broadcast_in_dim3A_153 : vector<16xf32> to vector<1x16xf32>
      tpu.vector_store %arg11[%swap3A_154, %swap3A_155], %swap3A_158 {strides = array<i32>} : memref<32x512xf32, #tpu.memory_space<vmem>>, vector<1x16xf32>,
      %broadcast_in_dim3A_159 = arith.constant 0.000000e+00 : f32
      %broadcast_in_dim3A_160 = vector.broadcast %broadcast_in_dim3A_159 : f32 to vector<16xf32>
      %swap3A_161 = arith.index_cast %scan3A_123 : i32 to index
      %swap3A_162 = arith.constant 80 : index
      %swap3A_163 = tpu.vector_load %arg11[%swap3A_161, %swap3A_162] {strides = array<i32>} : memref<32x512xf32, #tpu.memory_space<vmem>>, vector<1x16xf32>,
      %swap3A_164 = vector.shape_cast %swap3A_163 : vector<1x16xf32> to vector<16xf32>
      %swap3A_165 = vector.shape_cast %broadcast_in_dim3A_160 : vector<16xf32> to vector<1x16xf32>
      tpu.vector_store %arg11[%swap3A_161, %swap3A_162], %swap3A_165 {strides = array<i32>} : memref<32x512xf32, #tpu.memory_space<vmem>>, vector<1x16xf32>,
      %broadcast_in_dim3A_166 = arith.constant 0.000000e+00 : f32
      %broadcast_in_dim3A_167 = vector.broadcast %broadcast_in_dim3A_166 : f32 to vector<16xf32>
      %swap3A_168 = arith.index_cast %scan3A_123 : i32 to index
      %swap3A_169 = arith.constant 96 : index
      %swap3A_170 = tpu.vector_load %arg11[%swap3A_168, %swap3A_169] {strides = array<i32>} : memref<32x512xf32, #tpu.memory_space<vmem>>, vector<1x16xf32>,
      %swap3A_171 = vector.shape_cast %swap3A_170 : vector<1x16xf32> to vector<16xf32>
      %swap3A_172 = vector.shape_cast %broadcast_in_dim3A_167 : vector<16xf32> to vector<1x16xf32>
      tpu.vector_store %arg11[%swap3A_168, %swap3A_169], %swap3A_172 {strides = array<i32>} : memref<32x512xf32, #tpu.memory_space<vmem>>, vector<1x16xf32>,
      %broadcast_in_dim3A_173 = arith.constant 0.000000e+00 : f32
      %broadcast_in_dim3A_174 = vector.broadcast %broadcast_in_dim3A_173 : f32 to vector<16xf32>
      %swap3A_175 = arith.index_cast %scan3A_123 : i32 to index
      %swap3A_176 = arith.constant 112 : index
      %swap3A_177 = tpu.vector_load %arg11[%swap3A_175, %swap3A_176] {strides = array<i32>} : memref<32x512xf32, #tpu.memory_space<vmem>>, vector<1x16xf32>,
      %swap3A_178 = vector.shape_cast %swap3A_177 : vector<1x16xf32> to vector<16xf32>
      %swap3A_179 = vector.shape_cast %broadcast_in_dim3A_174 : vector<16xf32> to vector<1x16xf32>
      tpu.vector_store %arg11[%swap3A_175, %swap3A_176], %swap3A_179 {strides = array<i32>} : memref<32x512xf32, #tpu.memory_space<vmem>>, vector<1x16xf32>,
      %broadcast_in_dim3A_180 = arith.constant 0.000000e+00 : f32
      %broadcast_in_dim3A_181 = vector.broadcast %broadcast_in_dim3A_180 : f32 to vector<16xf32>
      %swap3A_182 = arith.index_cast %scan3A_123 : i32 to index
      %swap3A_183 = arith.constant 128 : index
      %swap3A_184 = tpu.vector_load %arg11[%swap3A_182, %swap3A_183] {strides = array<i32>} : memref<32x512xf32, #tpu.memory_space<vmem>>, vector<1x16xf32>,
      %swap3A_185 = vector.shape_cast %swap3A_184 : vector<1x16xf32> to vector<16xf32>
      %swap3A_186 = vector.shape_cast %broadcast_in_dim3A_181 : vector<16xf32> to vector<1x16xf32>
      tpu.vector_store %arg11[%swap3A_182, %swap3A_183], %swap3A_186 {strides = array<i32>} : memref<32x512xf32, #tpu.memory_space<vmem>>, vector<1x16xf32>,
      %broadcast_in_dim3A_187 = arith.constant 0.000000e+00 : f32
      %broadcast_in_dim3A_188 = vector.broadcast %broadcast_in_dim3A_187 : f32 to vector<16xf32>
      %swap3A_189 = arith.index_cast %scan3A_123 : i32 to index
      %swap3A_190 = arith.constant 144 : index
      %swap3A_191 = tpu.vector_load %arg11[%swap3A_189, %swap3A_190] {strides = array<i32>} : memref<32x512xf32, #tpu.memory_space<vmem>>, vector<1x16xf32>,
      %swap3A_192 = vector.shape_cast %swap3A_191 : vector<1x16xf32> to vector<16xf32>
      %swap3A_193 = vector.shape_cast %broadcast_in_dim3A_188 : vector<16xf32> to vector<1x16xf32>
      tpu.vector_store %arg11[%swap3A_189, %swap3A_190], %swap3A_193 {strides = array<i32>} : memref<32x512xf32, #tpu.memory_space<vmem>>, vector<1x16xf32>,
      %broadcast_in_dim3A_194 = arith.constant 0.000000e+00 : f32
      %broadcast_in_dim3A_195 = vector.broadcast %broadcast_in_dim3A_194 : f32 to vector<16xf32>
      %swap3A_196 = arith.index_cast %scan3A_123 : i32 to index
      %swap3A_197 = arith.constant 160 : index
      %swap3A_198 = tpu.vector_load %arg11[%swap3A_196, %swap3A_197] {strides = array<i32>} : memref<32x512xf32, #tpu.memory_space<vmem>>, vector<1x16xf32>,
      %swap3A_199 = vector.shape_cast %swap3A_198 : vector<1x16xf32> to vector<16xf32>
      %swap3A_200 = vector.shape_cast %broadcast_in_dim3A_195 : vector<16xf32> to vector<1x16xf32>
      tpu.vector_store %arg11[%swap3A_196, %swap3A_197], %swap3A_200 {strides = array<i32>} : memref<32x512xf32, #tpu.memory_space<vmem>>, vector<1x16xf32>,
      %broadcast_in_dim3A_201 = arith.constant 0.000000e+00 : f32
      %broadcast_in_dim3A_202 = vector.broadcast %broadcast_in_dim3A_201 : f32 to vector<16xf32>
      %swap3A_203 = arith.index_cast %scan3A_123 : i32 to index
      %swap3A_204 = arith.constant 176 : index
      %swap3A_205 = tpu.vector_load %arg11[%swap3A_203, %swap3A_204] {strides = array<i32>} : memref<32x512xf32, #tpu.memory_space<vmem>>, vector<1x16xf32>,
      %swap3A_206 = vector.shape_cast %swap3A_205 : vector<1x16xf32> to vector<16xf32>
      %swap3A_207 = vector.shape_cast %broadcast_in_dim3A_202 : vector<16xf32> to vector<1x16xf32>
      tpu.vector_store %arg11[%swap3A_203, %swap3A_204], %swap3A_207 {strides = array<i32>} : memref<32x512xf32, #tpu.memory_space<vmem>>, vector<1x16xf32>,
      %broadcast_in_dim3A_208 = arith.constant 0.000000e+00 : f32
      %broadcast_in_dim3A_209 = vector.broadcast %broadcast_in_dim3A_208 : f32 to vector<16xf32>
      %swap3A_210 = arith.index_cast %scan3A_123 : i32 to index
      %swap3A_211 = arith.constant 192 : index
      %swap3A_212 = tpu.vector_load %arg11[%swap3A_210, %swap3A_211] {strides = array<i32>} : memref<32x512xf32, #tpu.memory_space<vmem>>, vector<1x16xf32>,
      %swap3A_213 = vector.shape_cast %swap3A_212 : vector<1x16xf32> to vector<16xf32>
      %swap3A_214 = vector.shape_cast %broadcast_in_dim3A_209 : vector<16xf32> to vector<1x16xf32>
      tpu.vector_store %arg11[%swap3A_210, %swap3A_211], %swap3A_214 {strides = array<i32>} : memref<32x512xf32, #tpu.memory_space<vmem>>, vector<1x16xf32>,
      %broadcast_in_dim3A_215 = arith.constant 0.000000e+00 : f32
      %broadcast_in_dim3A_216 = vector.broadcast %broadcast_in_dim3A_215 : f32 to vector<16xf32>
      %swap3A_217 = arith.index_cast %scan3A_123 : i32 to index
      %swap3A_218 = arith.constant 208 : index
      %swap3A_219 = tpu.vector_load %arg11[%swap3A_217, %swap3A_218] {strides = array<i32>} : memref<32x512xf32, #tpu.memory_space<vmem>>, vector<1x16xf32>,
      %swap3A_220 = vector.shape_cast %swap3A_219 : vector<1x16xf32> to vector<16xf32>
      %swap3A_221 = vector.shape_cast %broadcast_in_dim3A_216 : vector<16xf32> to vector<1x16xf32>
      tpu.vector_store %arg11[%swap3A_217, %swap3A_218], %swap3A_221 {strides = array<i32>} : memref<32x512xf32, #tpu.memory_space<vmem>>, vector<1x16xf32>,
      %broadcast_in_dim3A_222 = arith.constant 0.000000e+00 : f32
      %broadcast_in_dim3A_223 = vector.broadcast %broadcast_in_dim3A_222 : f32 to vector<16xf32>
      %swap3A_224 = arith.index_cast %scan3A_123 : i32 to index
      %swap3A_225 = arith.constant 224 : index
      %swap3A_226 = tpu.vector_load %arg11[%swap3A_224, %swap3A_225] {strides = array<i32>} : memref<32x512xf32, #tpu.memory_space<vmem>>, vector<1x16xf32>,
      %swap3A_227 = vector.shape_cast %swap3A_226 : vector<1x16xf32> to vector<16xf32>
      %swap3A_228 = vector.shape_cast %broadcast_in_dim3A_223 : vector<16xf32> to vector<1x16xf32>
      tpu.vector_store %arg11[%swap3A_224, %swap3A_225], %swap3A_228 {strides = array<i32>} : memref<32x512xf32, #tpu.memory_space<vmem>>, vector<1x16xf32>,
      %broadcast_in_dim3A_229 = arith.constant 0.000000e+00 : f32
      %broadcast_in_dim3A_230 = vector.broadcast %broadcast_in_dim3A_229 : f32 to vector<16xf32>
      %swap3A_231 = arith.index_cast %scan3A_123 : i32 to index
      %swap3A_232 = arith.constant 240 : index
      %swap3A_233 = tpu.vector_load %arg11[%swap3A_231, %swap3A_232] {strides = array<i32>} : memref<32x512xf32, #tpu.memory_space<vmem>>, vector<1x16xf32>,
      %swap3A_234 = vector.shape_cast %swap3A_233 : vector<1x16xf32> to vector<16xf32>
      %swap3A_235 = vector.shape_cast %broadcast_in_dim3A_230 : vector<16xf32> to vector<1x16xf32>
      tpu.vector_store %arg11[%swap3A_231, %swap3A_232], %swap3A_235 {strides = array<i32>} : memref<32x512xf32, #tpu.memory_space<vmem>>, vector<1x16xf32>,
      %broadcast_in_dim3A_236 = arith.constant 0.000000e+00 : f32
      %broadcast_in_dim3A_237 = vector.broadcast %broadcast_in_dim3A_236 : f32 to vector<16xf32>
      %swap3A_238 = arith.index_cast %scan3A_123 : i32 to index
      %swap3A_239 = arith.constant 256 : index
      %swap3A_240 = tpu.vector_load %arg11[%swap3A_238, %swap3A_239] {strides = array<i32>} : memref<32x512xf32, #tpu.memory_space<vmem>>, vector<1x16xf32>,
      %swap3A_241 = vector.shape_cast %swap3A_240 : vector<1x16xf32> to vector<16xf32>
      %swap3A_242 = vector.shape_cast %broadcast_in_dim3A_237 : vector<16xf32> to vector<1x16xf32>
      tpu.vector_store %arg11[%swap3A_238, %swap3A_239], %swap3A_242 {strides = array<i32>} : memref<32x512xf32, #tpu.memory_space<vmem>>, vector<1x16xf32>,
      %broadcast_in_dim3A_243 = arith.constant 0.000000e+00 : f32
      %broadcast_in_dim3A_244 = vector.broadcast %broadcast_in_dim3A_243 : f32 to vector<16xf32>
      %swap3A_245 = arith.index_cast %scan3A_123 : i32 to index
      %swap3A_246 = arith.constant 272 : index
      %swap3A_247 = tpu.vector_load %arg11[%swap3A_245, %swap3A_246] {strides = array<i32>} : memref<32x512xf32, #tpu.memory_space<vmem>>, vector<1x16xf32>,
      %swap3A_248 = vector.shape_cast %swap3A_247 : vector<1x16xf32> to vector<16xf32>
      %swap3A_249 = vector.shape_cast %broadcast_in_dim3A_244 : vector<16xf32> to vector<1x16xf32>
      tpu.vector_store %arg11[%swap3A_245, %swap3A_246], %swap3A_249 {strides = array<i32>} : memref<32x512xf32, #tpu.memory_space<vmem>>, vector<1x16xf32>,
      %broadcast_in_dim3A_250 = arith.constant 0.000000e+00 : f32
      %broadcast_in_dim3A_251 = vector.broadcast %broadcast_in_dim3A_250 : f32 to vector<16xf32>
      %swap3A_252 = arith.index_cast %scan3A_123 : i32 to index
      %swap3A_253 = arith.constant 288 : index
      %swap3A_254 = tpu.vector_load %arg11[%swap3A_252, %swap3A_253] {strides = array<i32>} : memref<32x512xf32, #tpu.memory_space<vmem>>, vector<1x16xf32>,
      %swap3A_255 = vector.shape_cast %swap3A_254 : vector<1x16xf32> to vector<16xf32>
      %swap3A_256 = vector.shape_cast %broadcast_in_dim3A_251 : vector<16xf32> to vector<1x16xf32>
      tpu.vector_store %arg11[%swap3A_252, %swap3A_253], %swap3A_256 {strides = array<i32>} : memref<32x512xf32, #tpu.memory_space<vmem>>, vector<1x16xf32>,
      %broadcast_in_dim3A_257 = arith.constant 0.000000e+00 : f32
      %broadcast_in_dim3A_258 = vector.broadcast %broadcast_in_dim3A_257 : f32 to vector<16xf32>
      %swap3A_259 = arith.index_cast %scan3A_123 : i32 to index
      %swap3A_260 = arith.constant 304 : index
      %swap3A_261 = tpu.vector_load %arg11[%swap3A_259, %swap3A_260] {strides = array<i32>} : memref<32x512xf32, #tpu.memory_space<vmem>>, vector<1x16xf32>,
      %swap3A_262 = vector.shape_cast %swap3A_261 : vector<1x16xf32> to vector<16xf32>
      %swap3A_263 = vector.shape_cast %broadcast_in_dim3A_258 : vector<16xf32> to vector<1x16xf32>
      tpu.vector_store %arg11[%swap3A_259, %swap3A_260], %swap3A_263 {strides = array<i32>} : memref<32x512xf32, #tpu.memory_space<vmem>>, vector<1x16xf32>,
      %broadcast_in_dim3A_264 = arith.constant 0.000000e+00 : f32
      %broadcast_in_dim3A_265 = vector.broadcast %broadcast_in_dim3A_264 : f32 to vector<16xf32>
      %swap3A_266 = arith.index_cast %scan3A_123 : i32 to index
      %swap3A_267 = arith.constant 320 : index
      %swap3A_268 = tpu.vector_load %arg11[%swap3A_266, %swap3A_267] {strides = array<i32>} : memref<32x512xf32, #tpu.memory_space<vmem>>, vector<1x16xf32>,
      %swap3A_269 = vector.shape_cast %swap3A_268 : vector<1x16xf32> to vector<16xf32>
      %swap3A_270 = vector.shape_cast %broadcast_in_dim3A_265 : vector<16xf32> to vector<1x16xf32>
      tpu.vector_store %arg11[%swap3A_266, %swap3A_267], %swap3A_270 {strides = array<i32>} : memref<32x512xf32, #tpu.memory_space<vmem>>, vector<1x16xf32>,
      %broadcast_in_dim3A_271 = arith.constant 0.000000e+00 : f32
      %broadcast_in_dim3A_272 = vector.broadcast %broadcast_in_dim3A_271 : f32 to vector<16xf32>
      %swap3A_273 = arith.index_cast %scan3A_123 : i32 to index
      %swap3A_274 = arith.constant 336 : index
      %swap3A_275 = tpu.vector_load %arg11[%swap3A_273, %swap3A_274] {strides = array<i32>} : memref<32x512xf32, #tpu.memory_space<vmem>>, vector<1x16xf32>,
      %swap3A_276 = vector.shape_cast %swap3A_275 : vector<1x16xf32> to vector<16xf32>
      %swap3A_277 = vector.shape_cast %broadcast_in_dim3A_272 : vector<16xf32> to vector<1x16xf32>
      tpu.vector_store %arg11[%swap3A_273, %swap3A_274], %swap3A_277 {strides = array<i32>} : memref<32x512xf32, #tpu.memory_space<vmem>>, vector<1x16xf32>,
      %broadcast_in_dim3A_278 = arith.constant 0.000000e+00 : f32
      %broadcast_in_dim3A_279 = vector.broadcast %broadcast_in_dim3A_278 : f32 to vector<16xf32>
      %swap3A_280 = arith.index_cast %scan3A_123 : i32 to index
      %swap3A_281 = arith.constant 352 : index
      %swap3A_282 = tpu.vector_load %arg11[%swap3A_280, %swap3A_281] {strides = array<i32>} : memref<32x512xf32, #tpu.memory_space<vmem>>, vector<1x16xf32>,
      %swap3A_283 = vector.shape_cast %swap3A_282 : vector<1x16xf32> to vector<16xf32>
      %swap3A_284 = vector.shape_cast %broadcast_in_dim3A_279 : vector<16xf32> to vector<1x16xf32>
      tpu.vector_store %arg11[%swap3A_280, %swap3A_281], %swap3A_284 {strides = array<i32>} : memref<32x512xf32, #tpu.memory_space<vmem>>, vector<1x16xf32>,
      %broadcast_in_dim3A_285 = arith.constant 0.000000e+00 : f32
      %broadcast_in_dim3A_286 = vector.broadcast %broadcast_in_dim3A_285 : f32 to vector<16xf32>
      %swap3A_287 = arith.index_cast %scan3A_123 : i32 to index
      %swap3A_288 = arith.constant 368 : index
      %swap3A_289 = tpu.vector_load %arg11[%swap3A_287, %swap3A_288] {strides = array<i32>} : memref<32x512xf32, #tpu.memory_space<vmem>>, vector<1x16xf32>,
      %swap3A_290 = vector.shape_cast %swap3A_289 : vector<1x16xf32> to vector<16xf32>
      %swap3A_291 = vector.shape_cast %broadcast_in_dim3A_286 : vector<16xf32> to vector<1x16xf32>
      tpu.vector_store %arg11[%swap3A_287, %swap3A_288], %swap3A_291 {strides = array<i32>} : memref<32x512xf32, #tpu.memory_space<vmem>>, vector<1x16xf32>,
      %broadcast_in_dim3A_292 = arith.constant 0.000000e+00 : f32
      %broadcast_in_dim3A_293 = vector.broadcast %broadcast_in_dim3A_292 : f32 to vector<16xf32>
      %swap3A_294 = arith.index_cast %scan3A_123 : i32 to index
      %swap3A_295 = arith.constant 384 : index
      %swap3A_296 = tpu.vector_load %arg11[%swap3A_294, %swap3A_295] {strides = array<i32>} : memref<32x512xf32, #tpu.memory_space<vmem>>, vector<1x16xf32>,
      %swap3A_297 = vector.shape_cast %swap3A_296 : vector<1x16xf32> to vector<16xf32>
      %swap3A_298 = vector.shape_cast %broadcast_in_dim3A_293 : vector<16xf32> to vector<1x16xf32>
      tpu.vector_store %arg11[%swap3A_294, %swap3A_295], %swap3A_298 {strides = array<i32>} : memref<32x512xf32, #tpu.memory_space<vmem>>, vector<1x16xf32>,
      %broadcast_in_dim3A_299 = arith.constant 0.000000e+00 : f32
      %broadcast_in_dim3A_300 = vector.broadcast %broadcast_in_dim3A_299 : f32 to vector<16xf32>
      %swap3A_301 = arith.index_cast %scan3A_123 : i32 to index
      %swap3A_302 = arith.constant 400 : index
      %swap3A_303 = tpu.vector_load %arg11[%swap3A_301, %swap3A_302] {strides = array<i32>} : memref<32x512xf32, #tpu.memory_space<vmem>>, vector<1x16xf32>,
      %swap3A_304 = vector.shape_cast %swap3A_303 : vector<1x16xf32> to vector<16xf32>
      %swap3A_305 = vector.shape_cast %broadcast_in_dim3A_300 : vector<16xf32> to vector<1x16xf32>
      tpu.vector_store %arg11[%swap3A_301, %swap3A_302], %swap3A_305 {strides = array<i32>} : memref<32x512xf32, #tpu.memory_space<vmem>>, vector<1x16xf32>,
      %broadcast_in_dim3A_306 = arith.constant 0.000000e+00 : f32
      %broadcast_in_dim3A_307 = vector.broadcast %broadcast_in_dim3A_306 : f32 to vector<16xf32>
      %swap3A_308 = arith.index_cast %scan3A_123 : i32 to index
      %swap3A_309 = arith.constant 416 : index
      %swap3A_310 = tpu.vector_load %arg11[%swap3A_308, %swap3A_309] {strides = array<i32>} : memref<32x512xf32, #tpu.memory_space<vmem>>, vector<1x16xf32>,
      %swap3A_311 = vector.shape_cast %swap3A_310 : vector<1x16xf32> to vector<16xf32>
      %swap3A_312 = vector.shape_cast %broadcast_in_dim3A_307 : vector<16xf32> to vector<1x16xf32>
      tpu.vector_store %arg11[%swap3A_308, %swap3A_309], %swap3A_312 {strides = array<i32>} : memref<32x512xf32, #tpu.memory_space<vmem>>, vector<1x16xf32>,
      %broadcast_in_dim3A_313 = arith.constant 0.000000e+00 : f32
      %broadcast_in_dim3A_314 = vector.broadcast %broadcast_in_dim3A_313 : f32 to vector<16xf32>
      %swap3A_315 = arith.index_cast %scan3A_123 : i32 to index
      %swap3A_316 = arith.constant 432 : index
      %swap3A_317 = tpu.vector_load %arg11[%swap3A_315, %swap3A_316] {strides = array<i32>} : memref<32x512xf32, #tpu.memory_space<vmem>>, vector<1x16xf32>,
      %swap3A_318 = vector.shape_cast %swap3A_317 : vector<1x16xf32> to vector<16xf32>
      %swap3A_319 = vector.shape_cast %broadcast_in_dim3A_314 : vector<16xf32> to vector<1x16xf32>
      tpu.vector_store %arg11[%swap3A_315, %swap3A_316], %swap3A_319 {strides = array<i32>} : memref<32x512xf32, #tpu.memory_space<vmem>>, vector<1x16xf32>,
      %broadcast_in_dim3A_320 = arith.constant 0.000000e+00 : f32
      %broadcast_in_dim3A_321 = vector.broadcast %broadcast_in_dim3A_320 : f32 to vector<16xf32>
      %swap3A_322 = arith.index_cast %scan3A_123 : i32 to index
      %swap3A_323 = arith.constant 448 : index
      %swap3A_324 = tpu.vector_load %arg11[%swap3A_322, %swap3A_323] {strides = array<i32>} : memref<32x512xf32, #tpu.memory_space<vmem>>, vector<1x16xf32>,
      %swap3A_325 = vector.shape_cast %swap3A_324 : vector<1x16xf32> to vector<16xf32>
      %swap3A_326 = vector.shape_cast %broadcast_in_dim3A_321 : vector<16xf32> to vector<1x16xf32>
      tpu.vector_store %arg11[%swap3A_322, %swap3A_323], %swap3A_326 {strides = array<i32>} : memref<32x512xf32, #tpu.memory_space<vmem>>, vector<1x16xf32>,
      %broadcast_in_dim3A_327 = arith.constant 0.000000e+00 : f32
      %broadcast_in_dim3A_328 = vector.broadcast %broadcast_in_dim3A_327 : f32 to vector<16xf32>
      %swap3A_329 = arith.index_cast %scan3A_123 : i32 to index
      %swap3A_330 = arith.constant 464 : index
      %swap3A_331 = tpu.vector_load %arg11[%swap3A_329, %swap3A_330] {strides = array<i32>} : memref<32x512xf32, #tpu.memory_space<vmem>>, vector<1x16xf32>,
      %swap3A_332 = vector.shape_cast %swap3A_331 : vector<1x16xf32> to vector<16xf32>
      %swap3A_333 = vector.shape_cast %broadcast_in_dim3A_328 : vector<16xf32> to vector<1x16xf32>
      tpu.vector_store %arg11[%swap3A_329, %swap3A_330], %swap3A_333 {strides = array<i32>} : memref<32x512xf32, #tpu.memory_space<vmem>>, vector<1x16xf32>,
      %broadcast_in_dim3A_334 = arith.constant 0.000000e+00 : f32
      %broadcast_in_dim3A_335 = vector.broadcast %broadcast_in_dim3A_334 : f32 to vector<16xf32>
      %swap3A_336 = arith.index_cast %scan3A_123 : i32 to index
      %swap3A_337 = arith.constant 480 : index
      %swap3A_338 = tpu.vector_load %arg11[%swap3A_336, %swap3A_337] {strides = array<i32>} : memref<32x512xf32, #tpu.memory_space<vmem>>, vector<1x16xf32>,
      %swap3A_339 = vector.shape_cast %swap3A_338 : vector<1x16xf32> to vector<16xf32>
      %swap3A_340 = vector.shape_cast %broadcast_in_dim3A_335 : vector<16xf32> to vector<1x16xf32>
      tpu.vector_store %arg11[%swap3A_336, %swap3A_337], %swap3A_340 {strides = array<i32>} : memref<32x512xf32, #tpu.memory_space<vmem>>, vector<1x16xf32>,
      %broadcast_in_dim3A_341 = arith.constant 0.000000e+00 : f32
      %broadcast_in_dim3A_342 = vector.broadcast %broadcast_in_dim3A_341 : f32 to vector<16xf32>
      %swap3A_343 = arith.index_cast %scan3A_123 : i32 to index
      %swap3A_344 = arith.constant 496 : index
      %swap3A_345 = tpu.vector_load %arg11[%swap3A_343, %swap3A_344] {strides = array<i32>} : memref<32x512xf32, #tpu.memory_space<vmem>>, vector<1x16xf32>,
      %swap3A_346 = vector.shape_cast %swap3A_345 : vector<1x16xf32> to vector<16xf32>
      %swap3A_347 = vector.shape_cast %broadcast_in_dim3A_342 : vector<16xf32> to vector<1x16xf32>
      tpu.vector_store %arg11[%swap3A_343, %swap3A_344], %swap3A_347 {strides = array<i32>} : memref<32x512xf32, #tpu.memory_space<vmem>>, vector<1x16xf32>,
    }
    %scan3A_110 = arith.constant 32 : i32
    %scan3A_111 = arith.constant 0 : i32
    %scan3A_112 = arith.constant 0 : i32
    %scan3A_113 = arith.constant 8 : i32
    %scan3A_114 = arith.addi %scan3A_112, %scan3A_113 : i32
    %scan3A_115 = arith.constant 1 : i32
    scf.for %scan3A_123 = %scan3A_112 to %scan3A_114 step %scan3A_115  : i32 {
      %mul3A_124 = arith.constant 4 : i32
      %mul3A_125 = arith.muli %scan3A_123, %mul3A_124 : i32
      %add3A_126 = arith.constant 0 : i32
      %add3A_127 = arith.addi %mul3A_125, %add3A_126 : i32
      %lt3A_128 = arith.cmpi slt, %add3A_127, %add3A_91 : i32
      %convert_element_type3A_129 = arith.extui %lt3A_128 : i1 to i32
      %cond3A_130 = arith.constant 0 : i32
      %cond3A_131 = arith.cmpi ne, %convert_element_type3A_129, %cond3A_130 : i32
      scf.if %cond3A_131 {
        %dma_wait3A = arith.constant 0 : i32
        %dma_wait3A_171 = arith.constant 0 : i32
        %dma_wait3A_172 = tpu.memref_slice %arg6[%dma_wait3A, %dma_wait3A_171] : memref<4x32xi32, #tpu.memory_space<vmem>> -> memref<1x32xi32, #tpu.memory_space<vmem>>
        %dma_wait3A_173 = tpu.memref_squeeze %dma_wait3A_172 : memref<1x32xi32, #tpu.memory_space<vmem>> -> memref<32xi32, #tpu.memory_space<vmem>>
        %dma_wait3A_174 = arith.constant 0 : i32
        %dma_wait3A_175 = arith.constant 0 : i32
        %dma_wait3A_176 = tpu.memref_slice %arg3[%dma_wait3A_174, %dma_wait3A_175] : memref<16384x512xf32, #tpu.memory_space<hbm>> -> memref<16384x512xf32, #tpu.memory_space<hbm>>
        tpu.wait_indirect_dma semaphore(%arg12 : memref<!tpu.dma_semaphore, #tpu.memory_space<semaphore_mem>>) src(%dma_wait3A_176 : memref<16384x512xf32, #tpu.memory_space<hbm>>) dst(%arg7 : memref<32x512xf32, #tpu.memory_space<vmem>>)
        %eq3A_177 = arith.cmpi eq, %add3A_127, %select_n3A_70 : i32
        %gt3A_178 = arith.constant 0 : i32
        %gt3A_179 = arith.cmpi sgt, %select_n3A_86, %gt3A_178 : i32
        %and3A_180 = arith.andi %eq3A_177, %gt3A_179 : i1
        %convert_element_type3A_181 = arith.extui %and3A_180 : i1 to i32
        %cond3A_182 = arith.constant 0 : i32
        %cond3A_183 = arith.cmpi ne, %convert_element_type3A_181, %cond3A_182 : i32
        scf.if %cond3A_183 {
          %while3A = arith.constant 0 : i32
          %while3A_200 = arith.constant 32 : i32
          %while3A_201 = arith.subi %while3A_200, %select_n3A_86 : i32
          %while3A_202 = arith.addi %select_n3A_86, %while3A_201 : i32
          %while3A_203 = arith.constant 1 : i32
          %while3A_204 = arith.divsi %while3A_201, %while3A_203 : i32
          %while3A_205 = arith.muli %while3A_204, %while3A_203 : i32
          %while3A_206 = arith.addi %select_n3A_86, %while3A_205 : i32
          %while3A_207 = arith.constant 1 : i32
          scf.for %while3A_209 = %select_n3A_86 to %while3A_206 step %while3A_207  : i32 {
            %broadcast_in_dim3A_210 = arith.constant 0.000000e+00 : f32
            %broadcast_in_dim3A_211 = vector.broadcast %broadcast_in_dim3A_210 : f32 to vector<16xf32>
            %swap3A_212 = arith.index_cast %while3A_209 : i32 to index
            %swap3A_213 = arith.constant 0 : index
            %swap3A_214 = tpu.vector_load %arg7[%swap3A_212, %swap3A_213] {strides = array<i32>} : memref<32x512xf32, #tpu.memory_space<vmem>>, vector<1x16xf32>,
            %swap3A_215 = vector.shape_cast %swap3A_214 : vector<1x16xf32> to vector<16xf32>
            %swap3A_216 = vector.shape_cast %broadcast_in_dim3A_211 : vector<16xf32> to vector<1x16xf32>
            tpu.vector_store %arg7[%swap3A_212, %swap3A_213], %swap3A_216 {strides = array<i32>} : memref<32x512xf32, #tpu.memory_space<vmem>>, vector<1x16xf32>,
            %broadcast_in_dim3A_217 = arith.constant 0.000000e+00 : f32
            %broadcast_in_dim3A_218 = vector.broadcast %broadcast_in_dim3A_217 : f32 to vector<16xf32>
            %swap3A_219 = arith.index_cast %while3A_209 : i32 to index
            %swap3A_220 = arith.constant 16 : index
            %swap3A_221 = tpu.vector_load %arg7[%swap3A_219, %swap3A_220] {strides = array<i32>} : memref<32x512xf32, #tpu.memory_space<vmem>>, vector<1x16xf32>,
            %swap3A_222 = vector.shape_cast %swap3A_221 : vector<1x16xf32> to vector<16xf32>
            %swap3A_223 = vector.shape_cast %broadcast_in_dim3A_218 : vector<16xf32> to vector<1x16xf32>
            tpu.vector_store %arg7[%swap3A_219, %swap3A_220], %swap3A_223 {strides = array<i32>} : memref<32x512xf32, #tpu.memory_space<vmem>>, vector<1x16xf32>,
            %broadcast_in_dim3A_224 = arith.constant 0.000000e+00 : f32
            %broadcast_in_dim3A_225 = vector.broadcast %broadcast_in_dim3A_224 : f32 to vector<16xf32>
            %swap3A_226 = arith.index_cast %while3A_209 : i32 to index
            %swap3A_227 = arith.constant 32 : index
            %swap3A_228 = tpu.vector_load %arg7[%swap3A_226, %swap3A_227] {strides = array<i32>} : memref<32x512xf32, #tpu.memory_space<vmem>>, vector<1x16xf32>,
            %swap3A_229 = vector.shape_cast %swap3A_228 : vector<1x16xf32> to vector<16xf32>
            %swap3A_230 = vector.shape_cast %broadcast_in_dim3A_225 : vector<16xf32> to vector<1x16xf32>
            tpu.vector_store %arg7[%swap3A_226, %swap3A_227], %swap3A_230 {strides = array<i32>} : memref<32x512xf32, #tpu.memory_space<vmem>>, vector<1x16xf32>,
            %broadcast_in_dim3A_231 = arith.constant 0.000000e+00 : f32
            %broadcast_in_dim3A_232 = vector.broadcast %broadcast_in_dim3A_231 : f32 to vector<16xf32>
            %swap3A_233 = arith.index_cast %while3A_209 : i32 to index
            %swap3A_234 = arith.constant 48 : index
            %swap3A_235 = tpu.vector_load %arg7[%swap3A_233, %swap3A_234] {strides = array<i32>} : memref<32x512xf32, #tpu.memory_space<vmem>>, vector<1x16xf32>,
            %swap3A_236 = vector.shape_cast %swap3A_235 : vector<1x16xf32> to vector<16xf32>
            %swap3A_237 = vector.shape_cast %broadcast_in_dim3A_232 : vector<16xf32> to vector<1x16xf32>
            tpu.vector_store %arg7[%swap3A_233, %swap3A_234], %swap3A_237 {strides = array<i32>} : memref<32x512xf32, #tpu.memory_space<vmem>>, vector<1x16xf32>,
            %broadcast_in_dim3A_238 = arith.constant 0.000000e+00 : f32
            %broadcast_in_dim3A_239 = vector.broadcast %broadcast_in_dim3A_238 : f32 to vector<16xf32>
            %swap3A_240 = arith.index_cast %while3A_209 : i32 to index
            %swap3A_241 = arith.constant 64 : index
            %swap3A_242 = tpu.vector_load %arg7[%swap3A_240, %swap3A_241] {strides = array<i32>} : memref<32x512xf32, #tpu.memory_space<vmem>>, vector<1x16xf32>,
            %swap3A_243 = vector.shape_cast %swap3A_242 : vector<1x16xf32> to vector<16xf32>
            %swap3A_244 = vector.shape_cast %broadcast_in_dim3A_239 : vector<16xf32> to vector<1x16xf32>
            tpu.vector_store %arg7[%swap3A_240, %swap3A_241], %swap3A_244 {strides = array<i32>} : memref<32x512xf32, #tpu.memory_space<vmem>>, vector<1x16xf32>,
            %broadcast_in_dim3A_245 = arith.constant 0.000000e+00 : f32
            %broadcast_in_dim3A_246 = vector.broadcast %broadcast_in_dim3A_245 : f32 to vector<16xf32>
            %swap3A_247 = arith.index_cast %while3A_209 : i32 to index
            %swap3A_248 = arith.constant 80 : index
            %swap3A_249 = tpu.vector_load %arg7[%swap3A_247, %swap3A_248] {strides = array<i32>} : memref<32x512xf32, #tpu.memory_space<vmem>>, vector<1x16xf32>,
            %swap3A_250 = vector.shape_cast %swap3A_249 : vector<1x16xf32> to vector<16xf32>
            %swap3A_251 = vector.shape_cast %broadcast_in_dim3A_246 : vector<16xf32> to vector<1x16xf32>
            tpu.vector_store %arg7[%swap3A_247, %swap3A_248], %swap3A_251 {strides = array<i32>} : memref<32x512xf32, #tpu.memory_space<vmem>>, vector<1x16xf32>,
            %broadcast_in_dim3A_252 = arith.constant 0.000000e+00 : f32
            %broadcast_in_dim3A_253 = vector.broadcast %broadcast_in_dim3A_252 : f32 to vector<16xf32>
            %swap3A_254 = arith.index_cast %while3A_209 : i32 to index
            %swap3A_255 = arith.constant 96 : index
            %swap3A_256 = tpu.vector_load %arg7[%swap3A_254, %swap3A_255] {strides = array<i32>} : memref<32x512xf32, #tpu.memory_space<vmem>>, vector<1x16xf32>,
            %swap3A_257 = vector.shape_cast %swap3A_256 : vector<1x16xf32> to vector<16xf32>
            %swap3A_258 = vector.shape_cast %broadcast_in_dim3A_253 : vector<16xf32> to vector<1x16xf32>
            tpu.vector_store %arg7[%swap3A_254, %swap3A_255], %swap3A_258 {strides = array<i32>} : memref<32x512xf32, #tpu.memory_space<vmem>>, vector<1x16xf32>,
            %broadcast_in_dim3A_259 = arith.constant 0.000000e+00 : f32
            %broadcast_in_dim3A_260 = vector.broadcast %broadcast_in_dim3A_259 : f32 to vector<16xf32>
            %swap3A_261 = arith.index_cast %while3A_209 : i32 to index
            %swap3A_262 = arith.constant 112 : index
            %swap3A_263 = tpu.vector_load %arg7[%swap3A_261, %swap3A_262] {strides = array<i32>} : memref<32x512xf32, #tpu.memory_space<vmem>>, vector<1x16xf32>,
            %swap3A_264 = vector.shape_cast %swap3A_263 : vector<1x16xf32> to vector<16xf32>
            %swap3A_265 = vector.shape_cast %broadcast_in_dim3A_260 : vector<16xf32> to vector<1x16xf32>
            tpu.vector_store %arg7[%swap3A_261, %swap3A_262], %swap3A_265 {strides = array<i32>} : memref<32x512xf32, #tpu.memory_space<vmem>>, vector<1x16xf32>,
            %broadcast_in_dim3A_266 = arith.constant 0.000000e+00 : f32
            %broadcast_in_dim3A_267 = vector.broadcast %broadcast_in_dim3A_266 : f32 to vector<16xf32>
            %swap3A_268 = arith.index_cast %while3A_209 : i32 to index
            %swap3A_269 = arith.constant 128 : index
            %swap3A_270 = tpu.vector_load %arg7[%swap3A_268, %swap3A_269] {strides = array<i32>} : memref<32x512xf32, #tpu.memory_space<vmem>>, vector<1x16xf32>,
            %swap3A_271 = vector.shape_cast %swap3A_270 : vector<1x16xf32> to vector<16xf32>
            %swap3A_272 = vector.shape_cast %broadcast_in_dim3A_267 : vector<16xf32> to vector<1x16xf32>
            tpu.vector_store %arg7[%swap3A_268, %swap3A_269], %swap3A_272 {strides = array<i32>} : memref<32x512xf32, #tpu.memory_space<vmem>>, vector<1x16xf32>,
            %broadcast_in_dim3A_273 = arith.constant 0.000000e+00 : f32
            %broadcast_in_dim3A_274 = vector.broadcast %broadcast_in_dim3A_273 : f32 to vector<16xf32>
            %swap3A_275 = arith.index_cast %while3A_209 : i32 to index
            %swap3A_276 = arith.constant 144 : index
            %swap3A_277 = tpu.vector_load %arg7[%swap3A_275, %swap3A_276] {strides = array<i32>} : memref<32x512xf32, #tpu.memory_space<vmem>>, vector<1x16xf32>,
            %swap3A_278 = vector.shape_cast %swap3A_277 : vector<1x16xf32> to vector<16xf32>
            %swap3A_279 = vector.shape_cast %broadcast_in_dim3A_274 : vector<16xf32> to vector<1x16xf32>
            tpu.vector_store %arg7[%swap3A_275, %swap3A_276], %swap3A_279 {strides = array<i32>} : memref<32x512xf32, #tpu.memory_space<vmem>>, vector<1x16xf32>,
            %broadcast_in_dim3A_280 = arith.constant 0.000000e+00 : f32
            %broadcast_in_dim3A_281 = vector.broadcast %broadcast_in_dim3A_280 : f32 to vector<16xf32>
            %swap3A_282 = arith.index_cast %while3A_209 : i32 to index
            %swap3A_283 = arith.constant 160 : index
            %swap3A_284 = tpu.vector_load %arg7[%swap3A_282, %swap3A_283] {strides = array<i32>} : memref<32x512xf32, #tpu.memory_space<vmem>>, vector<1x16xf32>,
            %swap3A_285 = vector.shape_cast %swap3A_284 : vector<1x16xf32> to vector<16xf32>
            %swap3A_286 = vector.shape_cast %broadcast_in_dim3A_281 : vector<16xf32> to vector<1x16xf32>
            tpu.vector_store %arg7[%swap3A_282, %swap3A_283], %swap3A_286 {strides = array<i32>} : memref<32x512xf32, #tpu.memory_space<vmem>>, vector<1x16xf32>,
            %broadcast_in_dim3A_287 = arith.constant 0.000000e+00 : f32
            %broadcast_in_dim3A_288 = vector.broadcast %broadcast_in_dim3A_287 : f32 to vector<16xf32>
            %swap3A_289 = arith.index_cast %while3A_209 : i32 to index
            %swap3A_290 = arith.constant 176 : index
            %swap3A_291 = tpu.vector_load %arg7[%swap3A_289, %swap3A_290] {strides = array<i32>} : memref<32x512xf32, #tpu.memory_space<vmem>>, vector<1x16xf32>,
            %swap3A_292 = vector.shape_cast %swap3A_291 : vector<1x16xf32> to vector<16xf32>
            %swap3A_293 = vector.shape_cast %broadcast_in_dim3A_288 : vector<16xf32> to vector<1x16xf32>
            tpu.vector_store %arg7[%swap3A_289, %swap3A_290], %swap3A_293 {strides = array<i32>} : memref<32x512xf32, #tpu.memory_space<vmem>>, vector<1x16xf32>,
            %broadcast_in_dim3A_294 = arith.constant 0.000000e+00 : f32
            %broadcast_in_dim3A_295 = vector.broadcast %broadcast_in_dim3A_294 : f32 to vector<16xf32>
            %swap3A_296 = arith.index_cast %while3A_209 : i32 to index
            %swap3A_297 = arith.constant 192 : index
            %swap3A_298 = tpu.vector_load %arg7[%swap3A_296, %swap3A_297] {strides = array<i32>} : memref<32x512xf32, #tpu.memory_space<vmem>>, vector<1x16xf32>,
            %swap3A_299 = vector.shape_cast %swap3A_298 : vector<1x16xf32> to vector<16xf32>
            %swap3A_300 = vector.shape_cast %broadcast_in_dim3A_295 : vector<16xf32> to vector<1x16xf32>
            tpu.vector_store %arg7[%swap3A_296, %swap3A_297], %swap3A_300 {strides = array<i32>} : memref<32x512xf32, #tpu.memory_space<vmem>>, vector<1x16xf32>,
            %broadcast_in_dim3A_301 = arith.constant 0.000000e+00 : f32
            %broadcast_in_dim3A_302 = vector.broadcast %broadcast_in_dim3A_301 : f32 to vector<16xf32>
            %swap3A_303 = arith.index_cast %while3A_209 : i32 to index
            %swap3A_304 = arith.constant 208 : index
            %swap3A_305 = tpu.vector_load %arg7[%swap3A_303, %swap3A_304] {strides = array<i32>} : memref<32x512xf32, #tpu.memory_space<vmem>>, vector<1x16xf32>,
            %swap3A_306 = vector.shape_cast %swap3A_305 : vector<1x16xf32> to vector<16xf32>
            %swap3A_307 = vector.shape_cast %broadcast_in_dim3A_302 : vector<16xf32> to vector<1x16xf32>
            tpu.vector_store %arg7[%swap3A_303, %swap3A_304], %swap3A_307 {strides = array<i32>} : memref<32x512xf32, #tpu.memory_space<vmem>>, vector<1x16xf32>,
            %broadcast_in_dim3A_308 = arith.constant 0.000000e+00 : f32
            %broadcast_in_dim3A_309 = vector.broadcast %broadcast_in_dim3A_308 : f32 to vector<16xf32>
            %swap3A_310 = arith.index_cast %while3A_209 : i32 to index
            %swap3A_311 = arith.constant 224 : index
            %swap3A_312 = tpu.vector_load %arg7[%swap3A_310, %swap3A_311] {strides = array<i32>} : memref<32x512xf32, #tpu.memory_space<vmem>>, vector<1x16xf32>,
            %swap3A_313 = vector.shape_cast %swap3A_312 : vector<1x16xf32> to vector<16xf32>
            %swap3A_314 = vector.shape_cast %broadcast_in_dim3A_309 : vector<16xf32> to vector<1x16xf32>
            tpu.vector_store %arg7[%swap3A_310, %swap3A_311], %swap3A_314 {strides = array<i32>} : memref<32x512xf32, #tpu.memory_space<vmem>>, vector<1x16xf32>,
            %broadcast_in_dim3A_315 = arith.constant 0.000000e+00 : f32
            %broadcast_in_dim3A_316 = vector.broadcast %broadcast_in_dim3A_315 : f32 to vector<16xf32>
            %swap3A_317 = arith.index_cast %while3A_209 : i32 to index
            %swap3A_318 = arith.constant 240 : index
            %swap3A_319 = tpu.vector_load %arg7[%swap3A_317, %swap3A_318] {strides = array<i32>} : memref<32x512xf32, #tpu.memory_space<vmem>>, vector<1x16xf32>,
            %swap3A_320 = vector.shape_cast %swap3A_319 : vector<1x16xf32> to vector<16xf32>
            %swap3A_321 = vector.shape_cast %broadcast_in_dim3A_316 : vector<16xf32> to vector<1x16xf32>
            tpu.vector_store %arg7[%swap3A_317, %swap3A_318], %swap3A_321 {strides = array<i32>} : memref<32x512xf32, #tpu.memory_space<vmem>>, vector<1x16xf32>,
            %broadcast_in_dim3A_322 = arith.constant 0.000000e+00 : f32
            %broadcast_in_dim3A_323 = vector.broadcast %broadcast_in_dim3A_322 : f32 to vector<16xf32>
            %swap3A_324 = arith.index_cast %while3A_209 : i32 to index
            %swap3A_325 = arith.constant 256 : index
            %swap3A_326 = tpu.vector_load %arg7[%swap3A_324, %swap3A_325] {strides = array<i32>} : memref<32x512xf32, #tpu.memory_space<vmem>>, vector<1x16xf32>,
            %swap3A_327 = vector.shape_cast %swap3A_326 : vector<1x16xf32> to vector<16xf32>
            %swap3A_328 = vector.shape_cast %broadcast_in_dim3A_323 : vector<16xf32> to vector<1x16xf32>
            tpu.vector_store %arg7[%swap3A_324, %swap3A_325], %swap3A_328 {strides = array<i32>} : memref<32x512xf32, #tpu.memory_space<vmem>>, vector<1x16xf32>,
            %broadcast_in_dim3A_329 = arith.constant 0.000000e+00 : f32
            %broadcast_in_dim3A_330 = vector.broadcast %broadcast_in_dim3A_329 : f32 to vector<16xf32>
            %swap3A_331 = arith.index_cast %while3A_209 : i32 to index
            %swap3A_332 = arith.constant 272 : index
            %swap3A_333 = tpu.vector_load %arg7[%swap3A_331, %swap3A_332] {strides = array<i32>} : memref<32x512xf32, #tpu.memory_space<vmem>>, vector<1x16xf32>,
            %swap3A_334 = vector.shape_cast %swap3A_333 : vector<1x16xf32> to vector<16xf32>
            %swap3A_335 = vector.shape_cast %broadcast_in_dim3A_330 : vector<16xf32> to vector<1x16xf32>
            tpu.vector_store %arg7[%swap3A_331, %swap3A_332], %swap3A_335 {strides = array<i32>} : memref<32x512xf32, #tpu.memory_space<vmem>>, vector<1x16xf32>,
            %broadcast_in_dim3A_336 = arith.constant 0.000000e+00 : f32
            %broadcast_in_dim3A_337 = vector.broadcast %broadcast_in_dim3A_336 : f32 to vector<16xf32>
            %swap3A_338 = arith.index_cast %while3A_209 : i32 to index
            %swap3A_339 = arith.constant 288 : index
            %swap3A_340 = tpu.vector_load %arg7[%swap3A_338, %swap3A_339] {strides = array<i32>} : memref<32x512xf32, #tpu.memory_space<vmem>>, vector<1x16xf32>,
            %swap3A_341 = vector.shape_cast %swap3A_340 : vector<1x16xf32> to vector<16xf32>
            %swap3A_342 = vector.shape_cast %broadcast_in_dim3A_337 : vector<16xf32> to vector<1x16xf32>
            tpu.vector_store %arg7[%swap3A_338, %swap3A_339], %swap3A_342 {strides = array<i32>} : memref<32x512xf32, #tpu.memory_space<vmem>>, vector<1x16xf32>,
            %broadcast_in_dim3A_343 = arith.constant 0.000000e+00 : f32
            %broadcast_in_dim3A_344 = vector.broadcast %broadcast_in_dim3A_343 : f32 to vector<16xf32>
            %swap3A_345 = arith.index_cast %while3A_209 : i32 to index
            %swap3A_346 = arith.constant 304 : index
            %swap3A_347 = tpu.vector_load %arg7[%swap3A_345, %swap3A_346] {strides = array<i32>} : memref<32x512xf32, #tpu.memory_space<vmem>>, vector<1x16xf32>,
            %swap3A_348 = vector.shape_cast %swap3A_347 : vector<1x16xf32> to vector<16xf32>
            %swap3A_349 = vector.shape_cast %broadcast_in_dim3A_344 : vector<16xf32> to vector<1x16xf32>
            tpu.vector_store %arg7[%swap3A_345, %swap3A_346], %swap3A_349 {strides = array<i32>} : memref<32x512xf32, #tpu.memory_space<vmem>>, vector<1x16xf32>,
            %broadcast_in_dim3A_350 = arith.constant 0.000000e+00 : f32
            %broadcast_in_dim3A_351 = vector.broadcast %broadcast_in_dim3A_350 : f32 to vector<16xf32>
            %swap3A_352 = arith.index_cast %while3A_209 : i32 to index
            %swap3A_353 = arith.constant 320 : index
            %swap3A_354 = tpu.vector_load %arg7[%swap3A_352, %swap3A_353] {strides = array<i32>} : memref<32x512xf32, #tpu.memory_space<vmem>>, vector<1x16xf32>,
            %swap3A_355 = vector.shape_cast %swap3A_354 : vector<1x16xf32> to vector<16xf32>
            %swap3A_356 = vector.shape_cast %broadcast_in_dim3A_351 : vector<16xf32> to vector<1x16xf32>
            tpu.vector_store %arg7[%swap3A_352, %swap3A_353], %swap3A_356 {strides = array<i32>} : memref<32x512xf32, #tpu.memory_space<vmem>>, vector<1x16xf32>,
            %broadcast_in_dim3A_357 = arith.constant 0.000000e+00 : f32
            %broadcast_in_dim3A_358 = vector.broadcast %broadcast_in_dim3A_357 : f32 to vector<16xf32>
            %swap3A_359 = arith.index_cast %while3A_209 : i32 to index
            %swap3A_360 = arith.constant 336 : index
            %swap3A_361 = tpu.vector_load %arg7[%swap3A_359, %swap3A_360] {strides = array<i32>} : memref<32x512xf32, #tpu.memory_space<vmem>>, vector<1x16xf32>,
            %swap3A_362 = vector.shape_cast %swap3A_361 : vector<1x16xf32> to vector<16xf32>
            %swap3A_363 = vector.shape_cast %broadcast_in_dim3A_358 : vector<16xf32> to vector<1x16xf32>
            tpu.vector_store %arg7[%swap3A_359, %swap3A_360], %swap3A_363 {strides = array<i32>} : memref<32x512xf32, #tpu.memory_space<vmem>>, vector<1x16xf32>,
            %broadcast_in_dim3A_364 = arith.constant 0.000000e+00 : f32
            %broadcast_in_dim3A_365 = vector.broadcast %broadcast_in_dim3A_364 : f32 to vector<16xf32>
            %swap3A_366 = arith.index_cast %while3A_209 : i32 to index
            %swap3A_367 = arith.constant 352 : index
            %swap3A_368 = tpu.vector_load %arg7[%swap3A_366, %swap3A_367] {strides = array<i32>} : memref<32x512xf32, #tpu.memory_space<vmem>>, vector<1x16xf32>,
            %swap3A_369 = vector.shape_cast %swap3A_368 : vector<1x16xf32> to vector<16xf32>
            %swap3A_370 = vector.shape_cast %broadcast_in_dim3A_365 : vector<16xf32> to vector<1x16xf32>
            tpu.vector_store %arg7[%swap3A_366, %swap3A_367], %swap3A_370 {strides = array<i32>} : memref<32x512xf32, #tpu.memory_space<vmem>>, vector<1x16xf32>,
            %broadcast_in_dim3A_371 = arith.constant 0.000000e+00 : f32
            %broadcast_in_dim3A_372 = vector.broadcast %broadcast_in_dim3A_371 : f32 to vector<16xf32>
            %swap3A_373 = arith.index_cast %while3A_209 : i32 to index
            %swap3A_374 = arith.constant 368 : index
            %swap3A_375 = tpu.vector_load %arg7[%swap3A_373, %swap3A_374] {strides = array<i32>} : memref<32x512xf32, #tpu.memory_space<vmem>>, vector<1x16xf32>,
            %swap3A_376 = vector.shape_cast %swap3A_375 : vector<1x16xf32> to vector<16xf32>
            %swap3A_377 = vector.shape_cast %broadcast_in_dim3A_372 : vector<16xf32> to vector<1x16xf32>
            tpu.vector_store %arg7[%swap3A_373, %swap3A_374], %swap3A_377 {strides = array<i32>} : memref<32x512xf32, #tpu.memory_space<vmem>>, vector<1x16xf32>,
            %broadcast_in_dim3A_378 = arith.constant 0.000000e+00 : f32
            %broadcast_in_dim3A_379 = vector.broadcast %broadcast_in_dim3A_378 : f32 to vector<16xf32>
            %swap3A_380 = arith.index_cast %while3A_209 : i32 to index
            %swap3A_381 = arith.constant 384 : index
            %swap3A_382 = tpu.vector_load %arg7[%swap3A_380, %swap3A_381] {strides = array<i32>} : memref<32x512xf32, #tpu.memory_space<vmem>>, vector<1x16xf32>,
            %swap3A_383 = vector.shape_cast %swap3A_382 : vector<1x16xf32> to vector<16xf32>
            %swap3A_384 = vector.shape_cast %broadcast_in_dim3A_379 : vector<16xf32> to vector<1x16xf32>
            tpu.vector_store %arg7[%swap3A_380, %swap3A_381], %swap3A_384 {strides = array<i32>} : memref<32x512xf32, #tpu.memory_space<vmem>>, vector<1x16xf32>,
            %broadcast_in_dim3A_385 = arith.constant 0.000000e+00 : f32
            %broadcast_in_dim3A_386 = vector.broadcast %broadcast_in_dim3A_385 : f32 to vector<16xf32>
            %swap3A_387 = arith.index_cast %while3A_209 : i32 to index
            %swap3A_388 = arith.constant 400 : index
            %swap3A_389 = tpu.vector_load %arg7[%swap3A_387, %swap3A_388] {strides = array<i32>} : memref<32x512xf32, #tpu.memory_space<vmem>>, vector<1x16xf32>,
            %swap3A_390 = vector.shape_cast %swap3A_389 : vector<1x16xf32> to vector<16xf32>
            %swap3A_391 = vector.shape_cast %broadcast_in_dim3A_386 : vector<16xf32> to vector<1x16xf32>
            tpu.vector_store %arg7[%swap3A_387, %swap3A_388], %swap3A_391 {strides = array<i32>} : memref<32x512xf32, #tpu.memory_space<vmem>>, vector<1x16xf32>,
            %broadcast_in_dim3A_392 = arith.constant 0.000000e+00 : f32
            %broadcast_in_dim3A_393 = vector.broadcast %broadcast_in_dim3A_392 : f32 to vector<16xf32>
            %swap3A_394 = arith.index_cast %while3A_209 : i32 to index
            %swap3A_395 = arith.constant 416 : index
            %swap3A_396 = tpu.vector_load %arg7[%swap3A_394, %swap3A_395] {strides = array<i32>} : memref<32x512xf32, #tpu.memory_space<vmem>>, vector<1x16xf32>,
            %swap3A_397 = vector.shape_cast %swap3A_396 : vector<1x16xf32> to vector<16xf32>
            %swap3A_398 = vector.shape_cast %broadcast_in_dim3A_393 : vector<16xf32> to vector<1x16xf32>
            tpu.vector_store %arg7[%swap3A_394, %swap3A_395], %swap3A_398 {strides = array<i32>} : memref<32x512xf32, #tpu.memory_space<vmem>>, vector<1x16xf32>,
            %broadcast_in_dim3A_399 = arith.constant 0.000000e+00 : f32
            %broadcast_in_dim3A_400 = vector.broadcast %broadcast_in_dim3A_399 : f32 to vector<16xf32>
            %swap3A_401 = arith.index_cast %while3A_209 : i32 to index
            %swap3A_402 = arith.constant 432 : index
            %swap3A_403 = tpu.vector_load %arg7[%swap3A_401, %swap3A_402] {strides = array<i32>} : memref<32x512xf32, #tpu.memory_space<vmem>>, vector<1x16xf32>,
            %swap3A_404 = vector.shape_cast %swap3A_403 : vector<1x16xf32> to vector<16xf32>
            %swap3A_405 = vector.shape_cast %broadcast_in_dim3A_400 : vector<16xf32> to vector<1x16xf32>
            tpu.vector_store %arg7[%swap3A_401, %swap3A_402], %swap3A_405 {strides = array<i32>} : memref<32x512xf32, #tpu.memory_space<vmem>>, vector<1x16xf32>,
            %broadcast_in_dim3A_406 = arith.constant 0.000000e+00 : f32
            %broadcast_in_dim3A_407 = vector.broadcast %broadcast_in_dim3A_406 : f32 to vector<16xf32>
            %swap3A_408 = arith.index_cast %while3A_209 : i32 to index
            %swap3A_409 = arith.constant 448 : index
            %swap3A_410 = tpu.vector_load %arg7[%swap3A_408, %swap3A_409] {strides = array<i32>} : memref<32x512xf32, #tpu.memory_space<vmem>>, vector<1x16xf32>,
            %swap3A_411 = vector.shape_cast %swap3A_410 : vector<1x16xf32> to vector<16xf32>
            %swap3A_412 = vector.shape_cast %broadcast_in_dim3A_407 : vector<16xf32> to vector<1x16xf32>
            tpu.vector_store %arg7[%swap3A_408, %swap3A_409], %swap3A_412 {strides = array<i32>} : memref<32x512xf32, #tpu.memory_space<vmem>>, vector<1x16xf32>,
            %broadcast_in_dim3A_413 = arith.constant 0.000000e+00 : f32
            %broadcast_in_dim3A_414 = vector.broadcast %broadcast_in_dim3A_413 : f32 to vector<16xf32>
            %swap3A_415 = arith.index_cast %while3A_209 : i32 to index
            %swap3A_416 = arith.constant 464 : index
            %swap3A_417 = tpu.vector_load %arg7[%swap3A_415, %swap3A_416] {strides = array<i32>} : memref<32x512xf32, #tpu.memory_space<vmem>>, vector<1x16xf32>,
            %swap3A_418 = vector.shape_cast %swap3A_417 : vector<1x16xf32> to vector<16xf32>
            %swap3A_419 = vector.shape_cast %broadcast_in_dim3A_414 : vector<16xf32> to vector<1x16xf32>
            tpu.vector_store %arg7[%swap3A_415, %swap3A_416], %swap3A_419 {strides = array<i32>} : memref<32x512xf32, #tpu.memory_space<vmem>>, vector<1x16xf32>,
            %broadcast_in_dim3A_420 = arith.constant 0.000000e+00 : f32
            %broadcast_in_dim3A_421 = vector.broadcast %broadcast_in_dim3A_420 : f32 to vector<16xf32>
            %swap3A_422 = arith.index_cast %while3A_209 : i32 to index
            %swap3A_423 = arith.constant 480 : index
            %swap3A_424 = tpu.vector_load %arg7[%swap3A_422, %swap3A_423] {strides = array<i32>} : memref<32x512xf32, #tpu.memory_space<vmem>>, vector<1x16xf32>,
            %swap3A_425 = vector.shape_cast %swap3A_424 : vector<1x16xf32> to vector<16xf32>
            %swap3A_426 = vector.shape_cast %broadcast_in_dim3A_421 : vector<16xf32> to vector<1x16xf32>
            tpu.vector_store %arg7[%swap3A_422, %swap3A_423], %swap3A_426 {strides = array<i32>} : memref<32x512xf32, #tpu.memory_space<vmem>>, vector<1x16xf32>,
            %broadcast_in_dim3A_427 = arith.constant 0.000000e+00 : f32
            %broadcast_in_dim3A_428 = vector.broadcast %broadcast_in_dim3A_427 : f32 to vector<16xf32>
            %swap3A_429 = arith.index_cast %while3A_209 : i32 to index
            %swap3A_430 = arith.constant 496 : index
            %swap3A_431 = tpu.vector_load %arg7[%swap3A_429, %swap3A_430] {strides = array<i32>} : memref<32x512xf32, #tpu.memory_space<vmem>>, vector<1x16xf32>,
            %swap3A_432 = vector.shape_cast %swap3A_431 : vector<1x16xf32> to vector<16xf32>
            %swap3A_433 = vector.shape_cast %broadcast_in_dim3A_428 : vector<16xf32> to vector<1x16xf32>
            tpu.vector_store %arg7[%swap3A_429, %swap3A_430], %swap3A_433 {strides = array<i32>} : memref<32x512xf32, #tpu.memory_space<vmem>>, vector<1x16xf32>,
          }
          %while3A_208 = arith.constant 1 : i32
          scf.for %while3A_209 = %while3A_206 to %while3A_202 step %while3A_208  : i32 {
            %broadcast_in_dim3A_210 = arith.constant 0.000000e+00 : f32
            %broadcast_in_dim3A_211 = vector.broadcast %broadcast_in_dim3A_210 : f32 to vector<16xf32>
            %swap3A_212 = arith.index_cast %while3A_209 : i32 to index
            %swap3A_213 = arith.constant 0 : index
            %swap3A_214 = tpu.vector_load %arg7[%swap3A_212, %swap3A_213] {strides = array<i32>} : memref<32x512xf32, #tpu.memory_space<vmem>>, vector<1x16xf32>,
            %swap3A_215 = vector.shape_cast %swap3A_214 : vector<1x16xf32> to vector<16xf32>
            %swap3A_216 = vector.shape_cast %broadcast_in_dim3A_211 : vector<16xf32> to vector<1x16xf32>
            tpu.vector_store %arg7[%swap3A_212, %swap3A_213], %swap3A_216 {strides = array<i32>} : memref<32x512xf32, #tpu.memory_space<vmem>>, vector<1x16xf32>,
            %broadcast_in_dim3A_217 = arith.constant 0.000000e+00 : f32
            %broadcast_in_dim3A_218 = vector.broadcast %broadcast_in_dim3A_217 : f32 to vector<16xf32>
            %swap3A_219 = arith.index_cast %while3A_209 : i32 to index
            %swap3A_220 = arith.constant 16 : index
            %swap3A_221 = tpu.vector_load %arg7[%swap3A_219, %swap3A_220] {strides = array<i32>} : memref<32x512xf32, #tpu.memory_space<vmem>>, vector<1x16xf32>,
            %swap3A_222 = vector.shape_cast %swap3A_221 : vector<1x16xf32> to vector<16xf32>
            %swap3A_223 = vector.shape_cast %broadcast_in_dim3A_218 : vector<16xf32> to vector<1x16xf32>
            tpu.vector_store %arg7[%swap3A_219, %swap3A_220], %swap3A_223 {strides = array<i32>} : memref<32x512xf32, #tpu.memory_space<vmem>>, vector<1x16xf32>,
            %broadcast_in_dim3A_224 = arith.constant 0.000000e+00 : f32
            %broadcast_in_dim3A_225 = vector.broadcast %broadcast_in_dim3A_224 : f32 to vector<16xf32>
            %swap3A_226 = arith.index_cast %while3A_209 : i32 to index
            %swap3A_227 = arith.constant 32 : index
            %swap3A_228 = tpu.vector_load %arg7[%swap3A_226, %swap3A_227] {strides = array<i32>} : memref<32x512xf32, #tpu.memory_space<vmem>>, vector<1x16xf32>,
            %swap3A_229 = vector.shape_cast %swap3A_228 : vector<1x16xf32> to vector<16xf32>
            %swap3A_230 = vector.shape_cast %broadcast_in_dim3A_225 : vector<16xf32> to vector<1x16xf32>
            tpu.vector_store %arg7[%swap3A_226, %swap3A_227], %swap3A_230 {strides = array<i32>} : memref<32x512xf32, #tpu.memory_space<vmem>>, vector<1x16xf32>,
            %broadcast_in_dim3A_231 = arith.constant 0.000000e+00 : f32
            %broadcast_in_dim3A_232 = vector.broadcast %broadcast_in_dim3A_231 : f32 to vector<16xf32>
            %swap3A_233 = arith.index_cast %while3A_209 : i32 to index
            %swap3A_234 = arith.constant 48 : index
            %swap3A_235 = tpu.vector_load %arg7[%swap3A_233, %swap3A_234] {strides = array<i32>} : memref<32x512xf32, #tpu.memory_space<vmem>>, vector<1x16xf32>,
            %swap3A_236 = vector.shape_cast %swap3A_235 : vector<1x16xf32> to vector<16xf32>
            %swap3A_237 = vector.shape_cast %broadcast_in_dim3A_232 : vector<16xf32> to vector<1x16xf32>
            tpu.vector_store %arg7[%swap3A_233, %swap3A_234], %swap3A_237 {strides = array<i32>} : memref<32x512xf32, #tpu.memory_space<vmem>>, vector<1x16xf32>,
            %broadcast_in_dim3A_238 = arith.constant 0.000000e+00 : f32
            %broadcast_in_dim3A_239 = vector.broadcast %broadcast_in_dim3A_238 : f32 to vector<16xf32>
            %swap3A_240 = arith.index_cast %while3A_209 : i32 to index
            %swap3A_241 = arith.constant 64 : index
            %swap3A_242 = tpu.vector_load %arg7[%swap3A_240, %swap3A_241] {strides = array<i32>} : memref<32x512xf32, #tpu.memory_space<vmem>>, vector<1x16xf32>,
            %swap3A_243 = vector.shape_cast %swap3A_242 : vector<1x16xf32> to vector<16xf32>
            %swap3A_244 = vector.shape_cast %broadcast_in_dim3A_239 : vector<16xf32> to vector<1x16xf32>
            tpu.vector_store %arg7[%swap3A_240, %swap3A_241], %swap3A_244 {strides = array<i32>} : memref<32x512xf32, #tpu.memory_space<vmem>>, vector<1x16xf32>,
            %broadcast_in_dim3A_245 = arith.constant 0.000000e+00 : f32
            %broadcast_in_dim3A_246 = vector.broadcast %broadcast_in_dim3A_245 : f32 to vector<16xf32>
            %swap3A_247 = arith.index_cast %while3A_209 : i32 to index
            %swap3A_248 = arith.constant 80 : index
            %swap3A_249 = tpu.vector_load %arg7[%swap3A_247, %swap3A_248] {strides = array<i32>} : memref<32x512xf32, #tpu.memory_space<vmem>>, vector<1x16xf32>,
            %swap3A_250 = vector.shape_cast %swap3A_249 : vector<1x16xf32> to vector<16xf32>
            %swap3A_251 = vector.shape_cast %broadcast_in_dim3A_246 : vector<16xf32> to vector<1x16xf32>
            tpu.vector_store %arg7[%swap3A_247, %swap3A_248], %swap3A_251 {strides = array<i32>} : memref<32x512xf32, #tpu.memory_space<vmem>>, vector<1x16xf32>,
            %broadcast_in_dim3A_252 = arith.constant 0.000000e+00 : f32
            %broadcast_in_dim3A_253 = vector.broadcast %broadcast_in_dim3A_252 : f32 to vector<16xf32>
            %swap3A_254 = arith.index_cast %while3A_209 : i32 to index
            %swap3A_255 = arith.constant 96 : index
            %swap3A_256 = tpu.vector_load %arg7[%swap3A_254, %swap3A_255] {strides = array<i32>} : memref<32x512xf32, #tpu.memory_space<vmem>>, vector<1x16xf32>,
            %swap3A_257 = vector.shape_cast %swap3A_256 : vector<1x16xf32> to vector<16xf32>
            %swap3A_258 = vector.shape_cast %broadcast_in_dim3A_253 : vector<16xf32> to vector<1x16xf32>
            tpu.vector_store %arg7[%swap3A_254, %swap3A_255], %swap3A_258 {strides = array<i32>} : memref<32x512xf32, #tpu.memory_space<vmem>>, vector<1x16xf32>,
            %broadcast_in_dim3A_259 = arith.constant 0.000000e+00 : f32
            %broadcast_in_dim3A_260 = vector.broadcast %broadcast_in_dim3A_259 : f32 to vector<16xf32>
            %swap3A_261 = arith.index_cast %while3A_209 : i32 to index
            %swap3A_262 = arith.constant 112 : index
            %swap3A_263 = tpu.vector_load %arg7[%swap3A_261, %swap3A_262] {strides = array<i32>} : memref<32x512xf32, #tpu.memory_space<vmem>>, vector<1x16xf32>,
            %swap3A_264 = vector.shape_cast %swap3A_263 : vector<1x16xf32> to vector<16xf32>
            %swap3A_265 = vector.shape_cast %broadcast_in_dim3A_260 : vector<16xf32> to vector<1x16xf32>
            tpu.vector_store %arg7[%swap3A_261, %swap3A_262], %swap3A_265 {strides = array<i32>} : memref<32x512xf32, #tpu.memory_space<vmem>>, vector<1x16xf32>,
            %broadcast_in_dim3A_266 = arith.constant 0.000000e+00 : f32
            %broadcast_in_dim3A_267 = vector.broadcast %broadcast_in_dim3A_266 : f32 to vector<16xf32>
            %swap3A_268 = arith.index_cast %while3A_209 : i32 to index
            %swap3A_269 = arith.constant 128 : index
            %swap3A_270 = tpu.vector_load %arg7[%swap3A_268, %swap3A_269] {strides = array<i32>} : memref<32x512xf32, #tpu.memory_space<vmem>>, vector<1x16xf32>,
            %swap3A_271 = vector.shape_cast %swap3A_270 : vector<1x16xf32> to vector<16xf32>
            %swap3A_272 = vector.shape_cast %broadcast_in_dim3A_267 : vector<16xf32> to vector<1x16xf32>
            tpu.vector_store %arg7[%swap3A_268, %swap3A_269], %swap3A_272 {strides = array<i32>} : memref<32x512xf32, #tpu.memory_space<vmem>>, vector<1x16xf32>,
            %broadcast_in_dim3A_273 = arith.constant 0.000000e+00 : f32
            %broadcast_in_dim3A_274 = vector.broadcast %broadcast_in_dim3A_273 : f32 to vector<16xf32>
            %swap3A_275 = arith.index_cast %while3A_209 : i32 to index
            %swap3A_276 = arith.constant 144 : index
            %swap3A_277 = tpu.vector_load %arg7[%swap3A_275, %swap3A_276] {strides = array<i32>} : memref<32x512xf32, #tpu.memory_space<vmem>>, vector<1x16xf32>,
            %swap3A_278 = vector.shape_cast %swap3A_277 : vector<1x16xf32> to vector<16xf32>
            %swap3A_279 = vector.shape_cast %broadcast_in_dim3A_274 : vector<16xf32> to vector<1x16xf32>
            tpu.vector_store %arg7[%swap3A_275, %swap3A_276], %swap3A_279 {strides = array<i32>} : memref<32x512xf32, #tpu.memory_space<vmem>>, vector<1x16xf32>,
            %broadcast_in_dim3A_280 = arith.constant 0.000000e+00 : f32
            %broadcast_in_dim3A_281 = vector.broadcast %broadcast_in_dim3A_280 : f32 to vector<16xf32>
            %swap3A_282 = arith.index_cast %while3A_209 : i32 to index
            %swap3A_283 = arith.constant 160 : index
            %swap3A_284 = tpu.vector_load %arg7[%swap3A_282, %swap3A_283] {strides = array<i32>} : memref<32x512xf32, #tpu.memory_space<vmem>>, vector<1x16xf32>,
            %swap3A_285 = vector.shape_cast %swap3A_284 : vector<1x16xf32> to vector<16xf32>
            %swap3A_286 = vector.shape_cast %broadcast_in_dim3A_281 : vector<16xf32> to vector<1x16xf32>
            tpu.vector_store %arg7[%swap3A_282, %swap3A_283], %swap3A_286 {strides = array<i32>} : memref<32x512xf32, #tpu.memory_space<vmem>>, vector<1x16xf32>,
            %broadcast_in_dim3A_287 = arith.constant 0.000000e+00 : f32
            %broadcast_in_dim3A_288 = vector.broadcast %broadcast_in_dim3A_287 : f32 to vector<16xf32>
            %swap3A_289 = arith.index_cast %while3A_209 : i32 to index
            %swap3A_290 = arith.constant 176 : index
            %swap3A_291 = tpu.vector_load %arg7[%swap3A_289, %swap3A_290] {strides = array<i32>} : memref<32x512xf32, #tpu.memory_space<vmem>>, vector<1x16xf32>,
            %swap3A_292 = vector.shape_cast %swap3A_291 : vector<1x16xf32> to vector<16xf32>
            %swap3A_293 = vector.shape_cast %broadcast_in_dim3A_288 : vector<16xf32> to vector<1x16xf32>
            tpu.vector_store %arg7[%swap3A_289, %swap3A_290], %swap3A_293 {strides = array<i32>} : memref<32x512xf32, #tpu.memory_space<vmem>>, vector<1x16xf32>,
            %broadcast_in_dim3A_294 = arith.constant 0.000000e+00 : f32
            %broadcast_in_dim3A_295 = vector.broadcast %broadcast_in_dim3A_294 : f32 to vector<16xf32>
            %swap3A_296 = arith.index_cast %while3A_209 : i32 to index
            %swap3A_297 = arith.constant 192 : index
            %swap3A_298 = tpu.vector_load %arg7[%swap3A_296, %swap3A_297] {strides = array<i32>} : memref<32x512xf32, #tpu.memory_space<vmem>>, vector<1x16xf32>,
            %swap3A_299 = vector.shape_cast %swap3A_298 : vector<1x16xf32> to vector<16xf32>
            %swap3A_300 = vector.shape_cast %broadcast_in_dim3A_295 : vector<16xf32> to vector<1x16xf32>
            tpu.vector_store %arg7[%swap3A_296, %swap3A_297], %swap3A_300 {strides = array<i32>} : memref<32x512xf32, #tpu.memory_space<vmem>>, vector<1x16xf32>,
            %broadcast_in_dim3A_301 = arith.constant 0.000000e+00 : f32
            %broadcast_in_dim3A_302 = vector.broadcast %broadcast_in_dim3A_301 : f32 to vector<16xf32>
            %swap3A_303 = arith.index_cast %while3A_209 : i32 to index
            %swap3A_304 = arith.constant 208 : index
            %swap3A_305 = tpu.vector_load %arg7[%swap3A_303, %swap3A_304] {strides = array<i32>} : memref<32x512xf32, #tpu.memory_space<vmem>>, vector<1x16xf32>,
            %swap3A_306 = vector.shape_cast %swap3A_305 : vector<1x16xf32> to vector<16xf32>
            %swap3A_307 = vector.shape_cast %broadcast_in_dim3A_302 : vector<16xf32> to vector<1x16xf32>
            tpu.vector_store %arg7[%swap3A_303, %swap3A_304], %swap3A_307 {strides = array<i32>} : memref<32x512xf32, #tpu.memory_space<vmem>>, vector<1x16xf32>,
            %broadcast_in_dim3A_308 = arith.constant 0.000000e+00 : f32
            %broadcast_in_dim3A_309 = vector.broadcast %broadcast_in_dim3A_308 : f32 to vector<16xf32>
            %swap3A_310 = arith.index_cast %while3A_209 : i32 to index
            %swap3A_311 = arith.constant 224 : index
            %swap3A_312 = tpu.vector_load %arg7[%swap3A_310, %swap3A_311] {strides = array<i32>} : memref<32x512xf32, #tpu.memory_space<vmem>>, vector<1x16xf32>,
            %swap3A_313 = vector.shape_cast %swap3A_312 : vector<1x16xf32> to vector<16xf32>
            %swap3A_314 = vector.shape_cast %broadcast_in_dim3A_309 : vector<16xf32> to vector<1x16xf32>
            tpu.vector_store %arg7[%swap3A_310, %swap3A_311], %swap3A_314 {strides = array<i32>} : memref<32x512xf32, #tpu.memory_space<vmem>>, vector<1x16xf32>,
            %broadcast_in_dim3A_315 = arith.constant 0.000000e+00 : f32
            %broadcast_in_dim3A_316 = vector.broadcast %broadcast_in_dim3A_315 : f32 to vector<16xf32>
            %swap3A_317 = arith.index_cast %while3A_209 : i32 to index
            %swap3A_318 = arith.constant 240 : index
            %swap3A_319 = tpu.vector_load %arg7[%swap3A_317, %swap3A_318] {strides = array<i32>} : memref<32x512xf32, #tpu.memory_space<vmem>>, vector<1x16xf32>,
            %swap3A_320 = vector.shape_cast %swap3A_319 : vector<1x16xf32> to vector<16xf32>
            %swap3A_321 = vector.shape_cast %broadcast_in_dim3A_316 : vector<16xf32> to vector<1x16xf32>
            tpu.vector_store %arg7[%swap3A_317, %swap3A_318], %swap3A_321 {strides = array<i32>} : memref<32x512xf32, #tpu.memory_space<vmem>>, vector<1x16xf32>,
            %broadcast_in_dim3A_322 = arith.constant 0.000000e+00 : f32
            %broadcast_in_dim3A_323 = vector.broadcast %broadcast_in_dim3A_322 : f32 to vector<16xf32>
            %swap3A_324 = arith.index_cast %while3A_209 : i32 to index
            %swap3A_325 = arith.constant 256 : index
            %swap3A_326 = tpu.vector_load %arg7[%swap3A_324, %swap3A_325] {strides = array<i32>} : memref<32x512xf32, #tpu.memory_space<vmem>>, vector<1x16xf32>,
            %swap3A_327 = vector.shape_cast %swap3A_326 : vector<1x16xf32> to vector<16xf32>
            %swap3A_328 = vector.shape_cast %broadcast_in_dim3A_323 : vector<16xf32> to vector<1x16xf32>
            tpu.vector_store %arg7[%swap3A_324, %swap3A_325], %swap3A_328 {strides = array<i32>} : memref<32x512xf32, #tpu.memory_space<vmem>>, vector<1x16xf32>,
            %broadcast_in_dim3A_329 = arith.constant 0.000000e+00 : f32
            %broadcast_in_dim3A_330 = vector.broadcast %broadcast_in_dim3A_329 : f32 to vector<16xf32>
            %swap3A_331 = arith.index_cast %while3A_209 : i32 to index
            %swap3A_332 = arith.constant 272 : index
            %swap3A_333 = tpu.vector_load %arg7[%swap3A_331, %swap3A_332] {strides = array<i32>} : memref<32x512xf32, #tpu.memory_space<vmem>>, vector<1x16xf32>,
            %swap3A_334 = vector.shape_cast %swap3A_333 : vector<1x16xf32> to vector<16xf32>
            %swap3A_335 = vector.shape_cast %broadcast_in_dim3A_330 : vector<16xf32> to vector<1x16xf32>
            tpu.vector_store %arg7[%swap3A_331, %swap3A_332], %swap3A_335 {strides = array<i32>} : memref<32x512xf32, #tpu.memory_space<vmem>>, vector<1x16xf32>,
            %broadcast_in_dim3A_336 = arith.constant 0.000000e+00 : f32
            %broadcast_in_dim3A_337 = vector.broadcast %broadcast_in_dim3A_336 : f32 to vector<16xf32>
            %swap3A_338 = arith.index_cast %while3A_209 : i32 to index
            %swap3A_339 = arith.constant 288 : index
            %swap3A_340 = tpu.vector_load %arg7[%swap3A_338, %swap3A_339] {strides = array<i32>} : memref<32x512xf32, #tpu.memory_space<vmem>>, vector<1x16xf32>,
            %swap3A_341 = vector.shape_cast %swap3A_340 : vector<1x16xf32> to vector<16xf32>
            %swap3A_342 = vector.shape_cast %broadcast_in_dim3A_337 : vector<16xf32> to vector<1x16xf32>
            tpu.vector_store %arg7[%swap3A_338, %swap3A_339], %swap3A_342 {strides = array<i32>} : memref<32x512xf32, #tpu.memory_space<vmem>>, vector<1x16xf32>,
            %broadcast_in_dim3A_343 = arith.constant 0.000000e+00 : f32
            %broadcast_in_dim3A_344 = vector.broadcast %broadcast_in_dim3A_343 : f32 to vector<16xf32>
            %swap3A_345 = arith.index_cast %while3A_209 : i32 to index
            %swap3A_346 = arith.constant 304 : index
            %swap3A_347 = tpu.vector_load %arg7[%swap3A_345, %swap3A_346] {strides = array<i32>} : memref<32x512xf32, #tpu.memory_space<vmem>>, vector<1x16xf32>,
            %swap3A_348 = vector.shape_cast %swap3A_347 : vector<1x16xf32> to vector<16xf32>
            %swap3A_349 = vector.shape_cast %broadcast_in_dim3A_344 : vector<16xf32> to vector<1x16xf32>
            tpu.vector_store %arg7[%swap3A_345, %swap3A_346], %swap3A_349 {strides = array<i32>} : memref<32x512xf32, #tpu.memory_space<vmem>>, vector<1x16xf32>,
            %broadcast_in_dim3A_350 = arith.constant 0.000000e+00 : f32
            %broadcast_in_dim3A_351 = vector.broadcast %broadcast_in_dim3A_350 : f32 to vector<16xf32>
            %swap3A_352 = arith.index_cast %while3A_209 : i32 to index
            %swap3A_353 = arith.constant 320 : index
            %swap3A_354 = tpu.vector_load %arg7[%swap3A_352, %swap3A_353] {strides = array<i32>} : memref<32x512xf32, #tpu.memory_space<vmem>>, vector<1x16xf32>,
            %swap3A_355 = vector.shape_cast %swap3A_354 : vector<1x16xf32> to vector<16xf32>
            %swap3A_356 = vector.shape_cast %broadcast_in_dim3A_351 : vector<16xf32> to vector<1x16xf32>
            tpu.vector_store %arg7[%swap3A_352, %swap3A_353], %swap3A_356 {strides = array<i32>} : memref<32x512xf32, #tpu.memory_space<vmem>>, vector<1x16xf32>,
            %broadcast_in_dim3A_357 = arith.constant 0.000000e+00 : f32
            %broadcast_in_dim3A_358 = vector.broadcast %broadcast_in_dim3A_357 : f32 to vector<16xf32>
            %swap3A_359 = arith.index_cast %while3A_209 : i32 to index
            %swap3A_360 = arith.constant 336 : index
            %swap3A_361 = tpu.vector_load %arg7[%swap3A_359, %swap3A_360] {strides = array<i32>} : memref<32x512xf32, #tpu.memory_space<vmem>>, vector<1x16xf32>,
            %swap3A_362 = vector.shape_cast %swap3A_361 : vector<1x16xf32> to vector<16xf32>
            %swap3A_363 = vector.shape_cast %broadcast_in_dim3A_358 : vector<16xf32> to vector<1x16xf32>
            tpu.vector_store %arg7[%swap3A_359, %swap3A_360], %swap3A_363 {strides = array<i32>} : memref<32x512xf32, #tpu.memory_space<vmem>>, vector<1x16xf32>,
            %broadcast_in_dim3A_364 = arith.constant 0.000000e+00 : f32
            %broadcast_in_dim3A_365 = vector.broadcast %broadcast_in_dim3A_364 : f32 to vector<16xf32>
            %swap3A_366 = arith.index_cast %while3A_209 : i32 to index
            %swap3A_367 = arith.constant 352 : index
            %swap3A_368 = tpu.vector_load %arg7[%swap3A_366, %swap3A_367] {strides = array<i32>} : memref<32x512xf32, #tpu.memory_space<vmem>>, vector<1x16xf32>,
            %swap3A_369 = vector.shape_cast %swap3A_368 : vector<1x16xf32> to vector<16xf32>
            %swap3A_370 = vector.shape_cast %broadcast_in_dim3A_365 : vector<16xf32> to vector<1x16xf32>
            tpu.vector_store %arg7[%swap3A_366, %swap3A_367], %swap3A_370 {strides = array<i32>} : memref<32x512xf32, #tpu.memory_space<vmem>>, vector<1x16xf32>,
            %broadcast_in_dim3A_371 = arith.constant 0.000000e+00 : f32
            %broadcast_in_dim3A_372 = vector.broadcast %broadcast_in_dim3A_371 : f32 to vector<16xf32>
            %swap3A_373 = arith.index_cast %while3A_209 : i32 to index
            %swap3A_374 = arith.constant 368 : index
            %swap3A_375 = tpu.vector_load %arg7[%swap3A_373, %swap3A_374] {strides = array<i32>} : memref<32x512xf32, #tpu.memory_space<vmem>>, vector<1x16xf32>,
            %swap3A_376 = vector.shape_cast %swap3A_375 : vector<1x16xf32> to vector<16xf32>
            %swap3A_377 = vector.shape_cast %broadcast_in_dim3A_372 : vector<16xf32> to vector<1x16xf32>
            tpu.vector_store %arg7[%swap3A_373, %swap3A_374], %swap3A_377 {strides = array<i32>} : memref<32x512xf32, #tpu.memory_space<vmem>>, vector<1x16xf32>,
            %broadcast_in_dim3A_378 = arith.constant 0.000000e+00 : f32
            %broadcast_in_dim3A_379 = vector.broadcast %broadcast_in_dim3A_378 : f32 to vector<16xf32>
            %swap3A_380 = arith.index_cast %while3A_209 : i32 to index
            %swap3A_381 = arith.constant 384 : index
            %swap3A_382 = tpu.vector_load %arg7[%swap3A_380, %swap3A_381] {strides = array<i32>} : memref<32x512xf32, #tpu.memory_space<vmem>>, vector<1x16xf32>,
            %swap3A_383 = vector.shape_cast %swap3A_382 : vector<1x16xf32> to vector<16xf32>
            %swap3A_384 = vector.shape_cast %broadcast_in_dim3A_379 : vector<16xf32> to vector<1x16xf32>
            tpu.vector_store %arg7[%swap3A_380, %swap3A_381], %swap3A_384 {strides = array<i32>} : memref<32x512xf32, #tpu.memory_space<vmem>>, vector<1x16xf32>,
            %broadcast_in_dim3A_385 = arith.constant 0.000000e+00 : f32
            %broadcast_in_dim3A_386 = vector.broadcast %broadcast_in_dim3A_385 : f32 to vector<16xf32>
            %swap3A_387 = arith.index_cast %while3A_209 : i32 to index
            %swap3A_388 = arith.constant 400 : index
            %swap3A_389 = tpu.vector_load %arg7[%swap3A_387, %swap3A_388] {strides = array<i32>} : memref<32x512xf32, #tpu.memory_space<vmem>>, vector<1x16xf32>,
            %swap3A_390 = vector.shape_cast %swap3A_389 : vector<1x16xf32> to vector<16xf32>
            %swap3A_391 = vector.shape_cast %broadcast_in_dim3A_386 : vector<16xf32> to vector<1x16xf32>
            tpu.vector_store %arg7[%swap3A_387, %swap3A_388], %swap3A_391 {strides = array<i32>} : memref<32x512xf32, #tpu.memory_space<vmem>>, vector<1x16xf32>,
            %broadcast_in_dim3A_392 = arith.constant 0.000000e+00 : f32
            %broadcast_in_dim3A_393 = vector.broadcast %broadcast_in_dim3A_392 : f32 to vector<16xf32>
            %swap3A_394 = arith.index_cast %while3A_209 : i32 to index
            %swap3A_395 = arith.constant 416 : index
            %swap3A_396 = tpu.vector_load %arg7[%swap3A_394, %swap3A_395] {strides = array<i32>} : memref<32x512xf32, #tpu.memory_space<vmem>>, vector<1x16xf32>,
            %swap3A_397 = vector.shape_cast %swap3A_396 : vector<1x16xf32> to vector<16xf32>
            %swap3A_398 = vector.shape_cast %broadcast_in_dim3A_393 : vector<16xf32> to vector<1x16xf32>
            tpu.vector_store %arg7[%swap3A_394, %swap3A_395], %swap3A_398 {strides = array<i32>} : memref<32x512xf32, #tpu.memory_space<vmem>>, vector<1x16xf32>,
            %broadcast_in_dim3A_399 = arith.constant 0.000000e+00 : f32
            %broadcast_in_dim3A_400 = vector.broadcast %broadcast_in_dim3A_399 : f32 to vector<16xf32>
            %swap3A_401 = arith.index_cast %while3A_209 : i32 to index
            %swap3A_402 = arith.constant 432 : index
            %swap3A_403 = tpu.vector_load %arg7[%swap3A_401, %swap3A_402] {strides = array<i32>} : memref<32x512xf32, #tpu.memory_space<vmem>>, vector<1x16xf32>,
            %swap3A_404 = vector.shape_cast %swap3A_403 : vector<1x16xf32> to vector<16xf32>
            %swap3A_405 = vector.shape_cast %broadcast_in_dim3A_400 : vector<16xf32> to vector<1x16xf32>
            tpu.vector_store %arg7[%swap3A_401, %swap3A_402], %swap3A_405 {strides = array<i32>} : memref<32x512xf32, #tpu.memory_space<vmem>>, vector<1x16xf32>,
            %broadcast_in_dim3A_406 = arith.constant 0.000000e+00 : f32
            %broadcast_in_dim3A_407 = vector.broadcast %broadcast_in_dim3A_406 : f32 to vector<16xf32>
            %swap3A_408 = arith.index_cast %while3A_209 : i32 to index
            %swap3A_409 = arith.constant 448 : index
            %swap3A_410 = tpu.vector_load %arg7[%swap3A_408, %swap3A_409] {strides = array<i32>} : memref<32x512xf32, #tpu.memory_space<vmem>>, vector<1x16xf32>,
            %swap3A_411 = vector.shape_cast %swap3A_410 : vector<1x16xf32> to vector<16xf32>
            %swap3A_412 = vector.shape_cast %broadcast_in_dim3A_407 : vector<16xf32> to vector<1x16xf32>
            tpu.vector_store %arg7[%swap3A_408, %swap3A_409], %swap3A_412 {strides = array<i32>} : memref<32x512xf32, #tpu.memory_space<vmem>>, vector<1x16xf32>,
            %broadcast_in_dim3A_413 = arith.constant 0.000000e+00 : f32
            %broadcast_in_dim3A_414 = vector.broadcast %broadcast_in_dim3A_413 : f32 to vector<16xf32>
            %swap3A_415 = arith.index_cast %while3A_209 : i32 to index
            %swap3A_416 = arith.constant 464 : index
            %swap3A_417 = tpu.vector_load %arg7[%swap3A_415, %swap3A_416] {strides = array<i32>} : memref<32x512xf32, #tpu.memory_space<vmem>>, vector<1x16xf32>,
            %swap3A_418 = vector.shape_cast %swap3A_417 : vector<1x16xf32> to vector<16xf32>
            %swap3A_419 = vector.shape_cast %broadcast_in_dim3A_414 : vector<16xf32> to vector<1x16xf32>
            tpu.vector_store %arg7[%swap3A_415, %swap3A_416], %swap3A_419 {strides = array<i32>} : memref<32x512xf32, #tpu.memory_space<vmem>>, vector<1x16xf32>,
            %broadcast_in_dim3A_420 = arith.constant 0.000000e+00 : f32
            %broadcast_in_dim3A_421 = vector.broadcast %broadcast_in_dim3A_420 : f32 to vector<16xf32>
            %swap3A_422 = arith.index_cast %while3A_209 : i32 to index
            %swap3A_423 = arith.constant 480 : index
            %swap3A_424 = tpu.vector_load %arg7[%swap3A_422, %swap3A_423] {strides = array<i32>} : memref<32x512xf32, #tpu.memory_space<vmem>>, vector<1x16xf32>,
            %swap3A_425 = vector.shape_cast %swap3A_424 : vector<1x16xf32> to vector<16xf32>
            %swap3A_426 = vector.shape_cast %broadcast_in_dim3A_421 : vector<16xf32> to vector<1x16xf32>
            tpu.vector_store %arg7[%swap3A_422, %swap3A_423], %swap3A_426 {strides = array<i32>} : memref<32x512xf32, #tpu.memory_space<vmem>>, vector<1x16xf32>,
            %broadcast_in_dim3A_427 = arith.constant 0.000000e+00 : f32
            %broadcast_in_dim3A_428 = vector.broadcast %broadcast_in_dim3A_427 : f32 to vector<16xf32>
            %swap3A_429 = arith.index_cast %while3A_209 : i32 to index
            %swap3A_430 = arith.constant 496 : index
            %swap3A_431 = tpu.vector_load %arg7[%swap3A_429, %swap3A_430] {strides = array<i32>} : memref<32x512xf32, #tpu.memory_space<vmem>>, vector<1x16xf32>,
            %swap3A_432 = vector.shape_cast %swap3A_431 : vector<1x16xf32> to vector<16xf32>
            %swap3A_433 = vector.shape_cast %broadcast_in_dim3A_428 : vector<16xf32> to vector<1x16xf32>
            tpu.vector_store %arg7[%swap3A_429, %swap3A_430], %swap3A_433 {strides = array<i32>} : memref<32x512xf32, #tpu.memory_space<vmem>>, vector<1x16xf32>,
          }
        } else {
        }
        %mul3A_184 = arith.constant 32 : i32
        %mul3A_185 = arith.muli %add3A_127, %mul3A_184 : i32
        %add3A_186 = arith.addi %mul3A_32, %mul3A_185 : i32
        %dma_start3A = arith.constant 0 : i32
        %dma_start3A_187 = tpu.memref_slice %arg4[%select_n3A, %add3A_186, %dma_start3A] : memref<16x2048x512xf32, #tpu.memory_space<hbm>> -> memref<1x32x512xf32, #tpu.memory_space<hbm>>
        %dma_start3A_188 = tpu.memref_squeeze %dma_start3A_187 : memref<1x32x512xf32, #tpu.memory_space<hbm>> -> memref<32x512xf32, #tpu.memory_space<hbm>>
        %dma_start3A_189 = arith.constant 0 : i32
        %dma_start3A_190 = tpu.memref_slice %arg4[%select_n3A, %add3A_186, %dma_start3A_189] : memref<16x2048x512xf32, #tpu.memory_space<hbm>> -> memref<1x32x512xf32, #tpu.memory_space<hbm>>
        %dma_start3A_191 = tpu.memref_squeeze %dma_start3A_190 : memref<1x32x512xf32, #tpu.memory_space<hbm>> -> memref<32x512xf32, #tpu.memory_space<hbm>>
        tpu.enqueue_dma source(%arg7 : memref<32x512xf32, #tpu.memory_space<vmem>>) target(%dma_start3A_191 : memref<32x512xf32, #tpu.memory_space<hbm>>) target_semaphore(%arg16 : memref<!tpu.dma_semaphore, #tpu.memory_space<semaphore_mem>>)
        %add3A_192 = arith.constant 4 : i32
        %add3A_193 = arith.addi %add3A_127, %add3A_192 : i32
        %sub3A_194 = arith.constant 1 : i32
        %sub3A_195 = arith.subi %add3A_193, %sub3A_194 : i32
        %lt3A_196 = arith.cmpi slt, %sub3A_195, %add3A_91 : i32
        %convert_element_type3A_197 = arith.extui %lt3A_196 : i1 to i32
        %cond3A_198 = arith.constant 0 : i32
        %cond3A_199 = arith.cmpi ne, %convert_element_type3A_197, %cond3A_198 : i32
        scf.if %cond3A_199 {
          %ge3A_200 = arith.constant 4 : i32
          %ge3A_201 = arith.cmpi sge, %sub3A_195, %ge3A_200 : i32
          %convert_element_type3A_202 = arith.extui %ge3A_201 : i1 to i32
          %cond3A_203 = arith.constant 0 : i32
          %cond3A_204 = arith.cmpi ne, %convert_element_type3A_202, %cond3A_203 : i32
          scf.if %cond3A_204 {
            %sub3A_245 = arith.constant 4 : i32
            %sub3A_246 = arith.subi %sub3A_195, %sub3A_245 : i32
            %mul3A_247 = arith.constant 32 : i32
            %mul3A_248 = arith.muli %sub3A_246, %mul3A_247 : i32
            %add3A_249 = arith.addi %mul3A_32, %mul3A_248 : i32
            %dma_wait3A_250 = arith.constant 0 : i32
            %dma_wait3A_251 = tpu.memref_slice %arg4[%select_n3A, %add3A_249, %dma_wait3A_250] : memref<16x2048x512xf32, #tpu.memory_space<hbm>> -> memref<1x32x512xf32, #tpu.memory_space<hbm>>
            %dma_wait3A_252 = tpu.memref_squeeze %dma_wait3A_251 : memref<1x32x512xf32, #tpu.memory_space<hbm>> -> memref<32x512xf32, #tpu.memory_space<hbm>>
            %dma_wait3A_253 = arith.constant 0 : i32
            %dma_wait3A_254 = tpu.memref_slice %arg4[%select_n3A, %add3A_249, %dma_wait3A_253] : memref<16x2048x512xf32, #tpu.memory_space<hbm>> -> memref<1x32x512xf32, #tpu.memory_space<hbm>>
            %dma_wait3A_255 = tpu.memref_squeeze %dma_wait3A_254 : memref<1x32x512xf32, #tpu.memory_space<hbm>> -> memref<32x512xf32, #tpu.memory_space<hbm>>
            tpu.wait_dma2 semaphore(%arg19 : memref<!tpu.dma_semaphore, #tpu.memory_space<semaphore_mem>>) src(%arg10 : memref<32x512xf32, #tpu.memory_space<vmem>>) dst(%dma_wait3A_255 : memref<32x512xf32, #tpu.memory_space<hbm>>)
          } else {
          }
          %mul3A_205 = arith.constant 32 : i32
          %mul3A_206 = arith.muli %sub3A_195, %mul3A_205 : i32
          %add3A_207 = arith.addi %add3A_92, %mul3A_206 : i32
          %add3A_208 = arith.constant 0 : i32
          %add3A_209 = arith.addi %add3A_207, %add3A_208 : i32
          %iota3A = tpu.iota {dimensions = array<i32: 0>} : vector<16xi32>
          %add3A_210 = vector.broadcast %add3A_209 : i32 to vector<16xi32>
          %add3A_211 = arith.addi %add3A_210, %iota3A : vector<16xi32>
          %min3A_212 = arith.constant 16383 : i32
          %min3A_213 = vector.broadcast %min3A_212 : i32 to vector<16xi32>
          %min3A_214 = arith.minsi %add3A_211, %min3A_213 : vector<16xi32>
          %swap3A_215 = arith.constant 3 : i32
          %swap3A_216 = arith.index_cast %swap3A_215 : i32 to index
          %swap3A_217 = arith.constant 0 : index
          %swap3A_218 = tpu.vector_load %arg6[%swap3A_216, %swap3A_217] {strides = array<i32>} : memref<4x32xi32, #tpu.memory_space<vmem>>, vector<1x16xi32>,
          %swap3A_219 = vector.shape_cast %swap3A_218 : vector<1x16xi32> to vector<16xi32>
          %swap3A_220 = vector.shape_cast %min3A_214 : vector<16xi32> to vector<1x16xi32>
          tpu.vector_store %arg6[%swap3A_216, %swap3A_217], %swap3A_220 {strides = array<i32>} : memref<4x32xi32, #tpu.memory_space<vmem>>, vector<1x16xi32>,
          %mul3A_221 = arith.constant 32 : i32
          %mul3A_222 = arith.muli %sub3A_195, %mul3A_221 : i32
          %add3A_223 = arith.addi %add3A_92, %mul3A_222 : i32
          %add3A_224 = arith.constant 16 : i32
          %add3A_225 = arith.addi %add3A_223, %add3A_224 : i32
          %iota3A_226 = tpu.iota {dimensions = array<i32: 0>} : vector<16xi32>
          %add3A_227 = vector.broadcast %add3A_225 : i32 to vector<16xi32>
          %add3A_228 = arith.addi %add3A_227, %iota3A_226 : vector<16xi32>
          %min3A_229 = arith.constant 16383 : i32
          %min3A_230 = vector.broadcast %min3A_229 : i32 to vector<16xi32>
          %min3A_231 = arith.minsi %add3A_228, %min3A_230 : vector<16xi32>
          %swap3A_232 = arith.constant 3 : i32
          %swap3A_233 = arith.index_cast %swap3A_232 : i32 to index
          %swap3A_234 = arith.constant 16 : index
          %swap3A_235 = tpu.vector_load %arg6[%swap3A_233, %swap3A_234] {strides = array<i32>} : memref<4x32xi32, #tpu.memory_space<vmem>>, vector<1x16xi32>,
          %swap3A_236 = vector.shape_cast %swap3A_235 : vector<1x16xi32> to vector<16xi32>
          %swap3A_237 = vector.shape_cast %min3A_231 : vector<16xi32> to vector<1x16xi32>
          tpu.vector_store %arg6[%swap3A_233, %swap3A_234], %swap3A_237 {strides = array<i32>} : memref<4x32xi32, #tpu.memory_space<vmem>>, vector<1x16xi32>,
          %dma_start3A_238 = arith.constant 3 : i32
          %dma_start3A_239 = arith.constant 0 : i32
          %dma_start3A_240 = tpu.memref_slice %arg6[%dma_start3A_238, %dma_start3A_239] : memref<4x32xi32, #tpu.memory_space<vmem>> -> memref<1x32xi32, #tpu.memory_space<vmem>>
          %dma_start3A_241 = tpu.memref_squeeze %dma_start3A_240 : memref<1x32xi32, #tpu.memory_space<vmem>> -> memref<32xi32, #tpu.memory_space<vmem>>
          %dma_start3A_242 = arith.constant 0 : i32
          %dma_start3A_243 = arith.constant 0 : i32
          %dma_start3A_244 = tpu.memref_slice %arg3[%dma_start3A_242, %dma_start3A_243] : memref<16384x512xf32, #tpu.memory_space<hbm>> -> memref<16384x512xf32, #tpu.memory_space<hbm>>
          tpu.enqueue_indirect_dma source(%dma_start3A_244 : memref<16384x512xf32, #tpu.memory_space<hbm>>) target(%arg10 : memref<32x512xf32, #tpu.memory_space<vmem>>) offsets(%dma_start3A_241 : memref<32xi32, #tpu.memory_space<vmem>>) semaphore(%arg15 : memref<!tpu.dma_semaphore, #tpu.memory_space<semaphore_mem>>)
        } else {
        }
      } else {
      }
      %ge3A = arith.cmpi sge, %add3A_127, %add3A_91 : i32
      %convert_element_type3A_132 = arith.extui %ge3A : i1 to i32
      %cond3A_133 = arith.constant 0 : i32
      %cond3A_134 = arith.cmpi ne, %convert_element_type3A_132, %cond3A_133 : i32
      scf.if %cond3A_134 {
        %mul3A_171 = arith.constant 32 : i32
        %mul3A_172 = arith.muli %add3A_127, %mul3A_171 : i32
        %add3A_173 = arith.addi %mul3A_32, %mul3A_172 : i32
        %dma_start3A = arith.constant 0 : i32
        %dma_start3A_174 = tpu.memref_slice %arg4[%select_n3A, %add3A_173, %dma_start3A] : memref<16x2048x512xf32, #tpu.memory_space<hbm>> -> memref<1x32x512xf32, #tpu.memory_space<hbm>>
        %dma_start3A_175 = tpu.memref_squeeze %dma_start3A_174 : memref<1x32x512xf32, #tpu.memory_space<hbm>> -> memref<32x512xf32, #tpu.memory_space<hbm>>
        %dma_start3A_176 = arith.constant 0 : i32
        %dma_start3A_177 = tpu.memref_slice %arg4[%select_n3A, %add3A_173, %dma_start3A_176] : memref<16x2048x512xf32, #tpu.memory_space<hbm>> -> memref<1x32x512xf32, #tpu.memory_space<hbm>>
        %dma_start3A_178 = tpu.memref_squeeze %dma_start3A_177 : memref<1x32x512xf32, #tpu.memory_space<hbm>> -> memref<32x512xf32, #tpu.memory_space<hbm>>
        tpu.enqueue_dma source(%arg11 : memref<32x512xf32, #tpu.memory_space<vmem>>) target(%dma_start3A_178 : memref<32x512xf32, #tpu.memory_space<hbm>>) target_semaphore(%arg20 : memref<!tpu.dma_semaphore, #tpu.memory_space<semaphore_mem>>)
      } else {
      }
      %mul3A_135 = arith.constant 4 : i32
      %mul3A_136 = arith.muli %scan3A_123, %mul3A_135 : i32
      %add3A_137 = arith.constant 1 : i32
      %add3A_138 = arith.addi %mul3A_136, %add3A_137 : i32
      %lt3A_139 = arith.cmpi slt, %add3A_138, %add3A_91 : i32
      %convert_element_type3A_140 = arith.extui %lt3A_139 : i1 to i32
      %cond3A_141 = arith.constant 0 : i32
      %cond3A_142 = arith.cmpi ne, %convert_element_type3A_140, %cond3A_141 : i32
      scf.if %cond3A_142 {
        %dma_wait3A = arith.constant 1 : i32
        %dma_wait3A_171 = arith.constant 0 : i32
        %dma_wait3A_172 = tpu.memref_slice %arg6[%dma_wait3A, %dma_wait3A_171] : memref<4x32xi32, #tpu.memory_space<vmem>> -> memref<1x32xi32, #tpu.memory_space<vmem>>
        %dma_wait3A_173 = tpu.memref_squeeze %dma_wait3A_172 : memref<1x32xi32, #tpu.memory_space<vmem>> -> memref<32xi32, #tpu.memory_space<vmem>>
        %dma_wait3A_174 = arith.constant 0 : i32
        %dma_wait3A_175 = arith.constant 0 : i32
        %dma_wait3A_176 = tpu.memref_slice %arg3[%dma_wait3A_174, %dma_wait3A_175] : memref<16384x512xf32, #tpu.memory_space<hbm>> -> memref<16384x512xf32, #tpu.memory_space<hbm>>
        tpu.wait_indirect_dma semaphore(%arg13 : memref<!tpu.dma_semaphore, #tpu.memory_space<semaphore_mem>>) src(%dma_wait3A_176 : memref<16384x512xf32, #tpu.memory_space<hbm>>) dst(%arg8 : memref<32x512xf32, #tpu.memory_space<vmem>>)
        %eq3A_177 = arith.cmpi eq, %add3A_138, %select_n3A_70 : i32
        %gt3A_178 = arith.constant 0 : i32
        %gt3A_179 = arith.cmpi sgt, %select_n3A_86, %gt3A_178 : i32
        %and3A_180 = arith.andi %eq3A_177, %gt3A_179 : i1
        %convert_element_type3A_181 = arith.extui %and3A_180 : i1 to i32
        %cond3A_182 = arith.constant 0 : i32
        %cond3A_183 = arith.cmpi ne, %convert_element_type3A_181, %cond3A_182 : i32
        scf.if %cond3A_183 {
          %while3A = arith.constant 0 : i32
          %while3A_200 = arith.constant 32 : i32
          %while3A_201 = arith.subi %while3A_200, %select_n3A_86 : i32
          %while3A_202 = arith.addi %select_n3A_86, %while3A_201 : i32
          %while3A_203 = arith.constant 1 : i32
          %while3A_204 = arith.divsi %while3A_201, %while3A_203 : i32
          %while3A_205 = arith.muli %while3A_204, %while3A_203 : i32
          %while3A_206 = arith.addi %select_n3A_86, %while3A_205 : i32
          %while3A_207 = arith.constant 1 : i32
          scf.for %while3A_209 = %select_n3A_86 to %while3A_206 step %while3A_207  : i32 {
            %broadcast_in_dim3A_210 = arith.constant 0.000000e+00 : f32
            %broadcast_in_dim3A_211 = vector.broadcast %broadcast_in_dim3A_210 : f32 to vector<16xf32>
            %swap3A_212 = arith.index_cast %while3A_209 : i32 to index
            %swap3A_213 = arith.constant 0 : index
            %swap3A_214 = tpu.vector_load %arg8[%swap3A_212, %swap3A_213] {strides = array<i32>} : memref<32x512xf32, #tpu.memory_space<vmem>>, vector<1x16xf32>,
            %swap3A_215 = vector.shape_cast %swap3A_214 : vector<1x16xf32> to vector<16xf32>
            %swap3A_216 = vector.shape_cast %broadcast_in_dim3A_211 : vector<16xf32> to vector<1x16xf32>
            tpu.vector_store %arg8[%swap3A_212, %swap3A_213], %swap3A_216 {strides = array<i32>} : memref<32x512xf32, #tpu.memory_space<vmem>>, vector<1x16xf32>,
            %broadcast_in_dim3A_217 = arith.constant 0.000000e+00 : f32
            %broadcast_in_dim3A_218 = vector.broadcast %broadcast_in_dim3A_217 : f32 to vector<16xf32>
            %swap3A_219 = arith.index_cast %while3A_209 : i32 to index
            %swap3A_220 = arith.constant 16 : index
            %swap3A_221 = tpu.vector_load %arg8[%swap3A_219, %swap3A_220] {strides = array<i32>} : memref<32x512xf32, #tpu.memory_space<vmem>>, vector<1x16xf32>,
            %swap3A_222 = vector.shape_cast %swap3A_221 : vector<1x16xf32> to vector<16xf32>
            %swap3A_223 = vector.shape_cast %broadcast_in_dim3A_218 : vector<16xf32> to vector<1x16xf32>
            tpu.vector_store %arg8[%swap3A_219, %swap3A_220], %swap3A_223 {strides = array<i32>} : memref<32x512xf32, #tpu.memory_space<vmem>>, vector<1x16xf32>,
            %broadcast_in_dim3A_224 = arith.constant 0.000000e+00 : f32
            %broadcast_in_dim3A_225 = vector.broadcast %broadcast_in_dim3A_224 : f32 to vector<16xf32>
            %swap3A_226 = arith.index_cast %while3A_209 : i32 to index
            %swap3A_227 = arith.constant 32 : index
            %swap3A_228 = tpu.vector_load %arg8[%swap3A_226, %swap3A_227] {strides = array<i32>} : memref<32x512xf32, #tpu.memory_space<vmem>>, vector<1x16xf32>,
            %swap3A_229 = vector.shape_cast %swap3A_228 : vector<1x16xf32> to vector<16xf32>
            %swap3A_230 = vector.shape_cast %broadcast_in_dim3A_225 : vector<16xf32> to vector<1x16xf32>
            tpu.vector_store %arg8[%swap3A_226, %swap3A_227], %swap3A_230 {strides = array<i32>} : memref<32x512xf32, #tpu.memory_space<vmem>>, vector<1x16xf32>,
            %broadcast_in_dim3A_231 = arith.constant 0.000000e+00 : f32
            %broadcast_in_dim3A_232 = vector.broadcast %broadcast_in_dim3A_231 : f32 to vector<16xf32>
            %swap3A_233 = arith.index_cast %while3A_209 : i32 to index
            %swap3A_234 = arith.constant 48 : index
            %swap3A_235 = tpu.vector_load %arg8[%swap3A_233, %swap3A_234] {strides = array<i32>} : memref<32x512xf32, #tpu.memory_space<vmem>>, vector<1x16xf32>,
            %swap3A_236 = vector.shape_cast %swap3A_235 : vector<1x16xf32> to vector<16xf32>
            %swap3A_237 = vector.shape_cast %broadcast_in_dim3A_232 : vector<16xf32> to vector<1x16xf32>
            tpu.vector_store %arg8[%swap3A_233, %swap3A_234], %swap3A_237 {strides = array<i32>} : memref<32x512xf32, #tpu.memory_space<vmem>>, vector<1x16xf32>,
            %broadcast_in_dim3A_238 = arith.constant 0.000000e+00 : f32
            %broadcast_in_dim3A_239 = vector.broadcast %broadcast_in_dim3A_238 : f32 to vector<16xf32>
            %swap3A_240 = arith.index_cast %while3A_209 : i32 to index
            %swap3A_241 = arith.constant 64 : index
            %swap3A_242 = tpu.vector_load %arg8[%swap3A_240, %swap3A_241] {strides = array<i32>} : memref<32x512xf32, #tpu.memory_space<vmem>>, vector<1x16xf32>,
            %swap3A_243 = vector.shape_cast %swap3A_242 : vector<1x16xf32> to vector<16xf32>
            %swap3A_244 = vector.shape_cast %broadcast_in_dim3A_239 : vector<16xf32> to vector<1x16xf32>
            tpu.vector_store %arg8[%swap3A_240, %swap3A_241], %swap3A_244 {strides = array<i32>} : memref<32x512xf32, #tpu.memory_space<vmem>>, vector<1x16xf32>,
            %broadcast_in_dim3A_245 = arith.constant 0.000000e+00 : f32
            %broadcast_in_dim3A_246 = vector.broadcast %broadcast_in_dim3A_245 : f32 to vector<16xf32>
            %swap3A_247 = arith.index_cast %while3A_209 : i32 to index
            %swap3A_248 = arith.constant 80 : index
            %swap3A_249 = tpu.vector_load %arg8[%swap3A_247, %swap3A_248] {strides = array<i32>} : memref<32x512xf32, #tpu.memory_space<vmem>>, vector<1x16xf32>,
            %swap3A_250 = vector.shape_cast %swap3A_249 : vector<1x16xf32> to vector<16xf32>
            %swap3A_251 = vector.shape_cast %broadcast_in_dim3A_246 : vector<16xf32> to vector<1x16xf32>
            tpu.vector_store %arg8[%swap3A_247, %swap3A_248], %swap3A_251 {strides = array<i32>} : memref<32x512xf32, #tpu.memory_space<vmem>>, vector<1x16xf32>,
            %broadcast_in_dim3A_252 = arith.constant 0.000000e+00 : f32
            %broadcast_in_dim3A_253 = vector.broadcast %broadcast_in_dim3A_252 : f32 to vector<16xf32>
            %swap3A_254 = arith.index_cast %while3A_209 : i32 to index
            %swap3A_255 = arith.constant 96 : index
            %swap3A_256 = tpu.vector_load %arg8[%swap3A_254, %swap3A_255] {strides = array<i32>} : memref<32x512xf32, #tpu.memory_space<vmem>>, vector<1x16xf32>,
            %swap3A_257 = vector.shape_cast %swap3A_256 : vector<1x16xf32> to vector<16xf32>
            %swap3A_258 = vector.shape_cast %broadcast_in_dim3A_253 : vector<16xf32> to vector<1x16xf32>
            tpu.vector_store %arg8[%swap3A_254, %swap3A_255], %swap3A_258 {strides = array<i32>} : memref<32x512xf32, #tpu.memory_space<vmem>>, vector<1x16xf32>,
            %broadcast_in_dim3A_259 = arith.constant 0.000000e+00 : f32
            %broadcast_in_dim3A_260 = vector.broadcast %broadcast_in_dim3A_259 : f32 to vector<16xf32>
            %swap3A_261 = arith.index_cast %while3A_209 : i32 to index
            %swap3A_262 = arith.constant 112 : index
            %swap3A_263 = tpu.vector_load %arg8[%swap3A_261, %swap3A_262] {strides = array<i32>} : memref<32x512xf32, #tpu.memory_space<vmem>>, vector<1x16xf32>,
            %swap3A_264 = vector.shape_cast %swap3A_263 : vector<1x16xf32> to vector<16xf32>
            %swap3A_265 = vector.shape_cast %broadcast_in_dim3A_260 : vector<16xf32> to vector<1x16xf32>
            tpu.vector_store %arg8[%swap3A_261, %swap3A_262], %swap3A_265 {strides = array<i32>} : memref<32x512xf32, #tpu.memory_space<vmem>>, vector<1x16xf32>,
            %broadcast_in_dim3A_266 = arith.constant 0.000000e+00 : f32
            %broadcast_in_dim3A_267 = vector.broadcast %broadcast_in_dim3A_266 : f32 to vector<16xf32>
            %swap3A_268 = arith.index_cast %while3A_209 : i32 to index
            %swap3A_269 = arith.constant 128 : index
            %swap3A_270 = tpu.vector_load %arg8[%swap3A_268, %swap3A_269] {strides = array<i32>} : memref<32x512xf32, #tpu.memory_space<vmem>>, vector<1x16xf32>,
            %swap3A_271 = vector.shape_cast %swap3A_270 : vector<1x16xf32> to vector<16xf32>
            %swap3A_272 = vector.shape_cast %broadcast_in_dim3A_267 : vector<16xf32> to vector<1x16xf32>
            tpu.vector_store %arg8[%swap3A_268, %swap3A_269], %swap3A_272 {strides = array<i32>} : memref<32x512xf32, #tpu.memory_space<vmem>>, vector<1x16xf32>,
            %broadcast_in_dim3A_273 = arith.constant 0.000000e+00 : f32
            %broadcast_in_dim3A_274 = vector.broadcast %broadcast_in_dim3A_273 : f32 to vector<16xf32>
            %swap3A_275 = arith.index_cast %while3A_209 : i32 to index
            %swap3A_276 = arith.constant 144 : index
            %swap3A_277 = tpu.vector_load %arg8[%swap3A_275, %swap3A_276] {strides = array<i32>} : memref<32x512xf32, #tpu.memory_space<vmem>>, vector<1x16xf32>,
            %swap3A_278 = vector.shape_cast %swap3A_277 : vector<1x16xf32> to vector<16xf32>
            %swap3A_279 = vector.shape_cast %broadcast_in_dim3A_274 : vector<16xf32> to vector<1x16xf32>
            tpu.vector_store %arg8[%swap3A_275, %swap3A_276], %swap3A_279 {strides = array<i32>} : memref<32x512xf32, #tpu.memory_space<vmem>>, vector<1x16xf32>,
            %broadcast_in_dim3A_280 = arith.constant 0.000000e+00 : f32
            %broadcast_in_dim3A_281 = vector.broadcast %broadcast_in_dim3A_280 : f32 to vector<16xf32>
            %swap3A_282 = arith.index_cast %while3A_209 : i32 to index
            %swap3A_283 = arith.constant 160 : index
            %swap3A_284 = tpu.vector_load %arg8[%swap3A_282, %swap3A_283] {strides = array<i32>} : memref<32x512xf32, #tpu.memory_space<vmem>>, vector<1x16xf32>,
            %swap3A_285 = vector.shape_cast %swap3A_284 : vector<1x16xf32> to vector<16xf32>
            %swap3A_286 = vector.shape_cast %broadcast_in_dim3A_281 : vector<16xf32> to vector<1x16xf32>
            tpu.vector_store %arg8[%swap3A_282, %swap3A_283], %swap3A_286 {strides = array<i32>} : memref<32x512xf32, #tpu.memory_space<vmem>>, vector<1x16xf32>,
            %broadcast_in_dim3A_287 = arith.constant 0.000000e+00 : f32
            %broadcast_in_dim3A_288 = vector.broadcast %broadcast_in_dim3A_287 : f32 to vector<16xf32>
            %swap3A_289 = arith.index_cast %while3A_209 : i32 to index
            %swap3A_290 = arith.constant 176 : index
            %swap3A_291 = tpu.vector_load %arg8[%swap3A_289, %swap3A_290] {strides = array<i32>} : memref<32x512xf32, #tpu.memory_space<vmem>>, vector<1x16xf32>,
            %swap3A_292 = vector.shape_cast %swap3A_291 : vector<1x16xf32> to vector<16xf32>
            %swap3A_293 = vector.shape_cast %broadcast_in_dim3A_288 : vector<16xf32> to vector<1x16xf32>
            tpu.vector_store %arg8[%swap3A_289, %swap3A_290], %swap3A_293 {strides = array<i32>} : memref<32x512xf32, #tpu.memory_space<vmem>>, vector<1x16xf32>,
            %broadcast_in_dim3A_294 = arith.constant 0.000000e+00 : f32
            %broadcast_in_dim3A_295 = vector.broadcast %broadcast_in_dim3A_294 : f32 to vector<16xf32>
            %swap3A_296 = arith.index_cast %while3A_209 : i32 to index
            %swap3A_297 = arith.constant 192 : index
            %swap3A_298 = tpu.vector_load %arg8[%swap3A_296, %swap3A_297] {strides = array<i32>} : memref<32x512xf32, #tpu.memory_space<vmem>>, vector<1x16xf32>,
            %swap3A_299 = vector.shape_cast %swap3A_298 : vector<1x16xf32> to vector<16xf32>
            %swap3A_300 = vector.shape_cast %broadcast_in_dim3A_295 : vector<16xf32> to vector<1x16xf32>
            tpu.vector_store %arg8[%swap3A_296, %swap3A_297], %swap3A_300 {strides = array<i32>} : memref<32x512xf32, #tpu.memory_space<vmem>>, vector<1x16xf32>,
            %broadcast_in_dim3A_301 = arith.constant 0.000000e+00 : f32
            %broadcast_in_dim3A_302 = vector.broadcast %broadcast_in_dim3A_301 : f32 to vector<16xf32>
            %swap3A_303 = arith.index_cast %while3A_209 : i32 to index
            %swap3A_304 = arith.constant 208 : index
            %swap3A_305 = tpu.vector_load %arg8[%swap3A_303, %swap3A_304] {strides = array<i32>} : memref<32x512xf32, #tpu.memory_space<vmem>>, vector<1x16xf32>,
            %swap3A_306 = vector.shape_cast %swap3A_305 : vector<1x16xf32> to vector<16xf32>
            %swap3A_307 = vector.shape_cast %broadcast_in_dim3A_302 : vector<16xf32> to vector<1x16xf32>
            tpu.vector_store %arg8[%swap3A_303, %swap3A_304], %swap3A_307 {strides = array<i32>} : memref<32x512xf32, #tpu.memory_space<vmem>>, vector<1x16xf32>,
            %broadcast_in_dim3A_308 = arith.constant 0.000000e+00 : f32
            %broadcast_in_dim3A_309 = vector.broadcast %broadcast_in_dim3A_308 : f32 to vector<16xf32>
            %swap3A_310 = arith.index_cast %while3A_209 : i32 to index
            %swap3A_311 = arith.constant 224 : index
            %swap3A_312 = tpu.vector_load %arg8[%swap3A_310, %swap3A_311] {strides = array<i32>} : memref<32x512xf32, #tpu.memory_space<vmem>>, vector<1x16xf32>,
            %swap3A_313 = vector.shape_cast %swap3A_312 : vector<1x16xf32> to vector<16xf32>
            %swap3A_314 = vector.shape_cast %broadcast_in_dim3A_309 : vector<16xf32> to vector<1x16xf32>
            tpu.vector_store %arg8[%swap3A_310, %swap3A_311], %swap3A_314 {strides = array<i32>} : memref<32x512xf32, #tpu.memory_space<vmem>>, vector<1x16xf32>,
            %broadcast_in_dim3A_315 = arith.constant 0.000000e+00 : f32
            %broadcast_in_dim3A_316 = vector.broadcast %broadcast_in_dim3A_315 : f32 to vector<16xf32>
            %swap3A_317 = arith.index_cast %while3A_209 : i32 to index
            %swap3A_318 = arith.constant 240 : index
            %swap3A_319 = tpu.vector_load %arg8[%swap3A_317, %swap3A_318] {strides = array<i32>} : memref<32x512xf32, #tpu.memory_space<vmem>>, vector<1x16xf32>,
            %swap3A_320 = vector.shape_cast %swap3A_319 : vector<1x16xf32> to vector<16xf32>
            %swap3A_321 = vector.shape_cast %broadcast_in_dim3A_316 : vector<16xf32> to vector<1x16xf32>
            tpu.vector_store %arg8[%swap3A_317, %swap3A_318], %swap3A_321 {strides = array<i32>} : memref<32x512xf32, #tpu.memory_space<vmem>>, vector<1x16xf32>,
            %broadcast_in_dim3A_322 = arith.constant 0.000000e+00 : f32
            %broadcast_in_dim3A_323 = vector.broadcast %broadcast_in_dim3A_322 : f32 to vector<16xf32>
            %swap3A_324 = arith.index_cast %while3A_209 : i32 to index
            %swap3A_325 = arith.constant 256 : index
            %swap3A_326 = tpu.vector_load %arg8[%swap3A_324, %swap3A_325] {strides = array<i32>} : memref<32x512xf32, #tpu.memory_space<vmem>>, vector<1x16xf32>,
            %swap3A_327 = vector.shape_cast %swap3A_326 : vector<1x16xf32> to vector<16xf32>
            %swap3A_328 = vector.shape_cast %broadcast_in_dim3A_323 : vector<16xf32> to vector<1x16xf32>
            tpu.vector_store %arg8[%swap3A_324, %swap3A_325], %swap3A_328 {strides = array<i32>} : memref<32x512xf32, #tpu.memory_space<vmem>>, vector<1x16xf32>,
            %broadcast_in_dim3A_329 = arith.constant 0.000000e+00 : f32
            %broadcast_in_dim3A_330 = vector.broadcast %broadcast_in_dim3A_329 : f32 to vector<16xf32>
            %swap3A_331 = arith.index_cast %while3A_209 : i32 to index
            %swap3A_332 = arith.constant 272 : index
            %swap3A_333 = tpu.vector_load %arg8[%swap3A_331, %swap3A_332] {strides = array<i32>} : memref<32x512xf32, #tpu.memory_space<vmem>>, vector<1x16xf32>,
            %swap3A_334 = vector.shape_cast %swap3A_333 : vector<1x16xf32> to vector<16xf32>
            %swap3A_335 = vector.shape_cast %broadcast_in_dim3A_330 : vector<16xf32> to vector<1x16xf32>
            tpu.vector_store %arg8[%swap3A_331, %swap3A_332], %swap3A_335 {strides = array<i32>} : memref<32x512xf32, #tpu.memory_space<vmem>>, vector<1x16xf32>,
            %broadcast_in_dim3A_336 = arith.constant 0.000000e+00 : f32
            %broadcast_in_dim3A_337 = vector.broadcast %broadcast_in_dim3A_336 : f32 to vector<16xf32>
            %swap3A_338 = arith.index_cast %while3A_209 : i32 to index
            %swap3A_339 = arith.constant 288 : index
            %swap3A_340 = tpu.vector_load %arg8[%swap3A_338, %swap3A_339] {strides = array<i32>} : memref<32x512xf32, #tpu.memory_space<vmem>>, vector<1x16xf32>,
            %swap3A_341 = vector.shape_cast %swap3A_340 : vector<1x16xf32> to vector<16xf32>
            %swap3A_342 = vector.shape_cast %broadcast_in_dim3A_337 : vector<16xf32> to vector<1x16xf32>
            tpu.vector_store %arg8[%swap3A_338, %swap3A_339], %swap3A_342 {strides = array<i32>} : memref<32x512xf32, #tpu.memory_space<vmem>>, vector<1x16xf32>,
            %broadcast_in_dim3A_343 = arith.constant 0.000000e+00 : f32
            %broadcast_in_dim3A_344 = vector.broadcast %broadcast_in_dim3A_343 : f32 to vector<16xf32>
            %swap3A_345 = arith.index_cast %while3A_209 : i32 to index
            %swap3A_346 = arith.constant 304 : index
            %swap3A_347 = tpu.vector_load %arg8[%swap3A_345, %swap3A_346] {strides = array<i32>} : memref<32x512xf32, #tpu.memory_space<vmem>>, vector<1x16xf32>,
            %swap3A_348 = vector.shape_cast %swap3A_347 : vector<1x16xf32> to vector<16xf32>
            %swap3A_349 = vector.shape_cast %broadcast_in_dim3A_344 : vector<16xf32> to vector<1x16xf32>
            tpu.vector_store %arg8[%swap3A_345, %swap3A_346], %swap3A_349 {strides = array<i32>} : memref<32x512xf32, #tpu.memory_space<vmem>>, vector<1x16xf32>,
            %broadcast_in_dim3A_350 = arith.constant 0.000000e+00 : f32
            %broadcast_in_dim3A_351 = vector.broadcast %broadcast_in_dim3A_350 : f32 to vector<16xf32>
            %swap3A_352 = arith.index_cast %while3A_209 : i32 to index
            %swap3A_353 = arith.constant 320 : index
            %swap3A_354 = tpu.vector_load %arg8[%swap3A_352, %swap3A_353] {strides = array<i32>} : memref<32x512xf32, #tpu.memory_space<vmem>>, vector<1x16xf32>,
            %swap3A_355 = vector.shape_cast %swap3A_354 : vector<1x16xf32> to vector<16xf32>
            %swap3A_356 = vector.shape_cast %broadcast_in_dim3A_351 : vector<16xf32> to vector<1x16xf32>
            tpu.vector_store %arg8[%swap3A_352, %swap3A_353], %swap3A_356 {strides = array<i32>} : memref<32x512xf32, #tpu.memory_space<vmem>>, vector<1x16xf32>,
            %broadcast_in_dim3A_357 = arith.constant 0.000000e+00 : f32
            %broadcast_in_dim3A_358 = vector.broadcast %broadcast_in_dim3A_357 : f32 to vector<16xf32>
            %swap3A_359 = arith.index_cast %while3A_209 : i32 to index
            %swap3A_360 = arith.constant 336 : index
            %swap3A_361 = tpu.vector_load %arg8[%swap3A_359, %swap3A_360] {strides = array<i32>} : memref<32x512xf32, #tpu.memory_space<vmem>>, vector<1x16xf32>,
            %swap3A_362 = vector.shape_cast %swap3A_361 : vector<1x16xf32> to vector<16xf32>
            %swap3A_363 = vector.shape_cast %broadcast_in_dim3A_358 : vector<16xf32> to vector<1x16xf32>
            tpu.vector_store %arg8[%swap3A_359, %swap3A_360], %swap3A_363 {strides = array<i32>} : memref<32x512xf32, #tpu.memory_space<vmem>>, vector<1x16xf32>,
            %broadcast_in_dim3A_364 = arith.constant 0.000000e+00 : f32
            %broadcast_in_dim3A_365 = vector.broadcast %broadcast_in_dim3A_364 : f32 to vector<16xf32>
            %swap3A_366 = arith.index_cast %while3A_209 : i32 to index
            %swap3A_367 = arith.constant 352 : index
            %swap3A_368 = tpu.vector_load %arg8[%swap3A_366, %swap3A_367] {strides = array<i32>} : memref<32x512xf32, #tpu.memory_space<vmem>>, vector<1x16xf32>,
            %swap3A_369 = vector.shape_cast %swap3A_368 : vector<1x16xf32> to vector<16xf32>
            %swap3A_370 = vector.shape_cast %broadcast_in_dim3A_365 : vector<16xf32> to vector<1x16xf32>
            tpu.vector_store %arg8[%swap3A_366, %swap3A_367], %swap3A_370 {strides = array<i32>} : memref<32x512xf32, #tpu.memory_space<vmem>>, vector<1x16xf32>,
            %broadcast_in_dim3A_371 = arith.constant 0.000000e+00 : f32
            %broadcast_in_dim3A_372 = vector.broadcast %broadcast_in_dim3A_371 : f32 to vector<16xf32>
            %swap3A_373 = arith.index_cast %while3A_209 : i32 to index
            %swap3A_374 = arith.constant 368 : index
            %swap3A_375 = tpu.vector_load %arg8[%swap3A_373, %swap3A_374] {strides = array<i32>} : memref<32x512xf32, #tpu.memory_space<vmem>>, vector<1x16xf32>,
            %swap3A_376 = vector.shape_cast %swap3A_375 : vector<1x16xf32> to vector<16xf32>
            %swap3A_377 = vector.shape_cast %broadcast_in_dim3A_372 : vector<16xf32> to vector<1x16xf32>
            tpu.vector_store %arg8[%swap3A_373, %swap3A_374], %swap3A_377 {strides = array<i32>} : memref<32x512xf32, #tpu.memory_space<vmem>>, vector<1x16xf32>,
            %broadcast_in_dim3A_378 = arith.constant 0.000000e+00 : f32
            %broadcast_in_dim3A_379 = vector.broadcast %broadcast_in_dim3A_378 : f32 to vector<16xf32>
            %swap3A_380 = arith.index_cast %while3A_209 : i32 to index
            %swap3A_381 = arith.constant 384 : index
            %swap3A_382 = tpu.vector_load %arg8[%swap3A_380, %swap3A_381] {strides = array<i32>} : memref<32x512xf32, #tpu.memory_space<vmem>>, vector<1x16xf32>,
            %swap3A_383 = vector.shape_cast %swap3A_382 : vector<1x16xf32> to vector<16xf32>
            %swap3A_384 = vector.shape_cast %broadcast_in_dim3A_379 : vector<16xf32> to vector<1x16xf32>
            tpu.vector_store %arg8[%swap3A_380, %swap3A_381], %swap3A_384 {strides = array<i32>} : memref<32x512xf32, #tpu.memory_space<vmem>>, vector<1x16xf32>,
            %broadcast_in_dim3A_385 = arith.constant 0.000000e+00 : f32
            %broadcast_in_dim3A_386 = vector.broadcast %broadcast_in_dim3A_385 : f32 to vector<16xf32>
            %swap3A_387 = arith.index_cast %while3A_209 : i32 to index
            %swap3A_388 = arith.constant 400 : index
            %swap3A_389 = tpu.vector_load %arg8[%swap3A_387, %swap3A_388] {strides = array<i32>} : memref<32x512xf32, #tpu.memory_space<vmem>>, vector<1x16xf32>,
            %swap3A_390 = vector.shape_cast %swap3A_389 : vector<1x16xf32> to vector<16xf32>
            %swap3A_391 = vector.shape_cast %broadcast_in_dim3A_386 : vector<16xf32> to vector<1x16xf32>
            tpu.vector_store %arg8[%swap3A_387, %swap3A_388], %swap3A_391 {strides = array<i32>} : memref<32x512xf32, #tpu.memory_space<vmem>>, vector<1x16xf32>,
            %broadcast_in_dim3A_392 = arith.constant 0.000000e+00 : f32
            %broadcast_in_dim3A_393 = vector.broadcast %broadcast_in_dim3A_392 : f32 to vector<16xf32>
            %swap3A_394 = arith.index_cast %while3A_209 : i32 to index
            %swap3A_395 = arith.constant 416 : index
            %swap3A_396 = tpu.vector_load %arg8[%swap3A_394, %swap3A_395] {strides = array<i32>} : memref<32x512xf32, #tpu.memory_space<vmem>>, vector<1x16xf32>,
            %swap3A_397 = vector.shape_cast %swap3A_396 : vector<1x16xf32> to vector<16xf32>
            %swap3A_398 = vector.shape_cast %broadcast_in_dim3A_393 : vector<16xf32> to vector<1x16xf32>
            tpu.vector_store %arg8[%swap3A_394, %swap3A_395], %swap3A_398 {strides = array<i32>} : memref<32x512xf32, #tpu.memory_space<vmem>>, vector<1x16xf32>,
            %broadcast_in_dim3A_399 = arith.constant 0.000000e+00 : f32
            %broadcast_in_dim3A_400 = vector.broadcast %broadcast_in_dim3A_399 : f32 to vector<16xf32>
            %swap3A_401 = arith.index_cast %while3A_209 : i32 to index
            %swap3A_402 = arith.constant 432 : index
            %swap3A_403 = tpu.vector_load %arg8[%swap3A_401, %swap3A_402] {strides = array<i32>} : memref<32x512xf32, #tpu.memory_space<vmem>>, vector<1x16xf32>,
            %swap3A_404 = vector.shape_cast %swap3A_403 : vector<1x16xf32> to vector<16xf32>
            %swap3A_405 = vector.shape_cast %broadcast_in_dim3A_400 : vector<16xf32> to vector<1x16xf32>
            tpu.vector_store %arg8[%swap3A_401, %swap3A_402], %swap3A_405 {strides = array<i32>} : memref<32x512xf32, #tpu.memory_space<vmem>>, vector<1x16xf32>,
            %broadcast_in_dim3A_406 = arith.constant 0.000000e+00 : f32
            %broadcast_in_dim3A_407 = vector.broadcast %broadcast_in_dim3A_406 : f32 to vector<16xf32>
            %swap3A_408 = arith.index_cast %while3A_209 : i32 to index
            %swap3A_409 = arith.constant 448 : index
            %swap3A_410 = tpu.vector_load %arg8[%swap3A_408, %swap3A_409] {strides = array<i32>} : memref<32x512xf32, #tpu.memory_space<vmem>>, vector<1x16xf32>,
            %swap3A_411 = vector.shape_cast %swap3A_410 : vector<1x16xf32> to vector<16xf32>
            %swap3A_412 = vector.shape_cast %broadcast_in_dim3A_407 : vector<16xf32> to vector<1x16xf32>
            tpu.vector_store %arg8[%swap3A_408, %swap3A_409], %swap3A_412 {strides = array<i32>} : memref<32x512xf32, #tpu.memory_space<vmem>>, vector<1x16xf32>,
            %broadcast_in_dim3A_413 = arith.constant 0.000000e+00 : f32
            %broadcast_in_dim3A_414 = vector.broadcast %broadcast_in_dim3A_413 : f32 to vector<16xf32>
            %swap3A_415 = arith.index_cast %while3A_209 : i32 to index
            %swap3A_416 = arith.constant 464 : index
            %swap3A_417 = tpu.vector_load %arg8[%swap3A_415, %swap3A_416] {strides = array<i32>} : memref<32x512xf32, #tpu.memory_space<vmem>>, vector<1x16xf32>,
            %swap3A_418 = vector.shape_cast %swap3A_417 : vector<1x16xf32> to vector<16xf32>
            %swap3A_419 = vector.shape_cast %broadcast_in_dim3A_414 : vector<16xf32> to vector<1x16xf32>
            tpu.vector_store %arg8[%swap3A_415, %swap3A_416], %swap3A_419 {strides = array<i32>} : memref<32x512xf32, #tpu.memory_space<vmem>>, vector<1x16xf32>,
            %broadcast_in_dim3A_420 = arith.constant 0.000000e+00 : f32
            %broadcast_in_dim3A_421 = vector.broadcast %broadcast_in_dim3A_420 : f32 to vector<16xf32>
            %swap3A_422 = arith.index_cast %while3A_209 : i32 to index
            %swap3A_423 = arith.constant 480 : index
            %swap3A_424 = tpu.vector_load %arg8[%swap3A_422, %swap3A_423] {strides = array<i32>} : memref<32x512xf32, #tpu.memory_space<vmem>>, vector<1x16xf32>,
            %swap3A_425 = vector.shape_cast %swap3A_424 : vector<1x16xf32> to vector<16xf32>
            %swap3A_426 = vector.shape_cast %broadcast_in_dim3A_421 : vector<16xf32> to vector<1x16xf32>
            tpu.vector_store %arg8[%swap3A_422, %swap3A_423], %swap3A_426 {strides = array<i32>} : memref<32x512xf32, #tpu.memory_space<vmem>>, vector<1x16xf32>,
            %broadcast_in_dim3A_427 = arith.constant 0.000000e+00 : f32
            %broadcast_in_dim3A_428 = vector.broadcast %broadcast_in_dim3A_427 : f32 to vector<16xf32>
            %swap3A_429 = arith.index_cast %while3A_209 : i32 to index
            %swap3A_430 = arith.constant 496 : index
            %swap3A_431 = tpu.vector_load %arg8[%swap3A_429, %swap3A_430] {strides = array<i32>} : memref<32x512xf32, #tpu.memory_space<vmem>>, vector<1x16xf32>,
            %swap3A_432 = vector.shape_cast %swap3A_431 : vector<1x16xf32> to vector<16xf32>
            %swap3A_433 = vector.shape_cast %broadcast_in_dim3A_428 : vector<16xf32> to vector<1x16xf32>
            tpu.vector_store %arg8[%swap3A_429, %swap3A_430], %swap3A_433 {strides = array<i32>} : memref<32x512xf32, #tpu.memory_space<vmem>>, vector<1x16xf32>,
          }
          %while3A_208 = arith.constant 1 : i32
          scf.for %while3A_209 = %while3A_206 to %while3A_202 step %while3A_208  : i32 {
            %broadcast_in_dim3A_210 = arith.constant 0.000000e+00 : f32
            %broadcast_in_dim3A_211 = vector.broadcast %broadcast_in_dim3A_210 : f32 to vector<16xf32>
            %swap3A_212 = arith.index_cast %while3A_209 : i32 to index
            %swap3A_213 = arith.constant 0 : index
            %swap3A_214 = tpu.vector_load %arg8[%swap3A_212, %swap3A_213] {strides = array<i32>} : memref<32x512xf32, #tpu.memory_space<vmem>>, vector<1x16xf32>,
            %swap3A_215 = vector.shape_cast %swap3A_214 : vector<1x16xf32> to vector<16xf32>
            %swap3A_216 = vector.shape_cast %broadcast_in_dim3A_211 : vector<16xf32> to vector<1x16xf32>
            tpu.vector_store %arg8[%swap3A_212, %swap3A_213], %swap3A_216 {strides = array<i32>} : memref<32x512xf32, #tpu.memory_space<vmem>>, vector<1x16xf32>,
            %broadcast_in_dim3A_217 = arith.constant 0.000000e+00 : f32
            %broadcast_in_dim3A_218 = vector.broadcast %broadcast_in_dim3A_217 : f32 to vector<16xf32>
            %swap3A_219 = arith.index_cast %while3A_209 : i32 to index
            %swap3A_220 = arith.constant 16 : index
            %swap3A_221 = tpu.vector_load %arg8[%swap3A_219, %swap3A_220] {strides = array<i32>} : memref<32x512xf32, #tpu.memory_space<vmem>>, vector<1x16xf32>,
            %swap3A_222 = vector.shape_cast %swap3A_221 : vector<1x16xf32> to vector<16xf32>
            %swap3A_223 = vector.shape_cast %broadcast_in_dim3A_218 : vector<16xf32> to vector<1x16xf32>
            tpu.vector_store %arg8[%swap3A_219, %swap3A_220], %swap3A_223 {strides = array<i32>} : memref<32x512xf32, #tpu.memory_space<vmem>>, vector<1x16xf32>,
            %broadcast_in_dim3A_224 = arith.constant 0.000000e+00 : f32
            %broadcast_in_dim3A_225 = vector.broadcast %broadcast_in_dim3A_224 : f32 to vector<16xf32>
            %swap3A_226 = arith.index_cast %while3A_209 : i32 to index
            %swap3A_227 = arith.constant 32 : index
            %swap3A_228 = tpu.vector_load %arg8[%swap3A_226, %swap3A_227] {strides = array<i32>} : memref<32x512xf32, #tpu.memory_space<vmem>>, vector<1x16xf32>,
            %swap3A_229 = vector.shape_cast %swap3A_228 : vector<1x16xf32> to vector<16xf32>
            %swap3A_230 = vector.shape_cast %broadcast_in_dim3A_225 : vector<16xf32> to vector<1x16xf32>
            tpu.vector_store %arg8[%swap3A_226, %swap3A_227], %swap3A_230 {strides = array<i32>} : memref<32x512xf32, #tpu.memory_space<vmem>>, vector<1x16xf32>,
            %broadcast_in_dim3A_231 = arith.constant 0.000000e+00 : f32
            %broadcast_in_dim3A_232 = vector.broadcast %broadcast_in_dim3A_231 : f32 to vector<16xf32>
            %swap3A_233 = arith.index_cast %while3A_209 : i32 to index
            %swap3A_234 = arith.constant 48 : index
            %swap3A_235 = tpu.vector_load %arg8[%swap3A_233, %swap3A_234] {strides = array<i32>} : memref<32x512xf32, #tpu.memory_space<vmem>>, vector<1x16xf32>,
            %swap3A_236 = vector.shape_cast %swap3A_235 : vector<1x16xf32> to vector<16xf32>
            %swap3A_237 = vector.shape_cast %broadcast_in_dim3A_232 : vector<16xf32> to vector<1x16xf32>
            tpu.vector_store %arg8[%swap3A_233, %swap3A_234], %swap3A_237 {strides = array<i32>} : memref<32x512xf32, #tpu.memory_space<vmem>>, vector<1x16xf32>,
            %broadcast_in_dim3A_238 = arith.constant 0.000000e+00 : f32
            %broadcast_in_dim3A_239 = vector.broadcast %broadcast_in_dim3A_238 : f32 to vector<16xf32>
            %swap3A_240 = arith.index_cast %while3A_209 : i32 to index
            %swap3A_241 = arith.constant 64 : index
            %swap3A_242 = tpu.vector_load %arg8[%swap3A_240, %swap3A_241] {strides = array<i32>} : memref<32x512xf32, #tpu.memory_space<vmem>>, vector<1x16xf32>,
            %swap3A_243 = vector.shape_cast %swap3A_242 : vector<1x16xf32> to vector<16xf32>
            %swap3A_244 = vector.shape_cast %broadcast_in_dim3A_239 : vector<16xf32> to vector<1x16xf32>
            tpu.vector_store %arg8[%swap3A_240, %swap3A_241], %swap3A_244 {strides = array<i32>} : memref<32x512xf32, #tpu.memory_space<vmem>>, vector<1x16xf32>,
            %broadcast_in_dim3A_245 = arith.constant 0.000000e+00 : f32
            %broadcast_in_dim3A_246 = vector.broadcast %broadcast_in_dim3A_245 : f32 to vector<16xf32>
            %swap3A_247 = arith.index_cast %while3A_209 : i32 to index
            %swap3A_248 = arith.constant 80 : index
            %swap3A_249 = tpu.vector_load %arg8[%swap3A_247, %swap3A_248] {strides = array<i32>} : memref<32x512xf32, #tpu.memory_space<vmem>>, vector<1x16xf32>,
            %swap3A_250 = vector.shape_cast %swap3A_249 : vector<1x16xf32> to vector<16xf32>
            %swap3A_251 = vector.shape_cast %broadcast_in_dim3A_246 : vector<16xf32> to vector<1x16xf32>
            tpu.vector_store %arg8[%swap3A_247, %swap3A_248], %swap3A_251 {strides = array<i32>} : memref<32x512xf32, #tpu.memory_space<vmem>>, vector<1x16xf32>,
            %broadcast_in_dim3A_252 = arith.constant 0.000000e+00 : f32
            %broadcast_in_dim3A_253 = vector.broadcast %broadcast_in_dim3A_252 : f32 to vector<16xf32>
            %swap3A_254 = arith.index_cast %while3A_209 : i32 to index
            %swap3A_255 = arith.constant 96 : index
            %swap3A_256 = tpu.vector_load %arg8[%swap3A_254, %swap3A_255] {strides = array<i32>} : memref<32x512xf32, #tpu.memory_space<vmem>>, vector<1x16xf32>,
            %swap3A_257 = vector.shape_cast %swap3A_256 : vector<1x16xf32> to vector<16xf32>
            %swap3A_258 = vector.shape_cast %broadcast_in_dim3A_253 : vector<16xf32> to vector<1x16xf32>
            tpu.vector_store %arg8[%swap3A_254, %swap3A_255], %swap3A_258 {strides = array<i32>} : memref<32x512xf32, #tpu.memory_space<vmem>>, vector<1x16xf32>,
            %broadcast_in_dim3A_259 = arith.constant 0.000000e+00 : f32
            %broadcast_in_dim3A_260 = vector.broadcast %broadcast_in_dim3A_259 : f32 to vector<16xf32>
            %swap3A_261 = arith.index_cast %while3A_209 : i32 to index
            %swap3A_262 = arith.constant 112 : index
            %swap3A_263 = tpu.vector_load %arg8[%swap3A_261, %swap3A_262] {strides = array<i32>} : memref<32x512xf32, #tpu.memory_space<vmem>>, vector<1x16xf32>,
            %swap3A_264 = vector.shape_cast %swap3A_263 : vector<1x16xf32> to vector<16xf32>
            %swap3A_265 = vector.shape_cast %broadcast_in_dim3A_260 : vector<16xf32> to vector<1x16xf32>
            tpu.vector_store %arg8[%swap3A_261, %swap3A_262], %swap3A_265 {strides = array<i32>} : memref<32x512xf32, #tpu.memory_space<vmem>>, vector<1x16xf32>,
            %broadcast_in_dim3A_266 = arith.constant 0.000000e+00 : f32
            %broadcast_in_dim3A_267 = vector.broadcast %broadcast_in_dim3A_266 : f32 to vector<16xf32>
            %swap3A_268 = arith.index_cast %while3A_209 : i32 to index
            %swap3A_269 = arith.constant 128 : index
            %swap3A_270 = tpu.vector_load %arg8[%swap3A_268, %swap3A_269] {strides = array<i32>} : memref<32x512xf32, #tpu.memory_space<vmem>>, vector<1x16xf32>,
            %swap3A_271 = vector.shape_cast %swap3A_270 : vector<1x16xf32> to vector<16xf32>
            %swap3A_272 = vector.shape_cast %broadcast_in_dim3A_267 : vector<16xf32> to vector<1x16xf32>
            tpu.vector_store %arg8[%swap3A_268, %swap3A_269], %swap3A_272 {strides = array<i32>} : memref<32x512xf32, #tpu.memory_space<vmem>>, vector<1x16xf32>,
            %broadcast_in_dim3A_273 = arith.constant 0.000000e+00 : f32
            %broadcast_in_dim3A_274 = vector.broadcast %broadcast_in_dim3A_273 : f32 to vector<16xf32>
            %swap3A_275 = arith.index_cast %while3A_209 : i32 to index
            %swap3A_276 = arith.constant 144 : index
            %swap3A_277 = tpu.vector_load %arg8[%swap3A_275, %swap3A_276] {strides = array<i32>} : memref<32x512xf32, #tpu.memory_space<vmem>>, vector<1x16xf32>,
            %swap3A_278 = vector.shape_cast %swap3A_277 : vector<1x16xf32> to vector<16xf32>
            %swap3A_279 = vector.shape_cast %broadcast_in_dim3A_274 : vector<16xf32> to vector<1x16xf32>
            tpu.vector_store %arg8[%swap3A_275, %swap3A_276], %swap3A_279 {strides = array<i32>} : memref<32x512xf32, #tpu.memory_space<vmem>>, vector<1x16xf32>,
            %broadcast_in_dim3A_280 = arith.constant 0.000000e+00 : f32
            %broadcast_in_dim3A_281 = vector.broadcast %broadcast_in_dim3A_280 : f32 to vector<16xf32>
            %swap3A_282 = arith.index_cast %while3A_209 : i32 to index
            %swap3A_283 = arith.constant 160 : index
            %swap3A_284 = tpu.vector_load %arg8[%swap3A_282, %swap3A_283] {strides = array<i32>} : memref<32x512xf32, #tpu.memory_space<vmem>>, vector<1x16xf32>,
            %swap3A_285 = vector.shape_cast %swap3A_284 : vector<1x16xf32> to vector<16xf32>
            %swap3A_286 = vector.shape_cast %broadcast_in_dim3A_281 : vector<16xf32> to vector<1x16xf32>
            tpu.vector_store %arg8[%swap3A_282, %swap3A_283], %swap3A_286 {strides = array<i32>} : memref<32x512xf32, #tpu.memory_space<vmem>>, vector<1x16xf32>,
            %broadcast_in_dim3A_287 = arith.constant 0.000000e+00 : f32
            %broadcast_in_dim3A_288 = vector.broadcast %broadcast_in_dim3A_287 : f32 to vector<16xf32>
            %swap3A_289 = arith.index_cast %while3A_209 : i32 to index
            %swap3A_290 = arith.constant 176 : index
            %swap3A_291 = tpu.vector_load %arg8[%swap3A_289, %swap3A_290] {strides = array<i32>} : memref<32x512xf32, #tpu.memory_space<vmem>>, vector<1x16xf32>,
            %swap3A_292 = vector.shape_cast %swap3A_291 : vector<1x16xf32> to vector<16xf32>
            %swap3A_293 = vector.shape_cast %broadcast_in_dim3A_288 : vector<16xf32> to vector<1x16xf32>
            tpu.vector_store %arg8[%swap3A_289, %swap3A_290], %swap3A_293 {strides = array<i32>} : memref<32x512xf32, #tpu.memory_space<vmem>>, vector<1x16xf32>,
            %broadcast_in_dim3A_294 = arith.constant 0.000000e+00 : f32
            %broadcast_in_dim3A_295 = vector.broadcast %broadcast_in_dim3A_294 : f32 to vector<16xf32>
            %swap3A_296 = arith.index_cast %while3A_209 : i32 to index
            %swap3A_297 = arith.constant 192 : index
            %swap3A_298 = tpu.vector_load %arg8[%swap3A_296, %swap3A_297] {strides = array<i32>} : memref<32x512xf32, #tpu.memory_space<vmem>>, vector<1x16xf32>,
            %swap3A_299 = vector.shape_cast %swap3A_298 : vector<1x16xf32> to vector<16xf32>
            %swap3A_300 = vector.shape_cast %broadcast_in_dim3A_295 : vector<16xf32> to vector<1x16xf32>
            tpu.vector_store %arg8[%swap3A_296, %swap3A_297], %swap3A_300 {strides = array<i32>} : memref<32x512xf32, #tpu.memory_space<vmem>>, vector<1x16xf32>,
            %broadcast_in_dim3A_301 = arith.constant 0.000000e+00 : f32
            %broadcast_in_dim3A_302 = vector.broadcast %broadcast_in_dim3A_301 : f32 to vector<16xf32>
            %swap3A_303 = arith.index_cast %while3A_209 : i32 to index
            %swap3A_304 = arith.constant 208 : index
            %swap3A_305 = tpu.vector_load %arg8[%swap3A_303, %swap3A_304] {strides = array<i32>} : memref<32x512xf32, #tpu.memory_space<vmem>>, vector<1x16xf32>,
            %swap3A_306 = vector.shape_cast %swap3A_305 : vector<1x16xf32> to vector<16xf32>
            %swap3A_307 = vector.shape_cast %broadcast_in_dim3A_302 : vector<16xf32> to vector<1x16xf32>
            tpu.vector_store %arg8[%swap3A_303, %swap3A_304], %swap3A_307 {strides = array<i32>} : memref<32x512xf32, #tpu.memory_space<vmem>>, vector<1x16xf32>,
            %broadcast_in_dim3A_308 = arith.constant 0.000000e+00 : f32
            %broadcast_in_dim3A_309 = vector.broadcast %broadcast_in_dim3A_308 : f32 to vector<16xf32>
            %swap3A_310 = arith.index_cast %while3A_209 : i32 to index
            %swap3A_311 = arith.constant 224 : index
            %swap3A_312 = tpu.vector_load %arg8[%swap3A_310, %swap3A_311] {strides = array<i32>} : memref<32x512xf32, #tpu.memory_space<vmem>>, vector<1x16xf32>,
            %swap3A_313 = vector.shape_cast %swap3A_312 : vector<1x16xf32> to vector<16xf32>
            %swap3A_314 = vector.shape_cast %broadcast_in_dim3A_309 : vector<16xf32> to vector<1x16xf32>
            tpu.vector_store %arg8[%swap3A_310, %swap3A_311], %swap3A_314 {strides = array<i32>} : memref<32x512xf32, #tpu.memory_space<vmem>>, vector<1x16xf32>,
            %broadcast_in_dim3A_315 = arith.constant 0.000000e+00 : f32
            %broadcast_in_dim3A_316 = vector.broadcast %broadcast_in_dim3A_315 : f32 to vector<16xf32>
            %swap3A_317 = arith.index_cast %while3A_209 : i32 to index
            %swap3A_318 = arith.constant 240 : index
            %swap3A_319 = tpu.vector_load %arg8[%swap3A_317, %swap3A_318] {strides = array<i32>} : memref<32x512xf32, #tpu.memory_space<vmem>>, vector<1x16xf32>,
            %swap3A_320 = vector.shape_cast %swap3A_319 : vector<1x16xf32> to vector<16xf32>
            %swap3A_321 = vector.shape_cast %broadcast_in_dim3A_316 : vector<16xf32> to vector<1x16xf32>
            tpu.vector_store %arg8[%swap3A_317, %swap3A_318], %swap3A_321 {strides = array<i32>} : memref<32x512xf32, #tpu.memory_space<vmem>>, vector<1x16xf32>,
            %broadcast_in_dim3A_322 = arith.constant 0.000000e+00 : f32
            %broadcast_in_dim3A_323 = vector.broadcast %broadcast_in_dim3A_322 : f32 to vector<16xf32>
            %swap3A_324 = arith.index_cast %while3A_209 : i32 to index
            %swap3A_325 = arith.constant 256 : index
            %swap3A_326 = tpu.vector_load %arg8[%swap3A_324, %swap3A_325] {strides = array<i32>} : memref<32x512xf32, #tpu.memory_space<vmem>>, vector<1x16xf32>,
            %swap3A_327 = vector.shape_cast %swap3A_326 : vector<1x16xf32> to vector<16xf32>
            %swap3A_328 = vector.shape_cast %broadcast_in_dim3A_323 : vector<16xf32> to vector<1x16xf32>
            tpu.vector_store %arg8[%swap3A_324, %swap3A_325], %swap3A_328 {strides = array<i32>} : memref<32x512xf32, #tpu.memory_space<vmem>>, vector<1x16xf32>,
            %broadcast_in_dim3A_329 = arith.constant 0.000000e+00 : f32
            %broadcast_in_dim3A_330 = vector.broadcast %broadcast_in_dim3A_329 : f32 to vector<16xf32>
            %swap3A_331 = arith.index_cast %while3A_209 : i32 to index
            %swap3A_332 = arith.constant 272 : index
            %swap3A_333 = tpu.vector_load %arg8[%swap3A_331, %swap3A_332] {strides = array<i32>} : memref<32x512xf32, #tpu.memory_space<vmem>>, vector<1x16xf32>,
            %swap3A_334 = vector.shape_cast %swap3A_333 : vector<1x16xf32> to vector<16xf32>
            %swap3A_335 = vector.shape_cast %broadcast_in_dim3A_330 : vector<16xf32> to vector<1x16xf32>
            tpu.vector_store %arg8[%swap3A_331, %swap3A_332], %swap3A_335 {strides = array<i32>} : memref<32x512xf32, #tpu.memory_space<vmem>>, vector<1x16xf32>,
            %broadcast_in_dim3A_336 = arith.constant 0.000000e+00 : f32
            %broadcast_in_dim3A_337 = vector.broadcast %broadcast_in_dim3A_336 : f32 to vector<16xf32>
            %swap3A_338 = arith.index_cast %while3A_209 : i32 to index
            %swap3A_339 = arith.constant 288 : index
            %swap3A_340 = tpu.vector_load %arg8[%swap3A_338, %swap3A_339] {strides = array<i32>} : memref<32x512xf32, #tpu.memory_space<vmem>>, vector<1x16xf32>,
            %swap3A_341 = vector.shape_cast %swap3A_340 : vector<1x16xf32> to vector<16xf32>
            %swap3A_342 = vector.shape_cast %broadcast_in_dim3A_337 : vector<16xf32> to vector<1x16xf32>
            tpu.vector_store %arg8[%swap3A_338, %swap3A_339], %swap3A_342 {strides = array<i32>} : memref<32x512xf32, #tpu.memory_space<vmem>>, vector<1x16xf32>,
            %broadcast_in_dim3A_343 = arith.constant 0.000000e+00 : f32
            %broadcast_in_dim3A_344 = vector.broadcast %broadcast_in_dim3A_343 : f32 to vector<16xf32>
            %swap3A_345 = arith.index_cast %while3A_209 : i32 to index
            %swap3A_346 = arith.constant 304 : index
            %swap3A_347 = tpu.vector_load %arg8[%swap3A_345, %swap3A_346] {strides = array<i32>} : memref<32x512xf32, #tpu.memory_space<vmem>>, vector<1x16xf32>,
            %swap3A_348 = vector.shape_cast %swap3A_347 : vector<1x16xf32> to vector<16xf32>
            %swap3A_349 = vector.shape_cast %broadcast_in_dim3A_344 : vector<16xf32> to vector<1x16xf32>
            tpu.vector_store %arg8[%swap3A_345, %swap3A_346], %swap3A_349 {strides = array<i32>} : memref<32x512xf32, #tpu.memory_space<vmem>>, vector<1x16xf32>,
            %broadcast_in_dim3A_350 = arith.constant 0.000000e+00 : f32
            %broadcast_in_dim3A_351 = vector.broadcast %broadcast_in_dim3A_350 : f32 to vector<16xf32>
            %swap3A_352 = arith.index_cast %while3A_209 : i32 to index
            %swap3A_353 = arith.constant 320 : index
            %swap3A_354 = tpu.vector_load %arg8[%swap3A_352, %swap3A_353] {strides = array<i32>} : memref<32x512xf32, #tpu.memory_space<vmem>>, vector<1x16xf32>,
            %swap3A_355 = vector.shape_cast %swap3A_354 : vector<1x16xf32> to vector<16xf32>
            %swap3A_356 = vector.shape_cast %broadcast_in_dim3A_351 : vector<16xf32> to vector<1x16xf32>
            tpu.vector_store %arg8[%swap3A_352, %swap3A_353], %swap3A_356 {strides = array<i32>} : memref<32x512xf32, #tpu.memory_space<vmem>>, vector<1x16xf32>,
            %broadcast_in_dim3A_357 = arith.constant 0.000000e+00 : f32
            %broadcast_in_dim3A_358 = vector.broadcast %broadcast_in_dim3A_357 : f32 to vector<16xf32>
            %swap3A_359 = arith.index_cast %while3A_209 : i32 to index
            %swap3A_360 = arith.constant 336 : index
            %swap3A_361 = tpu.vector_load %arg8[%swap3A_359, %swap3A_360] {strides = array<i32>} : memref<32x512xf32, #tpu.memory_space<vmem>>, vector<1x16xf32>,
            %swap3A_362 = vector.shape_cast %swap3A_361 : vector<1x16xf32> to vector<16xf32>
            %swap3A_363 = vector.shape_cast %broadcast_in_dim3A_358 : vector<16xf32> to vector<1x16xf32>
            tpu.vector_store %arg8[%swap3A_359, %swap3A_360], %swap3A_363 {strides = array<i32>} : memref<32x512xf32, #tpu.memory_space<vmem>>, vector<1x16xf32>,
            %broadcast_in_dim3A_364 = arith.constant 0.000000e+00 : f32
            %broadcast_in_dim3A_365 = vector.broadcast %broadcast_in_dim3A_364 : f32 to vector<16xf32>
            %swap3A_366 = arith.index_cast %while3A_209 : i32 to index
            %swap3A_367 = arith.constant 352 : index
            %swap3A_368 = tpu.vector_load %arg8[%swap3A_366, %swap3A_367] {strides = array<i32>} : memref<32x512xf32, #tpu.memory_space<vmem>>, vector<1x16xf32>,
            %swap3A_369 = vector.shape_cast %swap3A_368 : vector<1x16xf32> to vector<16xf32>
            %swap3A_370 = vector.shape_cast %broadcast_in_dim3A_365 : vector<16xf32> to vector<1x16xf32>
            tpu.vector_store %arg8[%swap3A_366, %swap3A_367], %swap3A_370 {strides = array<i32>} : memref<32x512xf32, #tpu.memory_space<vmem>>, vector<1x16xf32>,
            %broadcast_in_dim3A_371 = arith.constant 0.000000e+00 : f32
            %broadcast_in_dim3A_372 = vector.broadcast %broadcast_in_dim3A_371 : f32 to vector<16xf32>
            %swap3A_373 = arith.index_cast %while3A_209 : i32 to index
            %swap3A_374 = arith.constant 368 : index
            %swap3A_375 = tpu.vector_load %arg8[%swap3A_373, %swap3A_374] {strides = array<i32>} : memref<32x512xf32, #tpu.memory_space<vmem>>, vector<1x16xf32>,
            %swap3A_376 = vector.shape_cast %swap3A_375 : vector<1x16xf32> to vector<16xf32>
            %swap3A_377 = vector.shape_cast %broadcast_in_dim3A_372 : vector<16xf32> to vector<1x16xf32>
            tpu.vector_store %arg8[%swap3A_373, %swap3A_374], %swap3A_377 {strides = array<i32>} : memref<32x512xf32, #tpu.memory_space<vmem>>, vector<1x16xf32>,
            %broadcast_in_dim3A_378 = arith.constant 0.000000e+00 : f32
            %broadcast_in_dim3A_379 = vector.broadcast %broadcast_in_dim3A_378 : f32 to vector<16xf32>
            %swap3A_380 = arith.index_cast %while3A_209 : i32 to index
            %swap3A_381 = arith.constant 384 : index
            %swap3A_382 = tpu.vector_load %arg8[%swap3A_380, %swap3A_381] {strides = array<i32>} : memref<32x512xf32, #tpu.memory_space<vmem>>, vector<1x16xf32>,
            %swap3A_383 = vector.shape_cast %swap3A_382 : vector<1x16xf32> to vector<16xf32>
            %swap3A_384 = vector.shape_cast %broadcast_in_dim3A_379 : vector<16xf32> to vector<1x16xf32>
            tpu.vector_store %arg8[%swap3A_380, %swap3A_381], %swap3A_384 {strides = array<i32>} : memref<32x512xf32, #tpu.memory_space<vmem>>, vector<1x16xf32>,
            %broadcast_in_dim3A_385 = arith.constant 0.000000e+00 : f32
            %broadcast_in_dim3A_386 = vector.broadcast %broadcast_in_dim3A_385 : f32 to vector<16xf32>
            %swap3A_387 = arith.index_cast %while3A_209 : i32 to index
            %swap3A_388 = arith.constant 400 : index
            %swap3A_389 = tpu.vector_load %arg8[%swap3A_387, %swap3A_388] {strides = array<i32>} : memref<32x512xf32, #tpu.memory_space<vmem>>, vector<1x16xf32>,
            %swap3A_390 = vector.shape_cast %swap3A_389 : vector<1x16xf32> to vector<16xf32>
            %swap3A_391 = vector.shape_cast %broadcast_in_dim3A_386 : vector<16xf32> to vector<1x16xf32>
            tpu.vector_store %arg8[%swap3A_387, %swap3A_388], %swap3A_391 {strides = array<i32>} : memref<32x512xf32, #tpu.memory_space<vmem>>, vector<1x16xf32>,
            %broadcast_in_dim3A_392 = arith.constant 0.000000e+00 : f32
            %broadcast_in_dim3A_393 = vector.broadcast %broadcast_in_dim3A_392 : f32 to vector<16xf32>
            %swap3A_394 = arith.index_cast %while3A_209 : i32 to index
            %swap3A_395 = arith.constant 416 : index
            %swap3A_396 = tpu.vector_load %arg8[%swap3A_394, %swap3A_395] {strides = array<i32>} : memref<32x512xf32, #tpu.memory_space<vmem>>, vector<1x16xf32>,
            %swap3A_397 = vector.shape_cast %swap3A_396 : vector<1x16xf32> to vector<16xf32>
            %swap3A_398 = vector.shape_cast %broadcast_in_dim3A_393 : vector<16xf32> to vector<1x16xf32>
            tpu.vector_store %arg8[%swap3A_394, %swap3A_395], %swap3A_398 {strides = array<i32>} : memref<32x512xf32, #tpu.memory_space<vmem>>, vector<1x16xf32>,
            %broadcast_in_dim3A_399 = arith.constant 0.000000e+00 : f32
            %broadcast_in_dim3A_400 = vector.broadcast %broadcast_in_dim3A_399 : f32 to vector<16xf32>
            %swap3A_401 = arith.index_cast %while3A_209 : i32 to index
            %swap3A_402 = arith.constant 432 : index
            %swap3A_403 = tpu.vector_load %arg8[%swap3A_401, %swap3A_402] {strides = array<i32>} : memref<32x512xf32, #tpu.memory_space<vmem>>, vector<1x16xf32>,
            %swap3A_404 = vector.shape_cast %swap3A_403 : vector<1x16xf32> to vector<16xf32>
            %swap3A_405 = vector.shape_cast %broadcast_in_dim3A_400 : vector<16xf32> to vector<1x16xf32>
            tpu.vector_store %arg8[%swap3A_401, %swap3A_402], %swap3A_405 {strides = array<i32>} : memref<32x512xf32, #tpu.memory_space<vmem>>, vector<1x16xf32>,
            %broadcast_in_dim3A_406 = arith.constant 0.000000e+00 : f32
            %broadcast_in_dim3A_407 = vector.broadcast %broadcast_in_dim3A_406 : f32 to vector<16xf32>
            %swap3A_408 = arith.index_cast %while3A_209 : i32 to index
            %swap3A_409 = arith.constant 448 : index
            %swap3A_410 = tpu.vector_load %arg8[%swap3A_408, %swap3A_409] {strides = array<i32>} : memref<32x512xf32, #tpu.memory_space<vmem>>, vector<1x16xf32>,
            %swap3A_411 = vector.shape_cast %swap3A_410 : vector<1x16xf32> to vector<16xf32>
            %swap3A_412 = vector.shape_cast %broadcast_in_dim3A_407 : vector<16xf32> to vector<1x16xf32>
            tpu.vector_store %arg8[%swap3A_408, %swap3A_409], %swap3A_412 {strides = array<i32>} : memref<32x512xf32, #tpu.memory_space<vmem>>, vector<1x16xf32>,
            %broadcast_in_dim3A_413 = arith.constant 0.000000e+00 : f32
            %broadcast_in_dim3A_414 = vector.broadcast %broadcast_in_dim3A_413 : f32 to vector<16xf32>
            %swap3A_415 = arith.index_cast %while3A_209 : i32 to index
            %swap3A_416 = arith.constant 464 : index
            %swap3A_417 = tpu.vector_load %arg8[%swap3A_415, %swap3A_416] {strides = array<i32>} : memref<32x512xf32, #tpu.memory_space<vmem>>, vector<1x16xf32>,
            %swap3A_418 = vector.shape_cast %swap3A_417 : vector<1x16xf32> to vector<16xf32>
            %swap3A_419 = vector.shape_cast %broadcast_in_dim3A_414 : vector<16xf32> to vector<1x16xf32>
            tpu.vector_store %arg8[%swap3A_415, %swap3A_416], %swap3A_419 {strides = array<i32>} : memref<32x512xf32, #tpu.memory_space<vmem>>, vector<1x16xf32>,
            %broadcast_in_dim3A_420 = arith.constant 0.000000e+00 : f32
            %broadcast_in_dim3A_421 = vector.broadcast %broadcast_in_dim3A_420 : f32 to vector<16xf32>
            %swap3A_422 = arith.index_cast %while3A_209 : i32 to index
            %swap3A_423 = arith.constant 480 : index
            %swap3A_424 = tpu.vector_load %arg8[%swap3A_422, %swap3A_423] {strides = array<i32>} : memref<32x512xf32, #tpu.memory_space<vmem>>, vector<1x16xf32>,
            %swap3A_425 = vector.shape_cast %swap3A_424 : vector<1x16xf32> to vector<16xf32>
            %swap3A_426 = vector.shape_cast %broadcast_in_dim3A_421 : vector<16xf32> to vector<1x16xf32>
            tpu.vector_store %arg8[%swap3A_422, %swap3A_423], %swap3A_426 {strides = array<i32>} : memref<32x512xf32, #tpu.memory_space<vmem>>, vector<1x16xf32>,
            %broadcast_in_dim3A_427 = arith.constant 0.000000e+00 : f32
            %broadcast_in_dim3A_428 = vector.broadcast %broadcast_in_dim3A_427 : f32 to vector<16xf32>
            %swap3A_429 = arith.index_cast %while3A_209 : i32 to index
            %swap3A_430 = arith.constant 496 : index
            %swap3A_431 = tpu.vector_load %arg8[%swap3A_429, %swap3A_430] {strides = array<i32>} : memref<32x512xf32, #tpu.memory_space<vmem>>, vector<1x16xf32>,
            %swap3A_432 = vector.shape_cast %swap3A_431 : vector<1x16xf32> to vector<16xf32>
            %swap3A_433 = vector.shape_cast %broadcast_in_dim3A_428 : vector<16xf32> to vector<1x16xf32>
            tpu.vector_store %arg8[%swap3A_429, %swap3A_430], %swap3A_433 {strides = array<i32>} : memref<32x512xf32, #tpu.memory_space<vmem>>, vector<1x16xf32>,
          }
        } else {
        }
        %mul3A_184 = arith.constant 32 : i32
        %mul3A_185 = arith.muli %add3A_138, %mul3A_184 : i32
        %add3A_186 = arith.addi %mul3A_32, %mul3A_185 : i32
        %dma_start3A = arith.constant 0 : i32
        %dma_start3A_187 = tpu.memref_slice %arg4[%select_n3A, %add3A_186, %dma_start3A] : memref<16x2048x512xf32, #tpu.memory_space<hbm>> -> memref<1x32x512xf32, #tpu.memory_space<hbm>>
        %dma_start3A_188 = tpu.memref_squeeze %dma_start3A_187 : memref<1x32x512xf32, #tpu.memory_space<hbm>> -> memref<32x512xf32, #tpu.memory_space<hbm>>
        %dma_start3A_189 = arith.constant 0 : i32
        %dma_start3A_190 = tpu.memref_slice %arg4[%select_n3A, %add3A_186, %dma_start3A_189] : memref<16x2048x512xf32, #tpu.memory_space<hbm>> -> memref<1x32x512xf32, #tpu.memory_space<hbm>>
        %dma_start3A_191 = tpu.memref_squeeze %dma_start3A_190 : memref<1x32x512xf32, #tpu.memory_space<hbm>> -> memref<32x512xf32, #tpu.memory_space<hbm>>
        tpu.enqueue_dma source(%arg8 : memref<32x512xf32, #tpu.memory_space<vmem>>) target(%dma_start3A_191 : memref<32x512xf32, #tpu.memory_space<hbm>>) target_semaphore(%arg17 : memref<!tpu.dma_semaphore, #tpu.memory_space<semaphore_mem>>)
        %add3A_192 = arith.constant 4 : i32
        %add3A_193 = arith.addi %add3A_138, %add3A_192 : i32
        %sub3A_194 = arith.constant 1 : i32
        %sub3A_195 = arith.subi %add3A_193, %sub3A_194 : i32
        %lt3A_196 = arith.cmpi slt, %sub3A_195, %add3A_91 : i32
        %convert_element_type3A_197 = arith.extui %lt3A_196 : i1 to i32
        %cond3A_198 = arith.constant 0 : i32
        %cond3A_199 = arith.cmpi ne, %convert_element_type3A_197, %cond3A_198 : i32
        scf.if %cond3A_199 {
          %ge3A_200 = arith.constant 4 : i32
          %ge3A_201 = arith.cmpi sge, %sub3A_195, %ge3A_200 : i32
          %convert_element_type3A_202 = arith.extui %ge3A_201 : i1 to i32
          %cond3A_203 = arith.constant 0 : i32
          %cond3A_204 = arith.cmpi ne, %convert_element_type3A_202, %cond3A_203 : i32
          scf.if %cond3A_204 {
            %sub3A_245 = arith.constant 4 : i32
            %sub3A_246 = arith.subi %sub3A_195, %sub3A_245 : i32
            %mul3A_247 = arith.constant 32 : i32
            %mul3A_248 = arith.muli %sub3A_246, %mul3A_247 : i32
            %add3A_249 = arith.addi %mul3A_32, %mul3A_248 : i32
            %dma_wait3A_250 = arith.constant 0 : i32
            %dma_wait3A_251 = tpu.memref_slice %arg4[%select_n3A, %add3A_249, %dma_wait3A_250] : memref<16x2048x512xf32, #tpu.memory_space<hbm>> -> memref<1x32x512xf32, #tpu.memory_space<hbm>>
            %dma_wait3A_252 = tpu.memref_squeeze %dma_wait3A_251 : memref<1x32x512xf32, #tpu.memory_space<hbm>> -> memref<32x512xf32, #tpu.memory_space<hbm>>
            %dma_wait3A_253 = arith.constant 0 : i32
            %dma_wait3A_254 = tpu.memref_slice %arg4[%select_n3A, %add3A_249, %dma_wait3A_253] : memref<16x2048x512xf32, #tpu.memory_space<hbm>> -> memref<1x32x512xf32, #tpu.memory_space<hbm>>
            %dma_wait3A_255 = tpu.memref_squeeze %dma_wait3A_254 : memref<1x32x512xf32, #tpu.memory_space<hbm>> -> memref<32x512xf32, #tpu.memory_space<hbm>>
            tpu.wait_dma2 semaphore(%arg16 : memref<!tpu.dma_semaphore, #tpu.memory_space<semaphore_mem>>) src(%arg7 : memref<32x512xf32, #tpu.memory_space<vmem>>) dst(%dma_wait3A_255 : memref<32x512xf32, #tpu.memory_space<hbm>>)
          } else {
          }
          %mul3A_205 = arith.constant 32 : i32
          %mul3A_206 = arith.muli %sub3A_195, %mul3A_205 : i32
          %add3A_207 = arith.addi %add3A_92, %mul3A_206 : i32
          %add3A_208 = arith.constant 0 : i32
          %add3A_209 = arith.addi %add3A_207, %add3A_208 : i32
          %iota3A = tpu.iota {dimensions = array<i32: 0>} : vector<16xi32>
          %add3A_210 = vector.broadcast %add3A_209 : i32 to vector<16xi32>
          %add3A_211 = arith.addi %add3A_210, %iota3A : vector<16xi32>
          %min3A_212 = arith.constant 16383 : i32
          %min3A_213 = vector.broadcast %min3A_212 : i32 to vector<16xi32>
          %min3A_214 = arith.minsi %add3A_211, %min3A_213 : vector<16xi32>
          %swap3A_215 = arith.constant 0 : i32
          %swap3A_216 = arith.index_cast %swap3A_215 : i32 to index
          %swap3A_217 = arith.constant 0 : index
          %swap3A_218 = tpu.vector_load %arg6[%swap3A_216, %swap3A_217] {strides = array<i32>} : memref<4x32xi32, #tpu.memory_space<vmem>>, vector<1x16xi32>,
          %swap3A_219 = vector.shape_cast %swap3A_218 : vector<1x16xi32> to vector<16xi32>
          %swap3A_220 = vector.shape_cast %min3A_214 : vector<16xi32> to vector<1x16xi32>
          tpu.vector_store %arg6[%swap3A_216, %swap3A_217], %swap3A_220 {strides = array<i32>} : memref<4x32xi32, #tpu.memory_space<vmem>>, vector<1x16xi32>,
          %mul3A_221 = arith.constant 32 : i32
          %mul3A_222 = arith.muli %sub3A_195, %mul3A_221 : i32
          %add3A_223 = arith.addi %add3A_92, %mul3A_222 : i32
          %add3A_224 = arith.constant 16 : i32
          %add3A_225 = arith.addi %add3A_223, %add3A_224 : i32
          %iota3A_226 = tpu.iota {dimensions = array<i32: 0>} : vector<16xi32>
          %add3A_227 = vector.broadcast %add3A_225 : i32 to vector<16xi32>
          %add3A_228 = arith.addi %add3A_227, %iota3A_226 : vector<16xi32>
          %min3A_229 = arith.constant 16383 : i32
          %min3A_230 = vector.broadcast %min3A_229 : i32 to vector<16xi32>
          %min3A_231 = arith.minsi %add3A_228, %min3A_230 : vector<16xi32>
          %swap3A_232 = arith.constant 0 : i32
          %swap3A_233 = arith.index_cast %swap3A_232 : i32 to index
          %swap3A_234 = arith.constant 16 : index
          %swap3A_235 = tpu.vector_load %arg6[%swap3A_233, %swap3A_234] {strides = array<i32>} : memref<4x32xi32, #tpu.memory_space<vmem>>, vector<1x16xi32>,
          %swap3A_236 = vector.shape_cast %swap3A_235 : vector<1x16xi32> to vector<16xi32>
          %swap3A_237 = vector.shape_cast %min3A_231 : vector<16xi32> to vector<1x16xi32>
          tpu.vector_store %arg6[%swap3A_233, %swap3A_234], %swap3A_237 {strides = array<i32>} : memref<4x32xi32, #tpu.memory_space<vmem>>, vector<1x16xi32>,
          %dma_start3A_238 = arith.constant 0 : i32
          %dma_start3A_239 = arith.constant 0 : i32
          %dma_start3A_240 = tpu.memref_slice %arg6[%dma_start3A_238, %dma_start3A_239] : memref<4x32xi32, #tpu.memory_space<vmem>> -> memref<1x32xi32, #tpu.memory_space<vmem>>
          %dma_start3A_241 = tpu.memref_squeeze %dma_start3A_240 : memref<1x32xi32, #tpu.memory_space<vmem>> -> memref<32xi32, #tpu.memory_space<vmem>>
          %dma_start3A_242 = arith.constant 0 : i32
          %dma_start3A_243 = arith.constant 0 : i32
          %dma_start3A_244 = tpu.memref_slice %arg3[%dma_start3A_242, %dma_start3A_243] : memref<16384x512xf32, #tpu.memory_space<hbm>> -> memref<16384x512xf32, #tpu.memory_space<hbm>>
          tpu.enqueue_indirect_dma source(%dma_start3A_244 : memref<16384x512xf32, #tpu.memory_space<hbm>>) target(%arg7 : memref<32x512xf32, #tpu.memory_space<vmem>>) offsets(%dma_start3A_241 : memref<32xi32, #tpu.memory_space<vmem>>) semaphore(%arg12 : memref<!tpu.dma_semaphore, #tpu.memory_space<semaphore_mem>>)
        } else {
        }
      } else {
      }
      %ge3A_143 = arith.cmpi sge, %add3A_138, %add3A_91 : i32
      %convert_element_type3A_144 = arith.extui %ge3A_143 : i1 to i32
      %cond3A_145 = arith.constant 0 : i32
      %cond3A_146 = arith.cmpi ne, %convert_element_type3A_144, %cond3A_145 : i32
      scf.if %cond3A_146 {
        %mul3A_171 = arith.constant 32 : i32
        %mul3A_172 = arith.muli %add3A_138, %mul3A_171 : i32
        %add3A_173 = arith.addi %mul3A_32, %mul3A_172 : i32
        %dma_start3A = arith.constant 0 : i32
        %dma_start3A_174 = tpu.memref_slice %arg4[%select_n3A, %add3A_173, %dma_start3A] : memref<16x2048x512xf32, #tpu.memory_space<hbm>> -> memref<1x32x512xf32, #tpu.memory_space<hbm>>
        %dma_start3A_175 = tpu.memref_squeeze %dma_start3A_174 : memref<1x32x512xf32, #tpu.memory_space<hbm>> -> memref<32x512xf32, #tpu.memory_space<hbm>>
        %dma_start3A_176 = arith.constant 0 : i32
        %dma_start3A_177 = tpu.memref_slice %arg4[%select_n3A, %add3A_173, %dma_start3A_176] : memref<16x2048x512xf32, #tpu.memory_space<hbm>> -> memref<1x32x512xf32, #tpu.memory_space<hbm>>
        %dma_start3A_178 = tpu.memref_squeeze %dma_start3A_177 : memref<1x32x512xf32, #tpu.memory_space<hbm>> -> memref<32x512xf32, #tpu.memory_space<hbm>>
        tpu.enqueue_dma source(%arg11 : memref<32x512xf32, #tpu.memory_space<vmem>>) target(%dma_start3A_178 : memref<32x512xf32, #tpu.memory_space<hbm>>) target_semaphore(%arg20 : memref<!tpu.dma_semaphore, #tpu.memory_space<semaphore_mem>>)
      } else {
      }
      %mul3A_147 = arith.constant 4 : i32
      %mul3A_148 = arith.muli %scan3A_123, %mul3A_147 : i32
      %add3A_149 = arith.constant 2 : i32
      %add3A_150 = arith.addi %mul3A_148, %add3A_149 : i32
      %lt3A_151 = arith.cmpi slt, %add3A_150, %add3A_91 : i32
      %convert_element_type3A_152 = arith.extui %lt3A_151 : i1 to i32
      %cond3A_153 = arith.constant 0 : i32
      %cond3A_154 = arith.cmpi ne, %convert_element_type3A_152, %cond3A_153 : i32
      scf.if %cond3A_154 {
        %dma_wait3A = arith.constant 2 : i32
        %dma_wait3A_171 = arith.constant 0 : i32
        %dma_wait3A_172 = tpu.memref_slice %arg6[%dma_wait3A, %dma_wait3A_171] : memref<4x32xi32, #tpu.memory_space<vmem>> -> memref<1x32xi32, #tpu.memory_space<vmem>>
        %dma_wait3A_173 = tpu.memref_squeeze %dma_wait3A_172 : memref<1x32xi32, #tpu.memory_space<vmem>> -> memref<32xi32, #tpu.memory_space<vmem>>
        %dma_wait3A_174 = arith.constant 0 : i32
        %dma_wait3A_175 = arith.constant 0 : i32
        %dma_wait3A_176 = tpu.memref_slice %arg3[%dma_wait3A_174, %dma_wait3A_175] : memref<16384x512xf32, #tpu.memory_space<hbm>> -> memref<16384x512xf32, #tpu.memory_space<hbm>>
        tpu.wait_indirect_dma semaphore(%arg14 : memref<!tpu.dma_semaphore, #tpu.memory_space<semaphore_mem>>) src(%dma_wait3A_176 : memref<16384x512xf32, #tpu.memory_space<hbm>>) dst(%arg9 : memref<32x512xf32, #tpu.memory_space<vmem>>)
        %eq3A_177 = arith.cmpi eq, %add3A_150, %select_n3A_70 : i32
        %gt3A_178 = arith.constant 0 : i32
        %gt3A_179 = arith.cmpi sgt, %select_n3A_86, %gt3A_178 : i32
        %and3A_180 = arith.andi %eq3A_177, %gt3A_179 : i1
        %convert_element_type3A_181 = arith.extui %and3A_180 : i1 to i32
        %cond3A_182 = arith.constant 0 : i32
        %cond3A_183 = arith.cmpi ne, %convert_element_type3A_181, %cond3A_182 : i32
        scf.if %cond3A_183 {
          %while3A = arith.constant 0 : i32
          %while3A_200 = arith.constant 32 : i32
          %while3A_201 = arith.subi %while3A_200, %select_n3A_86 : i32
          %while3A_202 = arith.addi %select_n3A_86, %while3A_201 : i32
          %while3A_203 = arith.constant 1 : i32
          %while3A_204 = arith.divsi %while3A_201, %while3A_203 : i32
          %while3A_205 = arith.muli %while3A_204, %while3A_203 : i32
          %while3A_206 = arith.addi %select_n3A_86, %while3A_205 : i32
          %while3A_207 = arith.constant 1 : i32
          scf.for %while3A_209 = %select_n3A_86 to %while3A_206 step %while3A_207  : i32 {
            %broadcast_in_dim3A_210 = arith.constant 0.000000e+00 : f32
            %broadcast_in_dim3A_211 = vector.broadcast %broadcast_in_dim3A_210 : f32 to vector<16xf32>
            %swap3A_212 = arith.index_cast %while3A_209 : i32 to index
            %swap3A_213 = arith.constant 0 : index
            %swap3A_214 = tpu.vector_load %arg9[%swap3A_212, %swap3A_213] {strides = array<i32>} : memref<32x512xf32, #tpu.memory_space<vmem>>, vector<1x16xf32>,
            %swap3A_215 = vector.shape_cast %swap3A_214 : vector<1x16xf32> to vector<16xf32>
            %swap3A_216 = vector.shape_cast %broadcast_in_dim3A_211 : vector<16xf32> to vector<1x16xf32>
            tpu.vector_store %arg9[%swap3A_212, %swap3A_213], %swap3A_216 {strides = array<i32>} : memref<32x512xf32, #tpu.memory_space<vmem>>, vector<1x16xf32>,
            %broadcast_in_dim3A_217 = arith.constant 0.000000e+00 : f32
            %broadcast_in_dim3A_218 = vector.broadcast %broadcast_in_dim3A_217 : f32 to vector<16xf32>
            %swap3A_219 = arith.index_cast %while3A_209 : i32 to index
            %swap3A_220 = arith.constant 16 : index
            %swap3A_221 = tpu.vector_load %arg9[%swap3A_219, %swap3A_220] {strides = array<i32>} : memref<32x512xf32, #tpu.memory_space<vmem>>, vector<1x16xf32>,
            %swap3A_222 = vector.shape_cast %swap3A_221 : vector<1x16xf32> to vector<16xf32>
            %swap3A_223 = vector.shape_cast %broadcast_in_dim3A_218 : vector<16xf32> to vector<1x16xf32>
            tpu.vector_store %arg9[%swap3A_219, %swap3A_220], %swap3A_223 {strides = array<i32>} : memref<32x512xf32, #tpu.memory_space<vmem>>, vector<1x16xf32>,
            %broadcast_in_dim3A_224 = arith.constant 0.000000e+00 : f32
            %broadcast_in_dim3A_225 = vector.broadcast %broadcast_in_dim3A_224 : f32 to vector<16xf32>
            %swap3A_226 = arith.index_cast %while3A_209 : i32 to index
            %swap3A_227 = arith.constant 32 : index
            %swap3A_228 = tpu.vector_load %arg9[%swap3A_226, %swap3A_227] {strides = array<i32>} : memref<32x512xf32, #tpu.memory_space<vmem>>, vector<1x16xf32>,
            %swap3A_229 = vector.shape_cast %swap3A_228 : vector<1x16xf32> to vector<16xf32>
            %swap3A_230 = vector.shape_cast %broadcast_in_dim3A_225 : vector<16xf32> to vector<1x16xf32>
            tpu.vector_store %arg9[%swap3A_226, %swap3A_227], %swap3A_230 {strides = array<i32>} : memref<32x512xf32, #tpu.memory_space<vmem>>, vector<1x16xf32>,
            %broadcast_in_dim3A_231 = arith.constant 0.000000e+00 : f32
            %broadcast_in_dim3A_232 = vector.broadcast %broadcast_in_dim3A_231 : f32 to vector<16xf32>
            %swap3A_233 = arith.index_cast %while3A_209 : i32 to index
            %swap3A_234 = arith.constant 48 : index
            %swap3A_235 = tpu.vector_load %arg9[%swap3A_233, %swap3A_234] {strides = array<i32>} : memref<32x512xf32, #tpu.memory_space<vmem>>, vector<1x16xf32>,
            %swap3A_236 = vector.shape_cast %swap3A_235 : vector<1x16xf32> to vector<16xf32>
            %swap3A_237 = vector.shape_cast %broadcast_in_dim3A_232 : vector<16xf32> to vector<1x16xf32>
            tpu.vector_store %arg9[%swap3A_233, %swap3A_234], %swap3A_237 {strides = array<i32>} : memref<32x512xf32, #tpu.memory_space<vmem>>, vector<1x16xf32>,
            %broadcast_in_dim3A_238 = arith.constant 0.000000e+00 : f32
            %broadcast_in_dim3A_239 = vector.broadcast %broadcast_in_dim3A_238 : f32 to vector<16xf32>
            %swap3A_240 = arith.index_cast %while3A_209 : i32 to index
            %swap3A_241 = arith.constant 64 : index
            %swap3A_242 = tpu.vector_load %arg9[%swap3A_240, %swap3A_241] {strides = array<i32>} : memref<32x512xf32, #tpu.memory_space<vmem>>, vector<1x16xf32>,
            %swap3A_243 = vector.shape_cast %swap3A_242 : vector<1x16xf32> to vector<16xf32>
            %swap3A_244 = vector.shape_cast %broadcast_in_dim3A_239 : vector<16xf32> to vector<1x16xf32>
            tpu.vector_store %arg9[%swap3A_240, %swap3A_241], %swap3A_244 {strides = array<i32>} : memref<32x512xf32, #tpu.memory_space<vmem>>, vector<1x16xf32>,
            %broadcast_in_dim3A_245 = arith.constant 0.000000e+00 : f32
            %broadcast_in_dim3A_246 = vector.broadcast %broadcast_in_dim3A_245 : f32 to vector<16xf32>
            %swap3A_247 = arith.index_cast %while3A_209 : i32 to index
            %swap3A_248 = arith.constant 80 : index
            %swap3A_249 = tpu.vector_load %arg9[%swap3A_247, %swap3A_248] {strides = array<i32>} : memref<32x512xf32, #tpu.memory_space<vmem>>, vector<1x16xf32>,
            %swap3A_250 = vector.shape_cast %swap3A_249 : vector<1x16xf32> to vector<16xf32>
            %swap3A_251 = vector.shape_cast %broadcast_in_dim3A_246 : vector<16xf32> to vector<1x16xf32>
            tpu.vector_store %arg9[%swap3A_247, %swap3A_248], %swap3A_251 {strides = array<i32>} : memref<32x512xf32, #tpu.memory_space<vmem>>, vector<1x16xf32>,
            %broadcast_in_dim3A_252 = arith.constant 0.000000e+00 : f32
            %broadcast_in_dim3A_253 = vector.broadcast %broadcast_in_dim3A_252 : f32 to vector<16xf32>
            %swap3A_254 = arith.index_cast %while3A_209 : i32 to index
            %swap3A_255 = arith.constant 96 : index
            %swap3A_256 = tpu.vector_load %arg9[%swap3A_254, %swap3A_255] {strides = array<i32>} : memref<32x512xf32, #tpu.memory_space<vmem>>, vector<1x16xf32>,
            %swap3A_257 = vector.shape_cast %swap3A_256 : vector<1x16xf32> to vector<16xf32>
            %swap3A_258 = vector.shape_cast %broadcast_in_dim3A_253 : vector<16xf32> to vector<1x16xf32>
            tpu.vector_store %arg9[%swap3A_254, %swap3A_255], %swap3A_258 {strides = array<i32>} : memref<32x512xf32, #tpu.memory_space<vmem>>, vector<1x16xf32>,
            %broadcast_in_dim3A_259 = arith.constant 0.000000e+00 : f32
            %broadcast_in_dim3A_260 = vector.broadcast %broadcast_in_dim3A_259 : f32 to vector<16xf32>
            %swap3A_261 = arith.index_cast %while3A_209 : i32 to index
            %swap3A_262 = arith.constant 112 : index
            %swap3A_263 = tpu.vector_load %arg9[%swap3A_261, %swap3A_262] {strides = array<i32>} : memref<32x512xf32, #tpu.memory_space<vmem>>, vector<1x16xf32>,
            %swap3A_264 = vector.shape_cast %swap3A_263 : vector<1x16xf32> to vector<16xf32>
            %swap3A_265 = vector.shape_cast %broadcast_in_dim3A_260 : vector<16xf32> to vector<1x16xf32>
            tpu.vector_store %arg9[%swap3A_261, %swap3A_262], %swap3A_265 {strides = array<i32>} : memref<32x512xf32, #tpu.memory_space<vmem>>, vector<1x16xf32>,
            %broadcast_in_dim3A_266 = arith.constant 0.000000e+00 : f32
            %broadcast_in_dim3A_267 = vector.broadcast %broadcast_in_dim3A_266 : f32 to vector<16xf32>
            %swap3A_268 = arith.index_cast %while3A_209 : i32 to index
            %swap3A_269 = arith.constant 128 : index
            %swap3A_270 = tpu.vector_load %arg9[%swap3A_268, %swap3A_269] {strides = array<i32>} : memref<32x512xf32, #tpu.memory_space<vmem>>, vector<1x16xf32>,
            %swap3A_271 = vector.shape_cast %swap3A_270 : vector<1x16xf32> to vector<16xf32>
            %swap3A_272 = vector.shape_cast %broadcast_in_dim3A_267 : vector<16xf32> to vector<1x16xf32>
            tpu.vector_store %arg9[%swap3A_268, %swap3A_269], %swap3A_272 {strides = array<i32>} : memref<32x512xf32, #tpu.memory_space<vmem>>, vector<1x16xf32>,
            %broadcast_in_dim3A_273 = arith.constant 0.000000e+00 : f32
            %broadcast_in_dim3A_274 = vector.broadcast %broadcast_in_dim3A_273 : f32 to vector<16xf32>
            %swap3A_275 = arith.index_cast %while3A_209 : i32 to index
            %swap3A_276 = arith.constant 144 : index
            %swap3A_277 = tpu.vector_load %arg9[%swap3A_275, %swap3A_276] {strides = array<i32>} : memref<32x512xf32, #tpu.memory_space<vmem>>, vector<1x16xf32>,
            %swap3A_278 = vector.shape_cast %swap3A_277 : vector<1x16xf32> to vector<16xf32>
            %swap3A_279 = vector.shape_cast %broadcast_in_dim3A_274 : vector<16xf32> to vector<1x16xf32>
            tpu.vector_store %arg9[%swap3A_275, %swap3A_276], %swap3A_279 {strides = array<i32>} : memref<32x512xf32, #tpu.memory_space<vmem>>, vector<1x16xf32>,
            %broadcast_in_dim3A_280 = arith.constant 0.000000e+00 : f32
            %broadcast_in_dim3A_281 = vector.broadcast %broadcast_in_dim3A_280 : f32 to vector<16xf32>
            %swap3A_282 = arith.index_cast %while3A_209 : i32 to index
            %swap3A_283 = arith.constant 160 : index
            %swap3A_284 = tpu.vector_load %arg9[%swap3A_282, %swap3A_283] {strides = array<i32>} : memref<32x512xf32, #tpu.memory_space<vmem>>, vector<1x16xf32>,
            %swap3A_285 = vector.shape_cast %swap3A_284 : vector<1x16xf32> to vector<16xf32>
            %swap3A_286 = vector.shape_cast %broadcast_in_dim3A_281 : vector<16xf32> to vector<1x16xf32>
            tpu.vector_store %arg9[%swap3A_282, %swap3A_283], %swap3A_286 {strides = array<i32>} : memref<32x512xf32, #tpu.memory_space<vmem>>, vector<1x16xf32>,
            %broadcast_in_dim3A_287 = arith.constant 0.000000e+00 : f32
            %broadcast_in_dim3A_288 = vector.broadcast %broadcast_in_dim3A_287 : f32 to vector<16xf32>
            %swap3A_289 = arith.index_cast %while3A_209 : i32 to index
            %swap3A_290 = arith.constant 176 : index
            %swap3A_291 = tpu.vector_load %arg9[%swap3A_289, %swap3A_290] {strides = array<i32>} : memref<32x512xf32, #tpu.memory_space<vmem>>, vector<1x16xf32>,
            %swap3A_292 = vector.shape_cast %swap3A_291 : vector<1x16xf32> to vector<16xf32>
            %swap3A_293 = vector.shape_cast %broadcast_in_dim3A_288 : vector<16xf32> to vector<1x16xf32>
            tpu.vector_store %arg9[%swap3A_289, %swap3A_290], %swap3A_293 {strides = array<i32>} : memref<32x512xf32, #tpu.memory_space<vmem>>, vector<1x16xf32>,
            %broadcast_in_dim3A_294 = arith.constant 0.000000e+00 : f32
            %broadcast_in_dim3A_295 = vector.broadcast %broadcast_in_dim3A_294 : f32 to vector<16xf32>
            %swap3A_296 = arith.index_cast %while3A_209 : i32 to index
            %swap3A_297 = arith.constant 192 : index
            %swap3A_298 = tpu.vector_load %arg9[%swap3A_296, %swap3A_297] {strides = array<i32>} : memref<32x512xf32, #tpu.memory_space<vmem>>, vector<1x16xf32>,
            %swap3A_299 = vector.shape_cast %swap3A_298 : vector<1x16xf32> to vector<16xf32>
            %swap3A_300 = vector.shape_cast %broadcast_in_dim3A_295 : vector<16xf32> to vector<1x16xf32>
            tpu.vector_store %arg9[%swap3A_296, %swap3A_297], %swap3A_300 {strides = array<i32>} : memref<32x512xf32, #tpu.memory_space<vmem>>, vector<1x16xf32>,
            %broadcast_in_dim3A_301 = arith.constant 0.000000e+00 : f32
            %broadcast_in_dim3A_302 = vector.broadcast %broadcast_in_dim3A_301 : f32 to vector<16xf32>
            %swap3A_303 = arith.index_cast %while3A_209 : i32 to index
            %swap3A_304 = arith.constant 208 : index
            %swap3A_305 = tpu.vector_load %arg9[%swap3A_303, %swap3A_304] {strides = array<i32>} : memref<32x512xf32, #tpu.memory_space<vmem>>, vector<1x16xf32>,
            %swap3A_306 = vector.shape_cast %swap3A_305 : vector<1x16xf32> to vector<16xf32>
            %swap3A_307 = vector.shape_cast %broadcast_in_dim3A_302 : vector<16xf32> to vector<1x16xf32>
            tpu.vector_store %arg9[%swap3A_303, %swap3A_304], %swap3A_307 {strides = array<i32>} : memref<32x512xf32, #tpu.memory_space<vmem>>, vector<1x16xf32>,
            %broadcast_in_dim3A_308 = arith.constant 0.000000e+00 : f32
            %broadcast_in_dim3A_309 = vector.broadcast %broadcast_in_dim3A_308 : f32 to vector<16xf32>
            %swap3A_310 = arith.index_cast %while3A_209 : i32 to index
            %swap3A_311 = arith.constant 224 : index
            %swap3A_312 = tpu.vector_load %arg9[%swap3A_310, %swap3A_311] {strides = array<i32>} : memref<32x512xf32, #tpu.memory_space<vmem>>, vector<1x16xf32>,
            %swap3A_313 = vector.shape_cast %swap3A_312 : vector<1x16xf32> to vector<16xf32>
            %swap3A_314 = vector.shape_cast %broadcast_in_dim3A_309 : vector<16xf32> to vector<1x16xf32>
            tpu.vector_store %arg9[%swap3A_310, %swap3A_311], %swap3A_314 {strides = array<i32>} : memref<32x512xf32, #tpu.memory_space<vmem>>, vector<1x16xf32>,
            %broadcast_in_dim3A_315 = arith.constant 0.000000e+00 : f32
            %broadcast_in_dim3A_316 = vector.broadcast %broadcast_in_dim3A_315 : f32 to vector<16xf32>
            %swap3A_317 = arith.index_cast %while3A_209 : i32 to index
            %swap3A_318 = arith.constant 240 : index
            %swap3A_319 = tpu.vector_load %arg9[%swap3A_317, %swap3A_318] {strides = array<i32>} : memref<32x512xf32, #tpu.memory_space<vmem>>, vector<1x16xf32>,
            %swap3A_320 = vector.shape_cast %swap3A_319 : vector<1x16xf32> to vector<16xf32>
            %swap3A_321 = vector.shape_cast %broadcast_in_dim3A_316 : vector<16xf32> to vector<1x16xf32>
            tpu.vector_store %arg9[%swap3A_317, %swap3A_318], %swap3A_321 {strides = array<i32>} : memref<32x512xf32, #tpu.memory_space<vmem>>, vector<1x16xf32>,
            %broadcast_in_dim3A_322 = arith.constant 0.000000e+00 : f32
            %broadcast_in_dim3A_323 = vector.broadcast %broadcast_in_dim3A_322 : f32 to vector<16xf32>
            %swap3A_324 = arith.index_cast %while3A_209 : i32 to index
            %swap3A_325 = arith.constant 256 : index
            %swap3A_326 = tpu.vector_load %arg9[%swap3A_324, %swap3A_325] {strides = array<i32>} : memref<32x512xf32, #tpu.memory_space<vmem>>, vector<1x16xf32>,
            %swap3A_327 = vector.shape_cast %swap3A_326 : vector<1x16xf32> to vector<16xf32>
            %swap3A_328 = vector.shape_cast %broadcast_in_dim3A_323 : vector<16xf32> to vector<1x16xf32>
            tpu.vector_store %arg9[%swap3A_324, %swap3A_325], %swap3A_328 {strides = array<i32>} : memref<32x512xf32, #tpu.memory_space<vmem>>, vector<1x16xf32>,
            %broadcast_in_dim3A_329 = arith.constant 0.000000e+00 : f32
            %broadcast_in_dim3A_330 = vector.broadcast %broadcast_in_dim3A_329 : f32 to vector<16xf32>
            %swap3A_331 = arith.index_cast %while3A_209 : i32 to index
            %swap3A_332 = arith.constant 272 : index
            %swap3A_333 = tpu.vector_load %arg9[%swap3A_331, %swap3A_332] {strides = array<i32>} : memref<32x512xf32, #tpu.memory_space<vmem>>, vector<1x16xf32>,
            %swap3A_334 = vector.shape_cast %swap3A_333 : vector<1x16xf32> to vector<16xf32>
            %swap3A_335 = vector.shape_cast %broadcast_in_dim3A_330 : vector<16xf32> to vector<1x16xf32>
            tpu.vector_store %arg9[%swap3A_331, %swap3A_332], %swap3A_335 {strides = array<i32>} : memref<32x512xf32, #tpu.memory_space<vmem>>, vector<1x16xf32>,
            %broadcast_in_dim3A_336 = arith.constant 0.000000e+00 : f32
            %broadcast_in_dim3A_337 = vector.broadcast %broadcast_in_dim3A_336 : f32 to vector<16xf32>
            %swap3A_338 = arith.index_cast %while3A_209 : i32 to index
            %swap3A_339 = arith.constant 288 : index
            %swap3A_340 = tpu.vector_load %arg9[%swap3A_338, %swap3A_339] {strides = array<i32>} : memref<32x512xf32, #tpu.memory_space<vmem>>, vector<1x16xf32>,
            %swap3A_341 = vector.shape_cast %swap3A_340 : vector<1x16xf32> to vector<16xf32>
            %swap3A_342 = vector.shape_cast %broadcast_in_dim3A_337 : vector<16xf32> to vector<1x16xf32>
            tpu.vector_store %arg9[%swap3A_338, %swap3A_339], %swap3A_342 {strides = array<i32>} : memref<32x512xf32, #tpu.memory_space<vmem>>, vector<1x16xf32>,
            %broadcast_in_dim3A_343 = arith.constant 0.000000e+00 : f32
            %broadcast_in_dim3A_344 = vector.broadcast %broadcast_in_dim3A_343 : f32 to vector<16xf32>
            %swap3A_345 = arith.index_cast %while3A_209 : i32 to index
            %swap3A_346 = arith.constant 304 : index
            %swap3A_347 = tpu.vector_load %arg9[%swap3A_345, %swap3A_346] {strides = array<i32>} : memref<32x512xf32, #tpu.memory_space<vmem>>, vector<1x16xf32>,
            %swap3A_348 = vector.shape_cast %swap3A_347 : vector<1x16xf32> to vector<16xf32>
            %swap3A_349 = vector.shape_cast %broadcast_in_dim3A_344 : vector<16xf32> to vector<1x16xf32>
            tpu.vector_store %arg9[%swap3A_345, %swap3A_346], %swap3A_349 {strides = array<i32>} : memref<32x512xf32, #tpu.memory_space<vmem>>, vector<1x16xf32>,
            %broadcast_in_dim3A_350 = arith.constant 0.000000e+00 : f32
            %broadcast_in_dim3A_351 = vector.broadcast %broadcast_in_dim3A_350 : f32 to vector<16xf32>
            %swap3A_352 = arith.index_cast %while3A_209 : i32 to index
            %swap3A_353 = arith.constant 320 : index
            %swap3A_354 = tpu.vector_load %arg9[%swap3A_352, %swap3A_353] {strides = array<i32>} : memref<32x512xf32, #tpu.memory_space<vmem>>, vector<1x16xf32>,
            %swap3A_355 = vector.shape_cast %swap3A_354 : vector<1x16xf32> to vector<16xf32>
            %swap3A_356 = vector.shape_cast %broadcast_in_dim3A_351 : vector<16xf32> to vector<1x16xf32>
            tpu.vector_store %arg9[%swap3A_352, %swap3A_353], %swap3A_356 {strides = array<i32>} : memref<32x512xf32, #tpu.memory_space<vmem>>, vector<1x16xf32>,
            %broadcast_in_dim3A_357 = arith.constant 0.000000e+00 : f32
            %broadcast_in_dim3A_358 = vector.broadcast %broadcast_in_dim3A_357 : f32 to vector<16xf32>
            %swap3A_359 = arith.index_cast %while3A_209 : i32 to index
            %swap3A_360 = arith.constant 336 : index
            %swap3A_361 = tpu.vector_load %arg9[%swap3A_359, %swap3A_360] {strides = array<i32>} : memref<32x512xf32, #tpu.memory_space<vmem>>, vector<1x16xf32>,
            %swap3A_362 = vector.shape_cast %swap3A_361 : vector<1x16xf32> to vector<16xf32>
            %swap3A_363 = vector.shape_cast %broadcast_in_dim3A_358 : vector<16xf32> to vector<1x16xf32>
            tpu.vector_store %arg9[%swap3A_359, %swap3A_360], %swap3A_363 {strides = array<i32>} : memref<32x512xf32, #tpu.memory_space<vmem>>, vector<1x16xf32>,
            %broadcast_in_dim3A_364 = arith.constant 0.000000e+00 : f32
            %broadcast_in_dim3A_365 = vector.broadcast %broadcast_in_dim3A_364 : f32 to vector<16xf32>
            %swap3A_366 = arith.index_cast %while3A_209 : i32 to index
            %swap3A_367 = arith.constant 352 : index
            %swap3A_368 = tpu.vector_load %arg9[%swap3A_366, %swap3A_367] {strides = array<i32>} : memref<32x512xf32, #tpu.memory_space<vmem>>, vector<1x16xf32>,
            %swap3A_369 = vector.shape_cast %swap3A_368 : vector<1x16xf32> to vector<16xf32>
            %swap3A_370 = vector.shape_cast %broadcast_in_dim3A_365 : vector<16xf32> to vector<1x16xf32>
            tpu.vector_store %arg9[%swap3A_366, %swap3A_367], %swap3A_370 {strides = array<i32>} : memref<32x512xf32, #tpu.memory_space<vmem>>, vector<1x16xf32>,
            %broadcast_in_dim3A_371 = arith.constant 0.000000e+00 : f32
            %broadcast_in_dim3A_372 = vector.broadcast %broadcast_in_dim3A_371 : f32 to vector<16xf32>
            %swap3A_373 = arith.index_cast %while3A_209 : i32 to index
            %swap3A_374 = arith.constant 368 : index
            %swap3A_375 = tpu.vector_load %arg9[%swap3A_373, %swap3A_374] {strides = array<i32>} : memref<32x512xf32, #tpu.memory_space<vmem>>, vector<1x16xf32>,
            %swap3A_376 = vector.shape_cast %swap3A_375 : vector<1x16xf32> to vector<16xf32>
            %swap3A_377 = vector.shape_cast %broadcast_in_dim3A_372 : vector<16xf32> to vector<1x16xf32>
            tpu.vector_store %arg9[%swap3A_373, %swap3A_374], %swap3A_377 {strides = array<i32>} : memref<32x512xf32, #tpu.memory_space<vmem>>, vector<1x16xf32>,
            %broadcast_in_dim3A_378 = arith.constant 0.000000e+00 : f32
            %broadcast_in_dim3A_379 = vector.broadcast %broadcast_in_dim3A_378 : f32 to vector<16xf32>
            %swap3A_380 = arith.index_cast %while3A_209 : i32 to index
            %swap3A_381 = arith.constant 384 : index
            %swap3A_382 = tpu.vector_load %arg9[%swap3A_380, %swap3A_381] {strides = array<i32>} : memref<32x512xf32, #tpu.memory_space<vmem>>, vector<1x16xf32>,
            %swap3A_383 = vector.shape_cast %swap3A_382 : vector<1x16xf32> to vector<16xf32>
            %swap3A_384 = vector.shape_cast %broadcast_in_dim3A_379 : vector<16xf32> to vector<1x16xf32>
            tpu.vector_store %arg9[%swap3A_380, %swap3A_381], %swap3A_384 {strides = array<i32>} : memref<32x512xf32, #tpu.memory_space<vmem>>, vector<1x16xf32>,
            %broadcast_in_dim3A_385 = arith.constant 0.000000e+00 : f32
            %broadcast_in_dim3A_386 = vector.broadcast %broadcast_in_dim3A_385 : f32 to vector<16xf32>
            %swap3A_387 = arith.index_cast %while3A_209 : i32 to index
            %swap3A_388 = arith.constant 400 : index
            %swap3A_389 = tpu.vector_load %arg9[%swap3A_387, %swap3A_388] {strides = array<i32>} : memref<32x512xf32, #tpu.memory_space<vmem>>, vector<1x16xf32>,
            %swap3A_390 = vector.shape_cast %swap3A_389 : vector<1x16xf32> to vector<16xf32>
            %swap3A_391 = vector.shape_cast %broadcast_in_dim3A_386 : vector<16xf32> to vector<1x16xf32>
            tpu.vector_store %arg9[%swap3A_387, %swap3A_388], %swap3A_391 {strides = array<i32>} : memref<32x512xf32, #tpu.memory_space<vmem>>, vector<1x16xf32>,
            %broadcast_in_dim3A_392 = arith.constant 0.000000e+00 : f32
            %broadcast_in_dim3A_393 = vector.broadcast %broadcast_in_dim3A_392 : f32 to vector<16xf32>
            %swap3A_394 = arith.index_cast %while3A_209 : i32 to index
            %swap3A_395 = arith.constant 416 : index
            %swap3A_396 = tpu.vector_load %arg9[%swap3A_394, %swap3A_395] {strides = array<i32>} : memref<32x512xf32, #tpu.memory_space<vmem>>, vector<1x16xf32>,
            %swap3A_397 = vector.shape_cast %swap3A_396 : vector<1x16xf32> to vector<16xf32>
            %swap3A_398 = vector.shape_cast %broadcast_in_dim3A_393 : vector<16xf32> to vector<1x16xf32>
            tpu.vector_store %arg9[%swap3A_394, %swap3A_395], %swap3A_398 {strides = array<i32>} : memref<32x512xf32, #tpu.memory_space<vmem>>, vector<1x16xf32>,
            %broadcast_in_dim3A_399 = arith.constant 0.000000e+00 : f32
            %broadcast_in_dim3A_400 = vector.broadcast %broadcast_in_dim3A_399 : f32 to vector<16xf32>
            %swap3A_401 = arith.index_cast %while3A_209 : i32 to index
            %swap3A_402 = arith.constant 432 : index
            %swap3A_403 = tpu.vector_load %arg9[%swap3A_401, %swap3A_402] {strides = array<i32>} : memref<32x512xf32, #tpu.memory_space<vmem>>, vector<1x16xf32>,
            %swap3A_404 = vector.shape_cast %swap3A_403 : vector<1x16xf32> to vector<16xf32>
            %swap3A_405 = vector.shape_cast %broadcast_in_dim3A_400 : vector<16xf32> to vector<1x16xf32>
            tpu.vector_store %arg9[%swap3A_401, %swap3A_402], %swap3A_405 {strides = array<i32>} : memref<32x512xf32, #tpu.memory_space<vmem>>, vector<1x16xf32>,
            %broadcast_in_dim3A_406 = arith.constant 0.000000e+00 : f32
            %broadcast_in_dim3A_407 = vector.broadcast %broadcast_in_dim3A_406 : f32 to vector<16xf32>
            %swap3A_408 = arith.index_cast %while3A_209 : i32 to index
            %swap3A_409 = arith.constant 448 : index
            %swap3A_410 = tpu.vector_load %arg9[%swap3A_408, %swap3A_409] {strides = array<i32>} : memref<32x512xf32, #tpu.memory_space<vmem>>, vector<1x16xf32>,
            %swap3A_411 = vector.shape_cast %swap3A_410 : vector<1x16xf32> to vector<16xf32>
            %swap3A_412 = vector.shape_cast %broadcast_in_dim3A_407 : vector<16xf32> to vector<1x16xf32>
            tpu.vector_store %arg9[%swap3A_408, %swap3A_409], %swap3A_412 {strides = array<i32>} : memref<32x512xf32, #tpu.memory_space<vmem>>, vector<1x16xf32>,
            %broadcast_in_dim3A_413 = arith.constant 0.000000e+00 : f32
            %broadcast_in_dim3A_414 = vector.broadcast %broadcast_in_dim3A_413 : f32 to vector<16xf32>
            %swap3A_415 = arith.index_cast %while3A_209 : i32 to index
            %swap3A_416 = arith.constant 464 : index
            %swap3A_417 = tpu.vector_load %arg9[%swap3A_415, %swap3A_416] {strides = array<i32>} : memref<32x512xf32, #tpu.memory_space<vmem>>, vector<1x16xf32>,
            %swap3A_418 = vector.shape_cast %swap3A_417 : vector<1x16xf32> to vector<16xf32>
            %swap3A_419 = vector.shape_cast %broadcast_in_dim3A_414 : vector<16xf32> to vector<1x16xf32>
            tpu.vector_store %arg9[%swap3A_415, %swap3A_416], %swap3A_419 {strides = array<i32>} : memref<32x512xf32, #tpu.memory_space<vmem>>, vector<1x16xf32>,
            %broadcast_in_dim3A_420 = arith.constant 0.000000e+00 : f32
            %broadcast_in_dim3A_421 = vector.broadcast %broadcast_in_dim3A_420 : f32 to vector<16xf32>
            %swap3A_422 = arith.index_cast %while3A_209 : i32 to index
            %swap3A_423 = arith.constant 480 : index
            %swap3A_424 = tpu.vector_load %arg9[%swap3A_422, %swap3A_423] {strides = array<i32>} : memref<32x512xf32, #tpu.memory_space<vmem>>, vector<1x16xf32>,
            %swap3A_425 = vector.shape_cast %swap3A_424 : vector<1x16xf32> to vector<16xf32>
            %swap3A_426 = vector.shape_cast %broadcast_in_dim3A_421 : vector<16xf32> to vector<1x16xf32>
            tpu.vector_store %arg9[%swap3A_422, %swap3A_423], %swap3A_426 {strides = array<i32>} : memref<32x512xf32, #tpu.memory_space<vmem>>, vector<1x16xf32>,
            %broadcast_in_dim3A_427 = arith.constant 0.000000e+00 : f32
            %broadcast_in_dim3A_428 = vector.broadcast %broadcast_in_dim3A_427 : f32 to vector<16xf32>
            %swap3A_429 = arith.index_cast %while3A_209 : i32 to index
            %swap3A_430 = arith.constant 496 : index
            %swap3A_431 = tpu.vector_load %arg9[%swap3A_429, %swap3A_430] {strides = array<i32>} : memref<32x512xf32, #tpu.memory_space<vmem>>, vector<1x16xf32>,
            %swap3A_432 = vector.shape_cast %swap3A_431 : vector<1x16xf32> to vector<16xf32>
            %swap3A_433 = vector.shape_cast %broadcast_in_dim3A_428 : vector<16xf32> to vector<1x16xf32>
            tpu.vector_store %arg9[%swap3A_429, %swap3A_430], %swap3A_433 {strides = array<i32>} : memref<32x512xf32, #tpu.memory_space<vmem>>, vector<1x16xf32>,
          }
          %while3A_208 = arith.constant 1 : i32
          scf.for %while3A_209 = %while3A_206 to %while3A_202 step %while3A_208  : i32 {
            %broadcast_in_dim3A_210 = arith.constant 0.000000e+00 : f32
            %broadcast_in_dim3A_211 = vector.broadcast %broadcast_in_dim3A_210 : f32 to vector<16xf32>
            %swap3A_212 = arith.index_cast %while3A_209 : i32 to index
            %swap3A_213 = arith.constant 0 : index
            %swap3A_214 = tpu.vector_load %arg9[%swap3A_212, %swap3A_213] {strides = array<i32>} : memref<32x512xf32, #tpu.memory_space<vmem>>, vector<1x16xf32>,
            %swap3A_215 = vector.shape_cast %swap3A_214 : vector<1x16xf32> to vector<16xf32>
            %swap3A_216 = vector.shape_cast %broadcast_in_dim3A_211 : vector<16xf32> to vector<1x16xf32>
            tpu.vector_store %arg9[%swap3A_212, %swap3A_213], %swap3A_216 {strides = array<i32>} : memref<32x512xf32, #tpu.memory_space<vmem>>, vector<1x16xf32>,
            %broadcast_in_dim3A_217 = arith.constant 0.000000e+00 : f32
            %broadcast_in_dim3A_218 = vector.broadcast %broadcast_in_dim3A_217 : f32 to vector<16xf32>
            %swap3A_219 = arith.index_cast %while3A_209 : i32 to index
            %swap3A_220 = arith.constant 16 : index
            %swap3A_221 = tpu.vector_load %arg9[%swap3A_219, %swap3A_220] {strides = array<i32>} : memref<32x512xf32, #tpu.memory_space<vmem>>, vector<1x16xf32>,
            %swap3A_222 = vector.shape_cast %swap3A_221 : vector<1x16xf32> to vector<16xf32>
            %swap3A_223 = vector.shape_cast %broadcast_in_dim3A_218 : vector<16xf32> to vector<1x16xf32>
            tpu.vector_store %arg9[%swap3A_219, %swap3A_220], %swap3A_223 {strides = array<i32>} : memref<32x512xf32, #tpu.memory_space<vmem>>, vector<1x16xf32>,
            %broadcast_in_dim3A_224 = arith.constant 0.000000e+00 : f32
            %broadcast_in_dim3A_225 = vector.broadcast %broadcast_in_dim3A_224 : f32 to vector<16xf32>
            %swap3A_226 = arith.index_cast %while3A_209 : i32 to index
            %swap3A_227 = arith.constant 32 : index
            %swap3A_228 = tpu.vector_load %arg9[%swap3A_226, %swap3A_227] {strides = array<i32>} : memref<32x512xf32, #tpu.memory_space<vmem>>, vector<1x16xf32>,
            %swap3A_229 = vector.shape_cast %swap3A_228 : vector<1x16xf32> to vector<16xf32>
            %swap3A_230 = vector.shape_cast %broadcast_in_dim3A_225 : vector<16xf32> to vector<1x16xf32>
            tpu.vector_store %arg9[%swap3A_226, %swap3A_227], %swap3A_230 {strides = array<i32>} : memref<32x512xf32, #tpu.memory_space<vmem>>, vector<1x16xf32>,
            %broadcast_in_dim3A_231 = arith.constant 0.000000e+00 : f32
            %broadcast_in_dim3A_232 = vector.broadcast %broadcast_in_dim3A_231 : f32 to vector<16xf32>
            %swap3A_233 = arith.index_cast %while3A_209 : i32 to index
            %swap3A_234 = arith.constant 48 : index
            %swap3A_235 = tpu.vector_load %arg9[%swap3A_233, %swap3A_234] {strides = array<i32>} : memref<32x512xf32, #tpu.memory_space<vmem>>, vector<1x16xf32>,
            %swap3A_236 = vector.shape_cast %swap3A_235 : vector<1x16xf32> to vector<16xf32>
            %swap3A_237 = vector.shape_cast %broadcast_in_dim3A_232 : vector<16xf32> to vector<1x16xf32>
            tpu.vector_store %arg9[%swap3A_233, %swap3A_234], %swap3A_237 {strides = array<i32>} : memref<32x512xf32, #tpu.memory_space<vmem>>, vector<1x16xf32>,
            %broadcast_in_dim3A_238 = arith.constant 0.000000e+00 : f32
            %broadcast_in_dim3A_239 = vector.broadcast %broadcast_in_dim3A_238 : f32 to vector<16xf32>
            %swap3A_240 = arith.index_cast %while3A_209 : i32 to index
            %swap3A_241 = arith.constant 64 : index
            %swap3A_242 = tpu.vector_load %arg9[%swap3A_240, %swap3A_241] {strides = array<i32>} : memref<32x512xf32, #tpu.memory_space<vmem>>, vector<1x16xf32>,
            %swap3A_243 = vector.shape_cast %swap3A_242 : vector<1x16xf32> to vector<16xf32>
            %swap3A_244 = vector.shape_cast %broadcast_in_dim3A_239 : vector<16xf32> to vector<1x16xf32>
            tpu.vector_store %arg9[%swap3A_240, %swap3A_241], %swap3A_244 {strides = array<i32>} : memref<32x512xf32, #tpu.memory_space<vmem>>, vector<1x16xf32>,
            %broadcast_in_dim3A_245 = arith.constant 0.000000e+00 : f32
            %broadcast_in_dim3A_246 = vector.broadcast %broadcast_in_dim3A_245 : f32 to vector<16xf32>
            %swap3A_247 = arith.index_cast %while3A_209 : i32 to index
            %swap3A_248 = arith.constant 80 : index
            %swap3A_249 = tpu.vector_load %arg9[%swap3A_247, %swap3A_248] {strides = array<i32>} : memref<32x512xf32, #tpu.memory_space<vmem>>, vector<1x16xf32>,
            %swap3A_250 = vector.shape_cast %swap3A_249 : vector<1x16xf32> to vector<16xf32>
            %swap3A_251 = vector.shape_cast %broadcast_in_dim3A_246 : vector<16xf32> to vector<1x16xf32>
            tpu.vector_store %arg9[%swap3A_247, %swap3A_248], %swap3A_251 {strides = array<i32>} : memref<32x512xf32, #tpu.memory_space<vmem>>, vector<1x16xf32>,
            %broadcast_in_dim3A_252 = arith.constant 0.000000e+00 : f32
            %broadcast_in_dim3A_253 = vector.broadcast %broadcast_in_dim3A_252 : f32 to vector<16xf32>
            %swap3A_254 = arith.index_cast %while3A_209 : i32 to index
            %swap3A_255 = arith.constant 96 : index
            %swap3A_256 = tpu.vector_load %arg9[%swap3A_254, %swap3A_255] {strides = array<i32>} : memref<32x512xf32, #tpu.memory_space<vmem>>, vector<1x16xf32>,
            %swap3A_257 = vector.shape_cast %swap3A_256 : vector<1x16xf32> to vector<16xf32>
            %swap3A_258 = vector.shape_cast %broadcast_in_dim3A_253 : vector<16xf32> to vector<1x16xf32>
            tpu.vector_store %arg9[%swap3A_254, %swap3A_255], %swap3A_258 {strides = array<i32>} : memref<32x512xf32, #tpu.memory_space<vmem>>, vector<1x16xf32>,
            %broadcast_in_dim3A_259 = arith.constant 0.000000e+00 : f32
            %broadcast_in_dim3A_260 = vector.broadcast %broadcast_in_dim3A_259 : f32 to vector<16xf32>
            %swap3A_261 = arith.index_cast %while3A_209 : i32 to index
            %swap3A_262 = arith.constant 112 : index
            %swap3A_263 = tpu.vector_load %arg9[%swap3A_261, %swap3A_262] {strides = array<i32>} : memref<32x512xf32, #tpu.memory_space<vmem>>, vector<1x16xf32>,
            %swap3A_264 = vector.shape_cast %swap3A_263 : vector<1x16xf32> to vector<16xf32>
            %swap3A_265 = vector.shape_cast %broadcast_in_dim3A_260 : vector<16xf32> to vector<1x16xf32>
            tpu.vector_store %arg9[%swap3A_261, %swap3A_262], %swap3A_265 {strides = array<i32>} : memref<32x512xf32, #tpu.memory_space<vmem>>, vector<1x16xf32>,
            %broadcast_in_dim3A_266 = arith.constant 0.000000e+00 : f32
            %broadcast_in_dim3A_267 = vector.broadcast %broadcast_in_dim3A_266 : f32 to vector<16xf32>
            %swap3A_268 = arith.index_cast %while3A_209 : i32 to index
            %swap3A_269 = arith.constant 128 : index
            %swap3A_270 = tpu.vector_load %arg9[%swap3A_268, %swap3A_269] {strides = array<i32>} : memref<32x512xf32, #tpu.memory_space<vmem>>, vector<1x16xf32>,
            %swap3A_271 = vector.shape_cast %swap3A_270 : vector<1x16xf32> to vector<16xf32>
            %swap3A_272 = vector.shape_cast %broadcast_in_dim3A_267 : vector<16xf32> to vector<1x16xf32>
            tpu.vector_store %arg9[%swap3A_268, %swap3A_269], %swap3A_272 {strides = array<i32>} : memref<32x512xf32, #tpu.memory_space<vmem>>, vector<1x16xf32>,
            %broadcast_in_dim3A_273 = arith.constant 0.000000e+00 : f32
            %broadcast_in_dim3A_274 = vector.broadcast %broadcast_in_dim3A_273 : f32 to vector<16xf32>
            %swap3A_275 = arith.index_cast %while3A_209 : i32 to index
            %swap3A_276 = arith.constant 144 : index
            %swap3A_277 = tpu.vector_load %arg9[%swap3A_275, %swap3A_276] {strides = array<i32>} : memref<32x512xf32, #tpu.memory_space<vmem>>, vector<1x16xf32>,
            %swap3A_278 = vector.shape_cast %swap3A_277 : vector<1x16xf32> to vector<16xf32>
            %swap3A_279 = vector.shape_cast %broadcast_in_dim3A_274 : vector<16xf32> to vector<1x16xf32>
            tpu.vector_store %arg9[%swap3A_275, %swap3A_276], %swap3A_279 {strides = array<i32>} : memref<32x512xf32, #tpu.memory_space<vmem>>, vector<1x16xf32>,
            %broadcast_in_dim3A_280 = arith.constant 0.000000e+00 : f32
            %broadcast_in_dim3A_281 = vector.broadcast %broadcast_in_dim3A_280 : f32 to vector<16xf32>
            %swap3A_282 = arith.index_cast %while3A_209 : i32 to index
            %swap3A_283 = arith.constant 160 : index
            %swap3A_284 = tpu.vector_load %arg9[%swap3A_282, %swap3A_283] {strides = array<i32>} : memref<32x512xf32, #tpu.memory_space<vmem>>, vector<1x16xf32>,
            %swap3A_285 = vector.shape_cast %swap3A_284 : vector<1x16xf32> to vector<16xf32>
            %swap3A_286 = vector.shape_cast %broadcast_in_dim3A_281 : vector<16xf32> to vector<1x16xf32>
            tpu.vector_store %arg9[%swap3A_282, %swap3A_283], %swap3A_286 {strides = array<i32>} : memref<32x512xf32, #tpu.memory_space<vmem>>, vector<1x16xf32>,
            %broadcast_in_dim3A_287 = arith.constant 0.000000e+00 : f32
            %broadcast_in_dim3A_288 = vector.broadcast %broadcast_in_dim3A_287 : f32 to vector<16xf32>
            %swap3A_289 = arith.index_cast %while3A_209 : i32 to index
            %swap3A_290 = arith.constant 176 : index
            %swap3A_291 = tpu.vector_load %arg9[%swap3A_289, %swap3A_290] {strides = array<i32>} : memref<32x512xf32, #tpu.memory_space<vmem>>, vector<1x16xf32>,
            %swap3A_292 = vector.shape_cast %swap3A_291 : vector<1x16xf32> to vector<16xf32>
            %swap3A_293 = vector.shape_cast %broadcast_in_dim3A_288 : vector<16xf32> to vector<1x16xf32>
            tpu.vector_store %arg9[%swap3A_289, %swap3A_290], %swap3A_293 {strides = array<i32>} : memref<32x512xf32, #tpu.memory_space<vmem>>, vector<1x16xf32>,
            %broadcast_in_dim3A_294 = arith.constant 0.000000e+00 : f32
            %broadcast_in_dim3A_295 = vector.broadcast %broadcast_in_dim3A_294 : f32 to vector<16xf32>
            %swap3A_296 = arith.index_cast %while3A_209 : i32 to index
            %swap3A_297 = arith.constant 192 : index
            %swap3A_298 = tpu.vector_load %arg9[%swap3A_296, %swap3A_297] {strides = array<i32>} : memref<32x512xf32, #tpu.memory_space<vmem>>, vector<1x16xf32>,
            %swap3A_299 = vector.shape_cast %swap3A_298 : vector<1x16xf32> to vector<16xf32>
            %swap3A_300 = vector.shape_cast %broadcast_in_dim3A_295 : vector<16xf32> to vector<1x16xf32>
            tpu.vector_store %arg9[%swap3A_296, %swap3A_297], %swap3A_300 {strides = array<i32>} : memref<32x512xf32, #tpu.memory_space<vmem>>, vector<1x16xf32>,
            %broadcast_in_dim3A_301 = arith.constant 0.000000e+00 : f32
            %broadcast_in_dim3A_302 = vector.broadcast %broadcast_in_dim3A_301 : f32 to vector<16xf32>
            %swap3A_303 = arith.index_cast %while3A_209 : i32 to index
            %swap3A_304 = arith.constant 208 : index
            %swap3A_305 = tpu.vector_load %arg9[%swap3A_303, %swap3A_304] {strides = array<i32>} : memref<32x512xf32, #tpu.memory_space<vmem>>, vector<1x16xf32>,
            %swap3A_306 = vector.shape_cast %swap3A_305 : vector<1x16xf32> to vector<16xf32>
            %swap3A_307 = vector.shape_cast %broadcast_in_dim3A_302 : vector<16xf32> to vector<1x16xf32>
            tpu.vector_store %arg9[%swap3A_303, %swap3A_304], %swap3A_307 {strides = array<i32>} : memref<32x512xf32, #tpu.memory_space<vmem>>, vector<1x16xf32>,
            %broadcast_in_dim3A_308 = arith.constant 0.000000e+00 : f32
            %broadcast_in_dim3A_309 = vector.broadcast %broadcast_in_dim3A_308 : f32 to vector<16xf32>
            %swap3A_310 = arith.index_cast %while3A_209 : i32 to index
            %swap3A_311 = arith.constant 224 : index
            %swap3A_312 = tpu.vector_load %arg9[%swap3A_310, %swap3A_311] {strides = array<i32>} : memref<32x512xf32, #tpu.memory_space<vmem>>, vector<1x16xf32>,
            %swap3A_313 = vector.shape_cast %swap3A_312 : vector<1x16xf32> to vector<16xf32>
            %swap3A_314 = vector.shape_cast %broadcast_in_dim3A_309 : vector<16xf32> to vector<1x16xf32>
            tpu.vector_store %arg9[%swap3A_310, %swap3A_311], %swap3A_314 {strides = array<i32>} : memref<32x512xf32, #tpu.memory_space<vmem>>, vector<1x16xf32>,
            %broadcast_in_dim3A_315 = arith.constant 0.000000e+00 : f32
            %broadcast_in_dim3A_316 = vector.broadcast %broadcast_in_dim3A_315 : f32 to vector<16xf32>
            %swap3A_317 = arith.index_cast %while3A_209 : i32 to index
            %swap3A_318 = arith.constant 240 : index
            %swap3A_319 = tpu.vector_load %arg9[%swap3A_317, %swap3A_318] {strides = array<i32>} : memref<32x512xf32, #tpu.memory_space<vmem>>, vector<1x16xf32>,
            %swap3A_320 = vector.shape_cast %swap3A_319 : vector<1x16xf32> to vector<16xf32>
            %swap3A_321 = vector.shape_cast %broadcast_in_dim3A_316 : vector<16xf32> to vector<1x16xf32>
            tpu.vector_store %arg9[%swap3A_317, %swap3A_318], %swap3A_321 {strides = array<i32>} : memref<32x512xf32, #tpu.memory_space<vmem>>, vector<1x16xf32>,
            %broadcast_in_dim3A_322 = arith.constant 0.000000e+00 : f32
            %broadcast_in_dim3A_323 = vector.broadcast %broadcast_in_dim3A_322 : f32 to vector<16xf32>
            %swap3A_324 = arith.index_cast %while3A_209 : i32 to index
            %swap3A_325 = arith.constant 256 : index
            %swap3A_326 = tpu.vector_load %arg9[%swap3A_324, %swap3A_325] {strides = array<i32>} : memref<32x512xf32, #tpu.memory_space<vmem>>, vector<1x16xf32>,
            %swap3A_327 = vector.shape_cast %swap3A_326 : vector<1x16xf32> to vector<16xf32>
            %swap3A_328 = vector.shape_cast %broadcast_in_dim3A_323 : vector<16xf32> to vector<1x16xf32>
            tpu.vector_store %arg9[%swap3A_324, %swap3A_325], %swap3A_328 {strides = array<i32>} : memref<32x512xf32, #tpu.memory_space<vmem>>, vector<1x16xf32>,
            %broadcast_in_dim3A_329 = arith.constant 0.000000e+00 : f32
            %broadcast_in_dim3A_330 = vector.broadcast %broadcast_in_dim3A_329 : f32 to vector<16xf32>
            %swap3A_331 = arith.index_cast %while3A_209 : i32 to index
            %swap3A_332 = arith.constant 272 : index
            %swap3A_333 = tpu.vector_load %arg9[%swap3A_331, %swap3A_332] {strides = array<i32>} : memref<32x512xf32, #tpu.memory_space<vmem>>, vector<1x16xf32>,
            %swap3A_334 = vector.shape_cast %swap3A_333 : vector<1x16xf32> to vector<16xf32>
            %swap3A_335 = vector.shape_cast %broadcast_in_dim3A_330 : vector<16xf32> to vector<1x16xf32>
            tpu.vector_store %arg9[%swap3A_331, %swap3A_332], %swap3A_335 {strides = array<i32>} : memref<32x512xf32, #tpu.memory_space<vmem>>, vector<1x16xf32>,
            %broadcast_in_dim3A_336 = arith.constant 0.000000e+00 : f32
            %broadcast_in_dim3A_337 = vector.broadcast %broadcast_in_dim3A_336 : f32 to vector<16xf32>
            %swap3A_338 = arith.index_cast %while3A_209 : i32 to index
            %swap3A_339 = arith.constant 288 : index
            %swap3A_340 = tpu.vector_load %arg9[%swap3A_338, %swap3A_339] {strides = array<i32>} : memref<32x512xf32, #tpu.memory_space<vmem>>, vector<1x16xf32>,
            %swap3A_341 = vector.shape_cast %swap3A_340 : vector<1x16xf32> to vector<16xf32>
            %swap3A_342 = vector.shape_cast %broadcast_in_dim3A_337 : vector<16xf32> to vector<1x16xf32>
            tpu.vector_store %arg9[%swap3A_338, %swap3A_339], %swap3A_342 {strides = array<i32>} : memref<32x512xf32, #tpu.memory_space<vmem>>, vector<1x16xf32>,
            %broadcast_in_dim3A_343 = arith.constant 0.000000e+00 : f32
            %broadcast_in_dim3A_344 = vector.broadcast %broadcast_in_dim3A_343 : f32 to vector<16xf32>
            %swap3A_345 = arith.index_cast %while3A_209 : i32 to index
            %swap3A_346 = arith.constant 304 : index
            %swap3A_347 = tpu.vector_load %arg9[%swap3A_345, %swap3A_346] {strides = array<i32>} : memref<32x512xf32, #tpu.memory_space<vmem>>, vector<1x16xf32>,
            %swap3A_348 = vector.shape_cast %swap3A_347 : vector<1x16xf32> to vector<16xf32>
            %swap3A_349 = vector.shape_cast %broadcast_in_dim3A_344 : vector<16xf32> to vector<1x16xf32>
            tpu.vector_store %arg9[%swap3A_345, %swap3A_346], %swap3A_349 {strides = array<i32>} : memref<32x512xf32, #tpu.memory_space<vmem>>, vector<1x16xf32>,
            %broadcast_in_dim3A_350 = arith.constant 0.000000e+00 : f32
            %broadcast_in_dim3A_351 = vector.broadcast %broadcast_in_dim3A_350 : f32 to vector<16xf32>
            %swap3A_352 = arith.index_cast %while3A_209 : i32 to index
            %swap3A_353 = arith.constant 320 : index
            %swap3A_354 = tpu.vector_load %arg9[%swap3A_352, %swap3A_353] {strides = array<i32>} : memref<32x512xf32, #tpu.memory_space<vmem>>, vector<1x16xf32>,
            %swap3A_355 = vector.shape_cast %swap3A_354 : vector<1x16xf32> to vector<16xf32>
            %swap3A_356 = vector.shape_cast %broadcast_in_dim3A_351 : vector<16xf32> to vector<1x16xf32>
            tpu.vector_store %arg9[%swap3A_352, %swap3A_353], %swap3A_356 {strides = array<i32>} : memref<32x512xf32, #tpu.memory_space<vmem>>, vector<1x16xf32>,
            %broadcast_in_dim3A_357 = arith.constant 0.000000e+00 : f32
            %broadcast_in_dim3A_358 = vector.broadcast %broadcast_in_dim3A_357 : f32 to vector<16xf32>
            %swap3A_359 = arith.index_cast %while3A_209 : i32 to index
            %swap3A_360 = arith.constant 336 : index
            %swap3A_361 = tpu.vector_load %arg9[%swap3A_359, %swap3A_360] {strides = array<i32>} : memref<32x512xf32, #tpu.memory_space<vmem>>, vector<1x16xf32>,
            %swap3A_362 = vector.shape_cast %swap3A_361 : vector<1x16xf32> to vector<16xf32>
            %swap3A_363 = vector.shape_cast %broadcast_in_dim3A_358 : vector<16xf32> to vector<1x16xf32>
            tpu.vector_store %arg9[%swap3A_359, %swap3A_360], %swap3A_363 {strides = array<i32>} : memref<32x512xf32, #tpu.memory_space<vmem>>, vector<1x16xf32>,
            %broadcast_in_dim3A_364 = arith.constant 0.000000e+00 : f32
            %broadcast_in_dim3A_365 = vector.broadcast %broadcast_in_dim3A_364 : f32 to vector<16xf32>
            %swap3A_366 = arith.index_cast %while3A_209 : i32 to index
            %swap3A_367 = arith.constant 352 : index
            %swap3A_368 = tpu.vector_load %arg9[%swap3A_366, %swap3A_367] {strides = array<i32>} : memref<32x512xf32, #tpu.memory_space<vmem>>, vector<1x16xf32>,
            %swap3A_369 = vector.shape_cast %swap3A_368 : vector<1x16xf32> to vector<16xf32>
            %swap3A_370 = vector.shape_cast %broadcast_in_dim3A_365 : vector<16xf32> to vector<1x16xf32>
            tpu.vector_store %arg9[%swap3A_366, %swap3A_367], %swap3A_370 {strides = array<i32>} : memref<32x512xf32, #tpu.memory_space<vmem>>, vector<1x16xf32>,
            %broadcast_in_dim3A_371 = arith.constant 0.000000e+00 : f32
            %broadcast_in_dim3A_372 = vector.broadcast %broadcast_in_dim3A_371 : f32 to vector<16xf32>
            %swap3A_373 = arith.index_cast %while3A_209 : i32 to index
            %swap3A_374 = arith.constant 368 : index
            %swap3A_375 = tpu.vector_load %arg9[%swap3A_373, %swap3A_374] {strides = array<i32>} : memref<32x512xf32, #tpu.memory_space<vmem>>, vector<1x16xf32>,
            %swap3A_376 = vector.shape_cast %swap3A_375 : vector<1x16xf32> to vector<16xf32>
            %swap3A_377 = vector.shape_cast %broadcast_in_dim3A_372 : vector<16xf32> to vector<1x16xf32>
            tpu.vector_store %arg9[%swap3A_373, %swap3A_374], %swap3A_377 {strides = array<i32>} : memref<32x512xf32, #tpu.memory_space<vmem>>, vector<1x16xf32>,
            %broadcast_in_dim3A_378 = arith.constant 0.000000e+00 : f32
            %broadcast_in_dim3A_379 = vector.broadcast %broadcast_in_dim3A_378 : f32 to vector<16xf32>
            %swap3A_380 = arith.index_cast %while3A_209 : i32 to index
            %swap3A_381 = arith.constant 384 : index
            %swap3A_382 = tpu.vector_load %arg9[%swap3A_380, %swap3A_381] {strides = array<i32>} : memref<32x512xf32, #tpu.memory_space<vmem>>, vector<1x16xf32>,
            %swap3A_383 = vector.shape_cast %swap3A_382 : vector<1x16xf32> to vector<16xf32>
            %swap3A_384 = vector.shape_cast %broadcast_in_dim3A_379 : vector<16xf32> to vector<1x16xf32>
            tpu.vector_store %arg9[%swap3A_380, %swap3A_381], %swap3A_384 {strides = array<i32>} : memref<32x512xf32, #tpu.memory_space<vmem>>, vector<1x16xf32>,
            %broadcast_in_dim3A_385 = arith.constant 0.000000e+00 : f32
            %broadcast_in_dim3A_386 = vector.broadcast %broadcast_in_dim3A_385 : f32 to vector<16xf32>
            %swap3A_387 = arith.index_cast %while3A_209 : i32 to index
            %swap3A_388 = arith.constant 400 : index
            %swap3A_389 = tpu.vector_load %arg9[%swap3A_387, %swap3A_388] {strides = array<i32>} : memref<32x512xf32, #tpu.memory_space<vmem>>, vector<1x16xf32>,
            %swap3A_390 = vector.shape_cast %swap3A_389 : vector<1x16xf32> to vector<16xf32>
            %swap3A_391 = vector.shape_cast %broadcast_in_dim3A_386 : vector<16xf32> to vector<1x16xf32>
            tpu.vector_store %arg9[%swap3A_387, %swap3A_388], %swap3A_391 {strides = array<i32>} : memref<32x512xf32, #tpu.memory_space<vmem>>, vector<1x16xf32>,
            %broadcast_in_dim3A_392 = arith.constant 0.000000e+00 : f32
            %broadcast_in_dim3A_393 = vector.broadcast %broadcast_in_dim3A_392 : f32 to vector<16xf32>
            %swap3A_394 = arith.index_cast %while3A_209 : i32 to index
            %swap3A_395 = arith.constant 416 : index
            %swap3A_396 = tpu.vector_load %arg9[%swap3A_394, %swap3A_395] {strides = array<i32>} : memref<32x512xf32, #tpu.memory_space<vmem>>, vector<1x16xf32>,
            %swap3A_397 = vector.shape_cast %swap3A_396 : vector<1x16xf32> to vector<16xf32>
            %swap3A_398 = vector.shape_cast %broadcast_in_dim3A_393 : vector<16xf32> to vector<1x16xf32>
            tpu.vector_store %arg9[%swap3A_394, %swap3A_395], %swap3A_398 {strides = array<i32>} : memref<32x512xf32, #tpu.memory_space<vmem>>, vector<1x16xf32>,
            %broadcast_in_dim3A_399 = arith.constant 0.000000e+00 : f32
            %broadcast_in_dim3A_400 = vector.broadcast %broadcast_in_dim3A_399 : f32 to vector<16xf32>
            %swap3A_401 = arith.index_cast %while3A_209 : i32 to index
            %swap3A_402 = arith.constant 432 : index
            %swap3A_403 = tpu.vector_load %arg9[%swap3A_401, %swap3A_402] {strides = array<i32>} : memref<32x512xf32, #tpu.memory_space<vmem>>, vector<1x16xf32>,
            %swap3A_404 = vector.shape_cast %swap3A_403 : vector<1x16xf32> to vector<16xf32>
            %swap3A_405 = vector.shape_cast %broadcast_in_dim3A_400 : vector<16xf32> to vector<1x16xf32>
            tpu.vector_store %arg9[%swap3A_401, %swap3A_402], %swap3A_405 {strides = array<i32>} : memref<32x512xf32, #tpu.memory_space<vmem>>, vector<1x16xf32>,
            %broadcast_in_dim3A_406 = arith.constant 0.000000e+00 : f32
            %broadcast_in_dim3A_407 = vector.broadcast %broadcast_in_dim3A_406 : f32 to vector<16xf32>
            %swap3A_408 = arith.index_cast %while3A_209 : i32 to index
            %swap3A_409 = arith.constant 448 : index
            %swap3A_410 = tpu.vector_load %arg9[%swap3A_408, %swap3A_409] {strides = array<i32>} : memref<32x512xf32, #tpu.memory_space<vmem>>, vector<1x16xf32>,
            %swap3A_411 = vector.shape_cast %swap3A_410 : vector<1x16xf32> to vector<16xf32>
            %swap3A_412 = vector.shape_cast %broadcast_in_dim3A_407 : vector<16xf32> to vector<1x16xf32>
            tpu.vector_store %arg9[%swap3A_408, %swap3A_409], %swap3A_412 {strides = array<i32>} : memref<32x512xf32, #tpu.memory_space<vmem>>, vector<1x16xf32>,
            %broadcast_in_dim3A_413 = arith.constant 0.000000e+00 : f32
            %broadcast_in_dim3A_414 = vector.broadcast %broadcast_in_dim3A_413 : f32 to vector<16xf32>
            %swap3A_415 = arith.index_cast %while3A_209 : i32 to index
            %swap3A_416 = arith.constant 464 : index
            %swap3A_417 = tpu.vector_load %arg9[%swap3A_415, %swap3A_416] {strides = array<i32>} : memref<32x512xf32, #tpu.memory_space<vmem>>, vector<1x16xf32>,
            %swap3A_418 = vector.shape_cast %swap3A_417 : vector<1x16xf32> to vector<16xf32>
            %swap3A_419 = vector.shape_cast %broadcast_in_dim3A_414 : vector<16xf32> to vector<1x16xf32>
            tpu.vector_store %arg9[%swap3A_415, %swap3A_416], %swap3A_419 {strides = array<i32>} : memref<32x512xf32, #tpu.memory_space<vmem>>, vector<1x16xf32>,
            %broadcast_in_dim3A_420 = arith.constant 0.000000e+00 : f32
            %broadcast_in_dim3A_421 = vector.broadcast %broadcast_in_dim3A_420 : f32 to vector<16xf32>
            %swap3A_422 = arith.index_cast %while3A_209 : i32 to index
            %swap3A_423 = arith.constant 480 : index
            %swap3A_424 = tpu.vector_load %arg9[%swap3A_422, %swap3A_423] {strides = array<i32>} : memref<32x512xf32, #tpu.memory_space<vmem>>, vector<1x16xf32>,
            %swap3A_425 = vector.shape_cast %swap3A_424 : vector<1x16xf32> to vector<16xf32>
            %swap3A_426 = vector.shape_cast %broadcast_in_dim3A_421 : vector<16xf32> to vector<1x16xf32>
            tpu.vector_store %arg9[%swap3A_422, %swap3A_423], %swap3A_426 {strides = array<i32>} : memref<32x512xf32, #tpu.memory_space<vmem>>, vector<1x16xf32>,
            %broadcast_in_dim3A_427 = arith.constant 0.000000e+00 : f32
            %broadcast_in_dim3A_428 = vector.broadcast %broadcast_in_dim3A_427 : f32 to vector<16xf32>
            %swap3A_429 = arith.index_cast %while3A_209 : i32 to index
            %swap3A_430 = arith.constant 496 : index
            %swap3A_431 = tpu.vector_load %arg9[%swap3A_429, %swap3A_430] {strides = array<i32>} : memref<32x512xf32, #tpu.memory_space<vmem>>, vector<1x16xf32>,
            %swap3A_432 = vector.shape_cast %swap3A_431 : vector<1x16xf32> to vector<16xf32>
            %swap3A_433 = vector.shape_cast %broadcast_in_dim3A_428 : vector<16xf32> to vector<1x16xf32>
            tpu.vector_store %arg9[%swap3A_429, %swap3A_430], %swap3A_433 {strides = array<i32>} : memref<32x512xf32, #tpu.memory_space<vmem>>, vector<1x16xf32>,
          }
        } else {
        }
        %mul3A_184 = arith.constant 32 : i32
        %mul3A_185 = arith.muli %add3A_150, %mul3A_184 : i32
        %add3A_186 = arith.addi %mul3A_32, %mul3A_185 : i32
        %dma_start3A = arith.constant 0 : i32
        %dma_start3A_187 = tpu.memref_slice %arg4[%select_n3A, %add3A_186, %dma_start3A] : memref<16x2048x512xf32, #tpu.memory_space<hbm>> -> memref<1x32x512xf32, #tpu.memory_space<hbm>>
        %dma_start3A_188 = tpu.memref_squeeze %dma_start3A_187 : memref<1x32x512xf32, #tpu.memory_space<hbm>> -> memref<32x512xf32, #tpu.memory_space<hbm>>
        %dma_start3A_189 = arith.constant 0 : i32
        %dma_start3A_190 = tpu.memref_slice %arg4[%select_n3A, %add3A_186, %dma_start3A_189] : memref<16x2048x512xf32, #tpu.memory_space<hbm>> -> memref<1x32x512xf32, #tpu.memory_space<hbm>>
        %dma_start3A_191 = tpu.memref_squeeze %dma_start3A_190 : memref<1x32x512xf32, #tpu.memory_space<hbm>> -> memref<32x512xf32, #tpu.memory_space<hbm>>
        tpu.enqueue_dma source(%arg9 : memref<32x512xf32, #tpu.memory_space<vmem>>) target(%dma_start3A_191 : memref<32x512xf32, #tpu.memory_space<hbm>>) target_semaphore(%arg18 : memref<!tpu.dma_semaphore, #tpu.memory_space<semaphore_mem>>)
        %add3A_192 = arith.constant 4 : i32
        %add3A_193 = arith.addi %add3A_150, %add3A_192 : i32
        %sub3A_194 = arith.constant 1 : i32
        %sub3A_195 = arith.subi %add3A_193, %sub3A_194 : i32
        %lt3A_196 = arith.cmpi slt, %sub3A_195, %add3A_91 : i32
        %convert_element_type3A_197 = arith.extui %lt3A_196 : i1 to i32
        %cond3A_198 = arith.constant 0 : i32
        %cond3A_199 = arith.cmpi ne, %convert_element_type3A_197, %cond3A_198 : i32
        scf.if %cond3A_199 {
          %ge3A_200 = arith.constant 4 : i32
          %ge3A_201 = arith.cmpi sge, %sub3A_195, %ge3A_200 : i32
          %convert_element_type3A_202 = arith.extui %ge3A_201 : i1 to i32
          %cond3A_203 = arith.constant 0 : i32
          %cond3A_204 = arith.cmpi ne, %convert_element_type3A_202, %cond3A_203 : i32
          scf.if %cond3A_204 {
            %sub3A_245 = arith.constant 4 : i32
            %sub3A_246 = arith.subi %sub3A_195, %sub3A_245 : i32
            %mul3A_247 = arith.constant 32 : i32
            %mul3A_248 = arith.muli %sub3A_246, %mul3A_247 : i32
            %add3A_249 = arith.addi %mul3A_32, %mul3A_248 : i32
            %dma_wait3A_250 = arith.constant 0 : i32
            %dma_wait3A_251 = tpu.memref_slice %arg4[%select_n3A, %add3A_249, %dma_wait3A_250] : memref<16x2048x512xf32, #tpu.memory_space<hbm>> -> memref<1x32x512xf32, #tpu.memory_space<hbm>>
            %dma_wait3A_252 = tpu.memref_squeeze %dma_wait3A_251 : memref<1x32x512xf32, #tpu.memory_space<hbm>> -> memref<32x512xf32, #tpu.memory_space<hbm>>
            %dma_wait3A_253 = arith.constant 0 : i32
            %dma_wait3A_254 = tpu.memref_slice %arg4[%select_n3A, %add3A_249, %dma_wait3A_253] : memref<16x2048x512xf32, #tpu.memory_space<hbm>> -> memref<1x32x512xf32, #tpu.memory_space<hbm>>
            %dma_wait3A_255 = tpu.memref_squeeze %dma_wait3A_254 : memref<1x32x512xf32, #tpu.memory_space<hbm>> -> memref<32x512xf32, #tpu.memory_space<hbm>>
            tpu.wait_dma2 semaphore(%arg17 : memref<!tpu.dma_semaphore, #tpu.memory_space<semaphore_mem>>) src(%arg8 : memref<32x512xf32, #tpu.memory_space<vmem>>) dst(%dma_wait3A_255 : memref<32x512xf32, #tpu.memory_space<hbm>>)
          } else {
          }
          %mul3A_205 = arith.constant 32 : i32
          %mul3A_206 = arith.muli %sub3A_195, %mul3A_205 : i32
          %add3A_207 = arith.addi %add3A_92, %mul3A_206 : i32
          %add3A_208 = arith.constant 0 : i32
          %add3A_209 = arith.addi %add3A_207, %add3A_208 : i32
          %iota3A = tpu.iota {dimensions = array<i32: 0>} : vector<16xi32>
          %add3A_210 = vector.broadcast %add3A_209 : i32 to vector<16xi32>
          %add3A_211 = arith.addi %add3A_210, %iota3A : vector<16xi32>
          %min3A_212 = arith.constant 16383 : i32
          %min3A_213 = vector.broadcast %min3A_212 : i32 to vector<16xi32>
          %min3A_214 = arith.minsi %add3A_211, %min3A_213 : vector<16xi32>
          %swap3A_215 = arith.constant 1 : i32
          %swap3A_216 = arith.index_cast %swap3A_215 : i32 to index
          %swap3A_217 = arith.constant 0 : index
          %swap3A_218 = tpu.vector_load %arg6[%swap3A_216, %swap3A_217] {strides = array<i32>} : memref<4x32xi32, #tpu.memory_space<vmem>>, vector<1x16xi32>,
          %swap3A_219 = vector.shape_cast %swap3A_218 : vector<1x16xi32> to vector<16xi32>
          %swap3A_220 = vector.shape_cast %min3A_214 : vector<16xi32> to vector<1x16xi32>
          tpu.vector_store %arg6[%swap3A_216, %swap3A_217], %swap3A_220 {strides = array<i32>} : memref<4x32xi32, #tpu.memory_space<vmem>>, vector<1x16xi32>,
          %mul3A_221 = arith.constant 32 : i32
          %mul3A_222 = arith.muli %sub3A_195, %mul3A_221 : i32
          %add3A_223 = arith.addi %add3A_92, %mul3A_222 : i32
          %add3A_224 = arith.constant 16 : i32
          %add3A_225 = arith.addi %add3A_223, %add3A_224 : i32
          %iota3A_226 = tpu.iota {dimensions = array<i32: 0>} : vector<16xi32>
          %add3A_227 = vector.broadcast %add3A_225 : i32 to vector<16xi32>
          %add3A_228 = arith.addi %add3A_227, %iota3A_226 : vector<16xi32>
          %min3A_229 = arith.constant 16383 : i32
          %min3A_230 = vector.broadcast %min3A_229 : i32 to vector<16xi32>
          %min3A_231 = arith.minsi %add3A_228, %min3A_230 : vector<16xi32>
          %swap3A_232 = arith.constant 1 : i32
          %swap3A_233 = arith.index_cast %swap3A_232 : i32 to index
          %swap3A_234 = arith.constant 16 : index
          %swap3A_235 = tpu.vector_load %arg6[%swap3A_233, %swap3A_234] {strides = array<i32>} : memref<4x32xi32, #tpu.memory_space<vmem>>, vector<1x16xi32>,
          %swap3A_236 = vector.shape_cast %swap3A_235 : vector<1x16xi32> to vector<16xi32>
          %swap3A_237 = vector.shape_cast %min3A_231 : vector<16xi32> to vector<1x16xi32>
          tpu.vector_store %arg6[%swap3A_233, %swap3A_234], %swap3A_237 {strides = array<i32>} : memref<4x32xi32, #tpu.memory_space<vmem>>, vector<1x16xi32>,
          %dma_start3A_238 = arith.constant 1 : i32
          %dma_start3A_239 = arith.constant 0 : i32
          %dma_start3A_240 = tpu.memref_slice %arg6[%dma_start3A_238, %dma_start3A_239] : memref<4x32xi32, #tpu.memory_space<vmem>> -> memref<1x32xi32, #tpu.memory_space<vmem>>
          %dma_start3A_241 = tpu.memref_squeeze %dma_start3A_240 : memref<1x32xi32, #tpu.memory_space<vmem>> -> memref<32xi32, #tpu.memory_space<vmem>>
          %dma_start3A_242 = arith.constant 0 : i32
          %dma_start3A_243 = arith.constant 0 : i32
          %dma_start3A_244 = tpu.memref_slice %arg3[%dma_start3A_242, %dma_start3A_243] : memref<16384x512xf32, #tpu.memory_space<hbm>> -> memref<16384x512xf32, #tpu.memory_space<hbm>>
          tpu.enqueue_indirect_dma source(%dma_start3A_244 : memref<16384x512xf32, #tpu.memory_space<hbm>>) target(%arg8 : memref<32x512xf32, #tpu.memory_space<vmem>>) offsets(%dma_start3A_241 : memref<32xi32, #tpu.memory_space<vmem>>) semaphore(%arg13 : memref<!tpu.dma_semaphore, #tpu.memory_space<semaphore_mem>>)
        } else {
        }
      } else {
      }
      %ge3A_155 = arith.cmpi sge, %add3A_150, %add3A_91 : i32
      %convert_element_type3A_156 = arith.extui %ge3A_155 : i1 to i32
      %cond3A_157 = arith.constant 0 : i32
      %cond3A_158 = arith.cmpi ne, %convert_element_type3A_156, %cond3A_157 : i32
      scf.if %cond3A_158 {
        %mul3A_171 = arith.constant 32 : i32
        %mul3A_172 = arith.muli %add3A_150, %mul3A_171 : i32
        %add3A_173 = arith.addi %mul3A_32, %mul3A_172 : i32
        %dma_start3A = arith.constant 0 : i32
        %dma_start3A_174 = tpu.memref_slice %arg4[%select_n3A, %add3A_173, %dma_start3A] : memref<16x2048x512xf32, #tpu.memory_space<hbm>> -> memref<1x32x512xf32, #tpu.memory_space<hbm>>
        %dma_start3A_175 = tpu.memref_squeeze %dma_start3A_174 : memref<1x32x512xf32, #tpu.memory_space<hbm>> -> memref<32x512xf32, #tpu.memory_space<hbm>>
        %dma_start3A_176 = arith.constant 0 : i32
        %dma_start3A_177 = tpu.memref_slice %arg4[%select_n3A, %add3A_173, %dma_start3A_176] : memref<16x2048x512xf32, #tpu.memory_space<hbm>> -> memref<1x32x512xf32, #tpu.memory_space<hbm>>
        %dma_start3A_178 = tpu.memref_squeeze %dma_start3A_177 : memref<1x32x512xf32, #tpu.memory_space<hbm>> -> memref<32x512xf32, #tpu.memory_space<hbm>>
        tpu.enqueue_dma source(%arg11 : memref<32x512xf32, #tpu.memory_space<vmem>>) target(%dma_start3A_178 : memref<32x512xf32, #tpu.memory_space<hbm>>) target_semaphore(%arg20 : memref<!tpu.dma_semaphore, #tpu.memory_space<semaphore_mem>>)
      } else {
      }
      %mul3A_159 = arith.constant 4 : i32
      %mul3A_160 = arith.muli %scan3A_123, %mul3A_159 : i32
      %add3A_161 = arith.constant 3 : i32
      %add3A_162 = arith.addi %mul3A_160, %add3A_161 : i32
      %lt3A_163 = arith.cmpi slt, %add3A_162, %add3A_91 : i32
      %convert_element_type3A_164 = arith.extui %lt3A_163 : i1 to i32
      %cond3A_165 = arith.constant 0 : i32
      %cond3A_166 = arith.cmpi ne, %convert_element_type3A_164, %cond3A_165 : i32
      scf.if %cond3A_166 {
        %dma_wait3A = arith.constant 3 : i32
        %dma_wait3A_171 = arith.constant 0 : i32
        %dma_wait3A_172 = tpu.memref_slice %arg6[%dma_wait3A, %dma_wait3A_171] : memref<4x32xi32, #tpu.memory_space<vmem>> -> memref<1x32xi32, #tpu.memory_space<vmem>>
        %dma_wait3A_173 = tpu.memref_squeeze %dma_wait3A_172 : memref<1x32xi32, #tpu.memory_space<vmem>> -> memref<32xi32, #tpu.memory_space<vmem>>
        %dma_wait3A_174 = arith.constant 0 : i32
        %dma_wait3A_175 = arith.constant 0 : i32
        %dma_wait3A_176 = tpu.memref_slice %arg3[%dma_wait3A_174, %dma_wait3A_175] : memref<16384x512xf32, #tpu.memory_space<hbm>> -> memref<16384x512xf32, #tpu.memory_space<hbm>>
        tpu.wait_indirect_dma semaphore(%arg15 : memref<!tpu.dma_semaphore, #tpu.memory_space<semaphore_mem>>) src(%dma_wait3A_176 : memref<16384x512xf32, #tpu.memory_space<hbm>>) dst(%arg10 : memref<32x512xf32, #tpu.memory_space<vmem>>)
        %eq3A_177 = arith.cmpi eq, %add3A_162, %select_n3A_70 : i32
        %gt3A_178 = arith.constant 0 : i32
        %gt3A_179 = arith.cmpi sgt, %select_n3A_86, %gt3A_178 : i32
        %and3A_180 = arith.andi %eq3A_177, %gt3A_179 : i1
        %convert_element_type3A_181 = arith.extui %and3A_180 : i1 to i32
        %cond3A_182 = arith.constant 0 : i32
        %cond3A_183 = arith.cmpi ne, %convert_element_type3A_181, %cond3A_182 : i32
        scf.if %cond3A_183 {
          %while3A = arith.constant 0 : i32
          %while3A_200 = arith.constant 32 : i32
          %while3A_201 = arith.subi %while3A_200, %select_n3A_86 : i32
          %while3A_202 = arith.addi %select_n3A_86, %while3A_201 : i32
          %while3A_203 = arith.constant 1 : i32
          %while3A_204 = arith.divsi %while3A_201, %while3A_203 : i32
          %while3A_205 = arith.muli %while3A_204, %while3A_203 : i32
          %while3A_206 = arith.addi %select_n3A_86, %while3A_205 : i32
          %while3A_207 = arith.constant 1 : i32
          scf.for %while3A_209 = %select_n3A_86 to %while3A_206 step %while3A_207  : i32 {
            %broadcast_in_dim3A_210 = arith.constant 0.000000e+00 : f32
            %broadcast_in_dim3A_211 = vector.broadcast %broadcast_in_dim3A_210 : f32 to vector<16xf32>
            %swap3A_212 = arith.index_cast %while3A_209 : i32 to index
            %swap3A_213 = arith.constant 0 : index
            %swap3A_214 = tpu.vector_load %arg10[%swap3A_212, %swap3A_213] {strides = array<i32>} : memref<32x512xf32, #tpu.memory_space<vmem>>, vector<1x16xf32>,
            %swap3A_215 = vector.shape_cast %swap3A_214 : vector<1x16xf32> to vector<16xf32>
            %swap3A_216 = vector.shape_cast %broadcast_in_dim3A_211 : vector<16xf32> to vector<1x16xf32>
            tpu.vector_store %arg10[%swap3A_212, %swap3A_213], %swap3A_216 {strides = array<i32>} : memref<32x512xf32, #tpu.memory_space<vmem>>, vector<1x16xf32>,
            %broadcast_in_dim3A_217 = arith.constant 0.000000e+00 : f32
            %broadcast_in_dim3A_218 = vector.broadcast %broadcast_in_dim3A_217 : f32 to vector<16xf32>
            %swap3A_219 = arith.index_cast %while3A_209 : i32 to index
            %swap3A_220 = arith.constant 16 : index
            %swap3A_221 = tpu.vector_load %arg10[%swap3A_219, %swap3A_220] {strides = array<i32>} : memref<32x512xf32, #tpu.memory_space<vmem>>, vector<1x16xf32>,
            %swap3A_222 = vector.shape_cast %swap3A_221 : vector<1x16xf32> to vector<16xf32>
            %swap3A_223 = vector.shape_cast %broadcast_in_dim3A_218 : vector<16xf32> to vector<1x16xf32>
            tpu.vector_store %arg10[%swap3A_219, %swap3A_220], %swap3A_223 {strides = array<i32>} : memref<32x512xf32, #tpu.memory_space<vmem>>, vector<1x16xf32>,
            %broadcast_in_dim3A_224 = arith.constant 0.000000e+00 : f32
            %broadcast_in_dim3A_225 = vector.broadcast %broadcast_in_dim3A_224 : f32 to vector<16xf32>
            %swap3A_226 = arith.index_cast %while3A_209 : i32 to index
            %swap3A_227 = arith.constant 32 : index
            %swap3A_228 = tpu.vector_load %arg10[%swap3A_226, %swap3A_227] {strides = array<i32>} : memref<32x512xf32, #tpu.memory_space<vmem>>, vector<1x16xf32>,
            %swap3A_229 = vector.shape_cast %swap3A_228 : vector<1x16xf32> to vector<16xf32>
            %swap3A_230 = vector.shape_cast %broadcast_in_dim3A_225 : vector<16xf32> to vector<1x16xf32>
            tpu.vector_store %arg10[%swap3A_226, %swap3A_227], %swap3A_230 {strides = array<i32>} : memref<32x512xf32, #tpu.memory_space<vmem>>, vector<1x16xf32>,
            %broadcast_in_dim3A_231 = arith.constant 0.000000e+00 : f32
            %broadcast_in_dim3A_232 = vector.broadcast %broadcast_in_dim3A_231 : f32 to vector<16xf32>
            %swap3A_233 = arith.index_cast %while3A_209 : i32 to index
            %swap3A_234 = arith.constant 48 : index
            %swap3A_235 = tpu.vector_load %arg10[%swap3A_233, %swap3A_234] {strides = array<i32>} : memref<32x512xf32, #tpu.memory_space<vmem>>, vector<1x16xf32>,
            %swap3A_236 = vector.shape_cast %swap3A_235 : vector<1x16xf32> to vector<16xf32>
            %swap3A_237 = vector.shape_cast %broadcast_in_dim3A_232 : vector<16xf32> to vector<1x16xf32>
            tpu.vector_store %arg10[%swap3A_233, %swap3A_234], %swap3A_237 {strides = array<i32>} : memref<32x512xf32, #tpu.memory_space<vmem>>, vector<1x16xf32>,
            %broadcast_in_dim3A_238 = arith.constant 0.000000e+00 : f32
            %broadcast_in_dim3A_239 = vector.broadcast %broadcast_in_dim3A_238 : f32 to vector<16xf32>
            %swap3A_240 = arith.index_cast %while3A_209 : i32 to index
            %swap3A_241 = arith.constant 64 : index
            %swap3A_242 = tpu.vector_load %arg10[%swap3A_240, %swap3A_241] {strides = array<i32>} : memref<32x512xf32, #tpu.memory_space<vmem>>, vector<1x16xf32>,
            %swap3A_243 = vector.shape_cast %swap3A_242 : vector<1x16xf32> to vector<16xf32>
            %swap3A_244 = vector.shape_cast %broadcast_in_dim3A_239 : vector<16xf32> to vector<1x16xf32>
            tpu.vector_store %arg10[%swap3A_240, %swap3A_241], %swap3A_244 {strides = array<i32>} : memref<32x512xf32, #tpu.memory_space<vmem>>, vector<1x16xf32>,
            %broadcast_in_dim3A_245 = arith.constant 0.000000e+00 : f32
            %broadcast_in_dim3A_246 = vector.broadcast %broadcast_in_dim3A_245 : f32 to vector<16xf32>
            %swap3A_247 = arith.index_cast %while3A_209 : i32 to index
            %swap3A_248 = arith.constant 80 : index
            %swap3A_249 = tpu.vector_load %arg10[%swap3A_247, %swap3A_248] {strides = array<i32>} : memref<32x512xf32, #tpu.memory_space<vmem>>, vector<1x16xf32>,
            %swap3A_250 = vector.shape_cast %swap3A_249 : vector<1x16xf32> to vector<16xf32>
            %swap3A_251 = vector.shape_cast %broadcast_in_dim3A_246 : vector<16xf32> to vector<1x16xf32>
            tpu.vector_store %arg10[%swap3A_247, %swap3A_248], %swap3A_251 {strides = array<i32>} : memref<32x512xf32, #tpu.memory_space<vmem>>, vector<1x16xf32>,
            %broadcast_in_dim3A_252 = arith.constant 0.000000e+00 : f32
            %broadcast_in_dim3A_253 = vector.broadcast %broadcast_in_dim3A_252 : f32 to vector<16xf32>
            %swap3A_254 = arith.index_cast %while3A_209 : i32 to index
            %swap3A_255 = arith.constant 96 : index
            %swap3A_256 = tpu.vector_load %arg10[%swap3A_254, %swap3A_255] {strides = array<i32>} : memref<32x512xf32, #tpu.memory_space<vmem>>, vector<1x16xf32>,
            %swap3A_257 = vector.shape_cast %swap3A_256 : vector<1x16xf32> to vector<16xf32>
            %swap3A_258 = vector.shape_cast %broadcast_in_dim3A_253 : vector<16xf32> to vector<1x16xf32>
            tpu.vector_store %arg10[%swap3A_254, %swap3A_255], %swap3A_258 {strides = array<i32>} : memref<32x512xf32, #tpu.memory_space<vmem>>, vector<1x16xf32>,
            %broadcast_in_dim3A_259 = arith.constant 0.000000e+00 : f32
            %broadcast_in_dim3A_260 = vector.broadcast %broadcast_in_dim3A_259 : f32 to vector<16xf32>
            %swap3A_261 = arith.index_cast %while3A_209 : i32 to index
            %swap3A_262 = arith.constant 112 : index
            %swap3A_263 = tpu.vector_load %arg10[%swap3A_261, %swap3A_262] {strides = array<i32>} : memref<32x512xf32, #tpu.memory_space<vmem>>, vector<1x16xf32>,
            %swap3A_264 = vector.shape_cast %swap3A_263 : vector<1x16xf32> to vector<16xf32>
            %swap3A_265 = vector.shape_cast %broadcast_in_dim3A_260 : vector<16xf32> to vector<1x16xf32>
            tpu.vector_store %arg10[%swap3A_261, %swap3A_262], %swap3A_265 {strides = array<i32>} : memref<32x512xf32, #tpu.memory_space<vmem>>, vector<1x16xf32>,
            %broadcast_in_dim3A_266 = arith.constant 0.000000e+00 : f32
            %broadcast_in_dim3A_267 = vector.broadcast %broadcast_in_dim3A_266 : f32 to vector<16xf32>
            %swap3A_268 = arith.index_cast %while3A_209 : i32 to index
            %swap3A_269 = arith.constant 128 : index
            %swap3A_270 = tpu.vector_load %arg10[%swap3A_268, %swap3A_269] {strides = array<i32>} : memref<32x512xf32, #tpu.memory_space<vmem>>, vector<1x16xf32>,
            %swap3A_271 = vector.shape_cast %swap3A_270 : vector<1x16xf32> to vector<16xf32>
            %swap3A_272 = vector.shape_cast %broadcast_in_dim3A_267 : vector<16xf32> to vector<1x16xf32>
            tpu.vector_store %arg10[%swap3A_268, %swap3A_269], %swap3A_272 {strides = array<i32>} : memref<32x512xf32, #tpu.memory_space<vmem>>, vector<1x16xf32>,
            %broadcast_in_dim3A_273 = arith.constant 0.000000e+00 : f32
            %broadcast_in_dim3A_274 = vector.broadcast %broadcast_in_dim3A_273 : f32 to vector<16xf32>
            %swap3A_275 = arith.index_cast %while3A_209 : i32 to index
            %swap3A_276 = arith.constant 144 : index
            %swap3A_277 = tpu.vector_load %arg10[%swap3A_275, %swap3A_276] {strides = array<i32>} : memref<32x512xf32, #tpu.memory_space<vmem>>, vector<1x16xf32>,
            %swap3A_278 = vector.shape_cast %swap3A_277 : vector<1x16xf32> to vector<16xf32>
            %swap3A_279 = vector.shape_cast %broadcast_in_dim3A_274 : vector<16xf32> to vector<1x16xf32>
            tpu.vector_store %arg10[%swap3A_275, %swap3A_276], %swap3A_279 {strides = array<i32>} : memref<32x512xf32, #tpu.memory_space<vmem>>, vector<1x16xf32>,
            %broadcast_in_dim3A_280 = arith.constant 0.000000e+00 : f32
            %broadcast_in_dim3A_281 = vector.broadcast %broadcast_in_dim3A_280 : f32 to vector<16xf32>
            %swap3A_282 = arith.index_cast %while3A_209 : i32 to index
            %swap3A_283 = arith.constant 160 : index
            %swap3A_284 = tpu.vector_load %arg10[%swap3A_282, %swap3A_283] {strides = array<i32>} : memref<32x512xf32, #tpu.memory_space<vmem>>, vector<1x16xf32>,
            %swap3A_285 = vector.shape_cast %swap3A_284 : vector<1x16xf32> to vector<16xf32>
            %swap3A_286 = vector.shape_cast %broadcast_in_dim3A_281 : vector<16xf32> to vector<1x16xf32>
            tpu.vector_store %arg10[%swap3A_282, %swap3A_283], %swap3A_286 {strides = array<i32>} : memref<32x512xf32, #tpu.memory_space<vmem>>, vector<1x16xf32>,
            %broadcast_in_dim3A_287 = arith.constant 0.000000e+00 : f32
            %broadcast_in_dim3A_288 = vector.broadcast %broadcast_in_dim3A_287 : f32 to vector<16xf32>
            %swap3A_289 = arith.index_cast %while3A_209 : i32 to index
            %swap3A_290 = arith.constant 176 : index
            %swap3A_291 = tpu.vector_load %arg10[%swap3A_289, %swap3A_290] {strides = array<i32>} : memref<32x512xf32, #tpu.memory_space<vmem>>, vector<1x16xf32>,
            %swap3A_292 = vector.shape_cast %swap3A_291 : vector<1x16xf32> to vector<16xf32>
            %swap3A_293 = vector.shape_cast %broadcast_in_dim3A_288 : vector<16xf32> to vector<1x16xf32>
            tpu.vector_store %arg10[%swap3A_289, %swap3A_290], %swap3A_293 {strides = array<i32>} : memref<32x512xf32, #tpu.memory_space<vmem>>, vector<1x16xf32>,
            %broadcast_in_dim3A_294 = arith.constant 0.000000e+00 : f32
            %broadcast_in_dim3A_295 = vector.broadcast %broadcast_in_dim3A_294 : f32 to vector<16xf32>
            %swap3A_296 = arith.index_cast %while3A_209 : i32 to index
            %swap3A_297 = arith.constant 192 : index
            %swap3A_298 = tpu.vector_load %arg10[%swap3A_296, %swap3A_297] {strides = array<i32>} : memref<32x512xf32, #tpu.memory_space<vmem>>, vector<1x16xf32>,
            %swap3A_299 = vector.shape_cast %swap3A_298 : vector<1x16xf32> to vector<16xf32>
            %swap3A_300 = vector.shape_cast %broadcast_in_dim3A_295 : vector<16xf32> to vector<1x16xf32>
            tpu.vector_store %arg10[%swap3A_296, %swap3A_297], %swap3A_300 {strides = array<i32>} : memref<32x512xf32, #tpu.memory_space<vmem>>, vector<1x16xf32>,
            %broadcast_in_dim3A_301 = arith.constant 0.000000e+00 : f32
            %broadcast_in_dim3A_302 = vector.broadcast %broadcast_in_dim3A_301 : f32 to vector<16xf32>
            %swap3A_303 = arith.index_cast %while3A_209 : i32 to index
            %swap3A_304 = arith.constant 208 : index
            %swap3A_305 = tpu.vector_load %arg10[%swap3A_303, %swap3A_304] {strides = array<i32>} : memref<32x512xf32, #tpu.memory_space<vmem>>, vector<1x16xf32>,
            %swap3A_306 = vector.shape_cast %swap3A_305 : vector<1x16xf32> to vector<16xf32>
            %swap3A_307 = vector.shape_cast %broadcast_in_dim3A_302 : vector<16xf32> to vector<1x16xf32>
            tpu.vector_store %arg10[%swap3A_303, %swap3A_304], %swap3A_307 {strides = array<i32>} : memref<32x512xf32, #tpu.memory_space<vmem>>, vector<1x16xf32>,
            %broadcast_in_dim3A_308 = arith.constant 0.000000e+00 : f32
            %broadcast_in_dim3A_309 = vector.broadcast %broadcast_in_dim3A_308 : f32 to vector<16xf32>
            %swap3A_310 = arith.index_cast %while3A_209 : i32 to index
            %swap3A_311 = arith.constant 224 : index
            %swap3A_312 = tpu.vector_load %arg10[%swap3A_310, %swap3A_311] {strides = array<i32>} : memref<32x512xf32, #tpu.memory_space<vmem>>, vector<1x16xf32>,
            %swap3A_313 = vector.shape_cast %swap3A_312 : vector<1x16xf32> to vector<16xf32>
            %swap3A_314 = vector.shape_cast %broadcast_in_dim3A_309 : vector<16xf32> to vector<1x16xf32>
            tpu.vector_store %arg10[%swap3A_310, %swap3A_311], %swap3A_314 {strides = array<i32>} : memref<32x512xf32, #tpu.memory_space<vmem>>, vector<1x16xf32>,
            %broadcast_in_dim3A_315 = arith.constant 0.000000e+00 : f32
            %broadcast_in_dim3A_316 = vector.broadcast %broadcast_in_dim3A_315 : f32 to vector<16xf32>
            %swap3A_317 = arith.index_cast %while3A_209 : i32 to index
            %swap3A_318 = arith.constant 240 : index
            %swap3A_319 = tpu.vector_load %arg10[%swap3A_317, %swap3A_318] {strides = array<i32>} : memref<32x512xf32, #tpu.memory_space<vmem>>, vector<1x16xf32>,
            %swap3A_320 = vector.shape_cast %swap3A_319 : vector<1x16xf32> to vector<16xf32>
            %swap3A_321 = vector.shape_cast %broadcast_in_dim3A_316 : vector<16xf32> to vector<1x16xf32>
            tpu.vector_store %arg10[%swap3A_317, %swap3A_318], %swap3A_321 {strides = array<i32>} : memref<32x512xf32, #tpu.memory_space<vmem>>, vector<1x16xf32>,
            %broadcast_in_dim3A_322 = arith.constant 0.000000e+00 : f32
            %broadcast_in_dim3A_323 = vector.broadcast %broadcast_in_dim3A_322 : f32 to vector<16xf32>
            %swap3A_324 = arith.index_cast %while3A_209 : i32 to index
            %swap3A_325 = arith.constant 256 : index
            %swap3A_326 = tpu.vector_load %arg10[%swap3A_324, %swap3A_325] {strides = array<i32>} : memref<32x512xf32, #tpu.memory_space<vmem>>, vector<1x16xf32>,
            %swap3A_327 = vector.shape_cast %swap3A_326 : vector<1x16xf32> to vector<16xf32>
            %swap3A_328 = vector.shape_cast %broadcast_in_dim3A_323 : vector<16xf32> to vector<1x16xf32>
            tpu.vector_store %arg10[%swap3A_324, %swap3A_325], %swap3A_328 {strides = array<i32>} : memref<32x512xf32, #tpu.memory_space<vmem>>, vector<1x16xf32>,
            %broadcast_in_dim3A_329 = arith.constant 0.000000e+00 : f32
            %broadcast_in_dim3A_330 = vector.broadcast %broadcast_in_dim3A_329 : f32 to vector<16xf32>
            %swap3A_331 = arith.index_cast %while3A_209 : i32 to index
            %swap3A_332 = arith.constant 272 : index
            %swap3A_333 = tpu.vector_load %arg10[%swap3A_331, %swap3A_332] {strides = array<i32>} : memref<32x512xf32, #tpu.memory_space<vmem>>, vector<1x16xf32>,
            %swap3A_334 = vector.shape_cast %swap3A_333 : vector<1x16xf32> to vector<16xf32>
            %swap3A_335 = vector.shape_cast %broadcast_in_dim3A_330 : vector<16xf32> to vector<1x16xf32>
            tpu.vector_store %arg10[%swap3A_331, %swap3A_332], %swap3A_335 {strides = array<i32>} : memref<32x512xf32, #tpu.memory_space<vmem>>, vector<1x16xf32>,
            %broadcast_in_dim3A_336 = arith.constant 0.000000e+00 : f32
            %broadcast_in_dim3A_337 = vector.broadcast %broadcast_in_dim3A_336 : f32 to vector<16xf32>
            %swap3A_338 = arith.index_cast %while3A_209 : i32 to index
            %swap3A_339 = arith.constant 288 : index
            %swap3A_340 = tpu.vector_load %arg10[%swap3A_338, %swap3A_339] {strides = array<i32>} : memref<32x512xf32, #tpu.memory_space<vmem>>, vector<1x16xf32>,
            %swap3A_341 = vector.shape_cast %swap3A_340 : vector<1x16xf32> to vector<16xf32>
            %swap3A_342 = vector.shape_cast %broadcast_in_dim3A_337 : vector<16xf32> to vector<1x16xf32>
            tpu.vector_store %arg10[%swap3A_338, %swap3A_339], %swap3A_342 {strides = array<i32>} : memref<32x512xf32, #tpu.memory_space<vmem>>, vector<1x16xf32>,
            %broadcast_in_dim3A_343 = arith.constant 0.000000e+00 : f32
            %broadcast_in_dim3A_344 = vector.broadcast %broadcast_in_dim3A_343 : f32 to vector<16xf32>
            %swap3A_345 = arith.index_cast %while3A_209 : i32 to index
            %swap3A_346 = arith.constant 304 : index
            %swap3A_347 = tpu.vector_load %arg10[%swap3A_345, %swap3A_346] {strides = array<i32>} : memref<32x512xf32, #tpu.memory_space<vmem>>, vector<1x16xf32>,
            %swap3A_348 = vector.shape_cast %swap3A_347 : vector<1x16xf32> to vector<16xf32>
            %swap3A_349 = vector.shape_cast %broadcast_in_dim3A_344 : vector<16xf32> to vector<1x16xf32>
            tpu.vector_store %arg10[%swap3A_345, %swap3A_346], %swap3A_349 {strides = array<i32>} : memref<32x512xf32, #tpu.memory_space<vmem>>, vector<1x16xf32>,
            %broadcast_in_dim3A_350 = arith.constant 0.000000e+00 : f32
            %broadcast_in_dim3A_351 = vector.broadcast %broadcast_in_dim3A_350 : f32 to vector<16xf32>
            %swap3A_352 = arith.index_cast %while3A_209 : i32 to index
            %swap3A_353 = arith.constant 320 : index
            %swap3A_354 = tpu.vector_load %arg10[%swap3A_352, %swap3A_353] {strides = array<i32>} : memref<32x512xf32, #tpu.memory_space<vmem>>, vector<1x16xf32>,
            %swap3A_355 = vector.shape_cast %swap3A_354 : vector<1x16xf32> to vector<16xf32>
            %swap3A_356 = vector.shape_cast %broadcast_in_dim3A_351 : vector<16xf32> to vector<1x16xf32>
            tpu.vector_store %arg10[%swap3A_352, %swap3A_353], %swap3A_356 {strides = array<i32>} : memref<32x512xf32, #tpu.memory_space<vmem>>, vector<1x16xf32>,
            %broadcast_in_dim3A_357 = arith.constant 0.000000e+00 : f32
            %broadcast_in_dim3A_358 = vector.broadcast %broadcast_in_dim3A_357 : f32 to vector<16xf32>
            %swap3A_359 = arith.index_cast %while3A_209 : i32 to index
            %swap3A_360 = arith.constant 336 : index
            %swap3A_361 = tpu.vector_load %arg10[%swap3A_359, %swap3A_360] {strides = array<i32>} : memref<32x512xf32, #tpu.memory_space<vmem>>, vector<1x16xf32>,
            %swap3A_362 = vector.shape_cast %swap3A_361 : vector<1x16xf32> to vector<16xf32>
            %swap3A_363 = vector.shape_cast %broadcast_in_dim3A_358 : vector<16xf32> to vector<1x16xf32>
            tpu.vector_store %arg10[%swap3A_359, %swap3A_360], %swap3A_363 {strides = array<i32>} : memref<32x512xf32, #tpu.memory_space<vmem>>, vector<1x16xf32>,
            %broadcast_in_dim3A_364 = arith.constant 0.000000e+00 : f32
            %broadcast_in_dim3A_365 = vector.broadcast %broadcast_in_dim3A_364 : f32 to vector<16xf32>
            %swap3A_366 = arith.index_cast %while3A_209 : i32 to index
            %swap3A_367 = arith.constant 352 : index
            %swap3A_368 = tpu.vector_load %arg10[%swap3A_366, %swap3A_367] {strides = array<i32>} : memref<32x512xf32, #tpu.memory_space<vmem>>, vector<1x16xf32>,
            %swap3A_369 = vector.shape_cast %swap3A_368 : vector<1x16xf32> to vector<16xf32>
            %swap3A_370 = vector.shape_cast %broadcast_in_dim3A_365 : vector<16xf32> to vector<1x16xf32>
            tpu.vector_store %arg10[%swap3A_366, %swap3A_367], %swap3A_370 {strides = array<i32>} : memref<32x512xf32, #tpu.memory_space<vmem>>, vector<1x16xf32>,
            %broadcast_in_dim3A_371 = arith.constant 0.000000e+00 : f32
            %broadcast_in_dim3A_372 = vector.broadcast %broadcast_in_dim3A_371 : f32 to vector<16xf32>
            %swap3A_373 = arith.index_cast %while3A_209 : i32 to index
            %swap3A_374 = arith.constant 368 : index
            %swap3A_375 = tpu.vector_load %arg10[%swap3A_373, %swap3A_374] {strides = array<i32>} : memref<32x512xf32, #tpu.memory_space<vmem>>, vector<1x16xf32>,
            %swap3A_376 = vector.shape_cast %swap3A_375 : vector<1x16xf32> to vector<16xf32>
            %swap3A_377 = vector.shape_cast %broadcast_in_dim3A_372 : vector<16xf32> to vector<1x16xf32>
            tpu.vector_store %arg10[%swap3A_373, %swap3A_374], %swap3A_377 {strides = array<i32>} : memref<32x512xf32, #tpu.memory_space<vmem>>, vector<1x16xf32>,
            %broadcast_in_dim3A_378 = arith.constant 0.000000e+00 : f32
            %broadcast_in_dim3A_379 = vector.broadcast %broadcast_in_dim3A_378 : f32 to vector<16xf32>
            %swap3A_380 = arith.index_cast %while3A_209 : i32 to index
            %swap3A_381 = arith.constant 384 : index
            %swap3A_382 = tpu.vector_load %arg10[%swap3A_380, %swap3A_381] {strides = array<i32>} : memref<32x512xf32, #tpu.memory_space<vmem>>, vector<1x16xf32>,
            %swap3A_383 = vector.shape_cast %swap3A_382 : vector<1x16xf32> to vector<16xf32>
            %swap3A_384 = vector.shape_cast %broadcast_in_dim3A_379 : vector<16xf32> to vector<1x16xf32>
            tpu.vector_store %arg10[%swap3A_380, %swap3A_381], %swap3A_384 {strides = array<i32>} : memref<32x512xf32, #tpu.memory_space<vmem>>, vector<1x16xf32>,
            %broadcast_in_dim3A_385 = arith.constant 0.000000e+00 : f32
            %broadcast_in_dim3A_386 = vector.broadcast %broadcast_in_dim3A_385 : f32 to vector<16xf32>
            %swap3A_387 = arith.index_cast %while3A_209 : i32 to index
            %swap3A_388 = arith.constant 400 : index
            %swap3A_389 = tpu.vector_load %arg10[%swap3A_387, %swap3A_388] {strides = array<i32>} : memref<32x512xf32, #tpu.memory_space<vmem>>, vector<1x16xf32>,
            %swap3A_390 = vector.shape_cast %swap3A_389 : vector<1x16xf32> to vector<16xf32>
            %swap3A_391 = vector.shape_cast %broadcast_in_dim3A_386 : vector<16xf32> to vector<1x16xf32>
            tpu.vector_store %arg10[%swap3A_387, %swap3A_388], %swap3A_391 {strides = array<i32>} : memref<32x512xf32, #tpu.memory_space<vmem>>, vector<1x16xf32>,
            %broadcast_in_dim3A_392 = arith.constant 0.000000e+00 : f32
            %broadcast_in_dim3A_393 = vector.broadcast %broadcast_in_dim3A_392 : f32 to vector<16xf32>
            %swap3A_394 = arith.index_cast %while3A_209 : i32 to index
            %swap3A_395 = arith.constant 416 : index
            %swap3A_396 = tpu.vector_load %arg10[%swap3A_394, %swap3A_395] {strides = array<i32>} : memref<32x512xf32, #tpu.memory_space<vmem>>, vector<1x16xf32>,
            %swap3A_397 = vector.shape_cast %swap3A_396 : vector<1x16xf32> to vector<16xf32>
            %swap3A_398 = vector.shape_cast %broadcast_in_dim3A_393 : vector<16xf32> to vector<1x16xf32>
            tpu.vector_store %arg10[%swap3A_394, %swap3A_395], %swap3A_398 {strides = array<i32>} : memref<32x512xf32, #tpu.memory_space<vmem>>, vector<1x16xf32>,
            %broadcast_in_dim3A_399 = arith.constant 0.000000e+00 : f32
            %broadcast_in_dim3A_400 = vector.broadcast %broadcast_in_dim3A_399 : f32 to vector<16xf32>
            %swap3A_401 = arith.index_cast %while3A_209 : i32 to index
            %swap3A_402 = arith.constant 432 : index
            %swap3A_403 = tpu.vector_load %arg10[%swap3A_401, %swap3A_402] {strides = array<i32>} : memref<32x512xf32, #tpu.memory_space<vmem>>, vector<1x16xf32>,
            %swap3A_404 = vector.shape_cast %swap3A_403 : vector<1x16xf32> to vector<16xf32>
            %swap3A_405 = vector.shape_cast %broadcast_in_dim3A_400 : vector<16xf32> to vector<1x16xf32>
            tpu.vector_store %arg10[%swap3A_401, %swap3A_402], %swap3A_405 {strides = array<i32>} : memref<32x512xf32, #tpu.memory_space<vmem>>, vector<1x16xf32>,
            %broadcast_in_dim3A_406 = arith.constant 0.000000e+00 : f32
            %broadcast_in_dim3A_407 = vector.broadcast %broadcast_in_dim3A_406 : f32 to vector<16xf32>
            %swap3A_408 = arith.index_cast %while3A_209 : i32 to index
            %swap3A_409 = arith.constant 448 : index
            %swap3A_410 = tpu.vector_load %arg10[%swap3A_408, %swap3A_409] {strides = array<i32>} : memref<32x512xf32, #tpu.memory_space<vmem>>, vector<1x16xf32>,
            %swap3A_411 = vector.shape_cast %swap3A_410 : vector<1x16xf32> to vector<16xf32>
            %swap3A_412 = vector.shape_cast %broadcast_in_dim3A_407 : vector<16xf32> to vector<1x16xf32>
            tpu.vector_store %arg10[%swap3A_408, %swap3A_409], %swap3A_412 {strides = array<i32>} : memref<32x512xf32, #tpu.memory_space<vmem>>, vector<1x16xf32>,
            %broadcast_in_dim3A_413 = arith.constant 0.000000e+00 : f32
            %broadcast_in_dim3A_414 = vector.broadcast %broadcast_in_dim3A_413 : f32 to vector<16xf32>
            %swap3A_415 = arith.index_cast %while3A_209 : i32 to index
            %swap3A_416 = arith.constant 464 : index
            %swap3A_417 = tpu.vector_load %arg10[%swap3A_415, %swap3A_416] {strides = array<i32>} : memref<32x512xf32, #tpu.memory_space<vmem>>, vector<1x16xf32>,
            %swap3A_418 = vector.shape_cast %swap3A_417 : vector<1x16xf32> to vector<16xf32>
            %swap3A_419 = vector.shape_cast %broadcast_in_dim3A_414 : vector<16xf32> to vector<1x16xf32>
            tpu.vector_store %arg10[%swap3A_415, %swap3A_416], %swap3A_419 {strides = array<i32>} : memref<32x512xf32, #tpu.memory_space<vmem>>, vector<1x16xf32>,
            %broadcast_in_dim3A_420 = arith.constant 0.000000e+00 : f32
            %broadcast_in_dim3A_421 = vector.broadcast %broadcast_in_dim3A_420 : f32 to vector<16xf32>
            %swap3A_422 = arith.index_cast %while3A_209 : i32 to index
            %swap3A_423 = arith.constant 480 : index
            %swap3A_424 = tpu.vector_load %arg10[%swap3A_422, %swap3A_423] {strides = array<i32>} : memref<32x512xf32, #tpu.memory_space<vmem>>, vector<1x16xf32>,
            %swap3A_425 = vector.shape_cast %swap3A_424 : vector<1x16xf32> to vector<16xf32>
            %swap3A_426 = vector.shape_cast %broadcast_in_dim3A_421 : vector<16xf32> to vector<1x16xf32>
            tpu.vector_store %arg10[%swap3A_422, %swap3A_423], %swap3A_426 {strides = array<i32>} : memref<32x512xf32, #tpu.memory_space<vmem>>, vector<1x16xf32>,
            %broadcast_in_dim3A_427 = arith.constant 0.000000e+00 : f32
            %broadcast_in_dim3A_428 = vector.broadcast %broadcast_in_dim3A_427 : f32 to vector<16xf32>
            %swap3A_429 = arith.index_cast %while3A_209 : i32 to index
            %swap3A_430 = arith.constant 496 : index
            %swap3A_431 = tpu.vector_load %arg10[%swap3A_429, %swap3A_430] {strides = array<i32>} : memref<32x512xf32, #tpu.memory_space<vmem>>, vector<1x16xf32>,
            %swap3A_432 = vector.shape_cast %swap3A_431 : vector<1x16xf32> to vector<16xf32>
            %swap3A_433 = vector.shape_cast %broadcast_in_dim3A_428 : vector<16xf32> to vector<1x16xf32>
            tpu.vector_store %arg10[%swap3A_429, %swap3A_430], %swap3A_433 {strides = array<i32>} : memref<32x512xf32, #tpu.memory_space<vmem>>, vector<1x16xf32>,
          }
          %while3A_208 = arith.constant 1 : i32
          scf.for %while3A_209 = %while3A_206 to %while3A_202 step %while3A_208  : i32 {
            %broadcast_in_dim3A_210 = arith.constant 0.000000e+00 : f32
            %broadcast_in_dim3A_211 = vector.broadcast %broadcast_in_dim3A_210 : f32 to vector<16xf32>
            %swap3A_212 = arith.index_cast %while3A_209 : i32 to index
            %swap3A_213 = arith.constant 0 : index
            %swap3A_214 = tpu.vector_load %arg10[%swap3A_212, %swap3A_213] {strides = array<i32>} : memref<32x512xf32, #tpu.memory_space<vmem>>, vector<1x16xf32>,
            %swap3A_215 = vector.shape_cast %swap3A_214 : vector<1x16xf32> to vector<16xf32>
            %swap3A_216 = vector.shape_cast %broadcast_in_dim3A_211 : vector<16xf32> to vector<1x16xf32>
            tpu.vector_store %arg10[%swap3A_212, %swap3A_213], %swap3A_216 {strides = array<i32>} : memref<32x512xf32, #tpu.memory_space<vmem>>, vector<1x16xf32>,
            %broadcast_in_dim3A_217 = arith.constant 0.000000e+00 : f32
            %broadcast_in_dim3A_218 = vector.broadcast %broadcast_in_dim3A_217 : f32 to vector<16xf32>
            %swap3A_219 = arith.index_cast %while3A_209 : i32 to index
            %swap3A_220 = arith.constant 16 : index
            %swap3A_221 = tpu.vector_load %arg10[%swap3A_219, %swap3A_220] {strides = array<i32>} : memref<32x512xf32, #tpu.memory_space<vmem>>, vector<1x16xf32>,
            %swap3A_222 = vector.shape_cast %swap3A_221 : vector<1x16xf32> to vector<16xf32>
            %swap3A_223 = vector.shape_cast %broadcast_in_dim3A_218 : vector<16xf32> to vector<1x16xf32>
            tpu.vector_store %arg10[%swap3A_219, %swap3A_220], %swap3A_223 {strides = array<i32>} : memref<32x512xf32, #tpu.memory_space<vmem>>, vector<1x16xf32>,
            %broadcast_in_dim3A_224 = arith.constant 0.000000e+00 : f32
            %broadcast_in_dim3A_225 = vector.broadcast %broadcast_in_dim3A_224 : f32 to vector<16xf32>
            %swap3A_226 = arith.index_cast %while3A_209 : i32 to index
            %swap3A_227 = arith.constant 32 : index
            %swap3A_228 = tpu.vector_load %arg10[%swap3A_226, %swap3A_227] {strides = array<i32>} : memref<32x512xf32, #tpu.memory_space<vmem>>, vector<1x16xf32>,
            %swap3A_229 = vector.shape_cast %swap3A_228 : vector<1x16xf32> to vector<16xf32>
            %swap3A_230 = vector.shape_cast %broadcast_in_dim3A_225 : vector<16xf32> to vector<1x16xf32>
            tpu.vector_store %arg10[%swap3A_226, %swap3A_227], %swap3A_230 {strides = array<i32>} : memref<32x512xf32, #tpu.memory_space<vmem>>, vector<1x16xf32>,
            %broadcast_in_dim3A_231 = arith.constant 0.000000e+00 : f32
            %broadcast_in_dim3A_232 = vector.broadcast %broadcast_in_dim3A_231 : f32 to vector<16xf32>
            %swap3A_233 = arith.index_cast %while3A_209 : i32 to index
            %swap3A_234 = arith.constant 48 : index
            %swap3A_235 = tpu.vector_load %arg10[%swap3A_233, %swap3A_234] {strides = array<i32>} : memref<32x512xf32, #tpu.memory_space<vmem>>, vector<1x16xf32>,
            %swap3A_236 = vector.shape_cast %swap3A_235 : vector<1x16xf32> to vector<16xf32>
            %swap3A_237 = vector.shape_cast %broadcast_in_dim3A_232 : vector<16xf32> to vector<1x16xf32>
            tpu.vector_store %arg10[%swap3A_233, %swap3A_234], %swap3A_237 {strides = array<i32>} : memref<32x512xf32, #tpu.memory_space<vmem>>, vector<1x16xf32>,
            %broadcast_in_dim3A_238 = arith.constant 0.000000e+00 : f32
            %broadcast_in_dim3A_239 = vector.broadcast %broadcast_in_dim3A_238 : f32 to vector<16xf32>
            %swap3A_240 = arith.index_cast %while3A_209 : i32 to index
            %swap3A_241 = arith.constant 64 : index
            %swap3A_242 = tpu.vector_load %arg10[%swap3A_240, %swap3A_241] {strides = array<i32>} : memref<32x512xf32, #tpu.memory_space<vmem>>, vector<1x16xf32>,
            %swap3A_243 = vector.shape_cast %swap3A_242 : vector<1x16xf32> to vector<16xf32>
            %swap3A_244 = vector.shape_cast %broadcast_in_dim3A_239 : vector<16xf32> to vector<1x16xf32>
            tpu.vector_store %arg10[%swap3A_240, %swap3A_241], %swap3A_244 {strides = array<i32>} : memref<32x512xf32, #tpu.memory_space<vmem>>, vector<1x16xf32>,
            %broadcast_in_dim3A_245 = arith.constant 0.000000e+00 : f32
            %broadcast_in_dim3A_246 = vector.broadcast %broadcast_in_dim3A_245 : f32 to vector<16xf32>
            %swap3A_247 = arith.index_cast %while3A_209 : i32 to index
            %swap3A_248 = arith.constant 80 : index
            %swap3A_249 = tpu.vector_load %arg10[%swap3A_247, %swap3A_248] {strides = array<i32>} : memref<32x512xf32, #tpu.memory_space<vmem>>, vector<1x16xf32>,
            %swap3A_250 = vector.shape_cast %swap3A_249 : vector<1x16xf32> to vector<16xf32>
            %swap3A_251 = vector.shape_cast %broadcast_in_dim3A_246 : vector<16xf32> to vector<1x16xf32>
            tpu.vector_store %arg10[%swap3A_247, %swap3A_248], %swap3A_251 {strides = array<i32>} : memref<32x512xf32, #tpu.memory_space<vmem>>, vector<1x16xf32>,
            %broadcast_in_dim3A_252 = arith.constant 0.000000e+00 : f32
            %broadcast_in_dim3A_253 = vector.broadcast %broadcast_in_dim3A_252 : f32 to vector<16xf32>
            %swap3A_254 = arith.index_cast %while3A_209 : i32 to index
            %swap3A_255 = arith.constant 96 : index
            %swap3A_256 = tpu.vector_load %arg10[%swap3A_254, %swap3A_255] {strides = array<i32>} : memref<32x512xf32, #tpu.memory_space<vmem>>, vector<1x16xf32>,
            %swap3A_257 = vector.shape_cast %swap3A_256 : vector<1x16xf32> to vector<16xf32>
            %swap3A_258 = vector.shape_cast %broadcast_in_dim3A_253 : vector<16xf32> to vector<1x16xf32>
            tpu.vector_store %arg10[%swap3A_254, %swap3A_255], %swap3A_258 {strides = array<i32>} : memref<32x512xf32, #tpu.memory_space<vmem>>, vector<1x16xf32>,
            %broadcast_in_dim3A_259 = arith.constant 0.000000e+00 : f32
            %broadcast_in_dim3A_260 = vector.broadcast %broadcast_in_dim3A_259 : f32 to vector<16xf32>
            %swap3A_261 = arith.index_cast %while3A_209 : i32 to index
            %swap3A_262 = arith.constant 112 : index
            %swap3A_263 = tpu.vector_load %arg10[%swap3A_261, %swap3A_262] {strides = array<i32>} : memref<32x512xf32, #tpu.memory_space<vmem>>, vector<1x16xf32>,
            %swap3A_264 = vector.shape_cast %swap3A_263 : vector<1x16xf32> to vector<16xf32>
            %swap3A_265 = vector.shape_cast %broadcast_in_dim3A_260 : vector<16xf32> to vector<1x16xf32>
            tpu.vector_store %arg10[%swap3A_261, %swap3A_262], %swap3A_265 {strides = array<i32>} : memref<32x512xf32, #tpu.memory_space<vmem>>, vector<1x16xf32>,
            %broadcast_in_dim3A_266 = arith.constant 0.000000e+00 : f32
            %broadcast_in_dim3A_267 = vector.broadcast %broadcast_in_dim3A_266 : f32 to vector<16xf32>
            %swap3A_268 = arith.index_cast %while3A_209 : i32 to index
            %swap3A_269 = arith.constant 128 : index
            %swap3A_270 = tpu.vector_load %arg10[%swap3A_268, %swap3A_269] {strides = array<i32>} : memref<32x512xf32, #tpu.memory_space<vmem>>, vector<1x16xf32>,
            %swap3A_271 = vector.shape_cast %swap3A_270 : vector<1x16xf32> to vector<16xf32>
            %swap3A_272 = vector.shape_cast %broadcast_in_dim3A_267 : vector<16xf32> to vector<1x16xf32>
            tpu.vector_store %arg10[%swap3A_268, %swap3A_269], %swap3A_272 {strides = array<i32>} : memref<32x512xf32, #tpu.memory_space<vmem>>, vector<1x16xf32>,
            %broadcast_in_dim3A_273 = arith.constant 0.000000e+00 : f32
            %broadcast_in_dim3A_274 = vector.broadcast %broadcast_in_dim3A_273 : f32 to vector<16xf32>
            %swap3A_275 = arith.index_cast %while3A_209 : i32 to index
            %swap3A_276 = arith.constant 144 : index
            %swap3A_277 = tpu.vector_load %arg10[%swap3A_275, %swap3A_276] {strides = array<i32>} : memref<32x512xf32, #tpu.memory_space<vmem>>, vector<1x16xf32>,
            %swap3A_278 = vector.shape_cast %swap3A_277 : vector<1x16xf32> to vector<16xf32>
            %swap3A_279 = vector.shape_cast %broadcast_in_dim3A_274 : vector<16xf32> to vector<1x16xf32>
            tpu.vector_store %arg10[%swap3A_275, %swap3A_276], %swap3A_279 {strides = array<i32>} : memref<32x512xf32, #tpu.memory_space<vmem>>, vector<1x16xf32>,
            %broadcast_in_dim3A_280 = arith.constant 0.000000e+00 : f32
            %broadcast_in_dim3A_281 = vector.broadcast %broadcast_in_dim3A_280 : f32 to vector<16xf32>
            %swap3A_282 = arith.index_cast %while3A_209 : i32 to index
            %swap3A_283 = arith.constant 160 : index
            %swap3A_284 = tpu.vector_load %arg10[%swap3A_282, %swap3A_283] {strides = array<i32>} : memref<32x512xf32, #tpu.memory_space<vmem>>, vector<1x16xf32>,
            %swap3A_285 = vector.shape_cast %swap3A_284 : vector<1x16xf32> to vector<16xf32>
            %swap3A_286 = vector.shape_cast %broadcast_in_dim3A_281 : vector<16xf32> to vector<1x16xf32>
            tpu.vector_store %arg10[%swap3A_282, %swap3A_283], %swap3A_286 {strides = array<i32>} : memref<32x512xf32, #tpu.memory_space<vmem>>, vector<1x16xf32>,
            %broadcast_in_dim3A_287 = arith.constant 0.000000e+00 : f32
            %broadcast_in_dim3A_288 = vector.broadcast %broadcast_in_dim3A_287 : f32 to vector<16xf32>
            %swap3A_289 = arith.index_cast %while3A_209 : i32 to index
            %swap3A_290 = arith.constant 176 : index
            %swap3A_291 = tpu.vector_load %arg10[%swap3A_289, %swap3A_290] {strides = array<i32>} : memref<32x512xf32, #tpu.memory_space<vmem>>, vector<1x16xf32>,
            %swap3A_292 = vector.shape_cast %swap3A_291 : vector<1x16xf32> to vector<16xf32>
            %swap3A_293 = vector.shape_cast %broadcast_in_dim3A_288 : vector<16xf32> to vector<1x16xf32>
            tpu.vector_store %arg10[%swap3A_289, %swap3A_290], %swap3A_293 {strides = array<i32>} : memref<32x512xf32, #tpu.memory_space<vmem>>, vector<1x16xf32>,
            %broadcast_in_dim3A_294 = arith.constant 0.000000e+00 : f32
            %broadcast_in_dim3A_295 = vector.broadcast %broadcast_in_dim3A_294 : f32 to vector<16xf32>
            %swap3A_296 = arith.index_cast %while3A_209 : i32 to index
            %swap3A_297 = arith.constant 192 : index
            %swap3A_298 = tpu.vector_load %arg10[%swap3A_296, %swap3A_297] {strides = array<i32>} : memref<32x512xf32, #tpu.memory_space<vmem>>, vector<1x16xf32>,
            %swap3A_299 = vector.shape_cast %swap3A_298 : vector<1x16xf32> to vector<16xf32>
            %swap3A_300 = vector.shape_cast %broadcast_in_dim3A_295 : vector<16xf32> to vector<1x16xf32>
            tpu.vector_store %arg10[%swap3A_296, %swap3A_297], %swap3A_300 {strides = array<i32>} : memref<32x512xf32, #tpu.memory_space<vmem>>, vector<1x16xf32>,
            %broadcast_in_dim3A_301 = arith.constant 0.000000e+00 : f32
            %broadcast_in_dim3A_302 = vector.broadcast %broadcast_in_dim3A_301 : f32 to vector<16xf32>
            %swap3A_303 = arith.index_cast %while3A_209 : i32 to index
            %swap3A_304 = arith.constant 208 : index
            %swap3A_305 = tpu.vector_load %arg10[%swap3A_303, %swap3A_304] {strides = array<i32>} : memref<32x512xf32, #tpu.memory_space<vmem>>, vector<1x16xf32>,
            %swap3A_306 = vector.shape_cast %swap3A_305 : vector<1x16xf32> to vector<16xf32>
            %swap3A_307 = vector.shape_cast %broadcast_in_dim3A_302 : vector<16xf32> to vector<1x16xf32>
            tpu.vector_store %arg10[%swap3A_303, %swap3A_304], %swap3A_307 {strides = array<i32>} : memref<32x512xf32, #tpu.memory_space<vmem>>, vector<1x16xf32>,
            %broadcast_in_dim3A_308 = arith.constant 0.000000e+00 : f32
            %broadcast_in_dim3A_309 = vector.broadcast %broadcast_in_dim3A_308 : f32 to vector<16xf32>
            %swap3A_310 = arith.index_cast %while3A_209 : i32 to index
            %swap3A_311 = arith.constant 224 : index
            %swap3A_312 = tpu.vector_load %arg10[%swap3A_310, %swap3A_311] {strides = array<i32>} : memref<32x512xf32, #tpu.memory_space<vmem>>, vector<1x16xf32>,
            %swap3A_313 = vector.shape_cast %swap3A_312 : vector<1x16xf32> to vector<16xf32>
            %swap3A_314 = vector.shape_cast %broadcast_in_dim3A_309 : vector<16xf32> to vector<1x16xf32>
            tpu.vector_store %arg10[%swap3A_310, %swap3A_311], %swap3A_314 {strides = array<i32>} : memref<32x512xf32, #tpu.memory_space<vmem>>, vector<1x16xf32>,
            %broadcast_in_dim3A_315 = arith.constant 0.000000e+00 : f32
            %broadcast_in_dim3A_316 = vector.broadcast %broadcast_in_dim3A_315 : f32 to vector<16xf32>
            %swap3A_317 = arith.index_cast %while3A_209 : i32 to index
            %swap3A_318 = arith.constant 240 : index
            %swap3A_319 = tpu.vector_load %arg10[%swap3A_317, %swap3A_318] {strides = array<i32>} : memref<32x512xf32, #tpu.memory_space<vmem>>, vector<1x16xf32>,
            %swap3A_320 = vector.shape_cast %swap3A_319 : vector<1x16xf32> to vector<16xf32>
            %swap3A_321 = vector.shape_cast %broadcast_in_dim3A_316 : vector<16xf32> to vector<1x16xf32>
            tpu.vector_store %arg10[%swap3A_317, %swap3A_318], %swap3A_321 {strides = array<i32>} : memref<32x512xf32, #tpu.memory_space<vmem>>, vector<1x16xf32>,
            %broadcast_in_dim3A_322 = arith.constant 0.000000e+00 : f32
            %broadcast_in_dim3A_323 = vector.broadcast %broadcast_in_dim3A_322 : f32 to vector<16xf32>
            %swap3A_324 = arith.index_cast %while3A_209 : i32 to index
            %swap3A_325 = arith.constant 256 : index
            %swap3A_326 = tpu.vector_load %arg10[%swap3A_324, %swap3A_325] {strides = array<i32>} : memref<32x512xf32, #tpu.memory_space<vmem>>, vector<1x16xf32>,
            %swap3A_327 = vector.shape_cast %swap3A_326 : vector<1x16xf32> to vector<16xf32>
            %swap3A_328 = vector.shape_cast %broadcast_in_dim3A_323 : vector<16xf32> to vector<1x16xf32>
            tpu.vector_store %arg10[%swap3A_324, %swap3A_325], %swap3A_328 {strides = array<i32>} : memref<32x512xf32, #tpu.memory_space<vmem>>, vector<1x16xf32>,
            %broadcast_in_dim3A_329 = arith.constant 0.000000e+00 : f32
            %broadcast_in_dim3A_330 = vector.broadcast %broadcast_in_dim3A_329 : f32 to vector<16xf32>
            %swap3A_331 = arith.index_cast %while3A_209 : i32 to index
            %swap3A_332 = arith.constant 272 : index
            %swap3A_333 = tpu.vector_load %arg10[%swap3A_331, %swap3A_332] {strides = array<i32>} : memref<32x512xf32, #tpu.memory_space<vmem>>, vector<1x16xf32>,
            %swap3A_334 = vector.shape_cast %swap3A_333 : vector<1x16xf32> to vector<16xf32>
            %swap3A_335 = vector.shape_cast %broadcast_in_dim3A_330 : vector<16xf32> to vector<1x16xf32>
            tpu.vector_store %arg10[%swap3A_331, %swap3A_332], %swap3A_335 {strides = array<i32>} : memref<32x512xf32, #tpu.memory_space<vmem>>, vector<1x16xf32>,
            %broadcast_in_dim3A_336 = arith.constant 0.000000e+00 : f32
            %broadcast_in_dim3A_337 = vector.broadcast %broadcast_in_dim3A_336 : f32 to vector<16xf32>
            %swap3A_338 = arith.index_cast %while3A_209 : i32 to index
            %swap3A_339 = arith.constant 288 : index
            %swap3A_340 = tpu.vector_load %arg10[%swap3A_338, %swap3A_339] {strides = array<i32>} : memref<32x512xf32, #tpu.memory_space<vmem>>, vector<1x16xf32>,
            %swap3A_341 = vector.shape_cast %swap3A_340 : vector<1x16xf32> to vector<16xf32>
            %swap3A_342 = vector.shape_cast %broadcast_in_dim3A_337 : vector<16xf32> to vector<1x16xf32>
            tpu.vector_store %arg10[%swap3A_338, %swap3A_339], %swap3A_342 {strides = array<i32>} : memref<32x512xf32, #tpu.memory_space<vmem>>, vector<1x16xf32>,
            %broadcast_in_dim3A_343 = arith.constant 0.000000e+00 : f32
            %broadcast_in_dim3A_344 = vector.broadcast %broadcast_in_dim3A_343 : f32 to vector<16xf32>
            %swap3A_345 = arith.index_cast %while3A_209 : i32 to index
            %swap3A_346 = arith.constant 304 : index
            %swap3A_347 = tpu.vector_load %arg10[%swap3A_345, %swap3A_346] {strides = array<i32>} : memref<32x512xf32, #tpu.memory_space<vmem>>, vector<1x16xf32>,
            %swap3A_348 = vector.shape_cast %swap3A_347 : vector<1x16xf32> to vector<16xf32>
            %swap3A_349 = vector.shape_cast %broadcast_in_dim3A_344 : vector<16xf32> to vector<1x16xf32>
            tpu.vector_store %arg10[%swap3A_345, %swap3A_346], %swap3A_349 {strides = array<i32>} : memref<32x512xf32, #tpu.memory_space<vmem>>, vector<1x16xf32>,
            %broadcast_in_dim3A_350 = arith.constant 0.000000e+00 : f32
            %broadcast_in_dim3A_351 = vector.broadcast %broadcast_in_dim3A_350 : f32 to vector<16xf32>
            %swap3A_352 = arith.index_cast %while3A_209 : i32 to index
            %swap3A_353 = arith.constant 320 : index
            %swap3A_354 = tpu.vector_load %arg10[%swap3A_352, %swap3A_353] {strides = array<i32>} : memref<32x512xf32, #tpu.memory_space<vmem>>, vector<1x16xf32>,
            %swap3A_355 = vector.shape_cast %swap3A_354 : vector<1x16xf32> to vector<16xf32>
            %swap3A_356 = vector.shape_cast %broadcast_in_dim3A_351 : vector<16xf32> to vector<1x16xf32>
            tpu.vector_store %arg10[%swap3A_352, %swap3A_353], %swap3A_356 {strides = array<i32>} : memref<32x512xf32, #tpu.memory_space<vmem>>, vector<1x16xf32>,
            %broadcast_in_dim3A_357 = arith.constant 0.000000e+00 : f32
            %broadcast_in_dim3A_358 = vector.broadcast %broadcast_in_dim3A_357 : f32 to vector<16xf32>
            %swap3A_359 = arith.index_cast %while3A_209 : i32 to index
            %swap3A_360 = arith.constant 336 : index
            %swap3A_361 = tpu.vector_load %arg10[%swap3A_359, %swap3A_360] {strides = array<i32>} : memref<32x512xf32, #tpu.memory_space<vmem>>, vector<1x16xf32>,
            %swap3A_362 = vector.shape_cast %swap3A_361 : vector<1x16xf32> to vector<16xf32>
            %swap3A_363 = vector.shape_cast %broadcast_in_dim3A_358 : vector<16xf32> to vector<1x16xf32>
            tpu.vector_store %arg10[%swap3A_359, %swap3A_360], %swap3A_363 {strides = array<i32>} : memref<32x512xf32, #tpu.memory_space<vmem>>, vector<1x16xf32>,
            %broadcast_in_dim3A_364 = arith.constant 0.000000e+00 : f32
            %broadcast_in_dim3A_365 = vector.broadcast %broadcast_in_dim3A_364 : f32 to vector<16xf32>
            %swap3A_366 = arith.index_cast %while3A_209 : i32 to index
            %swap3A_367 = arith.constant 352 : index
            %swap3A_368 = tpu.vector_load %arg10[%swap3A_366, %swap3A_367] {strides = array<i32>} : memref<32x512xf32, #tpu.memory_space<vmem>>, vector<1x16xf32>,
            %swap3A_369 = vector.shape_cast %swap3A_368 : vector<1x16xf32> to vector<16xf32>
            %swap3A_370 = vector.shape_cast %broadcast_in_dim3A_365 : vector<16xf32> to vector<1x16xf32>
            tpu.vector_store %arg10[%swap3A_366, %swap3A_367], %swap3A_370 {strides = array<i32>} : memref<32x512xf32, #tpu.memory_space<vmem>>, vector<1x16xf32>,
            %broadcast_in_dim3A_371 = arith.constant 0.000000e+00 : f32
            %broadcast_in_dim3A_372 = vector.broadcast %broadcast_in_dim3A_371 : f32 to vector<16xf32>
            %swap3A_373 = arith.index_cast %while3A_209 : i32 to index
            %swap3A_374 = arith.constant 368 : index
            %swap3A_375 = tpu.vector_load %arg10[%swap3A_373, %swap3A_374] {strides = array<i32>} : memref<32x512xf32, #tpu.memory_space<vmem>>, vector<1x16xf32>,
            %swap3A_376 = vector.shape_cast %swap3A_375 : vector<1x16xf32> to vector<16xf32>
            %swap3A_377 = vector.shape_cast %broadcast_in_dim3A_372 : vector<16xf32> to vector<1x16xf32>
            tpu.vector_store %arg10[%swap3A_373, %swap3A_374], %swap3A_377 {strides = array<i32>} : memref<32x512xf32, #tpu.memory_space<vmem>>, vector<1x16xf32>,
            %broadcast_in_dim3A_378 = arith.constant 0.000000e+00 : f32
            %broadcast_in_dim3A_379 = vector.broadcast %broadcast_in_dim3A_378 : f32 to vector<16xf32>
            %swap3A_380 = arith.index_cast %while3A_209 : i32 to index
            %swap3A_381 = arith.constant 384 : index
            %swap3A_382 = tpu.vector_load %arg10[%swap3A_380, %swap3A_381] {strides = array<i32>} : memref<32x512xf32, #tpu.memory_space<vmem>>, vector<1x16xf32>,
            %swap3A_383 = vector.shape_cast %swap3A_382 : vector<1x16xf32> to vector<16xf32>
            %swap3A_384 = vector.shape_cast %broadcast_in_dim3A_379 : vector<16xf32> to vector<1x16xf32>
            tpu.vector_store %arg10[%swap3A_380, %swap3A_381], %swap3A_384 {strides = array<i32>} : memref<32x512xf32, #tpu.memory_space<vmem>>, vector<1x16xf32>,
            %broadcast_in_dim3A_385 = arith.constant 0.000000e+00 : f32
            %broadcast_in_dim3A_386 = vector.broadcast %broadcast_in_dim3A_385 : f32 to vector<16xf32>
            %swap3A_387 = arith.index_cast %while3A_209 : i32 to index
            %swap3A_388 = arith.constant 400 : index
            %swap3A_389 = tpu.vector_load %arg10[%swap3A_387, %swap3A_388] {strides = array<i32>} : memref<32x512xf32, #tpu.memory_space<vmem>>, vector<1x16xf32>,
            %swap3A_390 = vector.shape_cast %swap3A_389 : vector<1x16xf32> to vector<16xf32>
            %swap3A_391 = vector.shape_cast %broadcast_in_dim3A_386 : vector<16xf32> to vector<1x16xf32>
            tpu.vector_store %arg10[%swap3A_387, %swap3A_388], %swap3A_391 {strides = array<i32>} : memref<32x512xf32, #tpu.memory_space<vmem>>, vector<1x16xf32>,
            %broadcast_in_dim3A_392 = arith.constant 0.000000e+00 : f32
            %broadcast_in_dim3A_393 = vector.broadcast %broadcast_in_dim3A_392 : f32 to vector<16xf32>
            %swap3A_394 = arith.index_cast %while3A_209 : i32 to index
            %swap3A_395 = arith.constant 416 : index
            %swap3A_396 = tpu.vector_load %arg10[%swap3A_394, %swap3A_395] {strides = array<i32>} : memref<32x512xf32, #tpu.memory_space<vmem>>, vector<1x16xf32>,
            %swap3A_397 = vector.shape_cast %swap3A_396 : vector<1x16xf32> to vector<16xf32>
            %swap3A_398 = vector.shape_cast %broadcast_in_dim3A_393 : vector<16xf32> to vector<1x16xf32>
            tpu.vector_store %arg10[%swap3A_394, %swap3A_395], %swap3A_398 {strides = array<i32>} : memref<32x512xf32, #tpu.memory_space<vmem>>, vector<1x16xf32>,
            %broadcast_in_dim3A_399 = arith.constant 0.000000e+00 : f32
            %broadcast_in_dim3A_400 = vector.broadcast %broadcast_in_dim3A_399 : f32 to vector<16xf32>
            %swap3A_401 = arith.index_cast %while3A_209 : i32 to index
            %swap3A_402 = arith.constant 432 : index
            %swap3A_403 = tpu.vector_load %arg10[%swap3A_401, %swap3A_402] {strides = array<i32>} : memref<32x512xf32, #tpu.memory_space<vmem>>, vector<1x16xf32>,
            %swap3A_404 = vector.shape_cast %swap3A_403 : vector<1x16xf32> to vector<16xf32>
            %swap3A_405 = vector.shape_cast %broadcast_in_dim3A_400 : vector<16xf32> to vector<1x16xf32>
            tpu.vector_store %arg10[%swap3A_401, %swap3A_402], %swap3A_405 {strides = array<i32>} : memref<32x512xf32, #tpu.memory_space<vmem>>, vector<1x16xf32>,
            %broadcast_in_dim3A_406 = arith.constant 0.000000e+00 : f32
            %broadcast_in_dim3A_407 = vector.broadcast %broadcast_in_dim3A_406 : f32 to vector<16xf32>
            %swap3A_408 = arith.index_cast %while3A_209 : i32 to index
            %swap3A_409 = arith.constant 448 : index
            %swap3A_410 = tpu.vector_load %arg10[%swap3A_408, %swap3A_409] {strides = array<i32>} : memref<32x512xf32, #tpu.memory_space<vmem>>, vector<1x16xf32>,
            %swap3A_411 = vector.shape_cast %swap3A_410 : vector<1x16xf32> to vector<16xf32>
            %swap3A_412 = vector.shape_cast %broadcast_in_dim3A_407 : vector<16xf32> to vector<1x16xf32>
            tpu.vector_store %arg10[%swap3A_408, %swap3A_409], %swap3A_412 {strides = array<i32>} : memref<32x512xf32, #tpu.memory_space<vmem>>, vector<1x16xf32>,
            %broadcast_in_dim3A_413 = arith.constant 0.000000e+00 : f32
            %broadcast_in_dim3A_414 = vector.broadcast %broadcast_in_dim3A_413 : f32 to vector<16xf32>
            %swap3A_415 = arith.index_cast %while3A_209 : i32 to index
            %swap3A_416 = arith.constant 464 : index
            %swap3A_417 = tpu.vector_load %arg10[%swap3A_415, %swap3A_416] {strides = array<i32>} : memref<32x512xf32, #tpu.memory_space<vmem>>, vector<1x16xf32>,
            %swap3A_418 = vector.shape_cast %swap3A_417 : vector<1x16xf32> to vector<16xf32>
            %swap3A_419 = vector.shape_cast %broadcast_in_dim3A_414 : vector<16xf32> to vector<1x16xf32>
            tpu.vector_store %arg10[%swap3A_415, %swap3A_416], %swap3A_419 {strides = array<i32>} : memref<32x512xf32, #tpu.memory_space<vmem>>, vector<1x16xf32>,
            %broadcast_in_dim3A_420 = arith.constant 0.000000e+00 : f32
            %broadcast_in_dim3A_421 = vector.broadcast %broadcast_in_dim3A_420 : f32 to vector<16xf32>
            %swap3A_422 = arith.index_cast %while3A_209 : i32 to index
            %swap3A_423 = arith.constant 480 : index
            %swap3A_424 = tpu.vector_load %arg10[%swap3A_422, %swap3A_423] {strides = array<i32>} : memref<32x512xf32, #tpu.memory_space<vmem>>, vector<1x16xf32>,
            %swap3A_425 = vector.shape_cast %swap3A_424 : vector<1x16xf32> to vector<16xf32>
            %swap3A_426 = vector.shape_cast %broadcast_in_dim3A_421 : vector<16xf32> to vector<1x16xf32>
            tpu.vector_store %arg10[%swap3A_422, %swap3A_423], %swap3A_426 {strides = array<i32>} : memref<32x512xf32, #tpu.memory_space<vmem>>, vector<1x16xf32>,
            %broadcast_in_dim3A_427 = arith.constant 0.000000e+00 : f32
            %broadcast_in_dim3A_428 = vector.broadcast %broadcast_in_dim3A_427 : f32 to vector<16xf32>
            %swap3A_429 = arith.index_cast %while3A_209 : i32 to index
            %swap3A_430 = arith.constant 496 : index
            %swap3A_431 = tpu.vector_load %arg10[%swap3A_429, %swap3A_430] {strides = array<i32>} : memref<32x512xf32, #tpu.memory_space<vmem>>, vector<1x16xf32>,
            %swap3A_432 = vector.shape_cast %swap3A_431 : vector<1x16xf32> to vector<16xf32>
            %swap3A_433 = vector.shape_cast %broadcast_in_dim3A_428 : vector<16xf32> to vector<1x16xf32>
            tpu.vector_store %arg10[%swap3A_429, %swap3A_430], %swap3A_433 {strides = array<i32>} : memref<32x512xf32, #tpu.memory_space<vmem>>, vector<1x16xf32>,
          }
        } else {
        }
        %mul3A_184 = arith.constant 32 : i32
        %mul3A_185 = arith.muli %add3A_162, %mul3A_184 : i32
        %add3A_186 = arith.addi %mul3A_32, %mul3A_185 : i32
        %dma_start3A = arith.constant 0 : i32
        %dma_start3A_187 = tpu.memref_slice %arg4[%select_n3A, %add3A_186, %dma_start3A] : memref<16x2048x512xf32, #tpu.memory_space<hbm>> -> memref<1x32x512xf32, #tpu.memory_space<hbm>>
        %dma_start3A_188 = tpu.memref_squeeze %dma_start3A_187 : memref<1x32x512xf32, #tpu.memory_space<hbm>> -> memref<32x512xf32, #tpu.memory_space<hbm>>
        %dma_start3A_189 = arith.constant 0 : i32
        %dma_start3A_190 = tpu.memref_slice %arg4[%select_n3A, %add3A_186, %dma_start3A_189] : memref<16x2048x512xf32, #tpu.memory_space<hbm>> -> memref<1x32x512xf32, #tpu.memory_space<hbm>>
        %dma_start3A_191 = tpu.memref_squeeze %dma_start3A_190 : memref<1x32x512xf32, #tpu.memory_space<hbm>> -> memref<32x512xf32, #tpu.memory_space<hbm>>
        tpu.enqueue_dma source(%arg10 : memref<32x512xf32, #tpu.memory_space<vmem>>) target(%dma_start3A_191 : memref<32x512xf32, #tpu.memory_space<hbm>>) target_semaphore(%arg19 : memref<!tpu.dma_semaphore, #tpu.memory_space<semaphore_mem>>)
        %add3A_192 = arith.constant 4 : i32
        %add3A_193 = arith.addi %add3A_162, %add3A_192 : i32
        %sub3A_194 = arith.constant 1 : i32
        %sub3A_195 = arith.subi %add3A_193, %sub3A_194 : i32
        %lt3A_196 = arith.cmpi slt, %sub3A_195, %add3A_91 : i32
        %convert_element_type3A_197 = arith.extui %lt3A_196 : i1 to i32
        %cond3A_198 = arith.constant 0 : i32
        %cond3A_199 = arith.cmpi ne, %convert_element_type3A_197, %cond3A_198 : i32
        scf.if %cond3A_199 {
          %ge3A_200 = arith.constant 4 : i32
          %ge3A_201 = arith.cmpi sge, %sub3A_195, %ge3A_200 : i32
          %convert_element_type3A_202 = arith.extui %ge3A_201 : i1 to i32
          %cond3A_203 = arith.constant 0 : i32
          %cond3A_204 = arith.cmpi ne, %convert_element_type3A_202, %cond3A_203 : i32
          scf.if %cond3A_204 {
            %sub3A_245 = arith.constant 4 : i32
            %sub3A_246 = arith.subi %sub3A_195, %sub3A_245 : i32
            %mul3A_247 = arith.constant 32 : i32
            %mul3A_248 = arith.muli %sub3A_246, %mul3A_247 : i32
            %add3A_249 = arith.addi %mul3A_32, %mul3A_248 : i32
            %dma_wait3A_250 = arith.constant 0 : i32
            %dma_wait3A_251 = tpu.memref_slice %arg4[%select_n3A, %add3A_249, %dma_wait3A_250] : memref<16x2048x512xf32, #tpu.memory_space<hbm>> -> memref<1x32x512xf32, #tpu.memory_space<hbm>>
            %dma_wait3A_252 = tpu.memref_squeeze %dma_wait3A_251 : memref<1x32x512xf32, #tpu.memory_space<hbm>> -> memref<32x512xf32, #tpu.memory_space<hbm>>
            %dma_wait3A_253 = arith.constant 0 : i32
            %dma_wait3A_254 = tpu.memref_slice %arg4[%select_n3A, %add3A_249, %dma_wait3A_253] : memref<16x2048x512xf32, #tpu.memory_space<hbm>> -> memref<1x32x512xf32, #tpu.memory_space<hbm>>
            %dma_wait3A_255 = tpu.memref_squeeze %dma_wait3A_254 : memref<1x32x512xf32, #tpu.memory_space<hbm>> -> memref<32x512xf32, #tpu.memory_space<hbm>>
            tpu.wait_dma2 semaphore(%arg18 : memref<!tpu.dma_semaphore, #tpu.memory_space<semaphore_mem>>) src(%arg9 : memref<32x512xf32, #tpu.memory_space<vmem>>) dst(%dma_wait3A_255 : memref<32x512xf32, #tpu.memory_space<hbm>>)
          } else {
          }
          %mul3A_205 = arith.constant 32 : i32
          %mul3A_206 = arith.muli %sub3A_195, %mul3A_205 : i32
          %add3A_207 = arith.addi %add3A_92, %mul3A_206 : i32
          %add3A_208 = arith.constant 0 : i32
          %add3A_209 = arith.addi %add3A_207, %add3A_208 : i32
          %iota3A = tpu.iota {dimensions = array<i32: 0>} : vector<16xi32>
          %add3A_210 = vector.broadcast %add3A_209 : i32 to vector<16xi32>
          %add3A_211 = arith.addi %add3A_210, %iota3A : vector<16xi32>
          %min3A_212 = arith.constant 16383 : i32
          %min3A_213 = vector.broadcast %min3A_212 : i32 to vector<16xi32>
          %min3A_214 = arith.minsi %add3A_211, %min3A_213 : vector<16xi32>
          %swap3A_215 = arith.constant 2 : i32
          %swap3A_216 = arith.index_cast %swap3A_215 : i32 to index
          %swap3A_217 = arith.constant 0 : index
          %swap3A_218 = tpu.vector_load %arg6[%swap3A_216, %swap3A_217] {strides = array<i32>} : memref<4x32xi32, #tpu.memory_space<vmem>>, vector<1x16xi32>,
          %swap3A_219 = vector.shape_cast %swap3A_218 : vector<1x16xi32> to vector<16xi32>
          %swap3A_220 = vector.shape_cast %min3A_214 : vector<16xi32> to vector<1x16xi32>
          tpu.vector_store %arg6[%swap3A_216, %swap3A_217], %swap3A_220 {strides = array<i32>} : memref<4x32xi32, #tpu.memory_space<vmem>>, vector<1x16xi32>,
          %mul3A_221 = arith.constant 32 : i32
          %mul3A_222 = arith.muli %sub3A_195, %mul3A_221 : i32
          %add3A_223 = arith.addi %add3A_92, %mul3A_222 : i32
          %add3A_224 = arith.constant 16 : i32
          %add3A_225 = arith.addi %add3A_223, %add3A_224 : i32
          %iota3A_226 = tpu.iota {dimensions = array<i32: 0>} : vector<16xi32>
          %add3A_227 = vector.broadcast %add3A_225 : i32 to vector<16xi32>
          %add3A_228 = arith.addi %add3A_227, %iota3A_226 : vector<16xi32>
          %min3A_229 = arith.constant 16383 : i32
          %min3A_230 = vector.broadcast %min3A_229 : i32 to vector<16xi32>
          %min3A_231 = arith.minsi %add3A_228, %min3A_230 : vector<16xi32>
          %swap3A_232 = arith.constant 2 : i32
          %swap3A_233 = arith.index_cast %swap3A_232 : i32 to index
          %swap3A_234 = arith.constant 16 : index
          %swap3A_235 = tpu.vector_load %arg6[%swap3A_233, %swap3A_234] {strides = array<i32>} : memref<4x32xi32, #tpu.memory_space<vmem>>, vector<1x16xi32>,
          %swap3A_236 = vector.shape_cast %swap3A_235 : vector<1x16xi32> to vector<16xi32>
          %swap3A_237 = vector.shape_cast %min3A_231 : vector<16xi32> to vector<1x16xi32>
          tpu.vector_store %arg6[%swap3A_233, %swap3A_234], %swap3A_237 {strides = array<i32>} : memref<4x32xi32, #tpu.memory_space<vmem>>, vector<1x16xi32>,
          %dma_start3A_238 = arith.constant 2 : i32
          %dma_start3A_239 = arith.constant 0 : i32
          %dma_start3A_240 = tpu.memref_slice %arg6[%dma_start3A_238, %dma_start3A_239] : memref<4x32xi32, #tpu.memory_space<vmem>> -> memref<1x32xi32, #tpu.memory_space<vmem>>
          %dma_start3A_241 = tpu.memref_squeeze %dma_start3A_240 : memref<1x32xi32, #tpu.memory_space<vmem>> -> memref<32xi32, #tpu.memory_space<vmem>>
          %dma_start3A_242 = arith.constant 0 : i32
          %dma_start3A_243 = arith.constant 0 : i32
          %dma_start3A_244 = tpu.memref_slice %arg3[%dma_start3A_242, %dma_start3A_243] : memref<16384x512xf32, #tpu.memory_space<hbm>> -> memref<16384x512xf32, #tpu.memory_space<hbm>>
          tpu.enqueue_indirect_dma source(%dma_start3A_244 : memref<16384x512xf32, #tpu.memory_space<hbm>>) target(%arg9 : memref<32x512xf32, #tpu.memory_space<vmem>>) offsets(%dma_start3A_241 : memref<32xi32, #tpu.memory_space<vmem>>) semaphore(%arg14 : memref<!tpu.dma_semaphore, #tpu.memory_space<semaphore_mem>>)
        } else {
        }
      } else {
      }
      %ge3A_167 = arith.cmpi sge, %add3A_162, %add3A_91 : i32
      %convert_element_type3A_168 = arith.extui %ge3A_167 : i1 to i32
      %cond3A_169 = arith.constant 0 : i32
      %cond3A_170 = arith.cmpi ne, %convert_element_type3A_168, %cond3A_169 : i32
      scf.if %cond3A_170 {
        %mul3A_171 = arith.constant 32 : i32
        %mul3A_172 = arith.muli %add3A_162, %mul3A_171 : i32
        %add3A_173 = arith.addi %mul3A_32, %mul3A_172 : i32
        %dma_start3A = arith.constant 0 : i32
        %dma_start3A_174 = tpu.memref_slice %arg4[%select_n3A, %add3A_173, %dma_start3A] : memref<16x2048x512xf32, #tpu.memory_space<hbm>> -> memref<1x32x512xf32, #tpu.memory_space<hbm>>
        %dma_start3A_175 = tpu.memref_squeeze %dma_start3A_174 : memref<1x32x512xf32, #tpu.memory_space<hbm>> -> memref<32x512xf32, #tpu.memory_space<hbm>>
        %dma_start3A_176 = arith.constant 0 : i32
        %dma_start3A_177 = tpu.memref_slice %arg4[%select_n3A, %add3A_173, %dma_start3A_176] : memref<16x2048x512xf32, #tpu.memory_space<hbm>> -> memref<1x32x512xf32, #tpu.memory_space<hbm>>
        %dma_start3A_178 = tpu.memref_squeeze %dma_start3A_177 : memref<1x32x512xf32, #tpu.memory_space<hbm>> -> memref<32x512xf32, #tpu.memory_space<hbm>>
        tpu.enqueue_dma source(%arg11 : memref<32x512xf32, #tpu.memory_space<vmem>>) target(%dma_start3A_178 : memref<32x512xf32, #tpu.memory_space<hbm>>) target_semaphore(%arg20 : memref<!tpu.dma_semaphore, #tpu.memory_space<semaphore_mem>>)
      } else {
      }
    }
    %scan3A_116 = arith.constant 8 : i32
    %scan3A_117 = arith.constant 0 : i32
    %scan3A_118 = arith.constant 0 : i32
    %scan3A_119 = arith.constant 8 : i32
    %scan3A_120 = arith.addi %scan3A_118, %scan3A_119 : i32
    %scan3A_121 = arith.constant 1 : i32
    scf.for %scan3A_123 = %scan3A_118 to %scan3A_120 step %scan3A_121  : i32 {
      %mul3A_124 = arith.constant 4 : i32
      %mul3A_125 = arith.muli %scan3A_123, %mul3A_124 : i32
      %add3A_126 = arith.constant 0 : i32
      %add3A_127 = arith.addi %mul3A_125, %add3A_126 : i32
      %lt3A_128 = arith.cmpi slt, %add3A_127, %add3A_91 : i32
      %add3A_129 = arith.constant 4 : i32
      %add3A_130 = arith.addi %add3A_127, %add3A_129 : i32
      %ge3A = arith.cmpi sge, %add3A_130, %add3A_91 : i32
      %and3A_131 = arith.andi %lt3A_128, %ge3A : i1
      %convert_element_type3A_132 = arith.extui %and3A_131 : i1 to i32
      %cond3A_133 = arith.constant 0 : i32
      %cond3A_134 = arith.cmpi ne, %convert_element_type3A_132, %cond3A_133 : i32
      scf.if %cond3A_134 {
        %mul3A_187 = arith.constant 32 : i32
        %mul3A_188 = arith.muli %add3A_127, %mul3A_187 : i32
        %add3A_189 = arith.addi %mul3A_32, %mul3A_188 : i32
        %dma_wait3A = arith.constant 0 : i32
        %dma_wait3A_190 = tpu.memref_slice %arg4[%select_n3A, %add3A_189, %dma_wait3A] : memref<16x2048x512xf32, #tpu.memory_space<hbm>> -> memref<1x32x512xf32, #tpu.memory_space<hbm>>
        %dma_wait3A_191 = tpu.memref_squeeze %dma_wait3A_190 : memref<1x32x512xf32, #tpu.memory_space<hbm>> -> memref<32x512xf32, #tpu.memory_space<hbm>>
        %dma_wait3A_192 = arith.constant 0 : i32
        %dma_wait3A_193 = tpu.memref_slice %arg4[%select_n3A, %add3A_189, %dma_wait3A_192] : memref<16x2048x512xf32, #tpu.memory_space<hbm>> -> memref<1x32x512xf32, #tpu.memory_space<hbm>>
        %dma_wait3A_194 = tpu.memref_squeeze %dma_wait3A_193 : memref<1x32x512xf32, #tpu.memory_space<hbm>> -> memref<32x512xf32, #tpu.memory_space<hbm>>
        tpu.wait_dma2 semaphore(%arg16 : memref<!tpu.dma_semaphore, #tpu.memory_space<semaphore_mem>>) src(%arg7 : memref<32x512xf32, #tpu.memory_space<vmem>>) dst(%dma_wait3A_194 : memref<32x512xf32, #tpu.memory_space<hbm>>)
      } else {
      }
      %ge3A_135 = arith.cmpi sge, %add3A_127, %add3A_91 : i32
      %convert_element_type3A_136 = arith.extui %ge3A_135 : i1 to i32
      %cond3A_137 = arith.constant 0 : i32
      %cond3A_138 = arith.cmpi ne, %convert_element_type3A_136, %cond3A_137 : i32
      scf.if %cond3A_138 {
        %mul3A_187 = arith.constant 32 : i32
        %mul3A_188 = arith.muli %add3A_127, %mul3A_187 : i32
        %add3A_189 = arith.addi %mul3A_32, %mul3A_188 : i32
        %dma_wait3A = arith.constant 0 : i32
        %dma_wait3A_190 = tpu.memref_slice %arg4[%select_n3A, %add3A_189, %dma_wait3A] : memref<16x2048x512xf32, #tpu.memory_space<hbm>> -> memref<1x32x512xf32, #tpu.memory_space<hbm>>
        %dma_wait3A_191 = tpu.memref_squeeze %dma_wait3A_190 : memref<1x32x512xf32, #tpu.memory_space<hbm>> -> memref<32x512xf32, #tpu.memory_space<hbm>>
        %dma_wait3A_192 = arith.constant 0 : i32
        %dma_wait3A_193 = tpu.memref_slice %arg4[%select_n3A, %add3A_189, %dma_wait3A_192] : memref<16x2048x512xf32, #tpu.memory_space<hbm>> -> memref<1x32x512xf32, #tpu.memory_space<hbm>>
        %dma_wait3A_194 = tpu.memref_squeeze %dma_wait3A_193 : memref<1x32x512xf32, #tpu.memory_space<hbm>> -> memref<32x512xf32, #tpu.memory_space<hbm>>
        tpu.wait_dma2 semaphore(%arg20 : memref<!tpu.dma_semaphore, #tpu.memory_space<semaphore_mem>>) src(%arg11 : memref<32x512xf32, #tpu.memory_space<vmem>>) dst(%dma_wait3A_194 : memref<32x512xf32, #tpu.memory_space<hbm>>)
      } else {
      }
      %mul3A_139 = arith.constant 4 : i32
      %mul3A_140 = arith.muli %scan3A_123, %mul3A_139 : i32
      %add3A_141 = arith.constant 1 : i32
      %add3A_142 = arith.addi %mul3A_140, %add3A_141 : i32
      %lt3A_143 = arith.cmpi slt, %add3A_142, %add3A_91 : i32
      %add3A_144 = arith.constant 4 : i32
      %add3A_145 = arith.addi %add3A_142, %add3A_144 : i32
      %ge3A_146 = arith.cmpi sge, %add3A_145, %add3A_91 : i32
      %and3A_147 = arith.andi %lt3A_143, %ge3A_146 : i1
      %convert_element_type3A_148 = arith.extui %and3A_147 : i1 to i32
      %cond3A_149 = arith.constant 0 : i32
      %cond3A_150 = arith.cmpi ne, %convert_element_type3A_148, %cond3A_149 : i32
      scf.if %cond3A_150 {
        %mul3A_187 = arith.constant 32 : i32
        %mul3A_188 = arith.muli %add3A_142, %mul3A_187 : i32
        %add3A_189 = arith.addi %mul3A_32, %mul3A_188 : i32
        %dma_wait3A = arith.constant 0 : i32
        %dma_wait3A_190 = tpu.memref_slice %arg4[%select_n3A, %add3A_189, %dma_wait3A] : memref<16x2048x512xf32, #tpu.memory_space<hbm>> -> memref<1x32x512xf32, #tpu.memory_space<hbm>>
        %dma_wait3A_191 = tpu.memref_squeeze %dma_wait3A_190 : memref<1x32x512xf32, #tpu.memory_space<hbm>> -> memref<32x512xf32, #tpu.memory_space<hbm>>
        %dma_wait3A_192 = arith.constant 0 : i32
        %dma_wait3A_193 = tpu.memref_slice %arg4[%select_n3A, %add3A_189, %dma_wait3A_192] : memref<16x2048x512xf32, #tpu.memory_space<hbm>> -> memref<1x32x512xf32, #tpu.memory_space<hbm>>
        %dma_wait3A_194 = tpu.memref_squeeze %dma_wait3A_193 : memref<1x32x512xf32, #tpu.memory_space<hbm>> -> memref<32x512xf32, #tpu.memory_space<hbm>>
        tpu.wait_dma2 semaphore(%arg17 : memref<!tpu.dma_semaphore, #tpu.memory_space<semaphore_mem>>) src(%arg8 : memref<32x512xf32, #tpu.memory_space<vmem>>) dst(%dma_wait3A_194 : memref<32x512xf32, #tpu.memory_space<hbm>>)
      } else {
      }
      %ge3A_151 = arith.cmpi sge, %add3A_142, %add3A_91 : i32
      %convert_element_type3A_152 = arith.extui %ge3A_151 : i1 to i32
      %cond3A_153 = arith.constant 0 : i32
      %cond3A_154 = arith.cmpi ne, %convert_element_type3A_152, %cond3A_153 : i32
      scf.if %cond3A_154 {
        %mul3A_187 = arith.constant 32 : i32
        %mul3A_188 = arith.muli %add3A_142, %mul3A_187 : i32
        %add3A_189 = arith.addi %mul3A_32, %mul3A_188 : i32
        %dma_wait3A = arith.constant 0 : i32
        %dma_wait3A_190 = tpu.memref_slice %arg4[%select_n3A, %add3A_189, %dma_wait3A] : memref<16x2048x512xf32, #tpu.memory_space<hbm>> -> memref<1x32x512xf32, #tpu.memory_space<hbm>>
        %dma_wait3A_191 = tpu.memref_squeeze %dma_wait3A_190 : memref<1x32x512xf32, #tpu.memory_space<hbm>> -> memref<32x512xf32, #tpu.memory_space<hbm>>
        %dma_wait3A_192 = arith.constant 0 : i32
        %dma_wait3A_193 = tpu.memref_slice %arg4[%select_n3A, %add3A_189, %dma_wait3A_192] : memref<16x2048x512xf32, #tpu.memory_space<hbm>> -> memref<1x32x512xf32, #tpu.memory_space<hbm>>
        %dma_wait3A_194 = tpu.memref_squeeze %dma_wait3A_193 : memref<1x32x512xf32, #tpu.memory_space<hbm>> -> memref<32x512xf32, #tpu.memory_space<hbm>>
        tpu.wait_dma2 semaphore(%arg20 : memref<!tpu.dma_semaphore, #tpu.memory_space<semaphore_mem>>) src(%arg11 : memref<32x512xf32, #tpu.memory_space<vmem>>) dst(%dma_wait3A_194 : memref<32x512xf32, #tpu.memory_space<hbm>>)
      } else {
      }
      %mul3A_155 = arith.constant 4 : i32
      %mul3A_156 = arith.muli %scan3A_123, %mul3A_155 : i32
      %add3A_157 = arith.constant 2 : i32
      %add3A_158 = arith.addi %mul3A_156, %add3A_157 : i32
      %lt3A_159 = arith.cmpi slt, %add3A_158, %add3A_91 : i32
      %add3A_160 = arith.constant 4 : i32
      %add3A_161 = arith.addi %add3A_158, %add3A_160 : i32
      %ge3A_162 = arith.cmpi sge, %add3A_161, %add3A_91 : i32
      %and3A_163 = arith.andi %lt3A_159, %ge3A_162 : i1
      %convert_element_type3A_164 = arith.extui %and3A_163 : i1 to i32
      %cond3A_165 = arith.constant 0 : i32
      %cond3A_166 = arith.cmpi ne, %convert_element_type3A_164, %cond3A_165 : i32
      scf.if %cond3A_166 {
        %mul3A_187 = arith.constant 32 : i32
        %mul3A_188 = arith.muli %add3A_158, %mul3A_187 : i32
        %add3A_189 = arith.addi %mul3A_32, %mul3A_188 : i32
        %dma_wait3A = arith.constant 0 : i32
        %dma_wait3A_190 = tpu.memref_slice %arg4[%select_n3A, %add3A_189, %dma_wait3A] : memref<16x2048x512xf32, #tpu.memory_space<hbm>> -> memref<1x32x512xf32, #tpu.memory_space<hbm>>
        %dma_wait3A_191 = tpu.memref_squeeze %dma_wait3A_190 : memref<1x32x512xf32, #tpu.memory_space<hbm>> -> memref<32x512xf32, #tpu.memory_space<hbm>>
        %dma_wait3A_192 = arith.constant 0 : i32
        %dma_wait3A_193 = tpu.memref_slice %arg4[%select_n3A, %add3A_189, %dma_wait3A_192] : memref<16x2048x512xf32, #tpu.memory_space<hbm>> -> memref<1x32x512xf32, #tpu.memory_space<hbm>>
        %dma_wait3A_194 = tpu.memref_squeeze %dma_wait3A_193 : memref<1x32x512xf32, #tpu.memory_space<hbm>> -> memref<32x512xf32, #tpu.memory_space<hbm>>
        tpu.wait_dma2 semaphore(%arg18 : memref<!tpu.dma_semaphore, #tpu.memory_space<semaphore_mem>>) src(%arg9 : memref<32x512xf32, #tpu.memory_space<vmem>>) dst(%dma_wait3A_194 : memref<32x512xf32, #tpu.memory_space<hbm>>)
      } else {
      }
      %ge3A_167 = arith.cmpi sge, %add3A_158, %add3A_91 : i32
      %convert_element_type3A_168 = arith.extui %ge3A_167 : i1 to i32
      %cond3A_169 = arith.constant 0 : i32
      %cond3A_170 = arith.cmpi ne, %convert_element_type3A_168, %cond3A_169 : i32
      scf.if %cond3A_170 {
        %mul3A_187 = arith.constant 32 : i32
        %mul3A_188 = arith.muli %add3A_158, %mul3A_187 : i32
        %add3A_189 = arith.addi %mul3A_32, %mul3A_188 : i32
        %dma_wait3A = arith.constant 0 : i32
        %dma_wait3A_190 = tpu.memref_slice %arg4[%select_n3A, %add3A_189, %dma_wait3A] : memref<16x2048x512xf32, #tpu.memory_space<hbm>> -> memref<1x32x512xf32, #tpu.memory_space<hbm>>
        %dma_wait3A_191 = tpu.memref_squeeze %dma_wait3A_190 : memref<1x32x512xf32, #tpu.memory_space<hbm>> -> memref<32x512xf32, #tpu.memory_space<hbm>>
        %dma_wait3A_192 = arith.constant 0 : i32
        %dma_wait3A_193 = tpu.memref_slice %arg4[%select_n3A, %add3A_189, %dma_wait3A_192] : memref<16x2048x512xf32, #tpu.memory_space<hbm>> -> memref<1x32x512xf32, #tpu.memory_space<hbm>>
        %dma_wait3A_194 = tpu.memref_squeeze %dma_wait3A_193 : memref<1x32x512xf32, #tpu.memory_space<hbm>> -> memref<32x512xf32, #tpu.memory_space<hbm>>
        tpu.wait_dma2 semaphore(%arg20 : memref<!tpu.dma_semaphore, #tpu.memory_space<semaphore_mem>>) src(%arg11 : memref<32x512xf32, #tpu.memory_space<vmem>>) dst(%dma_wait3A_194 : memref<32x512xf32, #tpu.memory_space<hbm>>)
      } else {
      }
      %mul3A_171 = arith.constant 4 : i32
      %mul3A_172 = arith.muli %scan3A_123, %mul3A_171 : i32
      %add3A_173 = arith.constant 3 : i32
      %add3A_174 = arith.addi %mul3A_172, %add3A_173 : i32
      %lt3A_175 = arith.cmpi slt, %add3A_174, %add3A_91 : i32
      %add3A_176 = arith.constant 4 : i32
      %add3A_177 = arith.addi %add3A_174, %add3A_176 : i32
      %ge3A_178 = arith.cmpi sge, %add3A_177, %add3A_91 : i32
      %and3A_179 = arith.andi %lt3A_175, %ge3A_178 : i1
      %convert_element_type3A_180 = arith.extui %and3A_179 : i1 to i32
      %cond3A_181 = arith.constant 0 : i32
      %cond3A_182 = arith.cmpi ne, %convert_element_type3A_180, %cond3A_181 : i32
      scf.if %cond3A_182 {
        %mul3A_187 = arith.constant 32 : i32
        %mul3A_188 = arith.muli %add3A_174, %mul3A_187 : i32
        %add3A_189 = arith.addi %mul3A_32, %mul3A_188 : i32
        %dma_wait3A = arith.constant 0 : i32
        %dma_wait3A_190 = tpu.memref_slice %arg4[%select_n3A, %add3A_189, %dma_wait3A] : memref<16x2048x512xf32, #tpu.memory_space<hbm>> -> memref<1x32x512xf32, #tpu.memory_space<hbm>>
        %dma_wait3A_191 = tpu.memref_squeeze %dma_wait3A_190 : memref<1x32x512xf32, #tpu.memory_space<hbm>> -> memref<32x512xf32, #tpu.memory_space<hbm>>
        %dma_wait3A_192 = arith.constant 0 : i32
        %dma_wait3A_193 = tpu.memref_slice %arg4[%select_n3A, %add3A_189, %dma_wait3A_192] : memref<16x2048x512xf32, #tpu.memory_space<hbm>> -> memref<1x32x512xf32, #tpu.memory_space<hbm>>
        %dma_wait3A_194 = tpu.memref_squeeze %dma_wait3A_193 : memref<1x32x512xf32, #tpu.memory_space<hbm>> -> memref<32x512xf32, #tpu.memory_space<hbm>>
        tpu.wait_dma2 semaphore(%arg19 : memref<!tpu.dma_semaphore, #tpu.memory_space<semaphore_mem>>) src(%arg10 : memref<32x512xf32, #tpu.memory_space<vmem>>) dst(%dma_wait3A_194 : memref<32x512xf32, #tpu.memory_space<hbm>>)
      } else {
      }
      %ge3A_183 = arith.cmpi sge, %add3A_174, %add3A_91 : i32
      %convert_element_type3A_184 = arith.extui %ge3A_183 : i1 to i32
      %cond3A_185 = arith.constant 0 : i32
      %cond3A_186 = arith.cmpi ne, %convert_element_type3A_184, %cond3A_185 : i32
      scf.if %cond3A_186 {
        %mul3A_187 = arith.constant 32 : i32
        %mul3A_188 = arith.muli %add3A_174, %mul3A_187 : i32
        %add3A_189 = arith.addi %mul3A_32, %mul3A_188 : i32
        %dma_wait3A = arith.constant 0 : i32
        %dma_wait3A_190 = tpu.memref_slice %arg4[%select_n3A, %add3A_189, %dma_wait3A] : memref<16x2048x512xf32, #tpu.memory_space<hbm>> -> memref<1x32x512xf32, #tpu.memory_space<hbm>>
        %dma_wait3A_191 = tpu.memref_squeeze %dma_wait3A_190 : memref<1x32x512xf32, #tpu.memory_space<hbm>> -> memref<32x512xf32, #tpu.memory_space<hbm>>
        %dma_wait3A_192 = arith.constant 0 : i32
        %dma_wait3A_193 = tpu.memref_slice %arg4[%select_n3A, %add3A_189, %dma_wait3A_192] : memref<16x2048x512xf32, #tpu.memory_space<hbm>> -> memref<1x32x512xf32, #tpu.memory_space<hbm>>
        %dma_wait3A_194 = tpu.memref_squeeze %dma_wait3A_193 : memref<1x32x512xf32, #tpu.memory_space<hbm>> -> memref<32x512xf32, #tpu.memory_space<hbm>>
        tpu.wait_dma2 semaphore(%arg20 : memref<!tpu.dma_semaphore, #tpu.memory_space<semaphore_mem>>) src(%arg11 : memref<32x512xf32, #tpu.memory_space<vmem>>) dst(%dma_wait3A_194 : memref<32x512xf32, #tpu.memory_space<hbm>>)
      } else {
      }
    }
    %scan3A_122 = arith.constant 8 : i32
    return
  }
}

</mosaic_0001>

<sc_bundles>
// kernel: kernel.3.cloned.1.call-start
scs
__scs_entry_jumppad:
0x0: {  	(pc) =	sbr.rel $0x88, $3  }
0x1: {  	(tag) =	ssettag $0x0;
	lr =	simm.s32 $0x1  }
0x2: {  	[smem:$0x3F9F] =	sst lr;
	_ =	strace $0xD0000000  }
0x3: {  	_ = 	snop  }
0x4: {  	_ = 	snop  }
0x5: {  	_ = 	snop  }
0x6: {  	_ = 	snop  }
0x7: {  	_ = 	snop  }
__scs_overlays_trampoline_lowered:
0x8: {  	[smem:$0x3FAE] =	sst s0  }
0x9: {  	[smem:$0x3FAF] =	sst s1  }
0xa: {  	[smem:$0x3FB0] =	sst s2  }
0xb: {  	[smem:$0x3FB1] =	sst s3  }
0xc: {  	[smem:$0x3FB2] =	sst s4  }
0xd: {  	[smem:$0x3FB3] =	sst s5  }
0xe: {  	[smem:$0x3FB4] =	sst s6  }
0xf: {  	[smem:$0x3FB5] =	sst s7  }
0x10: {  	[smem:$0x3FB6] =	sst s8  }
0x11: {  	[smem:$0x3FB7] =	sst s9;
	s0 =	simm.s32 @!p0 $0x0  }
0x12: {  	s1 =	sld [smem:$0x3F9D];
	s0 =	simm.s32 @p0 $0x1  }
0x13: {  	[smem:$0x3FB8] =	sst s0;
	s0 =	simm.s32 @!p1 $0x0  }
0x14: {  	s2 =	sld [smem:$0x3F9C];
	s0 =	simm.s32 @p1 $0x1  }
0x15: {  	[smem:$0x3FB9] =	sst s0;
	s0 =	simm.s32 @!p2 $0x0  }
0x16: {  	s3 =	sld [smem:$0x3FDB];
	s0 =	simm.s32 @p2 $0x1  }
0x17: {  	s4 =	simm.s32 $0x1BF5;
	[smem:$0x3FBB] =	sst s0  }
0x18: {  	s0 =	sld [smem:$0x3F9E];
	_ =	swait.ge [sflag:s4], $0x0  }
0x19: {  	s7 =	sld [smem:$0x3F9F]  }
0x1a: {  	s8 =	sadd.s32 $0xFFFFE003, lr  }
0x1b: {  	s9 =	sadd.s32 $0xFFFFFEF7, lr;
	s5 =	simm.s32 $0xFFFFFFFF;
	p2 =	slt.u32 s8, $0xFFFFF086  }
0x1c: {  	p1 =	slt.u32 s9, $0xF7A;
	s5 =	simm.s32 @!p2 $0x0  }
0x1d: {  	s5 =	simm.s32 @p1 $0x1;
	p0 =	seq.s32 s7, s2  }
0x1e: {  	s7 =	smul.u32 @!p0 $0xF7A, s2;
	p2 =	seq.s32 @!p0 s5, $0x0  }
0x1f: {  	s9 =	smul.u32 $0xF7A, s1;
	s8 =	simm.s32 @!p0 $0x1BF5;
	p2 =	por !p2, p0  }
0x20: {  	[sflag:s8] =	ssyncset.s32 @!p0 $0xFFFFF086;
	s6 =	sadd.s32 @!p0 s3, s7;
	s7 =	simm.s32 @!p0 $0x108  }
0x21: {  	s3 =	sadd.s32 s3, s9;
	s6 =	sadd.s32 @!p0 $0x88, s6;
	s7 =	simm.s32 @p2 $0x1082  }
0x22: {  	[simem:s7], [sflag:s8] =	dma.local @!p0 [hbm:s6], $0xF7A  }
0x23: {  	s9 =	sor.u32 $0xD0000000, s2;
	s6 =	simm.s32 $0x108;
	_ =	swait.ge @!p0 [sflag:s8], $0x0  }
0x24: {  	s3 =	sadd.s32 $0x88, s3;
	s6 =	simm.s32 @!p1 $0x1082;
	[sflag:s4] =	ssyncset.s32 $0xFFFFF086  }
0x25: {  	[simem:s6], [sflag:s4] =	dma.local [hbm:s3], $0xF7A  }
0x26: {  	[smem:$0x3F9F] =	sst s1;
	(tag) =	ssettag s2;
	_ =	strace s9  }
0x27: {  	s1 =	sld [smem:$0x3FAF]  }
0x28: {  	s2 =	sld [smem:$0x3FB0]  }
0x29: {  	s4 =	sld [smem:$0x3FB2]  }
0x2a: {  	p0 =	seq.s32 s5, $0x0;
	s5 =	sld [smem:$0x3FB3]  }
0x2b: {  	s6 =	sld [smem:$0x3FB4]  }
0x2c: {  	s7 =	sld [smem:$0x3FB5]  }
0x2d: {  	s3 =	simm.s32 $0x108;
	s8 =	sld [smem:$0x3FB6]  }
0x2e: {  	s3 =	simm.s32 @!p0 $0x1082;
	s9 =	sld [smem:$0x3FB7]  }
0x2f: {  	lr =	sadd.s32 s0, s3;
	s0 =	sld [smem:$0x3FAE]  }
0x30: {  	s3 =	sld [smem:$0x3FB1]  }
0x31: {  	[smem:$0x3FBA] =	sst s10  }
0x32: {  	s10 =	sld [smem:$0x3FB8];
	_ =	sdelay $0x3  }
0x33: {  	p0 =	seq.s32 s10, $0x1;
	s10 =	sld [smem:$0x3FBA];
	_ =	sdelay $0x3  }
0x34: {  	[smem:$0x3FBA] =	sst s10  }
0x35: {  	s10 =	sld [smem:$0x3FB9];
	_ =	sdelay $0x3  }
0x36: {  	p1 =	seq.s32 s10, $0x1;
	s10 =	sld [smem:$0x3FBA];
	_ =	sdelay $0x3  }
0x37: {  	[smem:$0x3FBA] =	sst s10  }
0x38: {  	s10 =	sld [smem:$0x3FBB]  }
0x39: {  	_ = 	snop;
	(pc) =	sbr.ind lr, $3  }
0x3a: {  	_ = 	snop  }
0x3b: {  	_ = 	snop  }
0x3c: {  	p2 =	seq.s32 s10, $0x1;
	s10 =	sld [smem:$0x3FBA]  }
0x3d: {  	_ =	shalt  }
0x3e: {  	_ =	shalt  }
0x3f: {  	_ =	shalt  }
0x40: {  	_ =	shalt  }
0x41: {  	_ =	shalt  }
0x42: {  	_ =	shalt  }
0x43: {  	_ =	shalt  }
0x44: {  	_ =	shalt  }
0x45: {  	_ =	shalt  }
0x46: {  	_ =	shalt  }
0x47: {  	_ =	shalt  }
0x48: {  	_ =	shalt  }
0x49: {  	_ =	shalt  }
0x4a: {  	_ =	shalt  }
0x4b: {  	_ =	shalt  }
0x4c: {  	_ =	shalt  }
0x4d: {  	_ =	shalt  }
0x4e: {  	_ =	shalt  }
0x4f: {  	_ =	shalt  }
0x50: {  	_ =	shalt  }
0x51: {  	_ =	shalt  }
0x52: {  	_ =	shalt  }
0x53: {  	_ =	shalt  }
0x54: {  	_ =	shalt  }
0x55: {  	_ =	shalt  }
0x56: {  	_ =	shalt  }
0x57: {  	_ =	shalt  }
0x58: {  	_ =	shalt  }
0x59: {  	_ =	shalt  }
0x5a: {  	_ =	shalt  }
0x5b: {  	_ =	shalt  }
0x5c: {  	_ =	shalt  }
0x5d: {  	_ =	shalt  }
0x5e: {  	_ =	shalt  }
0x5f: {  	_ =	shalt  }
0x60: {  	_ =	shalt  }
0x61: {  	_ =	shalt  }
0x62: {  	_ =	shalt  }
0x63: {  	_ =	shalt  }
0x64: {  	_ =	shalt  }
0x65: {  	_ =	shalt  }
0x66: {  	_ =	shalt  }
0x67: {  	_ =	shalt  }
0x68: {  	_ =	shalt  }
0x69: {  	_ =	shalt  }
0x6a: {  	_ =	shalt  }
0x6b: {  	_ =	shalt  }
0x6c: {  	_ =	shalt  }
0x6d: {  	_ =	shalt  }
0x6e: {  	_ =	shalt  }
0x6f: {  	_ =	shalt  }
0x70: {  	_ =	shalt  }
0x71: {  	_ =	shalt  }
0x72: {  	_ =	shalt  }
0x73: {  	_ =	shalt  }
0x74: {  	_ =	shalt  }
0x75: {  	_ =	shalt  }
0x76: {  	_ =	shalt  }
0x77: {  	_ =	shalt  }
0x78: {  	_ =	shalt  }
0x79: {  	_ =	shalt  }
0x7a: {  	_ =	shalt  }
0x7b: {  	_ =	shalt  }
0x7c: {  	_ =	shalt  }
0x7d: {  	_ =	shalt  }
0x7e: {  	_ =	shalt  }
0x7f: {  	_ =	shalt  }
0x80: {  	_ =	shalt  }
0x81: {  	_ =	shalt  }
0x82: {  	_ =	shalt  }
0x83: {  	_ =	shalt  }
0x84: {  	_ =	shalt  }
0x85: {  	_ =	shalt  }
0x86: {  	_ =	shalt  }
0x87: {  	_ =	shalt  }
.Lfunc_end0:
.L_simem_size_0:
called_computation_lowered:
.L_overlay_start_0:
0x88: {  	s2 =	sld [smem:$0x3FD9]  }
0x89: {  	s3 =	sld [smem:$0x3FFE];
	_ =	sdelay $0x1  }
0x8a: {  	s1 =	srdreg.scid  }
0x8b: {  	s0 =	sand.u32 $0x1, s1  }
0x8c: {  	s18 =	sshll.u32 s0, $0xA;
	s2 =	sadd.s32 s3, s2  }
0x8d: {  	s2 =	sadd.s32 s2, s18  }
0x8e: {  	[smem:$0x3FC6] =	sst s2  }
0x8f: {  	_ = 	snop  }
0x90: {  	s2 =	sld [smem:$0x3FC9]  }
0x91: {  	s19 =	sld [smem:$0x3FC8]  }
0x92: {  	s4 =	sld [smem:$0x3FD0];
	(tm) =	ssettm $0x1  }
0x93: {  	s5 =	sld [smem:$0x3FFB];
	_ =	sdelay $0x3  }
0x94: {  	_ =	strace s5  }
0x95: {  	s5 =	sld [smem:$0x3FFC];
	_ =	sdelay $0x3  }
0x96: {  	_ =	strace s5  }
0x97: {  	s5 =	sld [smem:$0x3FFD];
	_ =	sdelay $0x3  }
0x98: {  	_ =	strace s5  }
0x99: {  	_ =	strace $0x8FFFFFFF  }
0x9a: {  	s20 =	sld [smem:$0x3FDB];
	_ =	sdelay $0x1  }
0x9b: {  	s6 =	simm.s32 $_scs_section_size  }
0x9c: {  	s7 =	simm.s32 $_size__tile_overlayer_lowered;
	s8 =	simm.s32 $_tile_overlayer_lowered  }
0x9d: {  	s23 =	simm.s32 $0x1BFF;
	s22 =	sshll.u32 s8, $0x1;
	s5 =	sadd.s32 s6, s20  }
0x9e: {  	s9 =	simm.s32 $0x0;
	s21 =	sshll.u32 s7, $0x1;
	s7 =	sadd.s32 s22, s5  }
0x9f: {  	[timem:s9], [sflag:s23] =	dma.local [hbm:s7], s21  }
0xa0: {  	_ =	swait.ge [sflag:s23], s21  }
0xa1: {  	s6 =	ssub.s32 $0x0, s21;
	[sflag:s23] =	ssyncset.done $0x0  }
0xa2: {  	[sflag:s23] =	ssyncadd.s32 s6;
	_ =	sdelay $0x1  }
0xa3: {  	s24 =	simm.s32 $0x1B8B  }
0xa4: {  	_ =	swait.ge [sflag:s24], $0x1  }
0xa5: {  	[sflag:s24] =	ssyncset.done $0x0  }
0xa6: {  	s25 =	simm.s32 $0x1B8E;
	[sflag:s24] =	ssyncadd.s32 $0xFFFFFFFF  }
0xa7: {  	s26 =	simm.s32 $execute0_lowered;
	[smem:$0x3FD2] =	sst s25  }
0xa8: {  	s6 =	sshll.u32 s26, $0x1;
	_ =	strace $0x80000046;
	[dreg:$0x1] =	wrdreg $0xFFFFFFFF  }
0xa9: {  	s28 =	simm.s32 $_size_execute0_lowered;
	s5 =	sadd.s32 s5, s6;
	[dreg:$0x0] =	wrdreg $0x0  }
0xaa: {  	s6 =	sshll.u32 s28, $0x1;
	[dreg:$0x2] =	wrdreg s5  }
0xab: {  	[dreg:$0x3] =	wrdreg s6  }
0xac: {  	[dreg:$0x4] =	wrdreg $0xC0  }
0xad: {  	_ =	task [dreg:s9], $0x5FFFF  }
0xae: {  	[dreg:$0x1] =	wrdreg $0xFFFFFFFF  }
0xaf: {  	[dreg:$0x0] =	wrdreg $0x60  }
0xb0: {  	[dreg:$0x2] =	wrdreg s19  }
0xb1: {  	[dreg:$0x3] =	wrdreg s2  }
0xb2: {  	[dreg:$0x4] =	wrdreg s4  }
0xb3: {  	[dreg:$0x5] =	wrdreg $0x9  }
0xb4: {  	_ =	task.clear_ibuf [dreg:s9], $0x6FFFF;
	_ =	strace $0x90000046  }
0xb5: {  	s29 =	simm.s32 $0x9;
	_ =	strace $0x80000048  }
0xb6: {  	_ =	swait.ge [sflag:s29], $0x1  }
0xb7: {  	[sflag:s29] =	ssyncadd.s32 $0xFFFFFFFF  }
0xb8: {  	_ =	strace $0x90000048  }
0xb9: {  	_ =	sfence  }
0xba: {  	s30 =	sld [smem:$0x0];
	_ =	sdelay $0x2  }
0xbb: {  	s31 =	sshll.u32 s1, $0xD;
	s1 =	sshrl.u32 s1, $0x2  }
0xbc: {  	s3 =	sand.u32 $0x4000, s31;
	s1 =	sadd.s32 s1, s30  }
0xbd: {  	s0 =	sor.u32 s3, s0;
	s1 =	sshll.u32 s1, $0x11  }
0xbe: {  	s0 =	sor.u32 s1, s0  }
0xbf: {  	s0 =	sadd.s32 $0x8F2B, s0  }
0xc0: {  	[sflag:s0] =	ssyncadd.remote.s32 $0x1  }
0xc1: {  	_ =	sfence.sel $0xFFFF  }
0xc2: {  	[dreg:$0x0] =	wrdreg $0xFFFFFFFF;
	(pc) =	sbr.abs _section_cstart, $3  }
0xc3: {  	[dreg:$0x1] =	wrdreg $0xFFFFFFFF  }
0xc4: {  	_ =	task.clear_ibuf [dreg:s9], $0x2FFFF;
	_ =	strace $0x9FFFFFFF  }
0xc5: {  	(tm) =	ssettm $0x7FFFFFFF  }
tec
execute0_lowered:
.L_overlay_start_1:
0x0: {  	(tag) =	ssettag $0x1  }
0x1: {  	s0 =	srdreg.scid;
	s3 =	rddreg [dreg:$0x1]  }
0x2: {  	s7 =	stileid.u32;
	s4 =	rddreg [dreg:$0x2]  }
0x3: {  	s5 =	simm.s32 $0x0;
	s2 =	simm.s32 $0x1;
	s12 =	simm.s32 $0xA  }
0x4: {  	s13 =	simm.s32 $0x280;
	s14 =	simm.s32 $0x2;
	s15 =	simm.s32 $0x4280  }
0x5: {  	s16 =	simm.s32 $0x3;
	s17 =	simm.s32 $0x8280;
	s0 =	sand.u32 $0x1, s0  }
0x6: {  	s18 =	simm.s32 $0x4;
	s19 =	simm.s32 $0xC280;
	s1 =	sor.u32 s0, s7  }
0x7: {  	s20 =	simm.s32 $0x10280;
	p1 =	seq.s32 s0, $0x1;
	p0 =	seq.s32 s1, $0x0  }
0x8: {  	s29 =	simm.s32 $0x0;
	[smem:$0x7FF] =	sst s5;
	p0 =	por !p0, !p1  }
0x9: {  	s9 =	sadd.s32 $0x100, s3;
	s30 =	ssub.s32 $0x2, s0;
	p0 =	por !p0, !p0  }
0xa: {  	_ =	strace $0x80000047;
	s6 =	sshrl.u32 s30, $0x1;
	s2 =	simm.s32 @!p0 $0x0  }
0xb: {  	s10 =	sshll.u32 s0, $0x13;
	s1 =	ssub.s32 s30, s6;
	s6 =	ssub.s32 s7, s2  }
0xc: {  	v0 =	vimm.s32 $0x4000;
	s8 =	sshll.u32 s0, $0xA;
	s31 =	smax.u32 s1, $0x1;
	s2 =	sshll.u32 s6, $0x14  }
0xd: {  	v1 =	vimm.f32 $0.0e+00;
	v2 =	vlaneseq.u32;
	vm0 =	vmmov $0xffff;
	[dreg:$0x4] =	wrdreg s31;
	s7 =	simm.s32 $0x1;
	s10 =	sor.u32 s2, s10  }
.LBB2_1:
0xe: {  	s0 =	rddreg [dreg:$0x0]  }
0xf: {  	[tilespmem:s5], [sflag:$0xA] =	stream.linear.gather [hbm4b:s0+s5], $0x10, $0x38;
	[tilespmem:$0x14280] =	vst v63  }
0x10: {  	_ =	swait.ge [sflag:s12], $0x10  }
0x11: {  	[sflag:s12] =	ssyncset.done $0x0  }
0x12: {  	[sflag:s12] =	ssyncadd.s32 $0xFFFFFFF0  }
0x13: {  	[tilespmem:$0x10] =	vst v0  }
0x14: {  	v3 =	vld [tilespmem:s6+$0x0];
	_ =	sdelay $0x4  }
0x15: {  	(v2sf) =	vpush v3, $0x0  }
0x16: {  	(v2sf) =	vpush v3, $0x1;
	_ =	sdelay $0xd  }
0x17: {  	s28 =	spop (v2sf)  }
0x18: {  	s1 =	spop (v2sf)  }
0x19: {  	s1 =	ssub.s32 s1, s28  }
0x1a: {  	p0 =	slt.s32 s1, $0x800  }
0x1b: {  	s1 =	simm.s32 @!p0 $0x800  }
0x1c: {  	s1 =	ssub.s32 s1, s8  }
0x1d: {  	p0 =	sgt.s32 s1, $0x0  }
0x1e: {  	p1 =	slt.s32 s1, $0x1;
	s1 =	simm.s32 @!p0 $0x0  }
0x1f: {  	s1 =	smin.u32 s1, $0x400  }
0x20: {  	s23 =	sand.u32 $0x1F, s1  }
0x21: {  	p0 =	sne.s32 s23, $0x0  }
0x22: {  	p1 =	por !p1, !p0  }
0x23: {  	s2 =	simm.s32 $0x1;
	p1 =	por !p1, !p1  }
0x24: {  	s11 =	simm.s32 $0x1;
	s1 =	sshrl.u32 s1, $0x5;
	s2 =	simm.s32 @!p1 $0x0  }
0x25: {  	s11 =	simm.s32 @!p0 $0x0;
	s31 =	ssub.s32 s1, s2  }
0x26: {  	s30 =	sadd.s32 s11, s31  }
0x27: {  	p0 =	slt.s32 s30, $0x1  }
0x28: {  	s2 =	sadd.s32 s8, s28;
	v3 =	vlaneseq.u32 @!p0  }
0x29: {  	v4 =	vadd.s32 @!p0 s2, v3  }
0x2a: {  	vm1 =	vlt.s32 @!p0 v4, $0x3FFF  }
0x2b: {  	v4 =	vnsel @!p0 vm1, $0x3FFF, v4  }
0x2c: {  	v5 =	vshll.u32 @!p0 v4, $0x2  }
0x2d: {  	v6 =	vand.u32 @!p0 $0x7, v4;
	v5 =	vand.u32 @!p0 $0xFFFFFFE0, v5  }
0x2e: {  	v7 =	vshrl.u32 @!p0 v3, $0x3;
	v5 =	vor.u32 @!p0 v6, v5;
	v6 =	vand.u32 @!p0 $0x7, v3  }
0x2f: {  	v7 =	vmul.u32 @!p0 $0x8, v7;
	v8 =	vperm.xlane @!p0 v5, v6;
	_ =	sdelay $0x1  }
0x30: {  	s0 =	sadd.s32 @!p0 $0x10, s2;
	v8 =	vadd.s32 @!p0 v7, v8  }
0x31: {  	v9 =	vadd.s32 @!p0 s0, v3;
	v3 =	vor.u32 @!p0 $0x8, v3  }
0x32: {  	vm1 =	vlt.s32 @!p0 v9, $0x3FFF;
	v5 =	vperm.xlane @!p0 v5, v3  }
0x33: {  	[tilespmem:$0x80] =	vst @!p0 v4;
	v4 =	vnsel @!p0 vm1, $0x3FFF, v9  }
0x34: {  	s1 =	simm.s32 @!p0 $0x280;
	s0 =	simm.s32 @!p0 $0x0;
	vm1 =	vmmov @!p0 $0xffff;
	[tilespmem:$0x90] =	vst @!p0 v4;
	v4 =	vadd.s32 @!p0 v7, v5  }
0x35: {  	[tilespmem:s1], [sflag:$0x1] =	stream.indirect_vreg.gather @!p0 [hbm4b:s3+s0], $0x80, v8, vm1, $0xb8;
	[tilespmem:$0x14280] =	vst v63  }
0x36: {  	s1 =	simm.s32 @!p0 $0xA80  }
0x37: {  	[tilespmem:s1], [sflag:$0x1] =	stream.indirect_vreg.gather @!p0 [hbm4b:s9+s0], $0x80, v8, vm1, $0xb8;
	[tilespmem:$0x14280] =	vst v63  }
0x38: {  	s1 =	simm.s32 @!p0 $0x1280  }
0x39: {  	[tilespmem:s1], [sflag:$0x1] =	stream.indirect_vreg.gather @!p0 [hbm4b:s3+s0], $0x80, v4, vm1, $0xb8;
	[tilespmem:$0x14280] =	vst v63  }
0x3a: {  	s1 =	simm.s32 @!p0 $0x1A80  }
0x3b: {  	[tilespmem:s1], [sflag:$0x1] =	stream.indirect_vreg.gather @!p0 [hbm4b:s9+s0], $0x80, v4, vm1, $0xb8;
	[tilespmem:$0x14280] =	vst v63  }
0x3c: {  	v4 =	vld @!p0 [tilespmem:$0x90];
	_ =	sdelay $0x4  }
0x3d: {  	v5 =	vshll.u32 @!p0 v4, $0x2  }
0x3e: {  	v4 =	vand.u32 @!p0 $0x7, v4;
	v5 =	vand.u32 @!p0 $0xFFFFFFE0, v5  }
0x3f: {  	v4 =	vor.u32 @!p0 v4, v5  }
0x40: {  	v5 =	vperm.xlane @!p0 v4, v6;
	_ =	sdelay $0x1  }
0x41: {  	v5 =	vadd.s32 @!p0 v7, v5;
	_ =	sdelay $0x1  }
0x42: {  	v3 =	vperm.xlane @!p0 v4, v3;
	_ =	sdelay $0x1  }
0x43: {  	s1 =	simm.s32 @!p0 $0x2280;
	v3 =	vadd.s32 @!p0 v7, v3  }
0x44: {  	[tilespmem:s1], [sflag:$0x1] =	stream.indirect_vreg.gather @!p0 [hbm4b:s3+s0], $0x80, v5, vm1, $0xb8;
	[tilespmem:$0x14280] =	vst v63  }
0x45: {  	s1 =	simm.s32 @!p0 $0x2A80  }
0x46: {  	[tilespmem:s1], [sflag:$0x1] =	stream.indirect_vreg.gather @!p0 [hbm4b:s9+s0], $0x80, v5, vm1, $0xb8;
	[tilespmem:$0x14280] =	vst v63  }
0x47: {  	s1 =	simm.s32 @!p0 $0x3280  }
0x48: {  	[tilespmem:s1], [sflag:$0x1] =	stream.indirect_vreg.gather @!p0 [hbm4b:s3+s0], $0x80, v3, vm1, $0xb8;
	[tilespmem:$0x14280] =	vst v63  }
0x49: {  	p1 =	seq.s32 @!p0 s30, $0x1;
	s1 =	simm.s32 @!p0 $0x3A80  }
0x4a: {  	[tilespmem:s1], [sflag:$0x1] =	stream.indirect_vreg.gather @!p0 [hbm4b:s9+s0], $0x80, v3, vm1, $0xb8;
	[tilespmem:$0x14280] =	vst v63  }
0x4b: {  	p0 =	por p0, p1  }
.Ltmp0:
0x4c: {  	_ = 	snop;
	(pc) =	sbr.rel @p0 .LBB2_3-.Ltmp0, $1  }
0x4d: {  	_ =	sdelay $0x3  }
0x4e: {  	s0 =	sadd.s32 $0x20, s2  }
0x4f: {  	v3 =	vadd.s32 s0, v2  }
0x50: {  	vm1 =	vlt.s32 v3, $0x3FFF  }
0x51: {  	v3 =	vnsel vm1, $0x3FFF, v3  }
0x52: {  	v4 =	vshll.u32 v3, $0x2  }
0x53: {  	v5 =	vand.u32 $0x7, v3;
	v4 =	vand.u32 $0xFFFFFFE0, v4  }
0x54: {  	v62 =	vand.u32 $0x7, v2;
	v6 =	vshrl.u32 v2, $0x3;
	v4 =	vor.u32 v5, v4  }
0x55: {  	v6 =	vmul.u32 $0x8, v6;
	v7 =	vperm.xlane v4, v62;
	_ =	sdelay $0x1  }
0x56: {  	s1 =	sadd.s32 $0x30, s2;
	v7 =	vadd.s32 v6, v7  }
0x57: {  	v9 =	vor.u32 $0x8, v2;
	v8 =	vadd.s32 s1, v2  }
0x58: {  	vm1 =	vlt.s32 v8, $0x3FFF;
	v4 =	vperm.xlane v4, v9  }
0x59: {  	[tilespmem:$0x100] =	vst v3;
	v3 =	vnsel vm1, $0x3FFF, v8  }
0x5a: {  	[tilespmem:$0x110] =	vst v3;
	v3 =	vadd.s32 v6, v4  }
0x5b: {  	[tilespmem:s15], [sflag:$0x2] =	stream.indirect_vreg.gather [hbm4b:s3+s5], $0x80, v7, vm0, $0xb8;
	[tilespmem:$0x14280] =	vst v63  }
0x5c: {  	s11 =	simm.s32 $0x4A80  }
0x5d: {  	[tilespmem:s11], [sflag:$0x2] =	stream.indirect_vreg.gather [hbm4b:s9+s5], $0x80, v7, vm0, $0xb8;
	[tilespmem:$0x14280] =	vst v63  }
0x5e: {  	s21 =	simm.s32 $0x5280  }
0x5f: {  	[tilespmem:s21], [sflag:$0x2] =	stream.indirect_vreg.gather [hbm4b:s3+s5], $0x80, v3, vm0, $0xb8;
	[tilespmem:$0x14280] =	vst v63  }
0x60: {  	s22 =	simm.s32 $0x5A80  }
0x61: {  	[tilespmem:s22], [sflag:$0x2] =	stream.indirect_vreg.gather [hbm4b:s9+s5], $0x80, v3, vm0, $0xb8;
	[tilespmem:$0x14280] =	vst v63  }
0x62: {  	v3 =	vld [tilespmem:$0x110];
	_ =	sdelay $0x4  }
0x63: {  	v63 =	vshll.u32 v3, $0x2  }
0x64: {  	v3 =	vand.u32 $0x7, v3;
	v4 =	vand.u32 $0xFFFFFFE0, v63  }
0x65: {  	v3 =	vor.u32 v3, v4  }
0x66: {  	v4 =	vperm.xlane v3, v62;
	_ =	sdelay $0x1  }
0x67: {  	p0 =	slt.u32 s30, $0x3;
	v4 =	vadd.s32 v6, v4  }
0x68: {  	s0 =	sadd.s32 @!p0 $0x40, s2;
	v5 =	vlaneseq.u32 @!p0  }
0x69: {  	v7 =	vadd.s32 @!p0 s0, v5;
	v3 =	vperm.xlane v3, v9  }
0x6a: {  	vm1 =	vlt.s32 @!p0 v7, $0x3FFF  }
0x6b: {  	s24 =	simm.s32 $0x6280;
	v3 =	vadd.s32 v6, v3;
	v6 =	vnsel @!p0 vm1, $0x3FFF, v7  }
0x6c: {  	v7 =	vshll.u32 @!p0 v6, $0x2;
	[tilespmem:s24], [sflag:$0x2] =	stream.indirect_vreg.gather [hbm4b:s3+s5], $0x80, v4, vm0, $0xb8;
	[tilespmem:$0x14280] =	vst v63  }
0x6d: {  	s25 =	simm.s32 $0x6A80;
	v8 =	vand.u32 @!p0 $0x7, v6;
	v7 =	vand.u32 @!p0 $0xFFFFFFE0, v7  }
0x6e: {  	[tilespmem:s25], [sflag:$0x2] =	stream.indirect_vreg.gather [hbm4b:s9+s5], $0x80, v4, vm0, $0xb8;
	v4 =	vor.u32 @!p0 v8, v7;
	v7 =	vand.u32 @!p0 $0x7, v5;
	v8 =	vshrl.u32 @!p0 v5, $0x3;
	[tilespmem:$0x14280] =	vst v63  }
0x6f: {  	v9 =	vperm.xlane @!p0 v4, v7;
	v8 =	vmul.u32 @!p0 $0x8, v8  }
0x70: {  	s26 =	simm.s32 $0x7280;
	s0 =	sadd.s32 @!p0 $0x50, s2  }
0x71: {  	[tilespmem:s26], [sflag:$0x2] =	stream.indirect_vreg.gather [hbm4b:s3+s5], $0x80, v3, vm0, $0xb8;
	v9 =	vadd.s32 @!p0 v8, v9;
	[tilespmem:$0x14280] =	vst v63  }
0x72: {  	s28 =	simm.s32 $0x7A80;
	v10 =	vadd.s32 @!p0 s0, v5;
	v5 =	vor.u32 @!p0 $0x8, v5  }
0x73: {  	vm1 =	vlt.s32 @!p0 v10, $0x3FFF;
	[tilespmem:s28], [sflag:$0x2] =	stream.indirect_vreg.gather [hbm4b:s9+s5], $0x80, v3, vm0, $0xb8;
	v3 =	vperm.xlane @!p0 v4, v5;
	[tilespmem:$0x14280] =	vst v63  }
0x74: {  	v4 =	vnsel @!p0 vm1, $0x3FFF, v10;
	[tilespmem:$0x180] =	vst @!p0 v6  }
0x75: {  	s1 =	simm.s32 @!p0 $0x8280;
	s0 =	simm.s32 @!p0 $0x0;
	vm1 =	vmmov @!p0 $0xffff;
	[tilespmem:$0x190] =	vst @!p0 v4;
	v3 =	vadd.s32 @!p0 v8, v3  }
0x76: {  	[tilespmem:s1], [sflag:$0x3] =	stream.indirect_vreg.gather @!p0 [hbm4b:s3+s0], $0x80, v9, vm1, $0xb8;
	[tilespmem:$0x14280] =	vst v63  }
0x77: {  	s1 =	simm.s32 @!p0 $0x8A80  }
0x78: {  	[tilespmem:s1], [sflag:$0x3] =	stream.indirect_vreg.gather @!p0 [hbm4b:s9+s0], $0x80, v9, vm1, $0xb8;
	[tilespmem:$0x14280] =	vst v63  }
0x79: {  	s1 =	simm.s32 @!p0 $0x9280  }
0x7a: {  	[tilespmem:s1], [sflag:$0x3] =	stream.indirect_vreg.gather @!p0 [hbm4b:s3+s0], $0x80, v3, vm1, $0xb8;
	[tilespmem:$0x14280] =	vst v63  }
0x7b: {  	s1 =	simm.s32 @!p0 $0x9A80  }
0x7c: {  	[tilespmem:s1], [sflag:$0x3] =	stream.indirect_vreg.gather @!p0 [hbm4b:s9+s0], $0x80, v3, vm1, $0xb8;
	[tilespmem:$0x14280] =	vst v63  }
0x7d: {  	v3 =	vld @!p0 [tilespmem:$0x190];
	_ =	sdelay $0x4  }
0x7e: {  	v4 =	vshll.u32 @!p0 v3, $0x2  }
0x7f: {  	v3 =	vand.u32 @!p0 $0x7, v3;
	v4 =	vand.u32 @!p0 $0xFFFFFFE0, v4  }
0x80: {  	v3 =	vor.u32 @!p0 v3, v4  }
0x81: {  	v4 =	vperm.xlane @!p0 v3, v7;
	_ =	sdelay $0x1  }
0x82: {  	v4 =	vadd.s32 @!p0 v8, v4;
	_ =	sdelay $0x1  }
0x83: {  	v3 =	vperm.xlane @!p0 v3, v5;
	_ =	sdelay $0x1  }
0x84: {  	s1 =	simm.s32 @!p0 $0xA280;
	v3 =	vadd.s32 @!p0 v8, v3  }
0x85: {  	[tilespmem:s1], [sflag:$0x3] =	stream.indirect_vreg.gather @!p0 [hbm4b:s3+s0], $0x80, v4, vm1, $0xb8;
	[tilespmem:$0x14280] =	vst v63  }
0x86: {  	s1 =	simm.s32 @!p0 $0xAA80  }
0x87: {  	[tilespmem:s1], [sflag:$0x3] =	stream.indirect_vreg.gather @!p0 [hbm4b:s9+s0], $0x80, v4, vm1, $0xb8;
	[tilespmem:$0x14280] =	vst v63  }
0x88: {  	s1 =	simm.s32 @!p0 $0xB280  }
0x89: {  	[tilespmem:s1], [sflag:$0x3] =	stream.indirect_vreg.gather @!p0 [hbm4b:s3+s0], $0x80, v3, vm1, $0xb8;
	[tilespmem:$0x14280] =	vst v63  }
0x8a: {  	s1 =	simm.s32 @!p0 $0xBA80  }
0x8b: {  	[tilespmem:s1], [sflag:$0x3] =	stream.indirect_vreg.gather @!p0 [hbm4b:s9+s0], $0x80, v3, vm1, $0xb8;
	[tilespmem:$0x14280] =	vst v63  }
.LBB2_3:
0x8c: {  	s0 =	simm.s32 $0x0  }
0x8d: {  	s1 =	sand.u32 $0x3000, s0;
	s0 =	sand.u32 $0x380, s0  }
0x8e: {  	s1 =	sor.u32 s0, s1  }
0x8f: {  	s0 =	sadd.s32 $0x10280, s1;
	[tilespmem:s1+$0x10280] =	vst v1  }
0x90: {  	[tilespmem:s0+$0x10] =	vst v1  }
0x91: {  	[tilespmem:s0+$0x20] =	vst v1  }
0x92: {  	[tilespmem:s0+$0x30] =	vst v1  }
0x93: {  	[tilespmem:s0+$0x40] =	vst v1  }
0x94: {  	[tilespmem:s0+$0x50] =	vst v1  }
0x95: {  	[tilespmem:s0+$0x60] =	vst v1  }
0x96: {  	[tilespmem:s0+$0x70] =	vst v1  }
0x97: {  	[tilespmem:s0+$0x400] =	vst v1  }
0x98: {  	[tilespmem:s0+$0x410] =	vst v1  }
0x99: {  	[tilespmem:s0+$0x420] =	vst v1  }
0x9a: {  	[tilespmem:s0+$0x430] =	vst v1  }
0x9b: {  	[tilespmem:s0+$0x440] =	vst v1  }
0x9c: {  	[tilespmem:s0+$0x450] =	vst v1  }
0x9d: {  	[tilespmem:s0+$0x460] =	vst v1  }
0x9e: {  	[tilespmem:s0+$0x470] =	vst v1  }
0x9f: {  	[tilespmem:s0+$0x800] =	vst v1  }
0xa0: {  	[tilespmem:s0+$0x810] =	vst v1  }
0xa1: {  	[tilespmem:s0+$0x820] =	vst v1  }
0xa2: {  	[tilespmem:s0+$0x830] =	vst v1  }
0xa3: {  	[tilespmem:s0+$0x840] =	vst v1  }
0xa4: {  	[tilespmem:s0+$0x850] =	vst v1  }
0xa5: {  	[tilespmem:s0+$0x860] =	vst v1  }
0xa6: {  	[tilespmem:s0+$0x870] =	vst v1  }
0xa7: {  	[tilespmem:s0+$0xC00] =	vst v1  }
0xa8: {  	[tilespmem:s0+$0xC10] =	vst v1  }
0xa9: {  	[tilespmem:s0+$0xC20] =	vst v1  }
0xaa: {  	[tilespmem:s0+$0xC30] =	vst v1  }
0xab: {  	[tilespmem:s0+$0xC40] =	vst v1  }
0xac: {  	s28 =	simm.s32 $0x200;
	s21 =	simm.s32 $0x80;
	[tilespmem:s0+$0xC50] =	vst v1  }
0xad: {  	s22 =	simm.s32 $0x400;
	s11 =	sand.u32 $0x380, s21;
	s1 =	sand.u32 $0x3000, s28;
	[tilespmem:s0+$0xC60] =	vst v1  }
.LBB2_4:
0xae: {  	p0 =	sne.s32 s22, $0x3E00;
	s1 =	sor.u32 s11, s1;
	[tilespmem:s0+$0xC70] =	vst v1  }
0xaf: {  	s0 =	sadd.s32 $0x10280, s1;
	[tilespmem:s1+$0x10280] =	vst v1  }
0xb0: {  	[tilespmem:s0+$0x10] =	vst v1  }
0xb1: {  	[tilespmem:s0+$0x20] =	vst v1  }
0xb2: {  	[tilespmem:s0+$0x30] =	vst v1  }
0xb3: {  	[tilespmem:s0+$0x40] =	vst v1  }
0xb4: {  	[tilespmem:s0+$0x50] =	vst v1  }
0xb5: {  	[tilespmem:s0+$0x60] =	vst v1  }
0xb6: {  	[tilespmem:s0+$0x70] =	vst v1  }
0xb7: {  	[tilespmem:s0+$0x400] =	vst v1  }
0xb8: {  	[tilespmem:s0+$0x410] =	vst v1  }
0xb9: {  	[tilespmem:s0+$0x420] =	vst v1  }
0xba: {  	[tilespmem:s0+$0x430] =	vst v1  }
0xbb: {  	[tilespmem:s0+$0x440] =	vst v1  }
0xbc: {  	[tilespmem:s0+$0x450] =	vst v1  }
0xbd: {  	[tilespmem:s0+$0x460] =	vst v1  }
0xbe: {  	[tilespmem:s0+$0x470] =	vst v1  }
0xbf: {  	[tilespmem:s0+$0x800] =	vst v1  }
0xc0: {  	[tilespmem:s0+$0x810] =	vst v1  }
0xc1: {  	[tilespmem:s0+$0x820] =	vst v1  }
0xc2: {  	[tilespmem:s0+$0x830] =	vst v1  }
0xc3: {  	[tilespmem:s0+$0x840] =	vst v1  }
0xc4: {  	[tilespmem:s0+$0x850] =	vst v1  }
0xc5: {  	[tilespmem:s0+$0x860] =	vst v1  }
0xc6: {  	[tilespmem:s0+$0x870] =	vst v1  }
0xc7: {  	[tilespmem:s0+$0xC00] =	vst v1  }
0xc8: {  	[tilespmem:s0+$0xC10] =	vst v1  }
.Ltmp1:
0xc9: {  	[tilespmem:s0+$0xC20] =	vst v1;
	(pc) =	sbr.rel @p0 .LBB2_4-.Ltmp1, $4  }
0xca: {  	[tilespmem:s0+$0xC30] =	vst v1  }
0xcb: {  	[tilespmem:s0+$0xC40] =	vst v1  }
0xcc: {  	s21 =	sadd.s32 $0x80, s21;
	[tilespmem:s0+$0xC50] =	vst v1  }
0xcd: {  	s1 =	sand.u32 $0x3000, s22;
	s11 =	sand.u32 $0x380, s21;
	s22 =	sadd.s32 $0x200, s22;
	[tilespmem:s0+$0xC60] =	vst v1  }
0xce: {  	s1 =	sor.u32 s11, s1;
	[tilespmem:s0+$0xC70] =	vst v1  }
0xcf: {  	s11 =	sadd.s32 $0x10280, s1;
	[tilespmem:s1+$0x10280] =	vst v1  }
0xd0: {  	[tilespmem:s11+$0x10] =	vst v1  }
0xd1: {  	[tilespmem:s11+$0x20] =	vst v1  }
0xd2: {  	[tilespmem:s11+$0x30] =	vst v1  }
0xd3: {  	[tilespmem:s11+$0x40] =	vst v1  }
0xd4: {  	[tilespmem:s11+$0x50] =	vst v1  }
0xd5: {  	[tilespmem:s11+$0x60] =	vst v1  }
0xd6: {  	[tilespmem:s11+$0x70] =	vst v1  }
0xd7: {  	[tilespmem:s11+$0x400] =	vst v1  }
0xd8: {  	[tilespmem:s11+$0x410] =	vst v1  }
0xd9: {  	[tilespmem:s11+$0x420] =	vst v1  }
0xda: {  	[tilespmem:s11+$0x430] =	vst v1  }
0xdb: {  	[tilespmem:s11+$0x440] =	vst v1  }
0xdc: {  	[tilespmem:s11+$0x450] =	vst v1  }
0xdd: {  	[tilespmem:s11+$0x460] =	vst v1  }
0xde: {  	[tilespmem:s11+$0x470] =	vst v1  }
0xdf: {  	[tilespmem:s11+$0x800] =	vst v1  }
0xe0: {  	[tilespmem:s11+$0x810] =	vst v1  }
0xe1: {  	[tilespmem:s11+$0x820] =	vst v1  }
0xe2: {  	[tilespmem:s11+$0x830] =	vst v1  }
0xe3: {  	[tilespmem:s11+$0x840] =	vst v1  }
0xe4: {  	[tilespmem:s11+$0x850] =	vst v1  }
0xe5: {  	[tilespmem:s11+$0x860] =	vst v1  }
0xe6: {  	[tilespmem:s11+$0x870] =	vst v1  }
0xe7: {  	[tilespmem:s11+$0xC00] =	vst v1  }
0xe8: {  	[tilespmem:s11+$0xC10] =	vst v1  }
0xe9: {  	[tilespmem:s11+$0xC20] =	vst v1  }
.Ltmp2:
0xea: {  	[tilespmem:s11+$0xC30] =	vst v1;
	(pc) =	sbr.rel .LBB2_6-.Ltmp2, $4  }
0xeb: {  	[tilespmem:s11+$0xC40] =	vst v1  }
0xec: {  	[tilespmem:s11+$0xC50] =	vst v1  }
0xed: {  	s0 =	sshll.u32 s23, $0x9;
	[tilespmem:s11+$0xC60] =	vst v1  }
0xee: {  	s21 =	sshll.u32 s23, $0x7;
	s22 =	simm.s32 $0x0;
	p0 =	seq.s32 s23, $0x0;
	[tilespmem:s11+$0xC70] =	vst v1  }
.LBB2_41:
0xef: {  	s1 =	sshll.u32 s24, $0xE  }
0xf0: {  	s1 =	sadd.s32 s10, s1  }
0xf1: {  	s1 =	sshrl.u32 s1, $0x3  }
0xf2: {  	s1 =	sadd.s32 s4, s1  }
0xf3: {  	[hbm4b:s1+s5] =	stream.linear.scatter [tilespmem:s20], [sflag:$0x9], $0x4000, $0x38;
	[tilespmem:$0x14280] =	vst v63  }
.LBB2_42:
0xf4: {  	s22 =	sadd.s32 $0x1, s22  }
0xf5: {  	p1 =	seq.s32 s22, $0x8  }
.Ltmp3:
0xf6: {  	_ = 	snop;
	(pc) =	sbr.rel @p1 .LBB2_43-.Ltmp3, $1  }
0xf7: {  	_ =	sdelay $0x3  }
.LBB2_6:
0xf8: {  	s23 =	sshll.u32 s22, $0x2  }
0xf9: {  	p1 =	sge.s32 s23, s30  }
.Ltmp4:
0xfa: {  	_ = 	snop;
	(pc) =	sbr.rel @p1 .LBB2_14-.Ltmp4, $1  }
0xfb: {  	_ =	sdelay $0x3  }
0xfc: {  	p1 =	sne.s32 @!p0 s23, s31  }
0xfd: {  	p1 =	por p0, p1  }
.Ltmp5:
0xfe: {  	_ = 	snop;
	(pc) =	sbr.rel @p1 .LBB2_13-.Ltmp5, $4  }
0xff: {  	_ = 	snop  }
0x100: {  	_ =	swait.ge [sflag:s7], $0x4000  }
0x101: {  	[sflag:s7] =	ssyncset.done $0x0  }
0x102: {  	[sflag:s7] =	ssyncadd.s32 $0xFFFFC000  }
0x103: {  	p2 =	sne.s32 s0, $0x3E00  }
.Ltmp6:
0x104: {  	_ = 	snop;
	(pc) =	sbr.rel @!p2 .LBB2_9-.Ltmp6, $3  }
0x105: {  	_ =	sdelay $0x1  }
0x106: {  	s28 =	sand.u32 $0x3000, s0  }
0x107: {  	s1 =	sand.u32 $0x380, s21;
	s26 =	sadd.s32 $0x200, s0;
	p1 =	por $0x0, $0x0  }
0x108: {  	s24 =	sor.u32 s1, s28  }
0x109: {  	[tilespmem:s24+$0xEF0] =	vst v1  }
0x10a: {  	[tilespmem:s24+$0x280] =	vst v1  }
0x10b: {  	[tilespmem:s24+$0x290] =	vst v1  }
0x10c: {  	[tilespmem:s24+$0x2A0] =	vst v1  }
0x10d: {  	[tilespmem:s24+$0x2B0] =	vst v1  }
0x10e: {  	[tilespmem:s24+$0x2C0] =	vst v1  }
0x10f: {  	[tilespmem:s24+$0x2D0] =	vst v1  }
0x110: {  	[tilespmem:s24+$0x2E0] =	vst v1  }
0x111: {  	[tilespmem:s24+$0x2F0] =	vst v1  }
0x112: {  	[tilespmem:s24+$0x680] =	vst v1  }
0x113: {  	[tilespmem:s24+$0x690] =	vst v1  }
0x114: {  	[tilespmem:s24+$0x6A0] =	vst v1  }
0x115: {  	[tilespmem:s24+$0x6B0] =	vst v1  }
0x116: {  	[tilespmem:s24+$0x6C0] =	vst v1  }
0x117: {  	[tilespmem:s24+$0x6D0] =	vst v1  }
0x118: {  	[tilespmem:s24+$0x6E0] =	vst v1  }
0x119: {  	[tilespmem:s24+$0x6F0] =	vst v1  }
0x11a: {  	[tilespmem:s24+$0xA80] =	vst v1  }
0x11b: {  	[tilespmem:s24+$0xA90] =	vst v1  }
0x11c: {  	[tilespmem:s24+$0xAA0] =	vst v1  }
0x11d: {  	[tilespmem:s24+$0xAB0] =	vst v1  }
0x11e: {  	[tilespmem:s24+$0xAC0] =	vst v1  }
0x11f: {  	[tilespmem:s24+$0xAD0] =	vst v1  }
0x120: {  	[tilespmem:s24+$0xAE0] =	vst v1  }
0x121: {  	[tilespmem:s24+$0xAF0] =	vst v1  }
0x122: {  	p2 =	sne.s32 s26, $0x3E00;
	[tilespmem:s24+$0xE80] =	vst v1  }
.Ltmp7:
0x123: {  	[tilespmem:s24+$0xE90] =	vst v1;
	(pc) =	sbr.rel @!p2 .LBB2_12-.Ltmp7, $4  }
0x124: {  	[tilespmem:s24+$0xEA0] =	vst v1  }
0x125: {  	[tilespmem:s24+$0xEB0] =	vst v1  }
0x126: {  	s25 =	sadd.s32 $0x80, s21;
	s28 =	sand.u32 $0x3000, s26;
	[tilespmem:s24+$0xEC0] =	vst v1  }
0x127: {  	s26 =	sadd.s32 $0x200, s26;
	p1 =	por $0x1, $0x1;
	s1 =	sand.u32 $0x380, s25;
	[tilespmem:s24+$0xED0] =	vst v1  }
.LBB2_11:
0x128: {  	p2 =	sne.s32 s26, $0x3E00;
	[tilespmem:s24+$0xEE0] =	vst v1;
	s24 =	sor.u32 s1, s28  }
0x129: {  	[tilespmem:s24+$0xEF0] =	vst v1  }
0x12a: {  	[tilespmem:s24+$0x280] =	vst v1  }
0x12b: {  	[tilespmem:s24+$0x290] =	vst v1  }
0x12c: {  	[tilespmem:s24+$0x2A0] =	vst v1  }
0x12d: {  	[tilespmem:s24+$0x2B0] =	vst v1  }
0x12e: {  	[tilespmem:s24+$0x2C0] =	vst v1  }
0x12f: {  	[tilespmem:s24+$0x2D0] =	vst v1  }
0x130: {  	[tilespmem:s24+$0x2E0] =	vst v1  }
0x131: {  	[tilespmem:s24+$0x2F0] =	vst v1  }
0x132: {  	[tilespmem:s24+$0x680] =	vst v1  }
0x133: {  	[tilespmem:s24+$0x690] =	vst v1  }
0x134: {  	[tilespmem:s24+$0x6A0] =	vst v1  }
0x135: {  	[tilespmem:s24+$0x6B0] =	vst v1  }
0x136: {  	[tilespmem:s24+$0x6C0] =	vst v1  }
0x137: {  	[tilespmem:s24+$0x6D0] =	vst v1  }
0x138: {  	[tilespmem:s24+$0x6E0] =	vst v1  }
0x139: {  	[tilespmem:s24+$0x6F0] =	vst v1  }
0x13a: {  	[tilespmem:s24+$0xA80] =	vst v1  }
0x13b: {  	[tilespmem:s24+$0xA90] =	vst v1  }
0x13c: {  	[tilespmem:s24+$0xAA0] =	vst v1  }
0x13d: {  	[tilespmem:s24+$0xAB0] =	vst v1  }
0x13e: {  	[tilespmem:s24+$0xAC0] =	vst v1  }
0x13f: {  	[tilespmem:s24+$0xAD0] =	vst v1  }
0x140: {  	[tilespmem:s24+$0xAE0] =	vst v1  }
0x141: {  	[tilespmem:s24+$0xAF0] =	vst v1  }
0x142: {  	[tilespmem:s24+$0xE80] =	vst v1  }
.Ltmp8:
0x143: {  	[tilespmem:s24+$0xE90] =	vst v1;
	(pc) =	sbr.rel @p2 .LBB2_11-.Ltmp8, $4  }
0x144: {  	[tilespmem:s24+$0xEA0] =	vst v1  }
0x145: {  	[tilespmem:s24+$0xEB0] =	vst v1  }
0x146: {  	s25 =	sadd.s32 $0x80, s25;
	[tilespmem:s24+$0xEC0] =	vst v1  }
0x147: {  	s28 =	sand.u32 $0x3000, s26;
	s26 =	sadd.s32 $0x200, s26;
	s1 =	sand.u32 $0x380, s25;
	[tilespmem:s24+$0xED0] =	vst v1  }
.LBB2_12:
0x148: {  	s1 =	sor.u32 s1, s28;
	[tilespmem:s24+$0xEE0] =	vst @p1 v1  }
0x149: {  	[tilespmem:s1+$0xEF0] =	vst v1  }
0x14a: {  	[tilespmem:s1+$0x280] =	vst v1  }
0x14b: {  	[tilespmem:s1+$0x290] =	vst v1  }
0x14c: {  	[tilespmem:s1+$0x2A0] =	vst v1  }
0x14d: {  	[tilespmem:s1+$0x2B0] =	vst v1  }
0x14e: {  	[tilespmem:s1+$0x2C0] =	vst v1  }
0x14f: {  	[tilespmem:s1+$0x2D0] =	vst v1  }
0x150: {  	[tilespmem:s1+$0x2E0] =	vst v1  }
0x151: {  	[tilespmem:s1+$0x2F0] =	vst v1  }
0x152: {  	[tilespmem:s1+$0x680] =	vst v1  }
0x153: {  	[tilespmem:s1+$0x690] =	vst v1  }
0x154: {  	[tilespmem:s1+$0x6A0] =	vst v1  }
0x155: {  	[tilespmem:s1+$0x6B0] =	vst v1  }
0x156: {  	[tilespmem:s1+$0x6C0] =	vst v1  }
0x157: {  	[tilespmem:s1+$0x6D0] =	vst v1  }
0x158: {  	[tilespmem:s1+$0x6E0] =	vst v1  }
0x159: {  	[tilespmem:s1+$0x6F0] =	vst v1  }
0x15a: {  	[tilespmem:s1+$0xA80] =	vst v1  }
0x15b: {  	[tilespmem:s1+$0xA90] =	vst v1  }
0x15c: {  	[tilespmem:s1+$0xAA0] =	vst v1  }
0x15d: {  	[tilespmem:s1+$0xAB0] =	vst v1  }
0x15e: {  	[tilespmem:s1+$0xAC0] =	vst v1  }
0x15f: {  	[tilespmem:s1+$0xAD0] =	vst v1  }
0x160: {  	[tilespmem:s1+$0xAE0] =	vst v1  }
0x161: {  	[tilespmem:s1+$0xAF0] =	vst v1  }
0x162: {  	[tilespmem:s1+$0xE80] =	vst v1  }
0x163: {  	[tilespmem:s1+$0xE90] =	vst v1  }
0x164: {  	[tilespmem:s1+$0xEA0] =	vst v1  }
0x165: {  	[tilespmem:s1+$0xEB0] =	vst v1  }
0x166: {  	[tilespmem:s1+$0xEC0] =	vst v1  }
0x167: {  	[tilespmem:s1+$0xED0] =	vst v1  }
0x168: {  	[tilespmem:s1+$0xEE0] =	vst v1  }
.LBB2_13:
0x169: {  	s1 =	sor.u32 $0x3, s23  }
0x16a: {  	p1 =	sge.s32 s1, s30  }
0x16b: {  	s1 =	sshll.u32 @!p1 s1, $0x5  }
0x16c: {  	v3 =	vlaneseq.u32 @!p1;
	s1 =	sadd.s32 @!p1 s2, s1  }
0x16d: {  	v4 =	vadd.s32 @!p1 s1, v3  }
0x16e: {  	vm1 =	vlt.s32 @!p1 v4, $0x3FFF  }
0x16f: {  	s11 =	sshll.u32 s22, $0x10;
	v4 =	vnsel @!p1 vm1, $0x3FFF, v4  }
0x170: {  	s11 =	sadd.s32 s10, s11;
	v5 =	vshll.u32 @!p1 v4, $0x2  }
0x171: {  	s11 =	sshrl.u32 s11, $0x3;
	p2 =	seq.s32 @!p1 s22, $0x0;
	v6 =	vand.u32 @!p1 $0x7, v4;
	v5 =	vand.u32 @!p1 $0xFFFFFFE0, v5  }
0x172: {  	s11 =	sadd.s32 s4, s11;
	v7 =	vshrl.u32 @!p1 v3, $0x3;
	p2 =	por p2, p1;
	v5 =	vor.u32 @!p1 v6, v5;
	v6 =	vand.u32 @!p1 $0x7, v3  }
0x173: {  	[hbm4b:s11+s5] =	stream.linear.scatter [tilespmem:s13], [sflag:$0x5], $0x4000, $0x38;
	v7 =	vmul.u32 @!p1 $0x8, v7;
	v8 =	vperm.xlane @!p1 v5, v6;
	[tilespmem:$0x14280] =	vst v63  }
0x174: {  	s11 =	simm.s32 @!p2 $0x8  }
0x175: {  	s1 =	sadd.s32 @!p1 $0x10, s1;
	_ =	swait.ge @!p2 [sflag:s11], $0x4000;
	v8 =	vadd.s32 @!p1 v7, v8  }
0x176: {  	v9 =	vadd.s32 @!p1 s1, v3;
	[sflag:s11] =	ssyncset.done @!p2 $0x0;
	v3 =	vor.u32 @!p1 $0x8, v3  }
0x177: {  	vm1 =	vlt.s32 @!p1 v9, $0x3FFF;
	[sflag:s11] =	ssyncadd.s32 @!p2 $0xFFFFC000;
	v5 =	vperm.xlane @!p1 v5, v3  }
0x178: {  	[tilespmem:$0x200] =	vst @!p1 v4;
	v4 =	vnsel @!p1 vm1, $0x3FFF, v9  }
0x179: {  	s1 =	simm.s32 @!p1 $0x0;
	s11 =	simm.s32 @!p1 $0xC280;
	vm1 =	vmmov @!p1 $0xffff;
	[tilespmem:$0x210] =	vst @!p1 v4;
	v4 =	vadd.s32 @!p1 v7, v5  }
0x17a: {  	[tilespmem:s11], [sflag:$0x4] =	stream.indirect_vreg.gather @!p1 [hbm4b:s3+s1], $0x80, v8, vm1, $0xb8;
	[tilespmem:$0x14280] =	vst v63  }
0x17b: {  	s11 =	simm.s32 @!p1 $0xCA80  }
0x17c: {  	[tilespmem:s11], [sflag:$0x4] =	stream.indirect_vreg.gather @!p1 [hbm4b:s9+s1], $0x80, v8, vm1, $0xb8;
	[tilespmem:$0x14280] =	vst v63  }
0x17d: {  	s11 =	simm.s32 @!p1 $0xD280  }
0x17e: {  	[tilespmem:s11], [sflag:$0x4] =	stream.indirect_vreg.gather @!p1 [hbm4b:s3+s1], $0x80, v4, vm1, $0xb8;
	[tilespmem:$0x14280] =	vst v63  }
0x17f: {  	s11 =	simm.s32 @!p1 $0xDA80  }
0x180: {  	[tilespmem:s11], [sflag:$0x4] =	stream.indirect_vreg.gather @!p1 [hbm4b:s9+s1], $0x80, v4, vm1, $0xb8;
	[tilespmem:$0x14280] =	vst v63  }
0x181: {  	v4 =	vld @!p1 [tilespmem:$0x210];
	_ =	sdelay $0x4  }
0x182: {  	v5 =	vshll.u32 @!p1 v4, $0x2  }
0x183: {  	v4 =	vand.u32 @!p1 $0x7, v4;
	v5 =	vand.u32 @!p1 $0xFFFFFFE0, v5  }
0x184: {  	v4 =	vor.u32 @!p1 v4, v5  }
0x185: {  	v5 =	vperm.xlane @!p1 v4, v6;
	_ =	sdelay $0x1  }
0x186: {  	v5 =	vadd.s32 @!p1 v7, v5;
	_ =	sdelay $0x2  }
0x187: {  	v3 =	vperm.xlane @!p1 v4, v3  }
0x188: {  	s11 =	simm.s32 @!p1 $0xE280  }
0x189: {  	v3 =	vadd.s32 @!p1 v7, v3;
	[tilespmem:s11], [sflag:$0x4] =	stream.indirect_vreg.gather @!p1 [hbm4b:s3+s1], $0x80, v5, vm1, $0xb8;
	[tilespmem:$0x14280] =	vst v63  }
0x18a: {  	s11 =	simm.s32 @!p1 $0xEA80  }
0x18b: {  	[tilespmem:s11], [sflag:$0x4] =	stream.indirect_vreg.gather @!p1 [hbm4b:s9+s1], $0x80, v5, vm1, $0xb8;
	[tilespmem:$0x14280] =	vst v63  }
.Ltmp9:
0x18c: {  	_ = 	snop;
	(pc) =	sbr.rel .LBB2_15-.Ltmp9, $4  }
0x18d: {  	s11 =	simm.s32 @!p1 $0xF280  }
0x18e: {  	[tilespmem:s11], [sflag:$0x4] =	stream.indirect_vreg.gather @!p1 [hbm4b:s3+s1], $0x80, v3, vm1, $0xb8;
	[tilespmem:$0x14280] =	vst v63  }
0x18f: {  	s11 =	simm.s32 @!p1 $0xFA80  }
0x190: {  	[tilespmem:s11], [sflag:$0x4] =	stream.indirect_vreg.gather @!p1 [hbm4b:s9+s1], $0x80, v3, vm1, $0xb8;
	[tilespmem:$0x14280] =	vst v63  }
.LBB2_14:
0x191: {  	s1 =	sshll.u32 s22, $0x10  }
0x192: {  	s1 =	sadd.s32 s10, s1  }
0x193: {  	s1 =	sshrl.u32 s1, $0x3  }
0x194: {  	s1 =	sadd.s32 s4, s1  }
0x195: {  	[hbm4b:s1+s5] =	stream.linear.scatter [tilespmem:s20], [sflag:$0x9], $0x4000, $0x38;
	[tilespmem:$0x14280] =	vst v63  }
.LBB2_15:
0x196: {  	s24 =	sor.u32 $0x1, s23  }
0x197: {  	p1 =	sge.s32 s24, s30  }
.Ltmp10:
0x198: {  	_ = 	snop;
	(pc) =	sbr.rel @p1 .LBB2_23-.Ltmp10, $1  }
0x199: {  	_ =	sdelay $0x3  }
0x19a: {  	p1 =	sne.s32 @!p0 s24, s31  }
0x19b: {  	p1 =	por p0, p1  }
.Ltmp11:
0x19c: {  	_ = 	snop;
	(pc) =	sbr.rel @p1 .LBB2_22-.Ltmp11, $4  }
0x19d: {  	_ = 	snop  }
0x19e: {  	_ =	swait.ge [sflag:s14], $0x4000  }
0x19f: {  	[sflag:s14] =	ssyncset.done $0x0  }
0x1a0: {  	[sflag:s14] =	ssyncadd.s32 $0xFFFFC000  }
0x1a1: {  	p2 =	sne.s32 s0, $0x3E00  }
.Ltmp12:
0x1a2: {  	_ = 	snop;
	(pc) =	sbr.rel @!p2 .LBB2_18-.Ltmp12, $3  }
0x1a3: {  	_ =	sdelay $0x1  }
0x1a4: {  	s1 =	sand.u32 $0x3000, s0  }
0x1a5: {  	s11 =	sand.u32 $0x380, s21;
	s28 =	sadd.s32 $0x200, s0;
	p1 =	por $0x0, $0x0  }
0x1a6: {  	s25 =	sor.u32 s11, s1  }
0x1a7: {  	[tilespmem:s25+$0x4EF0] =	vst v1  }
0x1a8: {  	[tilespmem:s25+$0x4280] =	vst v1  }
0x1a9: {  	[tilespmem:s25+$0x4290] =	vst v1  }
0x1aa: {  	[tilespmem:s25+$0x42A0] =	vst v1  }
0x1ab: {  	[tilespmem:s25+$0x42B0] =	vst v1  }
0x1ac: {  	[tilespmem:s25+$0x42C0] =	vst v1  }
0x1ad: {  	[tilespmem:s25+$0x42D0] =	vst v1  }
0x1ae: {  	[tilespmem:s25+$0x42E0] =	vst v1  }
0x1af: {  	[tilespmem:s25+$0x42F0] =	vst v1  }
0x1b0: {  	[tilespmem:s25+$0x4680] =	vst v1  }
0x1b1: {  	[tilespmem:s25+$0x4690] =	vst v1  }
0x1b2: {  	[tilespmem:s25+$0x46A0] =	vst v1  }
0x1b3: {  	[tilespmem:s25+$0x46B0] =	vst v1  }
0x1b4: {  	[tilespmem:s25+$0x46C0] =	vst v1  }
0x1b5: {  	[tilespmem:s25+$0x46D0] =	vst v1  }
0x1b6: {  	[tilespmem:s25+$0x46E0] =	vst v1  }
0x1b7: {  	[tilespmem:s25+$0x46F0] =	vst v1  }
0x1b8: {  	[tilespmem:s25+$0x4A80] =	vst v1  }
0x1b9: {  	[tilespmem:s25+$0x4A90] =	vst v1  }
0x1ba: {  	[tilespmem:s25+$0x4AA0] =	vst v1  }
0x1bb: {  	[tilespmem:s25+$0x4AB0] =	vst v1  }
0x1bc: {  	[tilespmem:s25+$0x4AC0] =	vst v1  }
0x1bd: {  	[tilespmem:s25+$0x4AD0] =	vst v1  }
0x1be: {  	[tilespmem:s25+$0x4AE0] =	vst v1  }
0x1bf: {  	[tilespmem:s25+$0x4AF0] =	vst v1  }
0x1c0: {  	p2 =	sne.s32 s28, $0x3E00;
	[tilespmem:s25+$0x4E80] =	vst v1  }
.Ltmp13:
0x1c1: {  	[tilespmem:s25+$0x4E90] =	vst v1;
	(pc) =	sbr.rel @!p2 .LBB2_21-.Ltmp13, $4  }
0x1c2: {  	[tilespmem:s25+$0x4EA0] =	vst v1  }
0x1c3: {  	[tilespmem:s25+$0x4EB0] =	vst v1  }
0x1c4: {  	s26 =	sadd.s32 $0x80, s21;
	s1 =	sand.u32 $0x3000, s28;
	[tilespmem:s25+$0x4EC0] =	vst v1  }
0x1c5: {  	s28 =	sadd.s32 $0x200, s28;
	p1 =	por $0x1, $0x1;
	s11 =	sand.u32 $0x380, s26;
	[tilespmem:s25+$0x4ED0] =	vst v1  }
.LBB2_20:
0x1c6: {  	p2 =	sne.s32 s28, $0x3E00;
	[tilespmem:s25+$0x4EE0] =	vst v1;
	s25 =	sor.u32 s11, s1  }
0x1c7: {  	[tilespmem:s25+$0x4EF0] =	vst v1  }
0x1c8: {  	[tilespmem:s25+$0x4280] =	vst v1  }
0x1c9: {  	[tilespmem:s25+$0x4290] =	vst v1  }
0x1ca: {  	[tilespmem:s25+$0x42A0] =	vst v1  }
0x1cb: {  	[tilespmem:s25+$0x42B0] =	vst v1  }
0x1cc: {  	[tilespmem:s25+$0x42C0] =	vst v1  }
0x1cd: {  	[tilespmem:s25+$0x42D0] =	vst v1  }
0x1ce: {  	[tilespmem:s25+$0x42E0] =	vst v1  }
0x1cf: {  	[tilespmem:s25+$0x42F0] =	vst v1  }
0x1d0: {  	[tilespmem:s25+$0x4680] =	vst v1  }
0x1d1: {  	[tilespmem:s25+$0x4690] =	vst v1  }
0x1d2: {  	[tilespmem:s25+$0x46A0] =	vst v1  }
0x1d3: {  	[tilespmem:s25+$0x46B0] =	vst v1  }
0x1d4: {  	[tilespmem:s25+$0x46C0] =	vst v1  }
0x1d5: {  	[tilespmem:s25+$0x46D0] =	vst v1  }
0x1d6: {  	[tilespmem:s25+$0x46E0] =	vst v1  }
0x1d7: {  	[tilespmem:s25+$0x46F0] =	vst v1  }
0x1d8: {  	[tilespmem:s25+$0x4A80] =	vst v1  }
0x1d9: {  	[tilespmem:s25+$0x4A90] =	vst v1  }
0x1da: {  	[tilespmem:s25+$0x4AA0] =	vst v1  }
0x1db: {  	[tilespmem:s25+$0x4AB0] =	vst v1  }
0x1dc: {  	[tilespmem:s25+$0x4AC0] =	vst v1  }
0x1dd: {  	[tilespmem:s25+$0x4AD0] =	vst v1  }
0x1de: {  	[tilespmem:s25+$0x4AE0] =	vst v1  }
0x1df: {  	[tilespmem:s25+$0x4AF0] =	vst v1  }
0x1e0: {  	[tilespmem:s25+$0x4E80] =	vst v1  }
.Ltmp14:
0x1e1: {  	[tilespmem:s25+$0x4E90] =	vst v1;
	(pc) =	sbr.rel @p2 .LBB2_20-.Ltmp14, $4  }
0x1e2: {  	[tilespmem:s25+$0x4EA0] =	vst v1  }
0x1e3: {  	[tilespmem:s25+$0x4EB0] =	vst v1  }
0x1e4: {  	s26 =	sadd.s32 $0x80, s26;
	[tilespmem:s25+$0x4EC0] =	vst v1  }
0x1e5: {  	s1 =	sand.u32 $0x3000, s28;
	s28 =	sadd.s32 $0x200, s28;
	s11 =	sand.u32 $0x380, s26;
	[tilespmem:s25+$0x4ED0] =	vst v1  }
.LBB2_21:
0x1e6: {  	s1 =	sor.u32 s11, s1;
	[tilespmem:s25+$0x4EE0] =	vst @p1 v1  }
0x1e7: {  	[tilespmem:s1+$0x4EF0] =	vst v1  }
0x1e8: {  	[tilespmem:s1+$0x4280] =	vst v1  }
0x1e9: {  	[tilespmem:s1+$0x4290] =	vst v1  }
0x1ea: {  	[tilespmem:s1+$0x42A0] =	vst v1  }
0x1eb: {  	[tilespmem:s1+$0x42B0] =	vst v1  }
0x1ec: {  	[tilespmem:s1+$0x42C0] =	vst v1  }
0x1ed: {  	[tilespmem:s1+$0x42D0] =	vst v1  }
0x1ee: {  	[tilespmem:s1+$0x42E0] =	vst v1  }
0x1ef: {  	[tilespmem:s1+$0x42F0] =	vst v1  }
0x1f0: {  	[tilespmem:s1+$0x4680] =	vst v1  }
0x1f1: {  	[tilespmem:s1+$0x4690] =	vst v1  }
0x1f2: {  	[tilespmem:s1+$0x46A0] =	vst v1  }
0x1f3: {  	[tilespmem:s1+$0x46B0] =	vst v1  }
0x1f4: {  	[tilespmem:s1+$0x46C0] =	vst v1  }
0x1f5: {  	[tilespmem:s1+$0x46D0] =	vst v1  }
0x1f6: {  	[tilespmem:s1+$0x46E0] =	vst v1  }
0x1f7: {  	[tilespmem:s1+$0x46F0] =	vst v1  }
0x1f8: {  	[tilespmem:s1+$0x4A80] =	vst v1  }
0x1f9: {  	[tilespmem:s1+$0x4A90] =	vst v1  }
0x1fa: {  	[tilespmem:s1+$0x4AA0] =	vst v1  }
0x1fb: {  	[tilespmem:s1+$0x4AB0] =	vst v1  }
0x1fc: {  	[tilespmem:s1+$0x4AC0] =	vst v1  }
0x1fd: {  	[tilespmem:s1+$0x4AD0] =	vst v1  }
0x1fe: {  	[tilespmem:s1+$0x4AE0] =	vst v1  }
0x1ff: {  	[tilespmem:s1+$0x4AF0] =	vst v1  }
0x200: {  	[tilespmem:s1+$0x4E80] =	vst v1  }
0x201: {  	[tilespmem:s1+$0x4E90] =	vst v1  }
0x202: {  	[tilespmem:s1+$0x4EA0] =	vst v1  }
0x203: {  	[tilespmem:s1+$0x4EB0] =	vst v1  }
0x204: {  	[tilespmem:s1+$0x4EC0] =	vst v1  }
0x205: {  	[tilespmem:s1+$0x4ED0] =	vst v1  }
0x206: {  	[tilespmem:s1+$0x4EE0] =	vst v1  }
.LBB2_22:
0x207: {  	s1 =	sadd.s32 $0x4, s23  }
0x208: {  	p1 =	sge.s32 s1, s30  }
0x209: {  	s1 =	sshll.u32 @!p1 s1, $0x5  }
0x20a: {  	v3 =	vlaneseq.u32 @!p1;
	s1 =	sadd.s32 @!p1 s2, s1  }
0x20b: {  	v4 =	vadd.s32 @!p1 s1, v3  }
0x20c: {  	vm1 =	vlt.s32 @!p1 v4, $0x3FFF  }
0x20d: {  	s11 =	sshll.u32 s24, $0xE;
	v4 =	vnsel @!p1 vm1, $0x3FFF, v4  }
0x20e: {  	s11 =	sadd.s32 s10, s11;
	v5 =	vshll.u32 @!p1 v4, $0x2  }
0x20f: {  	s11 =	sshrl.u32 s11, $0x3;
	v6 =	vand.u32 @!p1 $0x7, v4;
	v5 =	vand.u32 @!p1 $0xFFFFFFE0, v5  }
0x210: {  	s11 =	sadd.s32 s4, s11;
	v7 =	vshrl.u32 @!p1 v3, $0x3;
	v5 =	vor.u32 @!p1 v6, v5;
	v6 =	vand.u32 @!p1 $0x7, v3  }
0x211: {  	[hbm4b:s11+s5] =	stream.linear.scatter [tilespmem:s15], [sflag:$0x6], $0x4000, $0x38;
	v7 =	vmul.u32 @!p1 $0x8, v7;
	v8 =	vperm.xlane @!p1 v5, v6;
	[tilespmem:$0x14280] =	vst v63  }
0x212: {  	s11 =	simm.s32 @!p1 $0x5  }
0x213: {  	s1 =	sadd.s32 @!p1 $0x10, s1;
	_ =	swait.ge @!p1 [sflag:s11], $0x4000;
	v8 =	vadd.s32 @!p1 v7, v8  }
0x214: {  	v9 =	vadd.s32 @!p1 s1, v3;
	[sflag:s11] =	ssyncset.done @!p1 $0x0;
	v3 =	vor.u32 @!p1 $0x8, v3  }
0x215: {  	vm1 =	vlt.s32 @!p1 v9, $0x3FFF;
	[sflag:s11] =	ssyncadd.s32 @!p1 $0xFFFFC000;
	v5 =	vperm.xlane @!p1 v5, v3  }
0x216: {  	[tilespmem:$0x80] =	vst @!p1 v4;
	v4 =	vnsel @!p1 vm1, $0x3FFF, v9  }
0x217: {  	s1 =	simm.s32 @!p1 $0x0;
	s11 =	simm.s32 @!p1 $0x280;
	vm1 =	vmmov @!p1 $0xffff;
	[tilespmem:$0x90] =	vst @!p1 v4;
	v4 =	vadd.s32 @!p1 v7, v5  }
0x218: {  	[tilespmem:s11], [sflag:$0x1] =	stream.indirect_vreg.gather @!p1 [hbm4b:s3+s1], $0x80, v8, vm1, $0xb8;
	[tilespmem:$0x14280] =	vst v63  }
0x219: {  	s11 =	simm.s32 @!p1 $0xA80  }
0x21a: {  	[tilespmem:s11], [sflag:$0x1] =	stream.indirect_vreg.gather @!p1 [hbm4b:s9+s1], $0x80, v8, vm1, $0xb8;
	[tilespmem:$0x14280] =	vst v63  }
0x21b: {  	s11 =	simm.s32 @!p1 $0x1280  }
0x21c: {  	[tilespmem:s11], [sflag:$0x1] =	stream.indirect_vreg.gather @!p1 [hbm4b:s3+s1], $0x80, v4, vm1, $0xb8;
	[tilespmem:$0x14280] =	vst v63  }
0x21d: {  	s11 =	simm.s32 @!p1 $0x1A80  }
0x21e: {  	[tilespmem:s11], [sflag:$0x1] =	stream.indirect_vreg.gather @!p1 [hbm4b:s9+s1], $0x80, v4, vm1, $0xb8;
	[tilespmem:$0x14280] =	vst v63  }
0x21f: {  	v4 =	vld @!p1 [tilespmem:$0x90];
	_ =	sdelay $0x4  }
0x220: {  	v5 =	vshll.u32 @!p1 v4, $0x2  }
0x221: {  	v4 =	vand.u32 @!p1 $0x7, v4;
	v5 =	vand.u32 @!p1 $0xFFFFFFE0, v5  }
0x222: {  	v4 =	vor.u32 @!p1 v4, v5  }
0x223: {  	v5 =	vperm.xlane @!p1 v4, v6;
	_ =	sdelay $0x1  }
0x224: {  	v5 =	vadd.s32 @!p1 v7, v5;
	_ =	sdelay $0x2  }
0x225: {  	v3 =	vperm.xlane @!p1 v4, v3  }
0x226: {  	s11 =	simm.s32 @!p1 $0x2280  }
0x227: {  	v3 =	vadd.s32 @!p1 v7, v3;
	[tilespmem:s11], [sflag:$0x1] =	stream.indirect_vreg.gather @!p1 [hbm4b:s3+s1], $0x80, v5, vm1, $0xb8;
	[tilespmem:$0x14280] =	vst v63  }
0x228: {  	s11 =	simm.s32 @!p1 $0x2A80  }
0x229: {  	[tilespmem:s11], [sflag:$0x1] =	stream.indirect_vreg.gather @!p1 [hbm4b:s9+s1], $0x80, v5, vm1, $0xb8;
	[tilespmem:$0x14280] =	vst v63  }
.Ltmp15:
0x22a: {  	_ = 	snop;
	(pc) =	sbr.rel .LBB2_24-.Ltmp15, $4  }
0x22b: {  	s11 =	simm.s32 @!p1 $0x3280  }
0x22c: {  	[tilespmem:s11], [sflag:$0x1] =	stream.indirect_vreg.gather @!p1 [hbm4b:s3+s1], $0x80, v3, vm1, $0xb8;
	[tilespmem:$0x14280] =	vst v63  }
0x22d: {  	s11 =	simm.s32 @!p1 $0x3A80  }
0x22e: {  	[tilespmem:s11], [sflag:$0x1] =	stream.indirect_vreg.gather @!p1 [hbm4b:s9+s1], $0x80, v3, vm1, $0xb8;
	[tilespmem:$0x14280] =	vst v63  }
.LBB2_23:
0x22f: {  	s1 =	sshll.u32 s24, $0xE  }
0x230: {  	s1 =	sadd.s32 s10, s1  }
0x231: {  	s1 =	sshrl.u32 s1, $0x3  }
0x232: {  	s1 =	sadd.s32 s4, s1  }
0x233: {  	[hbm4b:s1+s5] =	stream.linear.scatter [tilespmem:s20], [sflag:$0x9], $0x4000, $0x38;
	[tilespmem:$0x14280] =	vst v63  }
.LBB2_24:
0x234: {  	s24 =	sor.u32 $0x2, s23  }
0x235: {  	p1 =	sge.s32 s24, s30  }
.Ltmp16:
0x236: {  	_ = 	snop;
	(pc) =	sbr.rel @p1 .LBB2_32-.Ltmp16, $1  }
0x237: {  	_ =	sdelay $0x3  }
0x238: {  	p1 =	sne.s32 @!p0 s24, s31  }
0x239: {  	p1 =	por p0, p1  }
.Ltmp17:
0x23a: {  	_ = 	snop;
	(pc) =	sbr.rel @p1 .LBB2_31-.Ltmp17, $4  }
0x23b: {  	_ = 	snop  }
0x23c: {  	_ =	swait.ge [sflag:s16], $0x4000  }
0x23d: {  	[sflag:s16] =	ssyncset.done $0x0  }
0x23e: {  	[sflag:s16] =	ssyncadd.s32 $0xFFFFC000  }
0x23f: {  	p2 =	sne.s32 s0, $0x3E00  }
.Ltmp18:
0x240: {  	_ = 	snop;
	(pc) =	sbr.rel @!p2 .LBB2_27-.Ltmp18, $3  }
0x241: {  	_ =	sdelay $0x1  }
0x242: {  	s1 =	sand.u32 $0x3000, s0  }
0x243: {  	s11 =	sand.u32 $0x380, s21;
	s28 =	sadd.s32 $0x200, s0;
	p1 =	por $0x0, $0x0  }
0x244: {  	s25 =	sor.u32 s11, s1  }
0x245: {  	[tilespmem:s25+$0x8EF0] =	vst v1  }
0x246: {  	[tilespmem:s25+$0x8280] =	vst v1  }
0x247: {  	[tilespmem:s25+$0x8290] =	vst v1  }
0x248: {  	[tilespmem:s25+$0x82A0] =	vst v1  }
0x249: {  	[tilespmem:s25+$0x82B0] =	vst v1  }
0x24a: {  	[tilespmem:s25+$0x82C0] =	vst v1  }
0x24b: {  	[tilespmem:s25+$0x82D0] =	vst v1  }
0x24c: {  	[tilespmem:s25+$0x82E0] =	vst v1  }
0x24d: {  	[tilespmem:s25+$0x82F0] =	vst v1  }
0x24e: {  	[tilespmem:s25+$0x8680] =	vst v1  }
0x24f: {  	[tilespmem:s25+$0x8690] =	vst v1  }
0x250: {  	[tilespmem:s25+$0x86A0] =	vst v1  }
0x251: {  	[tilespmem:s25+$0x86B0] =	vst v1  }
0x252: {  	[tilespmem:s25+$0x86C0] =	vst v1  }
0x253: {  	[tilespmem:s25+$0x86D0] =	vst v1  }
0x254: {  	[tilespmem:s25+$0x86E0] =	vst v1  }
0x255: {  	[tilespmem:s25+$0x86F0] =	vst v1  }
0x256: {  	[tilespmem:s25+$0x8A80] =	vst v1  }
0x257: {  	[tilespmem:s25+$0x8A90] =	vst v1  }
0x258: {  	[tilespmem:s25+$0x8AA0] =	vst v1  }
0x259: {  	[tilespmem:s25+$0x8AB0] =	vst v1  }
0x25a: {  	[tilespmem:s25+$0x8AC0] =	vst v1  }
0x25b: {  	[tilespmem:s25+$0x8AD0] =	vst v1  }
0x25c: {  	[tilespmem:s25+$0x8AE0] =	vst v1  }
0x25d: {  	[tilespmem:s25+$0x8AF0] =	vst v1  }
0x25e: {  	p2 =	sne.s32 s28, $0x3E00;
	[tilespmem:s25+$0x8E80] =	vst v1  }
.Ltmp19:
0x25f: {  	[tilespmem:s25+$0x8E90] =	vst v1;
	(pc) =	sbr.rel @!p2 .LBB2_30-.Ltmp19, $4  }
0x260: {  	[tilespmem:s25+$0x8EA0] =	vst v1  }
0x261: {  	[tilespmem:s25+$0x8EB0] =	vst v1  }
0x262: {  	s26 =	sadd.s32 $0x80, s21;
	s1 =	sand.u32 $0x3000, s28;
	[tilespmem:s25+$0x8EC0] =	vst v1  }
0x263: {  	s28 =	sadd.s32 $0x200, s28;
	p1 =	por $0x1, $0x1;
	s11 =	sand.u32 $0x380, s26;
	[tilespmem:s25+$0x8ED0] =	vst v1  }
.LBB2_29:
0x264: {  	p2 =	sne.s32 s28, $0x3E00;
	[tilespmem:s25+$0x8EE0] =	vst v1;
	s25 =	sor.u32 s11, s1  }
0x265: {  	[tilespmem:s25+$0x8EF0] =	vst v1  }
0x266: {  	[tilespmem:s25+$0x8280] =	vst v1  }
0x267: {  	[tilespmem:s25+$0x8290] =	vst v1  }
0x268: {  	[tilespmem:s25+$0x82A0] =	vst v1  }
0x269: {  	[tilespmem:s25+$0x82B0] =	vst v1  }
0x26a: {  	[tilespmem:s25+$0x82C0] =	vst v1  }
0x26b: {  	[tilespmem:s25+$0x82D0] =	vst v1  }
0x26c: {  	[tilespmem:s25+$0x82E0] =	vst v1  }
0x26d: {  	[tilespmem:s25+$0x82F0] =	vst v1  }
0x26e: {  	[tilespmem:s25+$0x8680] =	vst v1  }
0x26f: {  	[tilespmem:s25+$0x8690] =	vst v1  }
0x270: {  	[tilespmem:s25+$0x86A0] =	vst v1  }
0x271: {  	[tilespmem:s25+$0x86B0] =	vst v1  }
0x272: {  	[tilespmem:s25+$0x86C0] =	vst v1  }
0x273: {  	[tilespmem:s25+$0x86D0] =	vst v1  }
0x274: {  	[tilespmem:s25+$0x86E0] =	vst v1  }
0x275: {  	[tilespmem:s25+$0x86F0] =	vst v1  }
0x276: {  	[tilespmem:s25+$0x8A80] =	vst v1  }
0x277: {  	[tilespmem:s25+$0x8A90] =	vst v1  }
0x278: {  	[tilespmem:s25+$0x8AA0] =	vst v1  }
0x279: {  	[tilespmem:s25+$0x8AB0] =	vst v1  }
0x27a: {  	[tilespmem:s25+$0x8AC0] =	vst v1  }
0x27b: {  	[tilespmem:s25+$0x8AD0] =	vst v1  }
0x27c: {  	[tilespmem:s25+$0x8AE0] =	vst v1  }
0x27d: {  	[tilespmem:s25+$0x8AF0] =	vst v1  }
0x27e: {  	[tilespmem:s25+$0x8E80] =	vst v1  }
.Ltmp20:
0x27f: {  	[tilespmem:s25+$0x8E90] =	vst v1;
	(pc) =	sbr.rel @p2 .LBB2_29-.Ltmp20, $4  }
0x280: {  	[tilespmem:s25+$0x8EA0] =	vst v1  }
0x281: {  	[tilespmem:s25+$0x8EB0] =	vst v1  }
0x282: {  	s26 =	sadd.s32 $0x80, s26;
	[tilespmem:s25+$0x8EC0] =	vst v1  }
0x283: {  	s1 =	sand.u32 $0x3000, s28;
	s28 =	sadd.s32 $0x200, s28;
	s11 =	sand.u32 $0x380, s26;
	[tilespmem:s25+$0x8ED0] =	vst v1  }
.LBB2_30:
0x284: {  	s1 =	sor.u32 s11, s1;
	[tilespmem:s25+$0x8EE0] =	vst @p1 v1  }
0x285: {  	[tilespmem:s1+$0x8EF0] =	vst v1  }
0x286: {  	[tilespmem:s1+$0x8280] =	vst v1  }
0x287: {  	[tilespmem:s1+$0x8290] =	vst v1  }
0x288: {  	[tilespmem:s1+$0x82A0] =	vst v1  }
0x289: {  	[tilespmem:s1+$0x82B0] =	vst v1  }
0x28a: {  	[tilespmem:s1+$0x82C0] =	vst v1  }
0x28b: {  	[tilespmem:s1+$0x82D0] =	vst v1  }
0x28c: {  	[tilespmem:s1+$0x82E0] =	vst v1  }
0x28d: {  	[tilespmem:s1+$0x82F0] =	vst v1  }
0x28e: {  	[tilespmem:s1+$0x8680] =	vst v1  }
0x28f: {  	[tilespmem:s1+$0x8690] =	vst v1  }
0x290: {  	[tilespmem:s1+$0x86A0] =	vst v1  }
0x291: {  	[tilespmem:s1+$0x86B0] =	vst v1  }
0x292: {  	[tilespmem:s1+$0x86C0] =	vst v1  }
0x293: {  	[tilespmem:s1+$0x86D0] =	vst v1  }
0x294: {  	[tilespmem:s1+$0x86E0] =	vst v1  }
0x295: {  	[tilespmem:s1+$0x86F0] =	vst v1  }
0x296: {  	[tilespmem:s1+$0x8A80] =	vst v1  }
0x297: {  	[tilespmem:s1+$0x8A90] =	vst v1  }
0x298: {  	[tilespmem:s1+$0x8AA0] =	vst v1  }
0x299: {  	[tilespmem:s1+$0x8AB0] =	vst v1  }
0x29a: {  	[tilespmem:s1+$0x8AC0] =	vst v1  }
0x29b: {  	[tilespmem:s1+$0x8AD0] =	vst v1  }
0x29c: {  	[tilespmem:s1+$0x8AE0] =	vst v1  }
0x29d: {  	[tilespmem:s1+$0x8AF0] =	vst v1  }
0x29e: {  	[tilespmem:s1+$0x8E80] =	vst v1  }
0x29f: {  	[tilespmem:s1+$0x8E90] =	vst v1  }
0x2a0: {  	[tilespmem:s1+$0x8EA0] =	vst v1  }
0x2a1: {  	[tilespmem:s1+$0x8EB0] =	vst v1  }
0x2a2: {  	[tilespmem:s1+$0x8EC0] =	vst v1  }
0x2a3: {  	[tilespmem:s1+$0x8ED0] =	vst v1  }
0x2a4: {  	[tilespmem:s1+$0x8EE0] =	vst v1  }
.LBB2_31:
0x2a5: {  	s1 =	sadd.s32 $0x5, s23  }
0x2a6: {  	p1 =	sge.s32 s1, s30  }
0x2a7: {  	s1 =	sshll.u32 @!p1 s1, $0x5  }
0x2a8: {  	v3 =	vlaneseq.u32 @!p1;
	s1 =	sadd.s32 @!p1 s2, s1  }
0x2a9: {  	v4 =	vadd.s32 @!p1 s1, v3  }
0x2aa: {  	vm1 =	vlt.s32 @!p1 v4, $0x3FFF  }
0x2ab: {  	s11 =	sshll.u32 s24, $0xE;
	v4 =	vnsel @!p1 vm1, $0x3FFF, v4  }
0x2ac: {  	s11 =	sadd.s32 s10, s11;
	v5 =	vshll.u32 @!p1 v4, $0x2  }
0x2ad: {  	s11 =	sshrl.u32 s11, $0x3;
	v6 =	vand.u32 @!p1 $0x7, v4;
	v5 =	vand.u32 @!p1 $0xFFFFFFE0, v5  }
0x2ae: {  	s11 =	sadd.s32 s4, s11;
	v7 =	vshrl.u32 @!p1 v3, $0x3;
	v5 =	vor.u32 @!p1 v6, v5;
	v6 =	vand.u32 @!p1 $0x7, v3  }
0x2af: {  	[hbm4b:s11+s5] =	stream.linear.scatter [tilespmem:s17], [sflag:$0x7], $0x4000, $0x38;
	v7 =	vmul.u32 @!p1 $0x8, v7;
	v8 =	vperm.xlane @!p1 v5, v6;
	[tilespmem:$0x14280] =	vst v63  }
0x2b0: {  	s11 =	simm.s32 @!p1 $0x6  }
0x2b1: {  	s1 =	sadd.s32 @!p1 $0x10, s1;
	_ =	swait.ge @!p1 [sflag:s11], $0x4000;
	v8 =	vadd.s32 @!p1 v7, v8  }
0x2b2: {  	v9 =	vadd.s32 @!p1 s1, v3;
	[sflag:s11] =	ssyncset.done @!p1 $0x0;
	v3 =	vor.u32 @!p1 $0x8, v3  }
0x2b3: {  	vm1 =	vlt.s32 @!p1 v9, $0x3FFF;
	[sflag:s11] =	ssyncadd.s32 @!p1 $0xFFFFC000;
	v5 =	vperm.xlane @!p1 v5, v3  }
0x2b4: {  	[tilespmem:$0x100] =	vst @!p1 v4;
	v4 =	vnsel @!p1 vm1, $0x3FFF, v9  }
0x2b5: {  	s1 =	simm.s32 @!p1 $0x0;
	s11 =	simm.s32 @!p1 $0x4280;
	vm1 =	vmmov @!p1 $0xffff;
	[tilespmem:$0x110] =	vst @!p1 v4;
	v4 =	vadd.s32 @!p1 v7, v5  }
0x2b6: {  	[tilespmem:s11], [sflag:$0x2] =	stream.indirect_vreg.gather @!p1 [hbm4b:s3+s1], $0x80, v8, vm1, $0xb8;
	[tilespmem:$0x14280] =	vst v63  }
0x2b7: {  	s11 =	simm.s32 @!p1 $0x4A80  }
0x2b8: {  	[tilespmem:s11], [sflag:$0x2] =	stream.indirect_vreg.gather @!p1 [hbm4b:s9+s1], $0x80, v8, vm1, $0xb8;
	[tilespmem:$0x14280] =	vst v63  }
0x2b9: {  	s11 =	simm.s32 @!p1 $0x5280  }
0x2ba: {  	[tilespmem:s11], [sflag:$0x2] =	stream.indirect_vreg.gather @!p1 [hbm4b:s3+s1], $0x80, v4, vm1, $0xb8;
	[tilespmem:$0x14280] =	vst v63  }
0x2bb: {  	s11 =	simm.s32 @!p1 $0x5A80  }
0x2bc: {  	[tilespmem:s11], [sflag:$0x2] =	stream.indirect_vreg.gather @!p1 [hbm4b:s9+s1], $0x80, v4, vm1, $0xb8;
	[tilespmem:$0x14280] =	vst v63  }
0x2bd: {  	v4 =	vld @!p1 [tilespmem:$0x110];
	_ =	sdelay $0x4  }
0x2be: {  	v5 =	vshll.u32 @!p1 v4, $0x2  }
0x2bf: {  	v4 =	vand.u32 @!p1 $0x7, v4;
	v5 =	vand.u32 @!p1 $0xFFFFFFE0, v5  }
0x2c0: {  	v4 =	vor.u32 @!p1 v4, v5  }
0x2c1: {  	v5 =	vperm.xlane @!p1 v4, v6;
	_ =	sdelay $0x1  }
0x2c2: {  	v5 =	vadd.s32 @!p1 v7, v5;
	_ =	sdelay $0x2  }
0x2c3: {  	v3 =	vperm.xlane @!p1 v4, v3  }
0x2c4: {  	s11 =	simm.s32 @!p1 $0x6280  }
0x2c5: {  	v3 =	vadd.s32 @!p1 v7, v3;
	[tilespmem:s11], [sflag:$0x2] =	stream.indirect_vreg.gather @!p1 [hbm4b:s3+s1], $0x80, v5, vm1, $0xb8;
	[tilespmem:$0x14280] =	vst v63  }
0x2c6: {  	s11 =	simm.s32 @!p1 $0x6A80  }
0x2c7: {  	[tilespmem:s11], [sflag:$0x2] =	stream.indirect_vreg.gather @!p1 [hbm4b:s9+s1], $0x80, v5, vm1, $0xb8;
	[tilespmem:$0x14280] =	vst v63  }
.Ltmp21:
0x2c8: {  	_ = 	snop;
	(pc) =	sbr.rel .LBB2_33-.Ltmp21, $4  }
0x2c9: {  	s11 =	simm.s32 @!p1 $0x7280  }
0x2ca: {  	[tilespmem:s11], [sflag:$0x2] =	stream.indirect_vreg.gather @!p1 [hbm4b:s3+s1], $0x80, v3, vm1, $0xb8;
	[tilespmem:$0x14280] =	vst v63  }
0x2cb: {  	s11 =	simm.s32 @!p1 $0x7A80  }
0x2cc: {  	[tilespmem:s11], [sflag:$0x2] =	stream.indirect_vreg.gather @!p1 [hbm4b:s9+s1], $0x80, v3, vm1, $0xb8;
	[tilespmem:$0x14280] =	vst v63  }
.LBB2_32:
0x2cd: {  	s1 =	sshll.u32 s24, $0xE  }
0x2ce: {  	s1 =	sadd.s32 s10, s1  }
0x2cf: {  	s1 =	sshrl.u32 s1, $0x3  }
0x2d0: {  	s1 =	sadd.s32 s4, s1  }
0x2d1: {  	[hbm4b:s1+s5] =	stream.linear.scatter [tilespmem:s20], [sflag:$0x9], $0x4000, $0x38;
	[tilespmem:$0x14280] =	vst v63  }
.LBB2_33:
0x2d2: {  	s24 =	sor.u32 $0x3, s23  }
0x2d3: {  	p1 =	sge.s32 s24, s30  }
.Ltmp22:
0x2d4: {  	_ = 	snop;
	(pc) =	sbr.rel @p1 .LBB2_41-.Ltmp22, $1  }
0x2d5: {  	_ =	sdelay $0x3  }
0x2d6: {  	p1 =	sne.s32 @!p0 s24, s31  }
0x2d7: {  	p1 =	por p0, p1  }
.Ltmp23:
0x2d8: {  	_ = 	snop;
	(pc) =	sbr.rel @p1 .LBB2_40-.Ltmp23, $4  }
0x2d9: {  	_ = 	snop  }
0x2da: {  	_ =	swait.ge [sflag:s18], $0x4000  }
0x2db: {  	[sflag:s18] =	ssyncset.done $0x0  }
0x2dc: {  	[sflag:s18] =	ssyncadd.s32 $0xFFFFC000  }
0x2dd: {  	p2 =	sne.s32 s0, $0x3E00  }
.Ltmp24:
0x2de: {  	_ = 	snop;
	(pc) =	sbr.rel @!p2 .LBB2_36-.Ltmp24, $3  }
0x2df: {  	_ =	sdelay $0x1  }
0x2e0: {  	s1 =	sand.u32 $0x3000, s0  }
0x2e1: {  	s11 =	sand.u32 $0x380, s21;
	s28 =	sadd.s32 $0x200, s0;
	p1 =	por $0x0, $0x0  }
0x2e2: {  	s25 =	sor.u32 s11, s1  }
0x2e3: {  	[tilespmem:s25+$0xCEF0] =	vst v1  }
0x2e4: {  	[tilespmem:s25+$0xC280] =	vst v1  }
0x2e5: {  	[tilespmem:s25+$0xC290] =	vst v1  }
0x2e6: {  	[tilespmem:s25+$0xC2A0] =	vst v1  }
0x2e7: {  	[tilespmem:s25+$0xC2B0] =	vst v1  }
0x2e8: {  	[tilespmem:s25+$0xC2C0] =	vst v1  }
0x2e9: {  	[tilespmem:s25+$0xC2D0] =	vst v1  }
0x2ea: {  	[tilespmem:s25+$0xC2E0] =	vst v1  }
0x2eb: {  	[tilespmem:s25+$0xC2F0] =	vst v1  }
0x2ec: {  	[tilespmem:s25+$0xC680] =	vst v1  }
0x2ed: {  	[tilespmem:s25+$0xC690] =	vst v1  }
0x2ee: {  	[tilespmem:s25+$0xC6A0] =	vst v1  }
0x2ef: {  	[tilespmem:s25+$0xC6B0] =	vst v1  }
0x2f0: {  	[tilespmem:s25+$0xC6C0] =	vst v1  }
0x2f1: {  	[tilespmem:s25+$0xC6D0] =	vst v1  }
0x2f2: {  	[tilespmem:s25+$0xC6E0] =	vst v1  }
0x2f3: {  	[tilespmem:s25+$0xC6F0] =	vst v1  }
0x2f4: {  	[tilespmem:s25+$0xCA80] =	vst v1  }
0x2f5: {  	[tilespmem:s25+$0xCA90] =	vst v1  }
0x2f6: {  	[tilespmem:s25+$0xCAA0] =	vst v1  }
0x2f7: {  	[tilespmem:s25+$0xCAB0] =	vst v1  }
0x2f8: {  	[tilespmem:s25+$0xCAC0] =	vst v1  }
0x2f9: {  	[tilespmem:s25+$0xCAD0] =	vst v1  }
0x2fa: {  	[tilespmem:s25+$0xCAE0] =	vst v1  }
0x2fb: {  	[tilespmem:s25+$0xCAF0] =	vst v1  }
0x2fc: {  	p2 =	sne.s32 s28, $0x3E00;
	[tilespmem:s25+$0xCE80] =	vst v1  }
.Ltmp25:
0x2fd: {  	[tilespmem:s25+$0xCE90] =	vst v1;
	(pc) =	sbr.rel @!p2 .LBB2_39-.Ltmp25, $4  }
0x2fe: {  	[tilespmem:s25+$0xCEA0] =	vst v1  }
0x2ff: {  	[tilespmem:s25+$0xCEB0] =	vst v1  }
0x300: {  	s26 =	sadd.s32 $0x80, s21;
	s1 =	sand.u32 $0x3000, s28;
	[tilespmem:s25+$0xCEC0] =	vst v1  }
0x301: {  	s28 =	sadd.s32 $0x200, s28;
	p1 =	por $0x1, $0x1;
	s11 =	sand.u32 $0x380, s26;
	[tilespmem:s25+$0xCED0] =	vst v1  }
.LBB2_38:
0x302: {  	p2 =	sne.s32 s28, $0x3E00;
	[tilespmem:s25+$0xCEE0] =	vst v1;
	s25 =	sor.u32 s11, s1  }
0x303: {  	[tilespmem:s25+$0xCEF0] =	vst v1  }
0x304: {  	[tilespmem:s25+$0xC280] =	vst v1  }
0x305: {  	[tilespmem:s25+$0xC290] =	vst v1  }
0x306: {  	[tilespmem:s25+$0xC2A0] =	vst v1  }
0x307: {  	[tilespmem:s25+$0xC2B0] =	vst v1  }
0x308: {  	[tilespmem:s25+$0xC2C0] =	vst v1  }
0x309: {  	[tilespmem:s25+$0xC2D0] =	vst v1  }
0x30a: {  	[tilespmem:s25+$0xC2E0] =	vst v1  }
0x30b: {  	[tilespmem:s25+$0xC2F0] =	vst v1  }
0x30c: {  	[tilespmem:s25+$0xC680] =	vst v1  }
0x30d: {  	[tilespmem:s25+$0xC690] =	vst v1  }
0x30e: {  	[tilespmem:s25+$0xC6A0] =	vst v1  }
0x30f: {  	[tilespmem:s25+$0xC6B0] =	vst v1  }
0x310: {  	[tilespmem:s25+$0xC6C0] =	vst v1  }
0x311: {  	[tilespmem:s25+$0xC6D0] =	vst v1  }
0x312: {  	[tilespmem:s25+$0xC6E0] =	vst v1  }
0x313: {  	[tilespmem:s25+$0xC6F0] =	vst v1  }
0x314: {  	[tilespmem:s25+$0xCA80] =	vst v1  }
0x315: {  	[tilespmem:s25+$0xCA90] =	vst v1  }
0x316: {  	[tilespmem:s25+$0xCAA0] =	vst v1  }
0x317: {  	[tilespmem:s25+$0xCAB0] =	vst v1  }
0x318: {  	[tilespmem:s25+$0xCAC0] =	vst v1  }
0x319: {  	[tilespmem:s25+$0xCAD0] =	vst v1  }
0x31a: {  	[tilespmem:s25+$0xCAE0] =	vst v1  }
0x31b: {  	[tilespmem:s25+$0xCAF0] =	vst v1  }
0x31c: {  	[tilespmem:s25+$0xCE80] =	vst v1  }
.Ltmp26:
0x31d: {  	[tilespmem:s25+$0xCE90] =	vst v1;
	(pc) =	sbr.rel @p2 .LBB2_38-.Ltmp26, $4  }
0x31e: {  	[tilespmem:s25+$0xCEA0] =	vst v1  }
0x31f: {  	[tilespmem:s25+$0xCEB0] =	vst v1  }
0x320: {  	s26 =	sadd.s32 $0x80, s26;
	[tilespmem:s25+$0xCEC0] =	vst v1  }
0x321: {  	s1 =	sand.u32 $0x3000, s28;
	s28 =	sadd.s32 $0x200, s28;
	s11 =	sand.u32 $0x380, s26;
	[tilespmem:s25+$0xCED0] =	vst v1  }
.LBB2_39:
0x322: {  	s1 =	sor.u32 s11, s1;
	[tilespmem:s25+$0xCEE0] =	vst @p1 v1  }
0x323: {  	[tilespmem:s1+$0xCEF0] =	vst v1  }
0x324: {  	[tilespmem:s1+$0xC280] =	vst v1  }
0x325: {  	[tilespmem:s1+$0xC290] =	vst v1  }
0x326: {  	[tilespmem:s1+$0xC2A0] =	vst v1  }
0x327: {  	[tilespmem:s1+$0xC2B0] =	vst v1  }
0x328: {  	[tilespmem:s1+$0xC2C0] =	vst v1  }
0x329: {  	[tilespmem:s1+$0xC2D0] =	vst v1  }
0x32a: {  	[tilespmem:s1+$0xC2E0] =	vst v1  }
0x32b: {  	[tilespmem:s1+$0xC2F0] =	vst v1  }
0x32c: {  	[tilespmem:s1+$0xC680] =	vst v1  }
0x32d: {  	[tilespmem:s1+$0xC690] =	vst v1  }
0x32e: {  	[tilespmem:s1+$0xC6A0] =	vst v1  }
0x32f: {  	[tilespmem:s1+$0xC6B0] =	vst v1  }
0x330: {  	[tilespmem:s1+$0xC6C0] =	vst v1  }
0x331: {  	[tilespmem:s1+$0xC6D0] =	vst v1  }
0x332: {  	[tilespmem:s1+$0xC6E0] =	vst v1  }
0x333: {  	[tilespmem:s1+$0xC6F0] =	vst v1  }
0x334: {  	[tilespmem:s1+$0xCA80] =	vst v1  }
0x335: {  	[tilespmem:s1+$0xCA90] =	vst v1  }
0x336: {  	[tilespmem:s1+$0xCAA0] =	vst v1  }
0x337: {  	[tilespmem:s1+$0xCAB0] =	vst v1  }
0x338: {  	[tilespmem:s1+$0xCAC0] =	vst v1  }
0x339: {  	[tilespmem:s1+$0xCAD0] =	vst v1  }
0x33a: {  	[tilespmem:s1+$0xCAE0] =	vst v1  }
0x33b: {  	[tilespmem:s1+$0xCAF0] =	vst v1  }
0x33c: {  	[tilespmem:s1+$0xCE80] =	vst v1  }
0x33d: {  	[tilespmem:s1+$0xCE90] =	vst v1  }
0x33e: {  	[tilespmem:s1+$0xCEA0] =	vst v1  }
0x33f: {  	[tilespmem:s1+$0xCEB0] =	vst v1  }
0x340: {  	[tilespmem:s1+$0xCEC0] =	vst v1  }
0x341: {  	[tilespmem:s1+$0xCED0] =	vst v1  }
0x342: {  	[tilespmem:s1+$0xCEE0] =	vst v1  }
.LBB2_40:
0x343: {  	s1 =	sadd.s32 $0x6, s23  }
0x344: {  	p1 =	sge.s32 s1, s30  }
0x345: {  	s1 =	sshll.u32 @!p1 s1, $0x5  }
0x346: {  	v3 =	vlaneseq.u32 @!p1;
	s1 =	sadd.s32 @!p1 s2, s1  }
0x347: {  	v4 =	vadd.s32 @!p1 s1, v3  }
0x348: {  	vm1 =	vlt.s32 @!p1 v4, $0x3FFF  }
0x349: {  	s11 =	sshll.u32 s24, $0xE;
	v4 =	vnsel @!p1 vm1, $0x3FFF, v4  }
0x34a: {  	s11 =	sadd.s32 s10, s11;
	v5 =	vshll.u32 @!p1 v4, $0x2  }
0x34b: {  	s11 =	sshrl.u32 s11, $0x3;
	v6 =	vand.u32 @!p1 $0x7, v4;
	v5 =	vand.u32 @!p1 $0xFFFFFFE0, v5  }
0x34c: {  	s11 =	sadd.s32 s4, s11;
	v7 =	vshrl.u32 @!p1 v3, $0x3;
	v5 =	vor.u32 @!p1 v6, v5;
	v6 =	vand.u32 @!p1 $0x7, v3  }
0x34d: {  	[hbm4b:s11+s5] =	stream.linear.scatter [tilespmem:s19], [sflag:$0x8], $0x4000, $0x38;
	v7 =	vmul.u32 @!p1 $0x8, v7;
	v8 =	vperm.xlane @!p1 v5, v6;
	[tilespmem:$0x14280] =	vst v63  }
0x34e: {  	s11 =	simm.s32 @!p1 $0x7  }
0x34f: {  	s1 =	sadd.s32 @!p1 $0x10, s1;
	_ =	swait.ge @!p1 [sflag:s11], $0x4000;
	v8 =	vadd.s32 @!p1 v7, v8  }
0x350: {  	v9 =	vadd.s32 @!p1 s1, v3;
	[sflag:s11] =	ssyncset.done @!p1 $0x0;
	v3 =	vor.u32 @!p1 $0x8, v3  }
0x351: {  	vm1 =	vlt.s32 @!p1 v9, $0x3FFF;
	[sflag:s11] =	ssyncadd.s32 @!p1 $0xFFFFC000;
	v5 =	vperm.xlane @!p1 v5, v3  }
0x352: {  	[tilespmem:$0x180] =	vst @!p1 v4;
	v4 =	vnsel @!p1 vm1, $0x3FFF, v9  }
0x353: {  	s1 =	simm.s32 @!p1 $0x0;
	s11 =	simm.s32 @!p1 $0x8280;
	vm1 =	vmmov @!p1 $0xffff;
	[tilespmem:$0x190] =	vst @!p1 v4;
	v4 =	vadd.s32 @!p1 v7, v5  }
0x354: {  	[tilespmem:s11], [sflag:$0x3] =	stream.indirect_vreg.gather @!p1 [hbm4b:s3+s1], $0x80, v8, vm1, $0xb8;
	[tilespmem:$0x14280] =	vst v63  }
0x355: {  	s11 =	simm.s32 @!p1 $0x8A80  }
0x356: {  	[tilespmem:s11], [sflag:$0x3] =	stream.indirect_vreg.gather @!p1 [hbm4b:s9+s1], $0x80, v8, vm1, $0xb8;
	[tilespmem:$0x14280] =	vst v63  }
0x357: {  	s11 =	simm.s32 @!p1 $0x9280  }
0x358: {  	[tilespmem:s11], [sflag:$0x3] =	stream.indirect_vreg.gather @!p1 [hbm4b:s3+s1], $0x80, v4, vm1, $0xb8;
	[tilespmem:$0x14280] =	vst v63  }
0x359: {  	s11 =	simm.s32 @!p1 $0x9A80  }
0x35a: {  	[tilespmem:s11], [sflag:$0x3] =	stream.indirect_vreg.gather @!p1 [hbm4b:s9+s1], $0x80, v4, vm1, $0xb8;
	[tilespmem:$0x14280] =	vst v63  }
0x35b: {  	v4 =	vld @!p1 [tilespmem:$0x190];
	_ =	sdelay $0x4  }
0x35c: {  	v5 =	vshll.u32 @!p1 v4, $0x2  }
0x35d: {  	v4 =	vand.u32 @!p1 $0x7, v4;
	v5 =	vand.u32 @!p1 $0xFFFFFFE0, v5  }
0x35e: {  	v4 =	vor.u32 @!p1 v4, v5  }
0x35f: {  	v5 =	vperm.xlane @!p1 v4, v6;
	_ =	sdelay $0x1  }
0x360: {  	v5 =	vadd.s32 @!p1 v7, v5;
	_ =	sdelay $0x2  }
0x361: {  	v3 =	vperm.xlane @!p1 v4, v3  }
0x362: {  	s11 =	simm.s32 @!p1 $0xA280  }
0x363: {  	v3 =	vadd.s32 @!p1 v7, v3;
	[tilespmem:s11], [sflag:$0x3] =	stream.indirect_vreg.gather @!p1 [hbm4b:s3+s1], $0x80, v5, vm1, $0xb8;
	[tilespmem:$0x14280] =	vst v63  }
0x364: {  	s11 =	simm.s32 @!p1 $0xAA80  }
0x365: {  	[tilespmem:s11], [sflag:$0x3] =	stream.indirect_vreg.gather @!p1 [hbm4b:s9+s1], $0x80, v5, vm1, $0xb8;
	[tilespmem:$0x14280] =	vst v63  }
.Ltmp27:
0x366: {  	_ = 	snop;
	(pc) =	sbr.rel .LBB2_42-.Ltmp27, $4  }
0x367: {  	s11 =	simm.s32 @!p1 $0xB280  }
0x368: {  	[tilespmem:s11], [sflag:$0x3] =	stream.indirect_vreg.gather @!p1 [hbm4b:s3+s1], $0x80, v3, vm1, $0xb8;
	[tilespmem:$0x14280] =	vst v63  }
0x369: {  	s11 =	simm.s32 @!p1 $0xBA80  }
0x36a: {  	[tilespmem:s11], [sflag:$0x3] =	stream.indirect_vreg.gather @!p1 [hbm4b:s9+s1], $0x80, v3, vm1, $0xb8;
	[tilespmem:$0x14280] =	vst v63  }
.LBB2_9:
.Ltmp28:
0x36b: {  	(pc) =	sbr.rel .LBB2_12-.Ltmp28, $2  }
0x36c: {  	_ =	sdelay $0x2  }
0x36d: {  	_ = 	snop  }
.LBB2_18:
.Ltmp29:
0x36e: {  	(pc) =	sbr.rel .LBB2_21-.Ltmp29, $2  }
0x36f: {  	_ =	sdelay $0x2  }
0x370: {  	_ = 	snop  }
.LBB2_27:
.Ltmp30:
0x371: {  	(pc) =	sbr.rel .LBB2_30-.Ltmp30, $2  }
0x372: {  	_ =	sdelay $0x2  }
0x373: {  	_ = 	snop  }
.LBB2_36:
.Ltmp31:
0x374: {  	(pc) =	sbr.rel .LBB2_39-.Ltmp31, $2  }
0x375: {  	_ =	sdelay $0x2  }
0x376: {  	_ = 	snop  }
.LBB2_43:
0x377: {  	s31 =	sadd.s32 $0xFFFFFFFC, s30;
	p0 =	sle.s32 s30, $0x0  }
0x378: {  	p1 =	sgt.s32 @!p0 s31, $0x0  }
0x379: {  	p0 =	por p1, p0  }
0x37a: {  	s1 =	simm.s32 @!p0 $0x5  }
0x37b: {  	s23 =	sadd.s32 $0xFFFFFFFF, s30;
	_ =	swait.ge @!p0 [sflag:s1], $0x4000  }
0x37c: {  	s24 =	sadd.s32 $0xFFFFFFFB, s30;
	p1 =	sgt.s32 s30, $0x0;
	[sflag:s1] =	ssyncset.done @!p0 $0x0  }
0x37d: {  	[sflag:s1] =	ssyncadd.s32 @!p0 $0xFFFFC000;
	s1 =	simm.s32 @!p1 $0x9;
	p0 =	sle.s32 s23, $0x0  }
0x37e: {  	_ =	swait.ge @!p1 [sflag:s1], $0x4000;
	p2 =	sgt.s32 @!p0 s24, $0x0  }
0x37f: {  	[sflag:s1] =	ssyncset.done @!p1 $0x0;
	p0 =	por p2, p0  }
0x380: {  	[sflag:s1] =	ssyncadd.s32 @!p1 $0xFFFFC000;
	s1 =	simm.s32 @!p0 $0x6  }
0x381: {  	s21 =	sadd.s32 $0xFFFFFFFE, s30;
	_ =	swait.ge @!p0 [sflag:s1], $0x4000  }
0x382: {  	s22 =	sadd.s32 $0xFFFFFFFA, s30;
	p1 =	sgt.s32 s23, $0x0;
	[sflag:s1] =	ssyncset.done @!p0 $0x0  }
0x383: {  	[sflag:s1] =	ssyncadd.s32 @!p0 $0xFFFFC000;
	s1 =	simm.s32 @!p1 $0x9;
	p0 =	sle.s32 s21, $0x0  }
0x384: {  	_ =	swait.ge @!p1 [sflag:s1], $0x4000;
	p2 =	sgt.s32 @!p0 s22, $0x0  }
0x385: {  	[sflag:s1] =	ssyncset.done @!p1 $0x0;
	p0 =	por p2, p0  }
0x386: {  	[sflag:s1] =	ssyncadd.s32 @!p1 $0xFFFFC000;
	s1 =	simm.s32 @!p0 $0x7  }
0x387: {  	s0 =	sadd.s32 $0xFFFFFFFD, s30;
	_ =	swait.ge @!p0 [sflag:s1], $0x4000  }
0x388: {  	s2 =	sadd.s32 $0xFFFFFFF9, s30;
	p1 =	sgt.s32 s21, $0x0;
	[sflag:s1] =	ssyncset.done @!p0 $0x0  }
0x389: {  	[sflag:s1] =	ssyncadd.s32 @!p0 $0xFFFFC000;
	s1 =	simm.s32 @!p1 $0x9;
	p0 =	sle.s32 s0, $0x0  }
0x38a: {  	_ =	swait.ge @!p1 [sflag:s1], $0x4000;
	p2 =	sgt.s32 @!p0 s2, $0x0  }
0x38b: {  	[sflag:s1] =	ssyncset.done @!p1 $0x0;
	p0 =	por p2, p0  }
0x38c: {  	[sflag:s1] =	ssyncadd.s32 @!p1 $0xFFFFC000;
	s1 =	simm.s32 @!p0 $0x8  }
0x38d: {  	_ =	swait.ge @!p0 [sflag:s1], $0x4000  }
0x38e: {  	p1 =	sgt.s32 s0, $0x0;
	[sflag:s1] =	ssyncset.done @!p0 $0x0  }
0x38f: {  	p2 =	sle.s32 s30, $0x4;
	[sflag:s1] =	ssyncadd.s32 @!p0 $0xFFFFC000;
	s1 =	simm.s32 @!p1 $0x9  }
0x390: {  	s25 =	simm.s32 $0x4;
	p0 =	sgt.s32 @!p2 s31, $0x4;
	_ =	swait.ge @!p1 [sflag:s1], $0x4000  }
0x391: {  	s26 =	simm.s32 $0x8;
	p2 =	por p0, p2;
	[sflag:s1] =	ssyncset.done @!p1 $0x0  }
.LBB2_44:
0x392: {  	s11 =	simm.s32 @!p2 $0x5  }
0x393: {  	[sflag:s1] =	ssyncadd.s32 @!p1 $0xFFFFC000;
	s1 =	smov.u32 s26;
	s26 =	sadd.s32 $0x4, s26  }
0x394: {  	p0 =	sne.s32 s26, $0x20;
	_ =	swait.ge @!p2 [sflag:s11], $0x4000  }
0x395: {  	p1 =	slt.s32 s25, s30;
	[sflag:s11] =	ssyncset.done @!p2 $0x0  }
0x396: {  	[sflag:s11] =	ssyncadd.s32 @!p2 $0xFFFFC000;
	s11 =	simm.s32 @!p1 $0x9;
	p2 =	sge.s32 s25, s23  }
0x397: {  	_ =	swait.ge @!p1 [sflag:s11], $0x4000;
	p3 =	slt.s32 @!p2 s25, s24  }
0x398: {  	[sflag:s11] =	ssyncset.done @!p1 $0x0;
	p2 =	por p3, p2  }
0x399: {  	[sflag:s11] =	ssyncadd.s32 @!p1 $0xFFFFC000;
	s11 =	simm.s32 @!p2 $0x6  }
0x39a: {  	_ =	swait.ge @!p2 [sflag:s11], $0x4000  }
0x39b: {  	p1 =	slt.s32 s25, s23;
	[sflag:s11] =	ssyncset.done @!p2 $0x0  }
0x39c: {  	[sflag:s11] =	ssyncadd.s32 @!p2 $0xFFFFC000;
	s11 =	simm.s32 @!p1 $0x9;
	p2 =	sge.s32 s25, s21  }
0x39d: {  	_ =	swait.ge @!p1 [sflag:s11], $0x4000;
	p3 =	slt.s32 @!p2 s25, s22  }
0x39e: {  	[sflag:s11] =	ssyncset.done @!p1 $0x0;
	p2 =	por p3, p2  }
0x39f: {  	[sflag:s11] =	ssyncadd.s32 @!p1 $0xFFFFC000;
	s11 =	simm.s32 @!p2 $0x7  }
0x3a0: {  	_ =	swait.ge @!p2 [sflag:s11], $0x4000  }
0x3a1: {  	p1 =	slt.s32 s25, s21;
	[sflag:s11] =	ssyncset.done @!p2 $0x0  }
0x3a2: {  	[sflag:s11] =	ssyncadd.s32 @!p2 $0xFFFFC000;
	s11 =	simm.s32 @!p1 $0x9;
	p2 =	sge.s32 s25, s0  }
0x3a3: {  	_ =	swait.ge @!p1 [sflag:s11], $0x4000;
	p3 =	slt.s32 @!p2 s25, s2  }
0x3a4: {  	[sflag:s11] =	ssyncset.done @!p1 $0x0;
	p2 =	por p3, p2  }
0x3a5: {  	[sflag:s11] =	ssyncadd.s32 @!p1 $0xFFFFC000;
	s11 =	simm.s32 @!p2 $0x8  }
.Ltmp32:
0x3a6: {  	_ =	swait.ge @!p2 [sflag:s11], $0x4000;
	(pc) =	sbr.rel @p0 .LBB2_44-.Ltmp32, $4  }
0x3a7: {  	p1 =	slt.s32 s25, s0;
	s25 =	smov.u32 s1;
	[sflag:s11] =	ssyncset.done @!p2 $0x0  }
0x3a8: {  	p3 =	sge.s32 s25, s30;
	s1 =	simm.s32 @!p1 $0x9;
	[sflag:s11] =	ssyncadd.s32 @!p2 $0xFFFFC000  }
0x3a9: {  	p2 =	slt.s32 @!p3 s25, s31;
	_ =	swait.ge @!p1 [sflag:s1], $0x4000  }
0x3aa: {  	p2 =	por p2, p3;
	[sflag:s1] =	ssyncset.done @!p1 $0x0  }
0x3ab: {  	s11 =	simm.s32 @!p2 $0x5;
	[sflag:s1] =	ssyncadd.s32 @!p1 $0xFFFFC000  }
0x3ac: {  	_ =	swait.ge @!p2 [sflag:s11], $0x4000  }
0x3ad: {  	p0 =	slt.s32 s25, s30;
	[sflag:s11] =	ssyncset.done @!p2 $0x0  }
0x3ae: {  	p1 =	sge.s32 s25, s23;
	s1 =	simm.s32 @!p0 $0x9;
	[sflag:s11] =	ssyncadd.s32 @!p2 $0xFFFFC000  }
0x3af: {  	p2 =	slt.s32 @!p1 s25, s24;
	_ =	swait.ge @!p0 [sflag:s1], $0x4000  }
0x3b0: {  	p1 =	por p2, p1;
	[sflag:s1] =	ssyncset.done @!p0 $0x0  }
0x3b1: {  	[sflag:s1] =	ssyncadd.s32 @!p0 $0xFFFFC000;
	s1 =	simm.s32 @!p1 $0x6  }
0x3b2: {  	_ =	swait.ge @!p1 [sflag:s1], $0x4000  }
0x3b3: {  	p0 =	slt.s32 s25, s23;
	[sflag:s1] =	ssyncset.done @!p1 $0x0  }
0x3b4: {  	[sflag:s1] =	ssyncadd.s32 @!p1 $0xFFFFC000;
	s1 =	simm.s32 @!p0 $0x9;
	p1 =	sge.s32 s25, s21  }
0x3b5: {  	_ =	swait.ge @!p0 [sflag:s1], $0x4000;
	p2 =	slt.s32 @!p1 s25, s22  }
0x3b6: {  	[sflag:s1] =	ssyncset.done @!p0 $0x0;
	p1 =	por p2, p1  }
0x3b7: {  	[sflag:s1] =	ssyncadd.s32 @!p0 $0xFFFFC000;
	s1 =	simm.s32 @!p1 $0x7  }
0x3b8: {  	_ =	swait.ge @!p1 [sflag:s1], $0x4000  }
0x3b9: {  	p0 =	slt.s32 s25, s21;
	[sflag:s1] =	ssyncset.done @!p1 $0x0  }
0x3ba: {  	[sflag:s1] =	ssyncadd.s32 @!p1 $0xFFFFC000;
	s1 =	simm.s32 @!p0 $0x9;
	p1 =	sge.s32 s25, s0  }
0x3bb: {  	_ =	swait.ge @!p0 [sflag:s1], $0x4000;
	p2 =	slt.s32 @!p1 s25, s2  }
0x3bc: {  	[sflag:s1] =	ssyncset.done @!p0 $0x0;
	p1 =	por p2, p1  }
0x3bd: {  	[sflag:s1] =	ssyncadd.s32 @!p0 $0xFFFFC000;
	s1 =	simm.s32 @!p1 $0x8  }
0x3be: {  	_ =	swait.ge @!p1 [sflag:s1], $0x4000  }
0x3bf: {  	p0 =	slt.s32 s25, s0;
	[sflag:s1] =	ssyncset.done @!p1 $0x0  }
0x3c0: {  	s0 =	simm.s32 @!p0 $0x9;
	[sflag:s1] =	ssyncadd.s32 @!p1 $0xFFFFC000  }
0x3c1: {  	_ =	swait.ge @!p0 [sflag:s0], $0x4000  }
0x3c2: {  	s29 =	sadd.s32 $0x1, s29;
	s31 =	rddreg [dreg:$0x4]  }
0x3c3: {  	p1 =	sne.s32 s29, s31  }
.Ltmp33:
0x3c4: {  	_ = 	snop;
	(pc) =	sbr.rel @p1 .LBB2_1-.Ltmp33, $3  }
0x3c5: {  	_ =	sdelay $0x1  }
0x3c6: {  	[sflag:s0] =	ssyncset.done @!p0 $0x0  }
0x3c7: {  	[sflag:s0] =	ssyncadd.s32 @!p0 $0xFFFFC000  }
0x3c8: {  	_ =	sfence.sel $0x180000  }
0x3c9: {  	[bflag:$0x0] =	sbarrier.arrive $0xFFFF  }
0x3ca: {  	_ =	strace $0x90000047  }
0x3cb: {  	s0 =	stileid.u32;
	[bflag:$0x2] =	sbarrier.arrive $0xFFFF  }
0x3cc: {  	p0 =	sne.s32 s0, $0x0;
	s0 =	rddreg [dreg:$0x3]  }
0x3cd: {  	s0 =	sadd.s32 @!p0 $0x100000, s0  }
0x3ce: {  	[sflag:s0] =	ssyncadd.tile.s32 @!p0 $0x1;
	_ =	shalt  }
.Lfunc_end2:
_tile_overlayer_lowered:
.L_overlay_start_2:
0x3cf: {  	(tag) =	ssettag $0x2  }
0x3d0: {  	s0 =	rddreg [dreg:$0x0];
	s2 =	stileid.u32  }
0x3d1: {  	s1 =	rddreg [dreg:$0x1];
	p0 =	sne.s32 s2, $0x0  }
0x3d2: {  	s3 =	rddreg [dreg:$0x2];
	[bflag:$0x3] =	sbarrier.arrive $0xFFFF;
	s2 =	simm.s32 @!p0 $0x1C0A  }
0x3d3: {  	[timem:s3], [sflag:s2] =	dma.local @!p0 [hbm:s0], s1  }
0x3d4: {  	s0 =	simm.s32 @!p0 $0xA  }
0x3d5: {  	_ =	swait.ge @!p0 [sflag:s0], s1  }
0x3d6: {  	s1 =	ssub.s32 @!p0 $0x0, s1;
	[sflag:s0] =	ssyncset.done @!p0 $0x0  }
0x3d7: {  	[sflag:s0] =	ssyncadd.s32 @!p0 s1  }
0x3d8: {  	[bflag:$0x3] =	sbarrier.arrive $0xFFFF  }
0x3d9: {  	_ =	shalt  }

</sc_bundles>
